<compile_context>
chip_gen: v7x
topology: tpu7x:2x2x1
jax: 0.10.2.dev20260603
libtpu: 0.0.44.dev20260713+nightly
codegen_flags: <defaults>
</compile_context>

<pallas_src>
import jax
import jax.numpy as jnp
import numpy as np
from jax import lax
from jax.experimental import pallas as pl
from jax.experimental.pallas import tpu as pltpu
from jax.experimental.pallas import tpu_sc as plsc

_OBJ0, _OBJ1 = 256, 4096
_K = 410
_POOL = 16
_BLK = 256
_THRESHOLD = 0.1
_LAMDA = 1.0

_NW = 32
_SC_ROWS = 128
_TC_ROWS = _OBJ0 - _SC_ROWS
_SC_RPW = _SC_ROWS // _NW
_NV = _OBJ1 // 16

_A = np.zeros((_OBJ1, _OBJ1 // _POOL), dtype=np.float32)
_A[np.arange(_OBJ1), np.arange(_OBJ1) // _POOL] = 1.0 / 32.0


def _pool_body(w1_ref, w2_ref, a_ref, out_ref):
    s = w1_ref[...] + w2_ref[...]
    p = jax.lax.dot(s, a_ref[...], preferred_element_type=jnp.float32)
    out_ref[...] = p.reshape(_BLK // _POOL, _OBJ1)


def _splat(x):
    return jnp.full((16,), x)




def _tc_select_body(e_ref, sig_ref, loss_ref):
    e = e_ref[...]
    n = e.shape[0]
    bits = jax.lax.bitcast_convert_type(jnp.abs(e), jnp.int32)

    lo = jnp.zeros((n, 1), jnp.int32)
    hi = jnp.full((n, 1), 0x7F800000, jnp.int32)

    def body(_, carry):
        lo, hi = carry
        mid = lo + ((hi - lo) >> 1)
        cnt = jnp.sum((bits <= mid).astype(jnp.int32), axis=1, keepdims=True)
        take = cnt >= _K
        return jnp.where(take, lo, mid + 1), jnp.where(take, mid, hi)

    lo, hi = jax.lax.fori_loop(0, 31, body, (lo, hi))
    kth = lo

    less = bits < kth
    eq = bits == kth
    cnt_less = jnp.sum(less.astype(jnp.float32), axis=1, keepdims=True)
    cnt_eq = jnp.sum(eq.astype(jnp.float32), axis=1, keepdims=True)
    sum_less = jnp.sum(jnp.where(less, e, 0.0), axis=1, keepdims=True)
    sum_eq = jnp.sum(jnp.where(eq, e, 0.0), axis=1, keepdims=True)
    total = jnp.sum(e, axis=1, keepdims=True)

    need = jnp.float32(_K) - cnt_less
    bottom = sum_less + sum_eq * need / cnt_eq
    pred = (total - bottom) / jnp.float32(_OBJ1)

    sig = sig_ref[...]
    loss_ref[0, 0] = jnp.sum(jnp.maximum(_THRESHOLD - sig * pred, 0.0))




def _sc_select_body(ext_hbm, sig_hbm, out_hbm, row_all, comp_bits, comp_val,
                    hist, sig_v, out_v, sem):
    wid = lax.axis_index("s") * 2 + lax.axis_index("c")
    row0 = wid * _SC_RPW

    iota = lax.broadcasted_iota(jnp.int32, (16,), 0)
    iota256 = iota * 256
    ones_i = jnp.ones((16,), jnp.int32)
    zeros_f = jnp.zeros((16,), jnp.float32)
    zeros_i = jnp.zeros((16,), jnp.int32)

    pltpu.async_copy(ext_hbm.at[pl.ds(row0, _SC_RPW)], row_all, sem).wait()
    pltpu.sync_copy(sig_hbm, sig_v.at[pl.ds(0, _OBJ0)])

    def row_body(r, pred_vec):
        def zero_body(j, _):
            for t in range(16):
                hist[pl.ds(j * 256 + t * 16, 16)] = zeros_i
            return 0

        lax.fori_loop(0, 16, zero_body, 0, unroll=True)

        def hist_body(j, tot):
            for t in range(8):
                v = row_all[r, pl.ds(j * 128 + t * 16, 16)]
                b = lax.bitcast_convert_type(v, jnp.int32) & 0x7FFFFFFF
                bucket = b >> 23
                plsc.addupdate_scatter(hist, [bucket + iota256], ones_i)
                tot = tot + v
            return tot

        tot_vec = lax.fori_loop(0, _NV // 8, hist_body, zeros_f)
        total = jnp.sum(tot_vec)

        cum = zeros_i
        b_vec = zeros_i
        below_vec = zeros_i
        for t in range(16):
            h = hist[pl.ds(t * 16, 16)]
            for l in range(1, 16):
                h = h + hist[pl.ds(l * 256 + t * 16, 16)]
            cs = plsc.cumsum(h) + cum
            hit = cs < _K
            b_vec = b_vec + plsc.all_reduce_population_count(hit)
            below_vec = jnp.maximum(below_vec, jnp.where(hit, cs, zeros_i))
            cum = _splat(jnp.max(cs))
        below = jnp.max(below_vec)
        need = _K - below

        def comp_body(j, carry):
            off, sum_lt = carry
            for t in range(4):
                v = row_all[r, pl.ds(j * 64 + t * 16, 16)]
                b = lax.bitcast_convert_type(v, jnp.int32) & 0x7FFFFFFF
                bucket = b >> 23
                lt = bucket < b_vec
                eq = bucket == b_vec
                sum_lt = sum_lt + jnp.where(lt, v, zeros_f)
                idx = off + plsc.cumsum(eq.astype(jnp.int32)) - 1
                plsc.store_scatter(comp_bits, [idx], b, mask=eq)
                plsc.store_scatter(comp_val, [idx], v, mask=eq)
                off = off + plsc.all_reduce_population_count(eq)
            return off, sum_lt

        off_vec, sum_lt_vec = lax.fori_loop(0, _NV // 4, comp_body,
                                            (zeros_i, zeros_f))
        sum_lt = jnp.sum(sum_lt_vec)
        m = jnp.max(off_vec)
        sent = jnp.full((16,), 0x7FFFFFFF, jnp.int32)
        for t in range(4):
            plsc.store_scatter(comp_bits, [off_vec + iota + t * 16], sent)
        nv4 = (m + 63) >> 6

        lo0 = b_vec << 23
        hi0 = lo0 + ((1 << 23) - 1)

        def bs_body(_, carry):
            lo, hi = carry
            mid = lo + ((hi - lo) >> 1)

            def cnt_body(i, c):
                for t in range(4):
                    b = comp_bits[pl.ds(i * 64 + t * 16, 16)]
                    c = c + plsc.all_reduce_population_count(b <= mid)
                return c

            cnt = lax.fori_loop(0, nv4, cnt_body, zeros_i)
            take = cnt >= need
            return jnp.where(take, lo, mid + 1), jnp.where(take, mid, hi)

        kth, _ = lax.fori_loop(0, 23, bs_body, (lo0, hi0))

        def fin_body(i, carry):
            s_less, c_less, s_eq, c_eq = carry
            for t in range(4):
                b = comp_bits[pl.ds(i * 64 + t * 16, 16)]
                v = comp_val[pl.ds(i * 64 + t * 16, 16)]
                less = b < kth
                eq = b == kth
                s_less = s_less + jnp.where(less, v, zeros_f)
                c_less = c_less + plsc.all_reduce_population_count(less)
                s_eq = s_eq + jnp.where(eq, v, zeros_f)
                c_eq = c_eq + plsc.all_reduce_population_count(eq)
            return s_less, c_less, s_eq, c_eq

        s_less_v, c_less_v, s_eq_v, c_eq_v = lax.fori_loop(
            0, nv4, fin_body, (zeros_f, zeros_i, zeros_f, zeros_i))
        s_less = jnp.sum(s_less_v)
        s_eq = jnp.sum(s_eq_v)

        take_eq = (need - c_less_v).astype(jnp.float32)
        bottom_v = (sum_lt + s_less) + take_eq * s_eq / c_eq_v.astype(jnp.float32)
        pred_v = (total - bottom_v) / jnp.float32(_OBJ1)
        return jnp.where(iota == r, pred_v, pred_vec)

    pred_vec = lax.fori_loop(0, _SC_RPW, row_body, zeros_f)

    sig16 = sig_v[pl.ds(_TC_ROWS + row0, 16)]
    hinge = jnp.where(iota < _SC_RPW,
                      jnp.maximum(_THRESHOLD - sig16 * pred_vec, 0.0),
                      zeros_f)
    out_v[...] = hinge
    pltpu.sync_copy(out_v, out_hbm.at[wid])


def _sc_select(extraction, sig):
    mesh = plsc.VectorSubcoreMesh(core_axis_name="c", subcore_axis_name="s")
    return pl.kernel(
        _sc_select_body,
        out_type=jax.ShapeDtypeStruct((_NW, 16), jnp.float32),
        mesh=mesh,
        compiler_params=pltpu.CompilerParams(needs_layout_passes=False),
        scratch_types=[
            pltpu.VMEM((_SC_RPW, _OBJ1), jnp.float32),
            pltpu.VMEM((_OBJ1 + 64,), jnp.int32),
            pltpu.VMEM((_OBJ1 + 64,), jnp.float32),
            pltpu.VMEM((_OBJ1,), jnp.int32),
            pltpu.VMEM((_OBJ0 + 16,), jnp.float32),
            pltpu.VMEM((16,), jnp.float32),
            pltpu.SemaphoreType.DMA,
        ],
    )(extraction, sig)


def _final_body(scp_ref, tcp_ref, out_ref):
    out_ref[0, 0] = _LAMDA * (jnp.sum(scp_ref[...]) + tcp_ref[0, 0])


def _pool_half(weight1, weight2, a, first_block):
    n_blocks = (_OBJ0 // 2) * _POOL // _BLK
    return pl.pallas_call(
        _pool_body,
        grid=(n_blocks,),
        in_specs=[
            pl.BlockSpec((_BLK, _OBJ1), lambda i: (i + first_block, 0)),
            pl.BlockSpec((_BLK, _OBJ1), lambda i: (i + first_block, 0)),
            pl.BlockSpec((_OBJ1, _OBJ0), lambda i: (0, 0)),
        ],
        out_specs=pl.BlockSpec((_BLK // _POOL, _OBJ1), lambda i: (i, 0)),
        out_shape=jax.ShapeDtypeStruct(
            (n_blocks * _BLK // _POOL, _OBJ1), jnp.float32),
    )(weight1, weight2, a)


@jax.jit
def kernel(weight1, weight2, sig):
    a = jnp.asarray(_A)
    sig_col = sig.reshape(_OBJ0, 1)

    extraction_sc = _pool_half(weight1, weight2, a, _TC_ROWS * _POOL // _BLK)
    sc_partials = _sc_select(extraction_sc, sig)

    extraction_tc = _pool_half(weight1, weight2, a, 0)

    tc_partial = pl.pallas_call(
        _tc_select_body,
        grid=(1,),
        in_specs=[
            pl.BlockSpec((_TC_ROWS, _OBJ1), lambda i: (0, 0)),
            pl.BlockSpec((_TC_ROWS, 1), lambda i: (0, 0)),
        ],
        out_specs=pl.BlockSpec((1, 1), lambda i: (0, 0), memory_space=pltpu.SMEM),
        out_shape=jax.ShapeDtypeStruct((1, 1), jnp.float32),
    )(extraction_tc, sig_col)

    loss = pl.pallas_call(
        _final_body,
        in_specs=[
            pl.BlockSpec((_NW, 16), lambda: (0, 0)),
            pl.BlockSpec(memory_space=pltpu.SMEM),
        ],
        out_specs=pl.BlockSpec(memory_space=pltpu.SMEM),
        out_shape=jax.ShapeDtypeStruct((1, 1), jnp.float32),
    )(sc_partials, tc_partial)
    return loss[0, 0]

# --- scband reference (transcript-rebuilt; emitter-appended) ---
"""Pipeline reference for scband-residual-30923764532115 (READ-ONLY COPY).

The authoritative reference and input builder live on the scoring server;
editing this copy changes nothing except your own understanding.
"""

import jax, jax.numpy as jnp
import numpy as np

OBJ = (256, 4096)
DIVIDER = 10
THRESHOLD = 0.1
LAMDA = 1.0


def setup_inputs(seed: int = 0) -> dict:
    key = jax.random.key(seed)
    k1, k2, k3 = jax.random.split(key, 3)
    weight1 = jax.random.normal(k1, (4096, 4096), dtype=jnp.float32) * 0.02
    weight2 = jax.random.normal(k2, (4096, 4096), dtype=jnp.float32) * 0.02
    # sig buffer is a fixed +/-1 vector of length 256 (derived from RSA signature in the original)
    sig = jnp.where(jax.random.normal(k3, (256,), dtype=jnp.float32) > 0, 1.0, -1.0).astype(jnp.float32)
    return {"weight1": weight1, "weight2": weight2, "sig": sig}


def _adaptive_pool(w):
    # mirrors: param.view(-1)[:numel // OBJ[1] * OBJ[1]] then adaptive_avg_pool1d to OBJ[0]*OBJ[1]
    flat = w.reshape(-1)
    n = (flat.shape[0] // OBJ[1]) * OBJ[1]
    flat = flat[:n]
    target = OBJ[0] * OBJ[1]
    ratio = n // target  # exact: 16777216 / 1048576 = 16, so adaptive pool == windowed mean
    return flat.reshape(target, ratio).mean(axis=1).reshape(OBJ)


def reference(weight1, weight2, sig):
    # extract_weight: average pooled extraction over the two monitored layers
    extraction = (_adaptive_pool(weight1) + _adaptive_pool(weight2)) / 2.0
    # construct_residual: zero out the bottom-|.| k entries per row, then row-mean
    k = int(OBJ[1] / DIVIDER + 0.5)  # 410
    idx = jnp.argsort(jnp.abs(extraction), axis=1)[:, :k]
    rows = jnp.arange(OBJ[0])[:, None]
    extraction = extraction.at[rows, idx].set(0.0)
    pred_raw_sig = jnp.mean(extraction, axis=1)
    # hinge watermark loss
    loss = LAMDA * jnp.sum(jax.nn.relu(THRESHOLD - sig.reshape(-1) * pred_raw_sig.reshape(-1)))
    return loss

if __name__ == "__main__":
    import jax
    _d = setup_inputs()
    print(jax.jit(kernel)(*tuple(_d.values())))

</pallas_src>

<mosaic_0001>
#map = affine_map<(d0, d1) -> (0, 0)>
#map1 = affine_map<(d0, d1) -> (0)>
module attributes {stable_mosaic.version = 14 : i64} {
  func.func @_sc_select_body(%arg0: i32, %arg1: i32, %arg2: memref<128x4096xf32, #tpu.memory_space<hbm>>, %arg3: memref<256xf32, #tpu.memory_space<hbm>>, %arg4: memref<32x16xf32, #tpu.memory_space<hbm>>, %arg5: memref<4x4096xf32, #tpu.memory_space<vmem>>, %arg6: memref<4160xi32, #tpu.memory_space<vmem>>, %arg7: memref<4160xf32, #tpu.memory_space<vmem>>, %arg8: memref<4096xi32, #tpu.memory_space<vmem>>, %arg9: memref<272xf32, #tpu.memory_space<vmem>>, %arg10: memref<16xf32, #tpu.memory_space<vmem>>, %arg11: memref<!tpu.dma_semaphore, #tpu.memory_space<semaphore_mem>>) attributes {dimension_semantics = [#tpu.dimension_semantics<core_parallel>, #tpu.dimension_semantics<subcore_parallel>], iteration_bounds = array<i64: 2, 16>, scalar_prefetch = 0 : i64, scratch_operands = 7 : i64, tpu.core_type = #tpu.core_type<sc_vector_subcore>, window_params = [{transform_indices = #map}, {transform_indices = #map1}, {transform_indices = #map}]} {
    %mul3A = arith.constant 2 : i32
    %mul3A_0 = arith.muli %arg1, %mul3A : i32
    %add3A = arith.addi %mul3A_0, %arg0 : i32
    %mul3A_1 = arith.constant 4 : i32
    %mul3A_2 = arith.muli %add3A, %mul3A_1 : i32
    %iota3A = tpu.iota {dimensions = array<i32: 0>} : vector<16xi32>
    %mul3A_3 = arith.constant 256 : i32
    %mul3A_4 = vector.broadcast %mul3A_3 : i32 to vector<16xi32>
    %mul3A_5 = arith.muli %iota3A, %mul3A_4 : vector<16xi32>
    %broadcast_in_dim3A = arith.constant 1 : i32
    %broadcast_in_dim3A_6 = vector.broadcast %broadcast_in_dim3A : i32 to vector<16xi32>
    %broadcast_in_dim3A_7 = arith.constant 0.000000e+00 : f32
    %broadcast_in_dim3A_8 = vector.broadcast %broadcast_in_dim3A_7 : f32 to vector<16xf32>
    %broadcast_in_dim3A_9 = arith.constant 0 : i32
    %broadcast_in_dim3A_10 = vector.broadcast %broadcast_in_dim3A_9 : i32 to vector<16xi32>
    %dma_start3A = arith.constant 0 : i32
    %dma_start3A_11 = tpu.memref_slice %arg2[%mul3A_2, %dma_start3A] : memref<128x4096xf32, #tpu.memory_space<hbm>> -> memref<4x4096xf32, #tpu.memory_space<hbm>>
    %dma_start3A_12 = arith.constant 0 : i32
    %dma_start3A_13 = tpu.memref_slice %arg2[%mul3A_2, %dma_start3A_12] : memref<128x4096xf32, #tpu.memory_space<hbm>> -> memref<4x4096xf32, #tpu.memory_space<hbm>>
    tpu.enqueue_dma source(%dma_start3A_13 : memref<4x4096xf32, #tpu.memory_space<hbm>>) target(%arg5 : memref<4x4096xf32, #tpu.memory_space<vmem>>) target_semaphore(%arg11 : memref<!tpu.dma_semaphore, #tpu.memory_space<semaphore_mem>>)
    %dma_wait3A = arith.constant 0 : i32
    %dma_wait3A_14 = tpu.memref_slice %arg2[%mul3A_2, %dma_wait3A] : memref<128x4096xf32, #tpu.memory_space<hbm>> -> memref<4x4096xf32, #tpu.memory_space<hbm>>
    %dma_wait3A_15 = arith.constant 0 : i32
    %dma_wait3A_16 = tpu.memref_slice %arg2[%mul3A_2, %dma_wait3A_15] : memref<128x4096xf32, #tpu.memory_space<hbm>> -> memref<4x4096xf32, #tpu.memory_space<hbm>>
    tpu.wait_dma2 semaphore(%arg11 : memref<!tpu.dma_semaphore, #tpu.memory_space<semaphore_mem>>) src(%dma_wait3A_16 : memref<4x4096xf32, #tpu.memory_space<hbm>>) dst(%arg5 : memref<4x4096xf32, #tpu.memory_space<vmem>>)
    "tpu.region"() ({
      %run_scoped3A = tpu.sem_alloc : memref<!tpu.dma_semaphore, #tpu.memory_space<semaphore_mem>>
      %dma_start3A_33 = arith.constant 0 : i32
      %dma_start3A_34 = tpu.memref_slice %arg9[%dma_start3A_33] : memref<272xf32, #tpu.memory_space<vmem>> -> memref<256xf32, #tpu.memory_space<vmem>>
      %dma_start3A_35 = arith.constant 0 : i32
      %dma_start3A_36 = tpu.memref_slice %arg9[%dma_start3A_35] : memref<272xf32, #tpu.memory_space<vmem>> -> memref<256xf32, #tpu.memory_space<vmem>>
      tpu.enqueue_dma source(%arg3 : memref<256xf32, #tpu.memory_space<hbm>>) target(%dma_start3A_36 : memref<256xf32, #tpu.memory_space<vmem>>) target_semaphore(%run_scoped3A : memref<!tpu.dma_semaphore, #tpu.memory_space<semaphore_mem>>)
      %dma_wait3A_37 = arith.constant 0 : i32
      %dma_wait3A_38 = tpu.memref_slice %arg9[%dma_wait3A_37] : memref<272xf32, #tpu.memory_space<vmem>> -> memref<256xf32, #tpu.memory_space<vmem>>
      %dma_wait3A_39 = arith.constant 0 : i32
      %dma_wait3A_40 = tpu.memref_slice %arg9[%dma_wait3A_39] : memref<272xf32, #tpu.memory_space<vmem>> -> memref<256xf32, #tpu.memory_space<vmem>>
      tpu.wait_dma2 semaphore(%run_scoped3A : memref<!tpu.dma_semaphore, #tpu.memory_space<semaphore_mem>>) src(%arg3 : memref<256xf32, #tpu.memory_space<hbm>>) dst(%dma_wait3A_40 : memref<256xf32, #tpu.memory_space<vmem>>)
      tpu.yield
    }) : () -> ()
    %scan3A = arith.constant 0 : i32
    %scan3A_17 = arith.constant 4 : i32
    %scan3A_18 = arith.addi %scan3A, %scan3A_17 : i32
    %scan3A_19 = arith.constant 1 : i32
    %scan3A_20 = scf.for %scan3A_33 = %scan3A to %scan3A_18 step %scan3A_19 iter_args(%scan3A_34 = %broadcast_in_dim3A_8) -> (vector<16xf32>)  : i32 {
      %scan3A_35 = arith.constant 0 : i32
      %scan3A_36 = arith.constant 0 : i32
      %mul3A_37 = arith.constant 256 : i32
      %mul3A_38 = arith.muli %scan3A_36, %mul3A_37 : i32
      %add3A_39 = arith.constant 0 : i32
      %add3A_40 = arith.addi %mul3A_38, %add3A_39 : i32
      %swap3A_41 = arith.index_cast %add3A_40 : i32 to index
      %swap3A_42 = tpu.vector_load %arg8[%swap3A_41] {strides = array<i32>} : memref<4096xi32, #tpu.memory_space<vmem>>, vector<16xi32>,
      tpu.vector_store %arg8[%swap3A_41], %broadcast_in_dim3A_10 {strides = array<i32>} : memref<4096xi32, #tpu.memory_space<vmem>>, vector<16xi32>,
      %mul3A_43 = arith.constant 256 : i32
      %mul3A_44 = arith.muli %scan3A_36, %mul3A_43 : i32
      %add3A_45 = arith.constant 16 : i32
      %add3A_46 = arith.addi %mul3A_44, %add3A_45 : i32
      %swap3A_47 = arith.index_cast %add3A_46 : i32 to index
      %swap3A_48 = tpu.vector_load %arg8[%swap3A_47] {strides = array<i32>} : memref<4096xi32, #tpu.memory_space<vmem>>, vector<16xi32>,
      tpu.vector_store %arg8[%swap3A_47], %broadcast_in_dim3A_10 {strides = array<i32>} : memref<4096xi32, #tpu.memory_space<vmem>>, vector<16xi32>,
      %mul3A_49 = arith.constant 256 : i32
      %mul3A_50 = arith.muli %scan3A_36, %mul3A_49 : i32
      %add3A_51 = arith.constant 32 : i32
      %add3A_52 = arith.addi %mul3A_50, %add3A_51 : i32
      %swap3A_53 = arith.index_cast %add3A_52 : i32 to index
      %swap3A_54 = tpu.vector_load %arg8[%swap3A_53] {strides = array<i32>} : memref<4096xi32, #tpu.memory_space<vmem>>, vector<16xi32>,
      tpu.vector_store %arg8[%swap3A_53], %broadcast_in_dim3A_10 {strides = array<i32>} : memref<4096xi32, #tpu.memory_space<vmem>>, vector<16xi32>,
      %mul3A_55 = arith.constant 256 : i32
      %mul3A_56 = arith.muli %scan3A_36, %mul3A_55 : i32
      %add3A_57 = arith.constant 48 : i32
      %add3A_58 = arith.addi %mul3A_56, %add3A_57 : i32
      %swap3A_59 = arith.index_cast %add3A_58 : i32 to index
      %swap3A_60 = tpu.vector_load %arg8[%swap3A_59] {strides = array<i32>} : memref<4096xi32, #tpu.memory_space<vmem>>, vector<16xi32>,
      tpu.vector_store %arg8[%swap3A_59], %broadcast_in_dim3A_10 {strides = array<i32>} : memref<4096xi32, #tpu.memory_space<vmem>>, vector<16xi32>,
      %mul3A_61 = arith.constant 256 : i32
      %mul3A_62 = arith.muli %scan3A_36, %mul3A_61 : i32
      %add3A_63 = arith.constant 64 : i32
      %add3A_64 = arith.addi %mul3A_62, %add3A_63 : i32
      %swap3A_65 = arith.index_cast %add3A_64 : i32 to index
      %swap3A_66 = tpu.vector_load %arg8[%swap3A_65] {strides = array<i32>} : memref<4096xi32, #tpu.memory_space<vmem>>, vector<16xi32>,
      tpu.vector_store %arg8[%swap3A_65], %broadcast_in_dim3A_10 {strides = array<i32>} : memref<4096xi32, #tpu.memory_space<vmem>>, vector<16xi32>,
      %mul3A_67 = arith.constant 256 : i32
      %mul3A_68 = arith.muli %scan3A_36, %mul3A_67 : i32
      %add3A_69 = arith.constant 80 : i32
      %add3A_70 = arith.addi %mul3A_68, %add3A_69 : i32
      %swap3A_71 = arith.index_cast %add3A_70 : i32 to index
      %swap3A_72 = tpu.vector_load %arg8[%swap3A_71] {strides = array<i32>} : memref<4096xi32, #tpu.memory_space<vmem>>, vector<16xi32>,
      tpu.vector_store %arg8[%swap3A_71], %broadcast_in_dim3A_10 {strides = array<i32>} : memref<4096xi32, #tpu.memory_space<vmem>>, vector<16xi32>,
      %mul3A_73 = arith.constant 256 : i32
      %mul3A_74 = arith.muli %scan3A_36, %mul3A_73 : i32
      %add3A_75 = arith.constant 96 : i32
      %add3A_76 = arith.addi %mul3A_74, %add3A_75 : i32
      %swap3A_77 = arith.index_cast %add3A_76 : i32 to index
      %swap3A_78 = tpu.vector_load %arg8[%swap3A_77] {strides = array<i32>} : memref<4096xi32, #tpu.memory_space<vmem>>, vector<16xi32>,
      tpu.vector_store %arg8[%swap3A_77], %broadcast_in_dim3A_10 {strides = array<i32>} : memref<4096xi32, #tpu.memory_space<vmem>>, vector<16xi32>,
      %mul3A_79 = arith.constant 256 : i32
      %mul3A_80 = arith.muli %scan3A_36, %mul3A_79 : i32
      %add3A_81 = arith.constant 112 : i32
      %add3A_82 = arith.addi %mul3A_80, %add3A_81 : i32
      %swap3A_83 = arith.index_cast %add3A_82 : i32 to index
      %swap3A_84 = tpu.vector_load %arg8[%swap3A_83] {strides = array<i32>} : memref<4096xi32, #tpu.memory_space<vmem>>, vector<16xi32>,
      tpu.vector_store %arg8[%swap3A_83], %broadcast_in_dim3A_10 {strides = array<i32>} : memref<4096xi32, #tpu.memory_space<vmem>>, vector<16xi32>,
      %mul3A_85 = arith.constant 256 : i32
      %mul3A_86 = arith.muli %scan3A_36, %mul3A_85 : i32
      %add3A_87 = arith.constant 128 : i32
      %add3A_88 = arith.addi %mul3A_86, %add3A_87 : i32
      %swap3A_89 = arith.index_cast %add3A_88 : i32 to index
      %swap3A_90 = tpu.vector_load %arg8[%swap3A_89] {strides = array<i32>} : memref<4096xi32, #tpu.memory_space<vmem>>, vector<16xi32>,
      tpu.vector_store %arg8[%swap3A_89], %broadcast_in_dim3A_10 {strides = array<i32>} : memref<4096xi32, #tpu.memory_space<vmem>>, vector<16xi32>,
      %mul3A_91 = arith.constant 256 : i32
      %mul3A_92 = arith.muli %scan3A_36, %mul3A_91 : i32
      %add3A_93 = arith.constant 144 : i32
      %add3A_94 = arith.addi %mul3A_92, %add3A_93 : i32
      %swap3A_95 = arith.index_cast %add3A_94 : i32 to index
      %swap3A_96 = tpu.vector_load %arg8[%swap3A_95] {strides = array<i32>} : memref<4096xi32, #tpu.memory_space<vmem>>, vector<16xi32>,
      tpu.vector_store %arg8[%swap3A_95], %broadcast_in_dim3A_10 {strides = array<i32>} : memref<4096xi32, #tpu.memory_space<vmem>>, vector<16xi32>,
      %mul3A_97 = arith.constant 256 : i32
      %mul3A_98 = arith.muli %scan3A_36, %mul3A_97 : i32
      %add3A_99 = arith.constant 160 : i32
      %add3A_100 = arith.addi %mul3A_98, %add3A_99 : i32
      %swap3A_101 = arith.index_cast %add3A_100 : i32 to index
      %swap3A_102 = tpu.vector_load %arg8[%swap3A_101] {strides = array<i32>} : memref<4096xi32, #tpu.memory_space<vmem>>, vector<16xi32>,
      tpu.vector_store %arg8[%swap3A_101], %broadcast_in_dim3A_10 {strides = array<i32>} : memref<4096xi32, #tpu.memory_space<vmem>>, vector<16xi32>,
      %mul3A_103 = arith.constant 256 : i32
      %mul3A_104 = arith.muli %scan3A_36, %mul3A_103 : i32
      %add3A_105 = arith.constant 176 : i32
      %add3A_106 = arith.addi %mul3A_104, %add3A_105 : i32
      %swap3A_107 = arith.index_cast %add3A_106 : i32 to index
      %swap3A_108 = tpu.vector_load %arg8[%swap3A_107] {strides = array<i32>} : memref<4096xi32, #tpu.memory_space<vmem>>, vector<16xi32>,
      tpu.vector_store %arg8[%swap3A_107], %broadcast_in_dim3A_10 {strides = array<i32>} : memref<4096xi32, #tpu.memory_space<vmem>>, vector<16xi32>,
      %mul3A_109 = arith.constant 256 : i32
      %mul3A_110 = arith.muli %scan3A_36, %mul3A_109 : i32
      %add3A_111 = arith.constant 192 : i32
      %add3A_112 = arith.addi %mul3A_110, %add3A_111 : i32
      %swap3A_113 = arith.index_cast %add3A_112 : i32 to index
      %swap3A_114 = tpu.vector_load %arg8[%swap3A_113] {strides = array<i32>} : memref<4096xi32, #tpu.memory_space<vmem>>, vector<16xi32>,
      tpu.vector_store %arg8[%swap3A_113], %broadcast_in_dim3A_10 {strides = array<i32>} : memref<4096xi32, #tpu.memory_space<vmem>>, vector<16xi32>,
      %mul3A_115 = arith.constant 256 : i32
      %mul3A_116 = arith.muli %scan3A_36, %mul3A_115 : i32
      %add3A_117 = arith.constant 208 : i32
      %add3A_118 = arith.addi %mul3A_116, %add3A_117 : i32
      %swap3A_119 = arith.index_cast %add3A_118 : i32 to index
      %swap3A_120 = tpu.vector_load %arg8[%swap3A_119] {strides = array<i32>} : memref<4096xi32, #tpu.memory_space<vmem>>, vector<16xi32>,
      tpu.vector_store %arg8[%swap3A_119], %broadcast_in_dim3A_10 {strides = array<i32>} : memref<4096xi32, #tpu.memory_space<vmem>>, vector<16xi32>,
      %mul3A_121 = arith.constant 256 : i32
      %mul3A_122 = arith.muli %scan3A_36, %mul3A_121 : i32
      %add3A_123 = arith.constant 224 : i32
      %add3A_124 = arith.addi %mul3A_122, %add3A_123 : i32
      %swap3A_125 = arith.index_cast %add3A_124 : i32 to index
      %swap3A_126 = tpu.vector_load %arg8[%swap3A_125] {strides = array<i32>} : memref<4096xi32, #tpu.memory_space<vmem>>, vector<16xi32>,
      tpu.vector_store %arg8[%swap3A_125], %broadcast_in_dim3A_10 {strides = array<i32>} : memref<4096xi32, #tpu.memory_space<vmem>>, vector<16xi32>,
      %mul3A_127 = arith.constant 256 : i32
      %mul3A_128 = arith.muli %scan3A_36, %mul3A_127 : i32
      %add3A_129 = arith.constant 240 : i32
      %add3A_130 = arith.addi %mul3A_128, %add3A_129 : i32
      %swap3A_131 = arith.index_cast %add3A_130 : i32 to index
      %swap3A_132 = tpu.vector_load %arg8[%swap3A_131] {strides = array<i32>} : memref<4096xi32, #tpu.memory_space<vmem>>, vector<16xi32>,
      tpu.vector_store %arg8[%swap3A_131], %broadcast_in_dim3A_10 {strides = array<i32>} : memref<4096xi32, #tpu.memory_space<vmem>>, vector<16xi32>,
      %scan3A_133 = arith.constant 0 : i32
      %scan3A_134 = arith.constant 1 : i32
      %mul3A_135 = arith.constant 256 : i32
      %mul3A_136 = arith.muli %scan3A_134, %mul3A_135 : i32
      %add3A_137 = arith.constant 0 : i32
      %add3A_138 = arith.addi %mul3A_136, %add3A_137 : i32
      %swap3A_139 = arith.index_cast %add3A_138 : i32 to index
      %swap3A_140 = tpu.vector_load %arg8[%swap3A_139] {strides = array<i32>} : memref<4096xi32, #tpu.memory_space<vmem>>, vector<16xi32>,
      tpu.vector_store %arg8[%swap3A_139], %broadcast_in_dim3A_10 {strides = array<i32>} : memref<4096xi32, #tpu.memory_space<vmem>>, vector<16xi32>,
      %mul3A_141 = arith.constant 256 : i32
      %mul3A_142 = arith.muli %scan3A_134, %mul3A_141 : i32
      %add3A_143 = arith.constant 16 : i32
      %add3A_144 = arith.addi %mul3A_142, %add3A_143 : i32
      %swap3A_145 = arith.index_cast %add3A_144 : i32 to index
      %swap3A_146 = tpu.vector_load %arg8[%swap3A_145] {strides = array<i32>} : memref<4096xi32, #tpu.memory_space<vmem>>, vector<16xi32>,
      tpu.vector_store %arg8[%swap3A_145], %broadcast_in_dim3A_10 {strides = array<i32>} : memref<4096xi32, #tpu.memory_space<vmem>>, vector<16xi32>,
      %mul3A_147 = arith.constant 256 : i32
      %mul3A_148 = arith.muli %scan3A_134, %mul3A_147 : i32
      %add3A_149 = arith.constant 32 : i32
      %add3A_150 = arith.addi %mul3A_148, %add3A_149 : i32
      %swap3A_151 = arith.index_cast %add3A_150 : i32 to index
      %swap3A_152 = tpu.vector_load %arg8[%swap3A_151] {strides = array<i32>} : memref<4096xi32, #tpu.memory_space<vmem>>, vector<16xi32>,
      tpu.vector_store %arg8[%swap3A_151], %broadcast_in_dim3A_10 {strides = array<i32>} : memref<4096xi32, #tpu.memory_space<vmem>>, vector<16xi32>,
      %mul3A_153 = arith.constant 256 : i32
      %mul3A_154 = arith.muli %scan3A_134, %mul3A_153 : i32
      %add3A_155 = arith.constant 48 : i32
      %add3A_156 = arith.addi %mul3A_154, %add3A_155 : i32
      %swap3A_157 = arith.index_cast %add3A_156 : i32 to index
      %swap3A_158 = tpu.vector_load %arg8[%swap3A_157] {strides = array<i32>} : memref<4096xi32, #tpu.memory_space<vmem>>, vector<16xi32>,
      tpu.vector_store %arg8[%swap3A_157], %broadcast_in_dim3A_10 {strides = array<i32>} : memref<4096xi32, #tpu.memory_space<vmem>>, vector<16xi32>,
      %mul3A_159 = arith.constant 256 : i32
      %mul3A_160 = arith.muli %scan3A_134, %mul3A_159 : i32
      %add3A_161 = arith.constant 64 : i32
      %add3A_162 = arith.addi %mul3A_160, %add3A_161 : i32
      %swap3A_163 = arith.index_cast %add3A_162 : i32 to index
      %swap3A_164 = tpu.vector_load %arg8[%swap3A_163] {strides = array<i32>} : memref<4096xi32, #tpu.memory_space<vmem>>, vector<16xi32>,
      tpu.vector_store %arg8[%swap3A_163], %broadcast_in_dim3A_10 {strides = array<i32>} : memref<4096xi32, #tpu.memory_space<vmem>>, vector<16xi32>,
      %mul3A_165 = arith.constant 256 : i32
      %mul3A_166 = arith.muli %scan3A_134, %mul3A_165 : i32
      %add3A_167 = arith.constant 80 : i32
      %add3A_168 = arith.addi %mul3A_166, %add3A_167 : i32
      %swap3A_169 = arith.index_cast %add3A_168 : i32 to index
      %swap3A_170 = tpu.vector_load %arg8[%swap3A_169] {strides = array<i32>} : memref<4096xi32, #tpu.memory_space<vmem>>, vector<16xi32>,
      tpu.vector_store %arg8[%swap3A_169], %broadcast_in_dim3A_10 {strides = array<i32>} : memref<4096xi32, #tpu.memory_space<vmem>>, vector<16xi32>,
      %mul3A_171 = arith.constant 256 : i32
      %mul3A_172 = arith.muli %scan3A_134, %mul3A_171 : i32
      %add3A_173 = arith.constant 96 : i32
      %add3A_174 = arith.addi %mul3A_172, %add3A_173 : i32
      %swap3A_175 = arith.index_cast %add3A_174 : i32 to index
      %swap3A_176 = tpu.vector_load %arg8[%swap3A_175] {strides = array<i32>} : memref<4096xi32, #tpu.memory_space<vmem>>, vector<16xi32>,
      tpu.vector_store %arg8[%swap3A_175], %broadcast_in_dim3A_10 {strides = array<i32>} : memref<4096xi32, #tpu.memory_space<vmem>>, vector<16xi32>,
      %mul3A_177 = arith.constant 256 : i32
      %mul3A_178 = arith.muli %scan3A_134, %mul3A_177 : i32
      %add3A_179 = arith.constant 112 : i32
      %add3A_180 = arith.addi %mul3A_178, %add3A_179 : i32
      %swap3A_181 = arith.index_cast %add3A_180 : i32 to index
      %swap3A_182 = tpu.vector_load %arg8[%swap3A_181] {strides = array<i32>} : memref<4096xi32, #tpu.memory_space<vmem>>, vector<16xi32>,
      tpu.vector_store %arg8[%swap3A_181], %broadcast_in_dim3A_10 {strides = array<i32>} : memref<4096xi32, #tpu.memory_space<vmem>>, vector<16xi32>,
      %mul3A_183 = arith.constant 256 : i32
      %mul3A_184 = arith.muli %scan3A_134, %mul3A_183 : i32
      %add3A_185 = arith.constant 128 : i32
      %add3A_186 = arith.addi %mul3A_184, %add3A_185 : i32
      %swap3A_187 = arith.index_cast %add3A_186 : i32 to index
      %swap3A_188 = tpu.vector_load %arg8[%swap3A_187] {strides = array<i32>} : memref<4096xi32, #tpu.memory_space<vmem>>, vector<16xi32>,
      tpu.vector_store %arg8[%swap3A_187], %broadcast_in_dim3A_10 {strides = array<i32>} : memref<4096xi32, #tpu.memory_space<vmem>>, vector<16xi32>,
      %mul3A_189 = arith.constant 256 : i32
      %mul3A_190 = arith.muli %scan3A_134, %mul3A_189 : i32
      %add3A_191 = arith.constant 144 : i32
      %add3A_192 = arith.addi %mul3A_190, %add3A_191 : i32
      %swap3A_193 = arith.index_cast %add3A_192 : i32 to index
      %swap3A_194 = tpu.vector_load %arg8[%swap3A_193] {strides = array<i32>} : memref<4096xi32, #tpu.memory_space<vmem>>, vector<16xi32>,
      tpu.vector_store %arg8[%swap3A_193], %broadcast_in_dim3A_10 {strides = array<i32>} : memref<4096xi32, #tpu.memory_space<vmem>>, vector<16xi32>,
      %mul3A_195 = arith.constant 256 : i32
      %mul3A_196 = arith.muli %scan3A_134, %mul3A_195 : i32
      %add3A_197 = arith.constant 160 : i32
      %add3A_198 = arith.addi %mul3A_196, %add3A_197 : i32
      %swap3A_199 = arith.index_cast %add3A_198 : i32 to index
      %swap3A_200 = tpu.vector_load %arg8[%swap3A_199] {strides = array<i32>} : memref<4096xi32, #tpu.memory_space<vmem>>, vector<16xi32>,
      tpu.vector_store %arg8[%swap3A_199], %broadcast_in_dim3A_10 {strides = array<i32>} : memref<4096xi32, #tpu.memory_space<vmem>>, vector<16xi32>,
      %mul3A_201 = arith.constant 256 : i32
      %mul3A_202 = arith.muli %scan3A_134, %mul3A_201 : i32
      %add3A_203 = arith.constant 176 : i32
      %add3A_204 = arith.addi %mul3A_202, %add3A_203 : i32
      %swap3A_205 = arith.index_cast %add3A_204 : i32 to index
      %swap3A_206 = tpu.vector_load %arg8[%swap3A_205] {strides = array<i32>} : memref<4096xi32, #tpu.memory_space<vmem>>, vector<16xi32>,
      tpu.vector_store %arg8[%swap3A_205], %broadcast_in_dim3A_10 {strides = array<i32>} : memref<4096xi32, #tpu.memory_space<vmem>>, vector<16xi32>,
      %mul3A_207 = arith.constant 256 : i32
      %mul3A_208 = arith.muli %scan3A_134, %mul3A_207 : i32
      %add3A_209 = arith.constant 192 : i32
      %add3A_210 = arith.addi %mul3A_208, %add3A_209 : i32
      %swap3A_211 = arith.index_cast %add3A_210 : i32 to index
      %swap3A_212 = tpu.vector_load %arg8[%swap3A_211] {strides = array<i32>} : memref<4096xi32, #tpu.memory_space<vmem>>, vector<16xi32>,
      tpu.vector_store %arg8[%swap3A_211], %broadcast_in_dim3A_10 {strides = array<i32>} : memref<4096xi32, #tpu.memory_space<vmem>>, vector<16xi32>,
      %mul3A_213 = arith.constant 256 : i32
      %mul3A_214 = arith.muli %scan3A_134, %mul3A_213 : i32
      %add3A_215 = arith.constant 208 : i32
      %add3A_216 = arith.addi %mul3A_214, %add3A_215 : i32
      %swap3A_217 = arith.index_cast %add3A_216 : i32 to index
      %swap3A_218 = tpu.vector_load %arg8[%swap3A_217] {strides = array<i32>} : memref<4096xi32, #tpu.memory_space<vmem>>, vector<16xi32>,
      tpu.vector_store %arg8[%swap3A_217], %broadcast_in_dim3A_10 {strides = array<i32>} : memref<4096xi32, #tpu.memory_space<vmem>>, vector<16xi32>,
      %mul3A_219 = arith.constant 256 : i32
      %mul3A_220 = arith.muli %scan3A_134, %mul3A_219 : i32
      %add3A_221 = arith.constant 224 : i32
      %add3A_222 = arith.addi %mul3A_220, %add3A_221 : i32
      %swap3A_223 = arith.index_cast %add3A_222 : i32 to index
      %swap3A_224 = tpu.vector_load %arg8[%swap3A_223] {strides = array<i32>} : memref<4096xi32, #tpu.memory_space<vmem>>, vector<16xi32>,
      tpu.vector_store %arg8[%swap3A_223], %broadcast_in_dim3A_10 {strides = array<i32>} : memref<4096xi32, #tpu.memory_space<vmem>>, vector<16xi32>,
      %mul3A_225 = arith.constant 256 : i32
      %mul3A_226 = arith.muli %scan3A_134, %mul3A_225 : i32
      %add3A_227 = arith.constant 240 : i32
      %add3A_228 = arith.addi %mul3A_226, %add3A_227 : i32
      %swap3A_229 = arith.index_cast %add3A_228 : i32 to index
      %swap3A_230 = tpu.vector_load %arg8[%swap3A_229] {strides = array<i32>} : memref<4096xi32, #tpu.memory_space<vmem>>, vector<16xi32>,
      tpu.vector_store %arg8[%swap3A_229], %broadcast_in_dim3A_10 {strides = array<i32>} : memref<4096xi32, #tpu.memory_space<vmem>>, vector<16xi32>,
      %scan3A_231 = arith.constant 0 : i32
      %scan3A_232 = arith.constant 2 : i32
      %mul3A_233 = arith.constant 256 : i32
      %mul3A_234 = arith.muli %scan3A_232, %mul3A_233 : i32
      %add3A_235 = arith.constant 0 : i32
      %add3A_236 = arith.addi %mul3A_234, %add3A_235 : i32
      %swap3A_237 = arith.index_cast %add3A_236 : i32 to index
      %swap3A_238 = tpu.vector_load %arg8[%swap3A_237] {strides = array<i32>} : memref<4096xi32, #tpu.memory_space<vmem>>, vector<16xi32>,
      tpu.vector_store %arg8[%swap3A_237], %broadcast_in_dim3A_10 {strides = array<i32>} : memref<4096xi32, #tpu.memory_space<vmem>>, vector<16xi32>,
      %mul3A_239 = arith.constant 256 : i32
      %mul3A_240 = arith.muli %scan3A_232, %mul3A_239 : i32
      %add3A_241 = arith.constant 16 : i32
      %add3A_242 = arith.addi %mul3A_240, %add3A_241 : i32
      %swap3A_243 = arith.index_cast %add3A_242 : i32 to index
      %swap3A_244 = tpu.vector_load %arg8[%swap3A_243] {strides = array<i32>} : memref<4096xi32, #tpu.memory_space<vmem>>, vector<16xi32>,
      tpu.vector_store %arg8[%swap3A_243], %broadcast_in_dim3A_10 {strides = array<i32>} : memref<4096xi32, #tpu.memory_space<vmem>>, vector<16xi32>,
      %mul3A_245 = arith.constant 256 : i32
      %mul3A_246 = arith.muli %scan3A_232, %mul3A_245 : i32
      %add3A_247 = arith.constant 32 : i32
      %add3A_248 = arith.addi %mul3A_246, %add3A_247 : i32
      %swap3A_249 = arith.index_cast %add3A_248 : i32 to index
      %swap3A_250 = tpu.vector_load %arg8[%swap3A_249] {strides = array<i32>} : memref<4096xi32, #tpu.memory_space<vmem>>, vector<16xi32>,
      tpu.vector_store %arg8[%swap3A_249], %broadcast_in_dim3A_10 {strides = array<i32>} : memref<4096xi32, #tpu.memory_space<vmem>>, vector<16xi32>,
      %mul3A_251 = arith.constant 256 : i32
      %mul3A_252 = arith.muli %scan3A_232, %mul3A_251 : i32
      %add3A_253 = arith.constant 48 : i32
      %add3A_254 = arith.addi %mul3A_252, %add3A_253 : i32
      %swap3A_255 = arith.index_cast %add3A_254 : i32 to index
      %swap3A_256 = tpu.vector_load %arg8[%swap3A_255] {strides = array<i32>} : memref<4096xi32, #tpu.memory_space<vmem>>, vector<16xi32>,
      tpu.vector_store %arg8[%swap3A_255], %broadcast_in_dim3A_10 {strides = array<i32>} : memref<4096xi32, #tpu.memory_space<vmem>>, vector<16xi32>,
      %mul3A_257 = arith.constant 256 : i32
      %mul3A_258 = arith.muli %scan3A_232, %mul3A_257 : i32
      %add3A_259 = arith.constant 64 : i32
      %add3A_260 = arith.addi %mul3A_258, %add3A_259 : i32
      %swap3A_261 = arith.index_cast %add3A_260 : i32 to index
      %swap3A_262 = tpu.vector_load %arg8[%swap3A_261] {strides = array<i32>} : memref<4096xi32, #tpu.memory_space<vmem>>, vector<16xi32>,
      tpu.vector_store %arg8[%swap3A_261], %broadcast_in_dim3A_10 {strides = array<i32>} : memref<4096xi32, #tpu.memory_space<vmem>>, vector<16xi32>,
      %mul3A_263 = arith.constant 256 : i32
      %mul3A_264 = arith.muli %scan3A_232, %mul3A_263 : i32
      %add3A_265 = arith.constant 80 : i32
      %add3A_266 = arith.addi %mul3A_264, %add3A_265 : i32
      %swap3A_267 = arith.index_cast %add3A_266 : i32 to index
      %swap3A_268 = tpu.vector_load %arg8[%swap3A_267] {strides = array<i32>} : memref<4096xi32, #tpu.memory_space<vmem>>, vector<16xi32>,
      tpu.vector_store %arg8[%swap3A_267], %broadcast_in_dim3A_10 {strides = array<i32>} : memref<4096xi32, #tpu.memory_space<vmem>>, vector<16xi32>,
      %mul3A_269 = arith.constant 256 : i32
      %mul3A_270 = arith.muli %scan3A_232, %mul3A_269 : i32
      %add3A_271 = arith.constant 96 : i32
      %add3A_272 = arith.addi %mul3A_270, %add3A_271 : i32
      %swap3A_273 = arith.index_cast %add3A_272 : i32 to index
      %swap3A_274 = tpu.vector_load %arg8[%swap3A_273] {strides = array<i32>} : memref<4096xi32, #tpu.memory_space<vmem>>, vector<16xi32>,
      tpu.vector_store %arg8[%swap3A_273], %broadcast_in_dim3A_10 {strides = array<i32>} : memref<4096xi32, #tpu.memory_space<vmem>>, vector<16xi32>,
      %mul3A_275 = arith.constant 256 : i32
      %mul3A_276 = arith.muli %scan3A_232, %mul3A_275 : i32
      %add3A_277 = arith.constant 112 : i32
      %add3A_278 = arith.addi %mul3A_276, %add3A_277 : i32
      %swap3A_279 = arith.index_cast %add3A_278 : i32 to index
      %swap3A_280 = tpu.vector_load %arg8[%swap3A_279] {strides = array<i32>} : memref<4096xi32, #tpu.memory_space<vmem>>, vector<16xi32>,
      tpu.vector_store %arg8[%swap3A_279], %broadcast_in_dim3A_10 {strides = array<i32>} : memref<4096xi32, #tpu.memory_space<vmem>>, vector<16xi32>,
      %mul3A_281 = arith.constant 256 : i32
      %mul3A_282 = arith.muli %scan3A_232, %mul3A_281 : i32
      %add3A_283 = arith.constant 128 : i32
      %add3A_284 = arith.addi %mul3A_282, %add3A_283 : i32
      %swap3A_285 = arith.index_cast %add3A_284 : i32 to index
      %swap3A_286 = tpu.vector_load %arg8[%swap3A_285] {strides = array<i32>} : memref<4096xi32, #tpu.memory_space<vmem>>, vector<16xi32>,
      tpu.vector_store %arg8[%swap3A_285], %broadcast_in_dim3A_10 {strides = array<i32>} : memref<4096xi32, #tpu.memory_space<vmem>>, vector<16xi32>,
      %mul3A_287 = arith.constant 256 : i32
      %mul3A_288 = arith.muli %scan3A_232, %mul3A_287 : i32
      %add3A_289 = arith.constant 144 : i32
      %add3A_290 = arith.addi %mul3A_288, %add3A_289 : i32
      %swap3A_291 = arith.index_cast %add3A_290 : i32 to index
      %swap3A_292 = tpu.vector_load %arg8[%swap3A_291] {strides = array<i32>} : memref<4096xi32, #tpu.memory_space<vmem>>, vector<16xi32>,
      tpu.vector_store %arg8[%swap3A_291], %broadcast_in_dim3A_10 {strides = array<i32>} : memref<4096xi32, #tpu.memory_space<vmem>>, vector<16xi32>,
      %mul3A_293 = arith.constant 256 : i32
      %mul3A_294 = arith.muli %scan3A_232, %mul3A_293 : i32
      %add3A_295 = arith.constant 160 : i32
      %add3A_296 = arith.addi %mul3A_294, %add3A_295 : i32
      %swap3A_297 = arith.index_cast %add3A_296 : i32 to index
      %swap3A_298 = tpu.vector_load %arg8[%swap3A_297] {strides = array<i32>} : memref<4096xi32, #tpu.memory_space<vmem>>, vector<16xi32>,
      tpu.vector_store %arg8[%swap3A_297], %broadcast_in_dim3A_10 {strides = array<i32>} : memref<4096xi32, #tpu.memory_space<vmem>>, vector<16xi32>,
      %mul3A_299 = arith.constant 256 : i32
      %mul3A_300 = arith.muli %scan3A_232, %mul3A_299 : i32
      %add3A_301 = arith.constant 176 : i32
      %add3A_302 = arith.addi %mul3A_300, %add3A_301 : i32
      %swap3A_303 = arith.index_cast %add3A_302 : i32 to index
      %swap3A_304 = tpu.vector_load %arg8[%swap3A_303] {strides = array<i32>} : memref<4096xi32, #tpu.memory_space<vmem>>, vector<16xi32>,
      tpu.vector_store %arg8[%swap3A_303], %broadcast_in_dim3A_10 {strides = array<i32>} : memref<4096xi32, #tpu.memory_space<vmem>>, vector<16xi32>,
      %mul3A_305 = arith.constant 256 : i32
      %mul3A_306 = arith.muli %scan3A_232, %mul3A_305 : i32
      %add3A_307 = arith.constant 192 : i32
      %add3A_308 = arith.addi %mul3A_306, %add3A_307 : i32
      %swap3A_309 = arith.index_cast %add3A_308 : i32 to index
      %swap3A_310 = tpu.vector_load %arg8[%swap3A_309] {strides = array<i32>} : memref<4096xi32, #tpu.memory_space<vmem>>, vector<16xi32>,
      tpu.vector_store %arg8[%swap3A_309], %broadcast_in_dim3A_10 {strides = array<i32>} : memref<4096xi32, #tpu.memory_space<vmem>>, vector<16xi32>,
      %mul3A_311 = arith.constant 256 : i32
      %mul3A_312 = arith.muli %scan3A_232, %mul3A_311 : i32
      %add3A_313 = arith.constant 208 : i32
      %add3A_314 = arith.addi %mul3A_312, %add3A_313 : i32
      %swap3A_315 = arith.index_cast %add3A_314 : i32 to index
      %swap3A_316 = tpu.vector_load %arg8[%swap3A_315] {strides = array<i32>} : memref<4096xi32, #tpu.memory_space<vmem>>, vector<16xi32>,
      tpu.vector_store %arg8[%swap3A_315], %broadcast_in_dim3A_10 {strides = array<i32>} : memref<4096xi32, #tpu.memory_space<vmem>>, vector<16xi32>,
      %mul3A_317 = arith.constant 256 : i32
      %mul3A_318 = arith.muli %scan3A_232, %mul3A_317 : i32
      %add3A_319 = arith.constant 224 : i32
      %add3A_320 = arith.addi %mul3A_318, %add3A_319 : i32
      %swap3A_321 = arith.index_cast %add3A_320 : i32 to index
      %swap3A_322 = tpu.vector_load %arg8[%swap3A_321] {strides = array<i32>} : memref<4096xi32, #tpu.memory_space<vmem>>, vector<16xi32>,
      tpu.vector_store %arg8[%swap3A_321], %broadcast_in_dim3A_10 {strides = array<i32>} : memref<4096xi32, #tpu.memory_space<vmem>>, vector<16xi32>,
      %mul3A_323 = arith.constant 256 : i32
      %mul3A_324 = arith.muli %scan3A_232, %mul3A_323 : i32
      %add3A_325 = arith.constant 240 : i32
      %add3A_326 = arith.addi %mul3A_324, %add3A_325 : i32
      %swap3A_327 = arith.index_cast %add3A_326 : i32 to index
      %swap3A_328 = tpu.vector_load %arg8[%swap3A_327] {strides = array<i32>} : memref<4096xi32, #tpu.memory_space<vmem>>, vector<16xi32>,
      tpu.vector_store %arg8[%swap3A_327], %broadcast_in_dim3A_10 {strides = array<i32>} : memref<4096xi32, #tpu.memory_space<vmem>>, vector<16xi32>,
      %scan3A_329 = arith.constant 0 : i32
      %scan3A_330 = arith.constant 3 : i32
      %mul3A_331 = arith.constant 256 : i32
      %mul3A_332 = arith.muli %scan3A_330, %mul3A_331 : i32
      %add3A_333 = arith.constant 0 : i32
      %add3A_334 = arith.addi %mul3A_332, %add3A_333 : i32
      %swap3A_335 = arith.index_cast %add3A_334 : i32 to index
      %swap3A_336 = tpu.vector_load %arg8[%swap3A_335] {strides = array<i32>} : memref<4096xi32, #tpu.memory_space<vmem>>, vector<16xi32>,
      tpu.vector_store %arg8[%swap3A_335], %broadcast_in_dim3A_10 {strides = array<i32>} : memref<4096xi32, #tpu.memory_space<vmem>>, vector<16xi32>,
      %mul3A_337 = arith.constant 256 : i32
      %mul3A_338 = arith.muli %scan3A_330, %mul3A_337 : i32
      %add3A_339 = arith.constant 16 : i32
      %add3A_340 = arith.addi %mul3A_338, %add3A_339 : i32
      %swap3A_341 = arith.index_cast %add3A_340 : i32 to index
      %swap3A_342 = tpu.vector_load %arg8[%swap3A_341] {strides = array<i32>} : memref<4096xi32, #tpu.memory_space<vmem>>, vector<16xi32>,
      tpu.vector_store %arg8[%swap3A_341], %broadcast_in_dim3A_10 {strides = array<i32>} : memref<4096xi32, #tpu.memory_space<vmem>>, vector<16xi32>,
      %mul3A_343 = arith.constant 256 : i32
      %mul3A_344 = arith.muli %scan3A_330, %mul3A_343 : i32
      %add3A_345 = arith.constant 32 : i32
      %add3A_346 = arith.addi %mul3A_344, %add3A_345 : i32
      %swap3A_347 = arith.index_cast %add3A_346 : i32 to index
      %swap3A_348 = tpu.vector_load %arg8[%swap3A_347] {strides = array<i32>} : memref<4096xi32, #tpu.memory_space<vmem>>, vector<16xi32>,
      tpu.vector_store %arg8[%swap3A_347], %broadcast_in_dim3A_10 {strides = array<i32>} : memref<4096xi32, #tpu.memory_space<vmem>>, vector<16xi32>,
      %mul3A_349 = arith.constant 256 : i32
      %mul3A_350 = arith.muli %scan3A_330, %mul3A_349 : i32
      %add3A_351 = arith.constant 48 : i32
      %add3A_352 = arith.addi %mul3A_350, %add3A_351 : i32
      %swap3A_353 = arith.index_cast %add3A_352 : i32 to index
      %swap3A_354 = tpu.vector_load %arg8[%swap3A_353] {strides = array<i32>} : memref<4096xi32, #tpu.memory_space<vmem>>, vector<16xi32>,
      tpu.vector_store %arg8[%swap3A_353], %broadcast_in_dim3A_10 {strides = array<i32>} : memref<4096xi32, #tpu.memory_space<vmem>>, vector<16xi32>,
      %mul3A_355 = arith.constant 256 : i32
      %mul3A_356 = arith.muli %scan3A_330, %mul3A_355 : i32
      %add3A_357 = arith.constant 64 : i32
      %add3A_358 = arith.addi %mul3A_356, %add3A_357 : i32
      %swap3A_359 = arith.index_cast %add3A_358 : i32 to index
      %swap3A_360 = tpu.vector_load %arg8[%swap3A_359] {strides = array<i32>} : memref<4096xi32, #tpu.memory_space<vmem>>, vector<16xi32>,
      tpu.vector_store %arg8[%swap3A_359], %broadcast_in_dim3A_10 {strides = array<i32>} : memref<4096xi32, #tpu.memory_space<vmem>>, vector<16xi32>,
      %mul3A_361 = arith.constant 256 : i32
      %mul3A_362 = arith.muli %scan3A_330, %mul3A_361 : i32
      %add3A_363 = arith.constant 80 : i32
      %add3A_364 = arith.addi %mul3A_362, %add3A_363 : i32
      %swap3A_365 = arith.index_cast %add3A_364 : i32 to index
      %swap3A_366 = tpu.vector_load %arg8[%swap3A_365] {strides = array<i32>} : memref<4096xi32, #tpu.memory_space<vmem>>, vector<16xi32>,
      tpu.vector_store %arg8[%swap3A_365], %broadcast_in_dim3A_10 {strides = array<i32>} : memref<4096xi32, #tpu.memory_space<vmem>>, vector<16xi32>,
      %mul3A_367 = arith.constant 256 : i32
      %mul3A_368 = arith.muli %scan3A_330, %mul3A_367 : i32
      %add3A_369 = arith.constant 96 : i32
      %add3A_370 = arith.addi %mul3A_368, %add3A_369 : i32
      %swap3A_371 = arith.index_cast %add3A_370 : i32 to index
      %swap3A_372 = tpu.vector_load %arg8[%swap3A_371] {strides = array<i32>} : memref<4096xi32, #tpu.memory_space<vmem>>, vector<16xi32>,
      tpu.vector_store %arg8[%swap3A_371], %broadcast_in_dim3A_10 {strides = array<i32>} : memref<4096xi32, #tpu.memory_space<vmem>>, vector<16xi32>,
      %mul3A_373 = arith.constant 256 : i32
      %mul3A_374 = arith.muli %scan3A_330, %mul3A_373 : i32
      %add3A_375 = arith.constant 112 : i32
      %add3A_376 = arith.addi %mul3A_374, %add3A_375 : i32
      %swap3A_377 = arith.index_cast %add3A_376 : i32 to index
      %swap3A_378 = tpu.vector_load %arg8[%swap3A_377] {strides = array<i32>} : memref<4096xi32, #tpu.memory_space<vmem>>, vector<16xi32>,
      tpu.vector_store %arg8[%swap3A_377], %broadcast_in_dim3A_10 {strides = array<i32>} : memref<4096xi32, #tpu.memory_space<vmem>>, vector<16xi32>,
      %mul3A_379 = arith.constant 256 : i32
      %mul3A_380 = arith.muli %scan3A_330, %mul3A_379 : i32
      %add3A_381 = arith.constant 128 : i32
      %add3A_382 = arith.addi %mul3A_380, %add3A_381 : i32
      %swap3A_383 = arith.index_cast %add3A_382 : i32 to index
      %swap3A_384 = tpu.vector_load %arg8[%swap3A_383] {strides = array<i32>} : memref<4096xi32, #tpu.memory_space<vmem>>, vector<16xi32>,
      tpu.vector_store %arg8[%swap3A_383], %broadcast_in_dim3A_10 {strides = array<i32>} : memref<4096xi32, #tpu.memory_space<vmem>>, vector<16xi32>,
      %mul3A_385 = arith.constant 256 : i32
      %mul3A_386 = arith.muli %scan3A_330, %mul3A_385 : i32
      %add3A_387 = arith.constant 144 : i32
      %add3A_388 = arith.addi %mul3A_386, %add3A_387 : i32
      %swap3A_389 = arith.index_cast %add3A_388 : i32 to index
      %swap3A_390 = tpu.vector_load %arg8[%swap3A_389] {strides = array<i32>} : memref<4096xi32, #tpu.memory_space<vmem>>, vector<16xi32>,
      tpu.vector_store %arg8[%swap3A_389], %broadcast_in_dim3A_10 {strides = array<i32>} : memref<4096xi32, #tpu.memory_space<vmem>>, vector<16xi32>,
      %mul3A_391 = arith.constant 256 : i32
      %mul3A_392 = arith.muli %scan3A_330, %mul3A_391 : i32
      %add3A_393 = arith.constant 160 : i32
      %add3A_394 = arith.addi %mul3A_392, %add3A_393 : i32
      %swap3A_395 = arith.index_cast %add3A_394 : i32 to index
      %swap3A_396 = tpu.vector_load %arg8[%swap3A_395] {strides = array<i32>} : memref<4096xi32, #tpu.memory_space<vmem>>, vector<16xi32>,
      tpu.vector_store %arg8[%swap3A_395], %broadcast_in_dim3A_10 {strides = array<i32>} : memref<4096xi32, #tpu.memory_space<vmem>>, vector<16xi32>,
      %mul3A_397 = arith.constant 256 : i32
      %mul3A_398 = arith.muli %scan3A_330, %mul3A_397 : i32
      %add3A_399 = arith.constant 176 : i32
      %add3A_400 = arith.addi %mul3A_398, %add3A_399 : i32
      %swap3A_401 = arith.index_cast %add3A_400 : i32 to index
      %swap3A_402 = tpu.vector_load %arg8[%swap3A_401] {strides = array<i32>} : memref<4096xi32, #tpu.memory_space<vmem>>, vector<16xi32>,
      tpu.vector_store %arg8[%swap3A_401], %broadcast_in_dim3A_10 {strides = array<i32>} : memref<4096xi32, #tpu.memory_space<vmem>>, vector<16xi32>,
      %mul3A_403 = arith.constant 256 : i32
      %mul3A_404 = arith.muli %scan3A_330, %mul3A_403 : i32
      %add3A_405 = arith.constant 192 : i32
      %add3A_406 = arith.addi %mul3A_404, %add3A_405 : i32
      %swap3A_407 = arith.index_cast %add3A_406 : i32 to index
      %swap3A_408 = tpu.vector_load %arg8[%swap3A_407] {strides = array<i32>} : memref<4096xi32, #tpu.memory_space<vmem>>, vector<16xi32>,
      tpu.vector_store %arg8[%swap3A_407], %broadcast_in_dim3A_10 {strides = array<i32>} : memref<4096xi32, #tpu.memory_space<vmem>>, vector<16xi32>,
      %mul3A_409 = arith.constant 256 : i32
      %mul3A_410 = arith.muli %scan3A_330, %mul3A_409 : i32
      %add3A_411 = arith.constant 208 : i32
      %add3A_412 = arith.addi %mul3A_410, %add3A_411 : i32
      %swap3A_413 = arith.index_cast %add3A_412 : i32 to index
      %swap3A_414 = tpu.vector_load %arg8[%swap3A_413] {strides = array<i32>} : memref<4096xi32, #tpu.memory_space<vmem>>, vector<16xi32>,
      tpu.vector_store %arg8[%swap3A_413], %broadcast_in_dim3A_10 {strides = array<i32>} : memref<4096xi32, #tpu.memory_space<vmem>>, vector<16xi32>,
      %mul3A_415 = arith.constant 256 : i32
      %mul3A_416 = arith.muli %scan3A_330, %mul3A_415 : i32
      %add3A_417 = arith.constant 224 : i32
      %add3A_418 = arith.addi %mul3A_416, %add3A_417 : i32
      %swap3A_419 = arith.index_cast %add3A_418 : i32 to index
      %swap3A_420 = tpu.vector_load %arg8[%swap3A_419] {strides = array<i32>} : memref<4096xi32, #tpu.memory_space<vmem>>, vector<16xi32>,
      tpu.vector_store %arg8[%swap3A_419], %broadcast_in_dim3A_10 {strides = array<i32>} : memref<4096xi32, #tpu.memory_space<vmem>>, vector<16xi32>,
      %mul3A_421 = arith.constant 256 : i32
      %mul3A_422 = arith.muli %scan3A_330, %mul3A_421 : i32
      %add3A_423 = arith.constant 240 : i32
      %add3A_424 = arith.addi %mul3A_422, %add3A_423 : i32
      %swap3A_425 = arith.index_cast %add3A_424 : i32 to index
      %swap3A_426 = tpu.vector_load %arg8[%swap3A_425] {strides = array<i32>} : memref<4096xi32, #tpu.memory_space<vmem>>, vector<16xi32>,
      tpu.vector_store %arg8[%swap3A_425], %broadcast_in_dim3A_10 {strides = array<i32>} : memref<4096xi32, #tpu.memory_space<vmem>>, vector<16xi32>,
      %scan3A_427 = arith.constant 0 : i32
      %scan3A_428 = arith.constant 4 : i32
      %mul3A_429 = arith.constant 256 : i32
      %mul3A_430 = arith.muli %scan3A_428, %mul3A_429 : i32
      %add3A_431 = arith.constant 0 : i32
      %add3A_432 = arith.addi %mul3A_430, %add3A_431 : i32
      %swap3A_433 = arith.index_cast %add3A_432 : i32 to index
      %swap3A_434 = tpu.vector_load %arg8[%swap3A_433] {strides = array<i32>} : memref<4096xi32, #tpu.memory_space<vmem>>, vector<16xi32>,
      tpu.vector_store %arg8[%swap3A_433], %broadcast_in_dim3A_10 {strides = array<i32>} : memref<4096xi32, #tpu.memory_space<vmem>>, vector<16xi32>,
      %mul3A_435 = arith.constant 256 : i32
      %mul3A_436 = arith.muli %scan3A_428, %mul3A_435 : i32
      %add3A_437 = arith.constant 16 : i32
      %add3A_438 = arith.addi %mul3A_436, %add3A_437 : i32
      %swap3A_439 = arith.index_cast %add3A_438 : i32 to index
      %swap3A_440 = tpu.vector_load %arg8[%swap3A_439] {strides = array<i32>} : memref<4096xi32, #tpu.memory_space<vmem>>, vector<16xi32>,
      tpu.vector_store %arg8[%swap3A_439], %broadcast_in_dim3A_10 {strides = array<i32>} : memref<4096xi32, #tpu.memory_space<vmem>>, vector<16xi32>,
      %mul3A_441 = arith.constant 256 : i32
      %mul3A_442 = arith.muli %scan3A_428, %mul3A_441 : i32
      %add3A_443 = arith.constant 32 : i32
      %add3A_444 = arith.addi %mul3A_442, %add3A_443 : i32
      %swap3A_445 = arith.index_cast %add3A_444 : i32 to index
      %swap3A_446 = tpu.vector_load %arg8[%swap3A_445] {strides = array<i32>} : memref<4096xi32, #tpu.memory_space<vmem>>, vector<16xi32>,
      tpu.vector_store %arg8[%swap3A_445], %broadcast_in_dim3A_10 {strides = array<i32>} : memref<4096xi32, #tpu.memory_space<vmem>>, vector<16xi32>,
      %mul3A_447 = arith.constant 256 : i32
      %mul3A_448 = arith.muli %scan3A_428, %mul3A_447 : i32
      %add3A_449 = arith.constant 48 : i32
      %add3A_450 = arith.addi %mul3A_448, %add3A_449 : i32
      %swap3A_451 = arith.index_cast %add3A_450 : i32 to index
      %swap3A_452 = tpu.vector_load %arg8[%swap3A_451] {strides = array<i32>} : memref<4096xi32, #tpu.memory_space<vmem>>, vector<16xi32>,
      tpu.vector_store %arg8[%swap3A_451], %broadcast_in_dim3A_10 {strides = array<i32>} : memref<4096xi32, #tpu.memory_space<vmem>>, vector<16xi32>,
      %mul3A_453 = arith.constant 256 : i32
      %mul3A_454 = arith.muli %scan3A_428, %mul3A_453 : i32
      %add3A_455 = arith.constant 64 : i32
      %add3A_456 = arith.addi %mul3A_454, %add3A_455 : i32
      %swap3A_457 = arith.index_cast %add3A_456 : i32 to index
      %swap3A_458 = tpu.vector_load %arg8[%swap3A_457] {strides = array<i32>} : memref<4096xi32, #tpu.memory_space<vmem>>, vector<16xi32>,
      tpu.vector_store %arg8[%swap3A_457], %broadcast_in_dim3A_10 {strides = array<i32>} : memref<4096xi32, #tpu.memory_space<vmem>>, vector<16xi32>,
      %mul3A_459 = arith.constant 256 : i32
      %mul3A_460 = arith.muli %scan3A_428, %mul3A_459 : i32
      %add3A_461 = arith.constant 80 : i32
      %add3A_462 = arith.addi %mul3A_460, %add3A_461 : i32
      %swap3A_463 = arith.index_cast %add3A_462 : i32 to index
      %swap3A_464 = tpu.vector_load %arg8[%swap3A_463] {strides = array<i32>} : memref<4096xi32, #tpu.memory_space<vmem>>, vector<16xi32>,
      tpu.vector_store %arg8[%swap3A_463], %broadcast_in_dim3A_10 {strides = array<i32>} : memref<4096xi32, #tpu.memory_space<vmem>>, vector<16xi32>,
      %mul3A_465 = arith.constant 256 : i32
      %mul3A_466 = arith.muli %scan3A_428, %mul3A_465 : i32
      %add3A_467 = arith.constant 96 : i32
      %add3A_468 = arith.addi %mul3A_466, %add3A_467 : i32
      %swap3A_469 = arith.index_cast %add3A_468 : i32 to index
      %swap3A_470 = tpu.vector_load %arg8[%swap3A_469] {strides = array<i32>} : memref<4096xi32, #tpu.memory_space<vmem>>, vector<16xi32>,
      tpu.vector_store %arg8[%swap3A_469], %broadcast_in_dim3A_10 {strides = array<i32>} : memref<4096xi32, #tpu.memory_space<vmem>>, vector<16xi32>,
      %mul3A_471 = arith.constant 256 : i32
      %mul3A_472 = arith.muli %scan3A_428, %mul3A_471 : i32
      %add3A_473 = arith.constant 112 : i32
      %add3A_474 = arith.addi %mul3A_472, %add3A_473 : i32
      %swap3A_475 = arith.index_cast %add3A_474 : i32 to index
      %swap3A_476 = tpu.vector_load %arg8[%swap3A_475] {strides = array<i32>} : memref<4096xi32, #tpu.memory_space<vmem>>, vector<16xi32>,
      tpu.vector_store %arg8[%swap3A_475], %broadcast_in_dim3A_10 {strides = array<i32>} : memref<4096xi32, #tpu.memory_space<vmem>>, vector<16xi32>,
      %mul3A_477 = arith.constant 256 : i32
      %mul3A_478 = arith.muli %scan3A_428, %mul3A_477 : i32
      %add3A_479 = arith.constant 128 : i32
      %add3A_480 = arith.addi %mul3A_478, %add3A_479 : i32
      %swap3A_481 = arith.index_cast %add3A_480 : i32 to index
      %swap3A_482 = tpu.vector_load %arg8[%swap3A_481] {strides = array<i32>} : memref<4096xi32, #tpu.memory_space<vmem>>, vector<16xi32>,
      tpu.vector_store %arg8[%swap3A_481], %broadcast_in_dim3A_10 {strides = array<i32>} : memref<4096xi32, #tpu.memory_space<vmem>>, vector<16xi32>,
      %mul3A_483 = arith.constant 256 : i32
      %mul3A_484 = arith.muli %scan3A_428, %mul3A_483 : i32
      %add3A_485 = arith.constant 144 : i32
      %add3A_486 = arith.addi %mul3A_484, %add3A_485 : i32
      %swap3A_487 = arith.index_cast %add3A_486 : i32 to index
      %swap3A_488 = tpu.vector_load %arg8[%swap3A_487] {strides = array<i32>} : memref<4096xi32, #tpu.memory_space<vmem>>, vector<16xi32>,
      tpu.vector_store %arg8[%swap3A_487], %broadcast_in_dim3A_10 {strides = array<i32>} : memref<4096xi32, #tpu.memory_space<vmem>>, vector<16xi32>,
      %mul3A_489 = arith.constant 256 : i32
      %mul3A_490 = arith.muli %scan3A_428, %mul3A_489 : i32
      %add3A_491 = arith.constant 160 : i32
      %add3A_492 = arith.addi %mul3A_490, %add3A_491 : i32
      %swap3A_493 = arith.index_cast %add3A_492 : i32 to index
      %swap3A_494 = tpu.vector_load %arg8[%swap3A_493] {strides = array<i32>} : memref<4096xi32, #tpu.memory_space<vmem>>, vector<16xi32>,
      tpu.vector_store %arg8[%swap3A_493], %broadcast_in_dim3A_10 {strides = array<i32>} : memref<4096xi32, #tpu.memory_space<vmem>>, vector<16xi32>,
      %mul3A_495 = arith.constant 256 : i32
      %mul3A_496 = arith.muli %scan3A_428, %mul3A_495 : i32
      %add3A_497 = arith.constant 176 : i32
      %add3A_498 = arith.addi %mul3A_496, %add3A_497 : i32
      %swap3A_499 = arith.index_cast %add3A_498 : i32 to index
      %swap3A_500 = tpu.vector_load %arg8[%swap3A_499] {strides = array<i32>} : memref<4096xi32, #tpu.memory_space<vmem>>, vector<16xi32>,
      tpu.vector_store %arg8[%swap3A_499], %broadcast_in_dim3A_10 {strides = array<i32>} : memref<4096xi32, #tpu.memory_space<vmem>>, vector<16xi32>,
      %mul3A_501 = arith.constant 256 : i32
      %mul3A_502 = arith.muli %scan3A_428, %mul3A_501 : i32
      %add3A_503 = arith.constant 192 : i32
      %add3A_504 = arith.addi %mul3A_502, %add3A_503 : i32
      %swap3A_505 = arith.index_cast %add3A_504 : i32 to index
      %swap3A_506 = tpu.vector_load %arg8[%swap3A_505] {strides = array<i32>} : memref<4096xi32, #tpu.memory_space<vmem>>, vector<16xi32>,
      tpu.vector_store %arg8[%swap3A_505], %broadcast_in_dim3A_10 {strides = array<i32>} : memref<4096xi32, #tpu.memory_space<vmem>>, vector<16xi32>,
      %mul3A_507 = arith.constant 256 : i32
      %mul3A_508 = arith.muli %scan3A_428, %mul3A_507 : i32
      %add3A_509 = arith.constant 208 : i32
      %add3A_510 = arith.addi %mul3A_508, %add3A_509 : i32
      %swap3A_511 = arith.index_cast %add3A_510 : i32 to index
      %swap3A_512 = tpu.vector_load %arg8[%swap3A_511] {strides = array<i32>} : memref<4096xi32, #tpu.memory_space<vmem>>, vector<16xi32>,
      tpu.vector_store %arg8[%swap3A_511], %broadcast_in_dim3A_10 {strides = array<i32>} : memref<4096xi32, #tpu.memory_space<vmem>>, vector<16xi32>,
      %mul3A_513 = arith.constant 256 : i32
      %mul3A_514 = arith.muli %scan3A_428, %mul3A_513 : i32
      %add3A_515 = arith.constant 224 : i32
      %add3A_516 = arith.addi %mul3A_514, %add3A_515 : i32
      %swap3A_517 = arith.index_cast %add3A_516 : i32 to index
      %swap3A_518 = tpu.vector_load %arg8[%swap3A_517] {strides = array<i32>} : memref<4096xi32, #tpu.memory_space<vmem>>, vector<16xi32>,
      tpu.vector_store %arg8[%swap3A_517], %broadcast_in_dim3A_10 {strides = array<i32>} : memref<4096xi32, #tpu.memory_space<vmem>>, vector<16xi32>,
      %mul3A_519 = arith.constant 256 : i32
      %mul3A_520 = arith.muli %scan3A_428, %mul3A_519 : i32
      %add3A_521 = arith.constant 240 : i32
      %add3A_522 = arith.addi %mul3A_520, %add3A_521 : i32
      %swap3A_523 = arith.index_cast %add3A_522 : i32 to index
      %swap3A_524 = tpu.vector_load %arg8[%swap3A_523] {strides = array<i32>} : memref<4096xi32, #tpu.memory_space<vmem>>, vector<16xi32>,
      tpu.vector_store %arg8[%swap3A_523], %broadcast_in_dim3A_10 {strides = array<i32>} : memref<4096xi32, #tpu.memory_space<vmem>>, vector<16xi32>,
      %scan3A_525 = arith.constant 0 : i32
      %scan3A_526 = arith.constant 5 : i32
      %mul3A_527 = arith.constant 256 : i32
      %mul3A_528 = arith.muli %scan3A_526, %mul3A_527 : i32
      %add3A_529 = arith.constant 0 : i32
      %add3A_530 = arith.addi %mul3A_528, %add3A_529 : i32
      %swap3A_531 = arith.index_cast %add3A_530 : i32 to index
      %swap3A_532 = tpu.vector_load %arg8[%swap3A_531] {strides = array<i32>} : memref<4096xi32, #tpu.memory_space<vmem>>, vector<16xi32>,
      tpu.vector_store %arg8[%swap3A_531], %broadcast_in_dim3A_10 {strides = array<i32>} : memref<4096xi32, #tpu.memory_space<vmem>>, vector<16xi32>,
      %mul3A_533 = arith.constant 256 : i32
      %mul3A_534 = arith.muli %scan3A_526, %mul3A_533 : i32
      %add3A_535 = arith.constant 16 : i32
      %add3A_536 = arith.addi %mul3A_534, %add3A_535 : i32
      %swap3A_537 = arith.index_cast %add3A_536 : i32 to index
      %swap3A_538 = tpu.vector_load %arg8[%swap3A_537] {strides = array<i32>} : memref<4096xi32, #tpu.memory_space<vmem>>, vector<16xi32>,
      tpu.vector_store %arg8[%swap3A_537], %broadcast_in_dim3A_10 {strides = array<i32>} : memref<4096xi32, #tpu.memory_space<vmem>>, vector<16xi32>,
      %mul3A_539 = arith.constant 256 : i32
      %mul3A_540 = arith.muli %scan3A_526, %mul3A_539 : i32
      %add3A_541 = arith.constant 32 : i32
      %add3A_542 = arith.addi %mul3A_540, %add3A_541 : i32
      %swap3A_543 = arith.index_cast %add3A_542 : i32 to index
      %swap3A_544 = tpu.vector_load %arg8[%swap3A_543] {strides = array<i32>} : memref<4096xi32, #tpu.memory_space<vmem>>, vector<16xi32>,
      tpu.vector_store %arg8[%swap3A_543], %broadcast_in_dim3A_10 {strides = array<i32>} : memref<4096xi32, #tpu.memory_space<vmem>>, vector<16xi32>,
      %mul3A_545 = arith.constant 256 : i32
      %mul3A_546 = arith.muli %scan3A_526, %mul3A_545 : i32
      %add3A_547 = arith.constant 48 : i32
      %add3A_548 = arith.addi %mul3A_546, %add3A_547 : i32
      %swap3A_549 = arith.index_cast %add3A_548 : i32 to index
      %swap3A_550 = tpu.vector_load %arg8[%swap3A_549] {strides = array<i32>} : memref<4096xi32, #tpu.memory_space<vmem>>, vector<16xi32>,
      tpu.vector_store %arg8[%swap3A_549], %broadcast_in_dim3A_10 {strides = array<i32>} : memref<4096xi32, #tpu.memory_space<vmem>>, vector<16xi32>,
      %mul3A_551 = arith.constant 256 : i32
      %mul3A_552 = arith.muli %scan3A_526, %mul3A_551 : i32
      %add3A_553 = arith.constant 64 : i32
      %add3A_554 = arith.addi %mul3A_552, %add3A_553 : i32
      %swap3A_555 = arith.index_cast %add3A_554 : i32 to index
      %swap3A_556 = tpu.vector_load %arg8[%swap3A_555] {strides = array<i32>} : memref<4096xi32, #tpu.memory_space<vmem>>, vector<16xi32>,
      tpu.vector_store %arg8[%swap3A_555], %broadcast_in_dim3A_10 {strides = array<i32>} : memref<4096xi32, #tpu.memory_space<vmem>>, vector<16xi32>,
      %mul3A_557 = arith.constant 256 : i32
      %mul3A_558 = arith.muli %scan3A_526, %mul3A_557 : i32
      %add3A_559 = arith.constant 80 : i32
      %add3A_560 = arith.addi %mul3A_558, %add3A_559 : i32
      %swap3A_561 = arith.index_cast %add3A_560 : i32 to index
      %swap3A_562 = tpu.vector_load %arg8[%swap3A_561] {strides = array<i32>} : memref<4096xi32, #tpu.memory_space<vmem>>, vector<16xi32>,
      tpu.vector_store %arg8[%swap3A_561], %broadcast_in_dim3A_10 {strides = array<i32>} : memref<4096xi32, #tpu.memory_space<vmem>>, vector<16xi32>,
      %mul3A_563 = arith.constant 256 : i32
      %mul3A_564 = arith.muli %scan3A_526, %mul3A_563 : i32
      %add3A_565 = arith.constant 96 : i32
      %add3A_566 = arith.addi %mul3A_564, %add3A_565 : i32
      %swap3A_567 = arith.index_cast %add3A_566 : i32 to index
      %swap3A_568 = tpu.vector_load %arg8[%swap3A_567] {strides = array<i32>} : memref<4096xi32, #tpu.memory_space<vmem>>, vector<16xi32>,
      tpu.vector_store %arg8[%swap3A_567], %broadcast_in_dim3A_10 {strides = array<i32>} : memref<4096xi32, #tpu.memory_space<vmem>>, vector<16xi32>,
      %mul3A_569 = arith.constant 256 : i32
      %mul3A_570 = arith.muli %scan3A_526, %mul3A_569 : i32
      %add3A_571 = arith.constant 112 : i32
      %add3A_572 = arith.addi %mul3A_570, %add3A_571 : i32
      %swap3A_573 = arith.index_cast %add3A_572 : i32 to index
      %swap3A_574 = tpu.vector_load %arg8[%swap3A_573] {strides = array<i32>} : memref<4096xi32, #tpu.memory_space<vmem>>, vector<16xi32>,
      tpu.vector_store %arg8[%swap3A_573], %broadcast_in_dim3A_10 {strides = array<i32>} : memref<4096xi32, #tpu.memory_space<vmem>>, vector<16xi32>,
      %mul3A_575 = arith.constant 256 : i32
      %mul3A_576 = arith.muli %scan3A_526, %mul3A_575 : i32
      %add3A_577 = arith.constant 128 : i32
      %add3A_578 = arith.addi %mul3A_576, %add3A_577 : i32
      %swap3A_579 = arith.index_cast %add3A_578 : i32 to index
      %swap3A_580 = tpu.vector_load %arg8[%swap3A_579] {strides = array<i32>} : memref<4096xi32, #tpu.memory_space<vmem>>, vector<16xi32>,
      tpu.vector_store %arg8[%swap3A_579], %broadcast_in_dim3A_10 {strides = array<i32>} : memref<4096xi32, #tpu.memory_space<vmem>>, vector<16xi32>,
      %mul3A_581 = arith.constant 256 : i32
      %mul3A_582 = arith.muli %scan3A_526, %mul3A_581 : i32
      %add3A_583 = arith.constant 144 : i32
      %add3A_584 = arith.addi %mul3A_582, %add3A_583 : i32
      %swap3A_585 = arith.index_cast %add3A_584 : i32 to index
      %swap3A_586 = tpu.vector_load %arg8[%swap3A_585] {strides = array<i32>} : memref<4096xi32, #tpu.memory_space<vmem>>, vector<16xi32>,
      tpu.vector_store %arg8[%swap3A_585], %broadcast_in_dim3A_10 {strides = array<i32>} : memref<4096xi32, #tpu.memory_space<vmem>>, vector<16xi32>,
      %mul3A_587 = arith.constant 256 : i32
      %mul3A_588 = arith.muli %scan3A_526, %mul3A_587 : i32
      %add3A_589 = arith.constant 160 : i32
      %add3A_590 = arith.addi %mul3A_588, %add3A_589 : i32
      %swap3A_591 = arith.index_cast %add3A_590 : i32 to index
      %swap3A_592 = tpu.vector_load %arg8[%swap3A_591] {strides = array<i32>} : memref<4096xi32, #tpu.memory_space<vmem>>, vector<16xi32>,
      tpu.vector_store %arg8[%swap3A_591], %broadcast_in_dim3A_10 {strides = array<i32>} : memref<4096xi32, #tpu.memory_space<vmem>>, vector<16xi32>,
      %mul3A_593 = arith.constant 256 : i32
      %mul3A_594 = arith.muli %scan3A_526, %mul3A_593 : i32
      %add3A_595 = arith.constant 176 : i32
      %add3A_596 = arith.addi %mul3A_594, %add3A_595 : i32
      %swap3A_597 = arith.index_cast %add3A_596 : i32 to index
      %swap3A_598 = tpu.vector_load %arg8[%swap3A_597] {strides = array<i32>} : memref<4096xi32, #tpu.memory_space<vmem>>, vector<16xi32>,
      tpu.vector_store %arg8[%swap3A_597], %broadcast_in_dim3A_10 {strides = array<i32>} : memref<4096xi32, #tpu.memory_space<vmem>>, vector<16xi32>,
      %mul3A_599 = arith.constant 256 : i32
      %mul3A_600 = arith.muli %scan3A_526, %mul3A_599 : i32
      %add3A_601 = arith.constant 192 : i32
      %add3A_602 = arith.addi %mul3A_600, %add3A_601 : i32
      %swap3A_603 = arith.index_cast %add3A_602 : i32 to index
      %swap3A_604 = tpu.vector_load %arg8[%swap3A_603] {strides = array<i32>} : memref<4096xi32, #tpu.memory_space<vmem>>, vector<16xi32>,
      tpu.vector_store %arg8[%swap3A_603], %broadcast_in_dim3A_10 {strides = array<i32>} : memref<4096xi32, #tpu.memory_space<vmem>>, vector<16xi32>,
      %mul3A_605 = arith.constant 256 : i32
      %mul3A_606 = arith.muli %scan3A_526, %mul3A_605 : i32
      %add3A_607 = arith.constant 208 : i32
      %add3A_608 = arith.addi %mul3A_606, %add3A_607 : i32
      %swap3A_609 = arith.index_cast %add3A_608 : i32 to index
      %swap3A_610 = tpu.vector_load %arg8[%swap3A_609] {strides = array<i32>} : memref<4096xi32, #tpu.memory_space<vmem>>, vector<16xi32>,
      tpu.vector_store %arg8[%swap3A_609], %broadcast_in_dim3A_10 {strides = array<i32>} : memref<4096xi32, #tpu.memory_space<vmem>>, vector<16xi32>,
      %mul3A_611 = arith.constant 256 : i32
      %mul3A_612 = arith.muli %scan3A_526, %mul3A_611 : i32
      %add3A_613 = arith.constant 224 : i32
      %add3A_614 = arith.addi %mul3A_612, %add3A_613 : i32
      %swap3A_615 = arith.index_cast %add3A_614 : i32 to index
      %swap3A_616 = tpu.vector_load %arg8[%swap3A_615] {strides = array<i32>} : memref<4096xi32, #tpu.memory_space<vmem>>, vector<16xi32>,
      tpu.vector_store %arg8[%swap3A_615], %broadcast_in_dim3A_10 {strides = array<i32>} : memref<4096xi32, #tpu.memory_space<vmem>>, vector<16xi32>,
      %mul3A_617 = arith.constant 256 : i32
      %mul3A_618 = arith.muli %scan3A_526, %mul3A_617 : i32
      %add3A_619 = arith.constant 240 : i32
      %add3A_620 = arith.addi %mul3A_618, %add3A_619 : i32
      %swap3A_621 = arith.index_cast %add3A_620 : i32 to index
      %swap3A_622 = tpu.vector_load %arg8[%swap3A_621] {strides = array<i32>} : memref<4096xi32, #tpu.memory_space<vmem>>, vector<16xi32>,
      tpu.vector_store %arg8[%swap3A_621], %broadcast_in_dim3A_10 {strides = array<i32>} : memref<4096xi32, #tpu.memory_space<vmem>>, vector<16xi32>,
      %scan3A_623 = arith.constant 0 : i32
      %scan3A_624 = arith.constant 6 : i32
      %mul3A_625 = arith.constant 256 : i32
      %mul3A_626 = arith.muli %scan3A_624, %mul3A_625 : i32
      %add3A_627 = arith.constant 0 : i32
      %add3A_628 = arith.addi %mul3A_626, %add3A_627 : i32
      %swap3A_629 = arith.index_cast %add3A_628 : i32 to index
      %swap3A_630 = tpu.vector_load %arg8[%swap3A_629] {strides = array<i32>} : memref<4096xi32, #tpu.memory_space<vmem>>, vector<16xi32>,
      tpu.vector_store %arg8[%swap3A_629], %broadcast_in_dim3A_10 {strides = array<i32>} : memref<4096xi32, #tpu.memory_space<vmem>>, vector<16xi32>,
      %mul3A_631 = arith.constant 256 : i32
      %mul3A_632 = arith.muli %scan3A_624, %mul3A_631 : i32
      %add3A_633 = arith.constant 16 : i32
      %add3A_634 = arith.addi %mul3A_632, %add3A_633 : i32
      %swap3A_635 = arith.index_cast %add3A_634 : i32 to index
      %swap3A_636 = tpu.vector_load %arg8[%swap3A_635] {strides = array<i32>} : memref<4096xi32, #tpu.memory_space<vmem>>, vector<16xi32>,
      tpu.vector_store %arg8[%swap3A_635], %broadcast_in_dim3A_10 {strides = array<i32>} : memref<4096xi32, #tpu.memory_space<vmem>>, vector<16xi32>,
      %mul3A_637 = arith.constant 256 : i32
      %mul3A_638 = arith.muli %scan3A_624, %mul3A_637 : i32
      %add3A_639 = arith.constant 32 : i32
      %add3A_640 = arith.addi %mul3A_638, %add3A_639 : i32
      %swap3A_641 = arith.index_cast %add3A_640 : i32 to index
      %swap3A_642 = tpu.vector_load %arg8[%swap3A_641] {strides = array<i32>} : memref<4096xi32, #tpu.memory_space<vmem>>, vector<16xi32>,
      tpu.vector_store %arg8[%swap3A_641], %broadcast_in_dim3A_10 {strides = array<i32>} : memref<4096xi32, #tpu.memory_space<vmem>>, vector<16xi32>,
      %mul3A_643 = arith.constant 256 : i32
      %mul3A_644 = arith.muli %scan3A_624, %mul3A_643 : i32
      %add3A_645 = arith.constant 48 : i32
      %add3A_646 = arith.addi %mul3A_644, %add3A_645 : i32
      %swap3A_647 = arith.index_cast %add3A_646 : i32 to index
      %swap3A_648 = tpu.vector_load %arg8[%swap3A_647] {strides = array<i32>} : memref<4096xi32, #tpu.memory_space<vmem>>, vector<16xi32>,
      tpu.vector_store %arg8[%swap3A_647], %broadcast_in_dim3A_10 {strides = array<i32>} : memref<4096xi32, #tpu.memory_space<vmem>>, vector<16xi32>,
      %mul3A_649 = arith.constant 256 : i32
      %mul3A_650 = arith.muli %scan3A_624, %mul3A_649 : i32
      %add3A_651 = arith.constant 64 : i32
      %add3A_652 = arith.addi %mul3A_650, %add3A_651 : i32
      %swap3A_653 = arith.index_cast %add3A_652 : i32 to index
      %swap3A_654 = tpu.vector_load %arg8[%swap3A_653] {strides = array<i32>} : memref<4096xi32, #tpu.memory_space<vmem>>, vector<16xi32>,
      tpu.vector_store %arg8[%swap3A_653], %broadcast_in_dim3A_10 {strides = array<i32>} : memref<4096xi32, #tpu.memory_space<vmem>>, vector<16xi32>,
      %mul3A_655 = arith.constant 256 : i32
      %mul3A_656 = arith.muli %scan3A_624, %mul3A_655 : i32
      %add3A_657 = arith.constant 80 : i32
      %add3A_658 = arith.addi %mul3A_656, %add3A_657 : i32
      %swap3A_659 = arith.index_cast %add3A_658 : i32 to index
      %swap3A_660 = tpu.vector_load %arg8[%swap3A_659] {strides = array<i32>} : memref<4096xi32, #tpu.memory_space<vmem>>, vector<16xi32>,
      tpu.vector_store %arg8[%swap3A_659], %broadcast_in_dim3A_10 {strides = array<i32>} : memref<4096xi32, #tpu.memory_space<vmem>>, vector<16xi32>,
      %mul3A_661 = arith.constant 256 : i32
      %mul3A_662 = arith.muli %scan3A_624, %mul3A_661 : i32
      %add3A_663 = arith.constant 96 : i32
      %add3A_664 = arith.addi %mul3A_662, %add3A_663 : i32
      %swap3A_665 = arith.index_cast %add3A_664 : i32 to index
      %swap3A_666 = tpu.vector_load %arg8[%swap3A_665] {strides = array<i32>} : memref<4096xi32, #tpu.memory_space<vmem>>, vector<16xi32>,
      tpu.vector_store %arg8[%swap3A_665], %broadcast_in_dim3A_10 {strides = array<i32>} : memref<4096xi32, #tpu.memory_space<vmem>>, vector<16xi32>,
      %mul3A_667 = arith.constant 256 : i32
      %mul3A_668 = arith.muli %scan3A_624, %mul3A_667 : i32
      %add3A_669 = arith.constant 112 : i32
      %add3A_670 = arith.addi %mul3A_668, %add3A_669 : i32
      %swap3A_671 = arith.index_cast %add3A_670 : i32 to index
      %swap3A_672 = tpu.vector_load %arg8[%swap3A_671] {strides = array<i32>} : memref<4096xi32, #tpu.memory_space<vmem>>, vector<16xi32>,
      tpu.vector_store %arg8[%swap3A_671], %broadcast_in_dim3A_10 {strides = array<i32>} : memref<4096xi32, #tpu.memory_space<vmem>>, vector<16xi32>,
      %mul3A_673 = arith.constant 256 : i32
      %mul3A_674 = arith.muli %scan3A_624, %mul3A_673 : i32
      %add3A_675 = arith.constant 128 : i32
      %add3A_676 = arith.addi %mul3A_674, %add3A_675 : i32
      %swap3A_677 = arith.index_cast %add3A_676 : i32 to index
      %swap3A_678 = tpu.vector_load %arg8[%swap3A_677] {strides = array<i32>} : memref<4096xi32, #tpu.memory_space<vmem>>, vector<16xi32>,
      tpu.vector_store %arg8[%swap3A_677], %broadcast_in_dim3A_10 {strides = array<i32>} : memref<4096xi32, #tpu.memory_space<vmem>>, vector<16xi32>,
      %mul3A_679 = arith.constant 256 : i32
      %mul3A_680 = arith.muli %scan3A_624, %mul3A_679 : i32
      %add3A_681 = arith.constant 144 : i32
      %add3A_682 = arith.addi %mul3A_680, %add3A_681 : i32
      %swap3A_683 = arith.index_cast %add3A_682 : i32 to index
      %swap3A_684 = tpu.vector_load %arg8[%swap3A_683] {strides = array<i32>} : memref<4096xi32, #tpu.memory_space<vmem>>, vector<16xi32>,
      tpu.vector_store %arg8[%swap3A_683], %broadcast_in_dim3A_10 {strides = array<i32>} : memref<4096xi32, #tpu.memory_space<vmem>>, vector<16xi32>,
      %mul3A_685 = arith.constant 256 : i32
      %mul3A_686 = arith.muli %scan3A_624, %mul3A_685 : i32
      %add3A_687 = arith.constant 160 : i32
      %add3A_688 = arith.addi %mul3A_686, %add3A_687 : i32
      %swap3A_689 = arith.index_cast %add3A_688 : i32 to index
      %swap3A_690 = tpu.vector_load %arg8[%swap3A_689] {strides = array<i32>} : memref<4096xi32, #tpu.memory_space<vmem>>, vector<16xi32>,
      tpu.vector_store %arg8[%swap3A_689], %broadcast_in_dim3A_10 {strides = array<i32>} : memref<4096xi32, #tpu.memory_space<vmem>>, vector<16xi32>,
      %mul3A_691 = arith.constant 256 : i32
      %mul3A_692 = arith.muli %scan3A_624, %mul3A_691 : i32
      %add3A_693 = arith.constant 176 : i32
      %add3A_694 = arith.addi %mul3A_692, %add3A_693 : i32
      %swap3A_695 = arith.index_cast %add3A_694 : i32 to index
      %swap3A_696 = tpu.vector_load %arg8[%swap3A_695] {strides = array<i32>} : memref<4096xi32, #tpu.memory_space<vmem>>, vector<16xi32>,
      tpu.vector_store %arg8[%swap3A_695], %broadcast_in_dim3A_10 {strides = array<i32>} : memref<4096xi32, #tpu.memory_space<vmem>>, vector<16xi32>,
      %mul3A_697 = arith.constant 256 : i32
      %mul3A_698 = arith.muli %scan3A_624, %mul3A_697 : i32
      %add3A_699 = arith.constant 192 : i32
      %add3A_700 = arith.addi %mul3A_698, %add3A_699 : i32
      %swap3A_701 = arith.index_cast %add3A_700 : i32 to index
      %swap3A_702 = tpu.vector_load %arg8[%swap3A_701] {strides = array<i32>} : memref<4096xi32, #tpu.memory_space<vmem>>, vector<16xi32>,
      tpu.vector_store %arg8[%swap3A_701], %broadcast_in_dim3A_10 {strides = array<i32>} : memref<4096xi32, #tpu.memory_space<vmem>>, vector<16xi32>,
      %mul3A_703 = arith.constant 256 : i32
      %mul3A_704 = arith.muli %scan3A_624, %mul3A_703 : i32
      %add3A_705 = arith.constant 208 : i32
      %add3A_706 = arith.addi %mul3A_704, %add3A_705 : i32
      %swap3A_707 = arith.index_cast %add3A_706 : i32 to index
      %swap3A_708 = tpu.vector_load %arg8[%swap3A_707] {strides = array<i32>} : memref<4096xi32, #tpu.memory_space<vmem>>, vector<16xi32>,
      tpu.vector_store %arg8[%swap3A_707], %broadcast_in_dim3A_10 {strides = array<i32>} : memref<4096xi32, #tpu.memory_space<vmem>>, vector<16xi32>,
      %mul3A_709 = arith.constant 256 : i32
      %mul3A_710 = arith.muli %scan3A_624, %mul3A_709 : i32
      %add3A_711 = arith.constant 224 : i32
      %add3A_712 = arith.addi %mul3A_710, %add3A_711 : i32
      %swap3A_713 = arith.index_cast %add3A_712 : i32 to index
      %swap3A_714 = tpu.vector_load %arg8[%swap3A_713] {strides = array<i32>} : memref<4096xi32, #tpu.memory_space<vmem>>, vector<16xi32>,
      tpu.vector_store %arg8[%swap3A_713], %broadcast_in_dim3A_10 {strides = array<i32>} : memref<4096xi32, #tpu.memory_space<vmem>>, vector<16xi32>,
      %mul3A_715 = arith.constant 256 : i32
      %mul3A_716 = arith.muli %scan3A_624, %mul3A_715 : i32
      %add3A_717 = arith.constant 240 : i32
      %add3A_718 = arith.addi %mul3A_716, %add3A_717 : i32
      %swap3A_719 = arith.index_cast %add3A_718 : i32 to index
      %swap3A_720 = tpu.vector_load %arg8[%swap3A_719] {strides = array<i32>} : memref<4096xi32, #tpu.memory_space<vmem>>, vector<16xi32>,
      tpu.vector_store %arg8[%swap3A_719], %broadcast_in_dim3A_10 {strides = array<i32>} : memref<4096xi32, #tpu.memory_space<vmem>>, vector<16xi32>,
      %scan3A_721 = arith.constant 0 : i32
      %scan3A_722 = arith.constant 7 : i32
      %mul3A_723 = arith.constant 256 : i32
      %mul3A_724 = arith.muli %scan3A_722, %mul3A_723 : i32
      %add3A_725 = arith.constant 0 : i32
      %add3A_726 = arith.addi %mul3A_724, %add3A_725 : i32
      %swap3A_727 = arith.index_cast %add3A_726 : i32 to index
      %swap3A_728 = tpu.vector_load %arg8[%swap3A_727] {strides = array<i32>} : memref<4096xi32, #tpu.memory_space<vmem>>, vector<16xi32>,
      tpu.vector_store %arg8[%swap3A_727], %broadcast_in_dim3A_10 {strides = array<i32>} : memref<4096xi32, #tpu.memory_space<vmem>>, vector<16xi32>,
      %mul3A_729 = arith.constant 256 : i32
      %mul3A_730 = arith.muli %scan3A_722, %mul3A_729 : i32
      %add3A_731 = arith.constant 16 : i32
      %add3A_732 = arith.addi %mul3A_730, %add3A_731 : i32
      %swap3A_733 = arith.index_cast %add3A_732 : i32 to index
      %swap3A_734 = tpu.vector_load %arg8[%swap3A_733] {strides = array<i32>} : memref<4096xi32, #tpu.memory_space<vmem>>, vector<16xi32>,
      tpu.vector_store %arg8[%swap3A_733], %broadcast_in_dim3A_10 {strides = array<i32>} : memref<4096xi32, #tpu.memory_space<vmem>>, vector<16xi32>,
      %mul3A_735 = arith.constant 256 : i32
      %mul3A_736 = arith.muli %scan3A_722, %mul3A_735 : i32
      %add3A_737 = arith.constant 32 : i32
      %add3A_738 = arith.addi %mul3A_736, %add3A_737 : i32
      %swap3A_739 = arith.index_cast %add3A_738 : i32 to index
      %swap3A_740 = tpu.vector_load %arg8[%swap3A_739] {strides = array<i32>} : memref<4096xi32, #tpu.memory_space<vmem>>, vector<16xi32>,
      tpu.vector_store %arg8[%swap3A_739], %broadcast_in_dim3A_10 {strides = array<i32>} : memref<4096xi32, #tpu.memory_space<vmem>>, vector<16xi32>,
      %mul3A_741 = arith.constant 256 : i32
      %mul3A_742 = arith.muli %scan3A_722, %mul3A_741 : i32
      %add3A_743 = arith.constant 48 : i32
      %add3A_744 = arith.addi %mul3A_742, %add3A_743 : i32
      %swap3A_745 = arith.index_cast %add3A_744 : i32 to index
      %swap3A_746 = tpu.vector_load %arg8[%swap3A_745] {strides = array<i32>} : memref<4096xi32, #tpu.memory_space<vmem>>, vector<16xi32>,
      tpu.vector_store %arg8[%swap3A_745], %broadcast_in_dim3A_10 {strides = array<i32>} : memref<4096xi32, #tpu.memory_space<vmem>>, vector<16xi32>,
      %mul3A_747 = arith.constant 256 : i32
      %mul3A_748 = arith.muli %scan3A_722, %mul3A_747 : i32
      %add3A_749 = arith.constant 64 : i32
      %add3A_750 = arith.addi %mul3A_748, %add3A_749 : i32
      %swap3A_751 = arith.index_cast %add3A_750 : i32 to index
      %swap3A_752 = tpu.vector_load %arg8[%swap3A_751] {strides = array<i32>} : memref<4096xi32, #tpu.memory_space<vmem>>, vector<16xi32>,
      tpu.vector_store %arg8[%swap3A_751], %broadcast_in_dim3A_10 {strides = array<i32>} : memref<4096xi32, #tpu.memory_space<vmem>>, vector<16xi32>,
      %mul3A_753 = arith.constant 256 : i32
      %mul3A_754 = arith.muli %scan3A_722, %mul3A_753 : i32
      %add3A_755 = arith.constant 80 : i32
      %add3A_756 = arith.addi %mul3A_754, %add3A_755 : i32
      %swap3A_757 = arith.index_cast %add3A_756 : i32 to index
      %swap3A_758 = tpu.vector_load %arg8[%swap3A_757] {strides = array<i32>} : memref<4096xi32, #tpu.memory_space<vmem>>, vector<16xi32>,
      tpu.vector_store %arg8[%swap3A_757], %broadcast_in_dim3A_10 {strides = array<i32>} : memref<4096xi32, #tpu.memory_space<vmem>>, vector<16xi32>,
      %mul3A_759 = arith.constant 256 : i32
      %mul3A_760 = arith.muli %scan3A_722, %mul3A_759 : i32
      %add3A_761 = arith.constant 96 : i32
      %add3A_762 = arith.addi %mul3A_760, %add3A_761 : i32
      %swap3A_763 = arith.index_cast %add3A_762 : i32 to index
      %swap3A_764 = tpu.vector_load %arg8[%swap3A_763] {strides = array<i32>} : memref<4096xi32, #tpu.memory_space<vmem>>, vector<16xi32>,
      tpu.vector_store %arg8[%swap3A_763], %broadcast_in_dim3A_10 {strides = array<i32>} : memref<4096xi32, #tpu.memory_space<vmem>>, vector<16xi32>,
      %mul3A_765 = arith.constant 256 : i32
      %mul3A_766 = arith.muli %scan3A_722, %mul3A_765 : i32
      %add3A_767 = arith.constant 112 : i32
      %add3A_768 = arith.addi %mul3A_766, %add3A_767 : i32
      %swap3A_769 = arith.index_cast %add3A_768 : i32 to index
      %swap3A_770 = tpu.vector_load %arg8[%swap3A_769] {strides = array<i32>} : memref<4096xi32, #tpu.memory_space<vmem>>, vector<16xi32>,
      tpu.vector_store %arg8[%swap3A_769], %broadcast_in_dim3A_10 {strides = array<i32>} : memref<4096xi32, #tpu.memory_space<vmem>>, vector<16xi32>,
      %mul3A_771 = arith.constant 256 : i32
      %mul3A_772 = arith.muli %scan3A_722, %mul3A_771 : i32
      %add3A_773 = arith.constant 128 : i32
      %add3A_774 = arith.addi %mul3A_772, %add3A_773 : i32
      %swap3A_775 = arith.index_cast %add3A_774 : i32 to index
      %swap3A_776 = tpu.vector_load %arg8[%swap3A_775] {strides = array<i32>} : memref<4096xi32, #tpu.memory_space<vmem>>, vector<16xi32>,
      tpu.vector_store %arg8[%swap3A_775], %broadcast_in_dim3A_10 {strides = array<i32>} : memref<4096xi32, #tpu.memory_space<vmem>>, vector<16xi32>,
      %mul3A_777 = arith.constant 256 : i32
      %mul3A_778 = arith.muli %scan3A_722, %mul3A_777 : i32
      %add3A_779 = arith.constant 144 : i32
      %add3A_780 = arith.addi %mul3A_778, %add3A_779 : i32
      %swap3A_781 = arith.index_cast %add3A_780 : i32 to index
      %swap3A_782 = tpu.vector_load %arg8[%swap3A_781] {strides = array<i32>} : memref<4096xi32, #tpu.memory_space<vmem>>, vector<16xi32>,
      tpu.vector_store %arg8[%swap3A_781], %broadcast_in_dim3A_10 {strides = array<i32>} : memref<4096xi32, #tpu.memory_space<vmem>>, vector<16xi32>,
      %mul3A_783 = arith.constant 256 : i32
      %mul3A_784 = arith.muli %scan3A_722, %mul3A_783 : i32
      %add3A_785 = arith.constant 160 : i32
      %add3A_786 = arith.addi %mul3A_784, %add3A_785 : i32
      %swap3A_787 = arith.index_cast %add3A_786 : i32 to index
      %swap3A_788 = tpu.vector_load %arg8[%swap3A_787] {strides = array<i32>} : memref<4096xi32, #tpu.memory_space<vmem>>, vector<16xi32>,
      tpu.vector_store %arg8[%swap3A_787], %broadcast_in_dim3A_10 {strides = array<i32>} : memref<4096xi32, #tpu.memory_space<vmem>>, vector<16xi32>,
      %mul3A_789 = arith.constant 256 : i32
      %mul3A_790 = arith.muli %scan3A_722, %mul3A_789 : i32
      %add3A_791 = arith.constant 176 : i32
      %add3A_792 = arith.addi %mul3A_790, %add3A_791 : i32
      %swap3A_793 = arith.index_cast %add3A_792 : i32 to index
      %swap3A_794 = tpu.vector_load %arg8[%swap3A_793] {strides = array<i32>} : memref<4096xi32, #tpu.memory_space<vmem>>, vector<16xi32>,
      tpu.vector_store %arg8[%swap3A_793], %broadcast_in_dim3A_10 {strides = array<i32>} : memref<4096xi32, #tpu.memory_space<vmem>>, vector<16xi32>,
      %mul3A_795 = arith.constant 256 : i32
      %mul3A_796 = arith.muli %scan3A_722, %mul3A_795 : i32
      %add3A_797 = arith.constant 192 : i32
      %add3A_798 = arith.addi %mul3A_796, %add3A_797 : i32
      %swap3A_799 = arith.index_cast %add3A_798 : i32 to index
      %swap3A_800 = tpu.vector_load %arg8[%swap3A_799] {strides = array<i32>} : memref<4096xi32, #tpu.memory_space<vmem>>, vector<16xi32>,
      tpu.vector_store %arg8[%swap3A_799], %broadcast_in_dim3A_10 {strides = array<i32>} : memref<4096xi32, #tpu.memory_space<vmem>>, vector<16xi32>,
      %mul3A_801 = arith.constant 256 : i32
      %mul3A_802 = arith.muli %scan3A_722, %mul3A_801 : i32
      %add3A_803 = arith.constant 208 : i32
      %add3A_804 = arith.addi %mul3A_802, %add3A_803 : i32
      %swap3A_805 = arith.index_cast %add3A_804 : i32 to index
      %swap3A_806 = tpu.vector_load %arg8[%swap3A_805] {strides = array<i32>} : memref<4096xi32, #tpu.memory_space<vmem>>, vector<16xi32>,
      tpu.vector_store %arg8[%swap3A_805], %broadcast_in_dim3A_10 {strides = array<i32>} : memref<4096xi32, #tpu.memory_space<vmem>>, vector<16xi32>,
      %mul3A_807 = arith.constant 256 : i32
      %mul3A_808 = arith.muli %scan3A_722, %mul3A_807 : i32
      %add3A_809 = arith.constant 224 : i32
      %add3A_810 = arith.addi %mul3A_808, %add3A_809 : i32
      %swap3A_811 = arith.index_cast %add3A_810 : i32 to index
      %swap3A_812 = tpu.vector_load %arg8[%swap3A_811] {strides = array<i32>} : memref<4096xi32, #tpu.memory_space<vmem>>, vector<16xi32>,
      tpu.vector_store %arg8[%swap3A_811], %broadcast_in_dim3A_10 {strides = array<i32>} : memref<4096xi32, #tpu.memory_space<vmem>>, vector<16xi32>,
      %mul3A_813 = arith.constant 256 : i32
      %mul3A_814 = arith.muli %scan3A_722, %mul3A_813 : i32
      %add3A_815 = arith.constant 240 : i32
      %add3A_816 = arith.addi %mul3A_814, %add3A_815 : i32
      %swap3A_817 = arith.index_cast %add3A_816 : i32 to index
      %swap3A_818 = tpu.vector_load %arg8[%swap3A_817] {strides = array<i32>} : memref<4096xi32, #tpu.memory_space<vmem>>, vector<16xi32>,
      tpu.vector_store %arg8[%swap3A_817], %broadcast_in_dim3A_10 {strides = array<i32>} : memref<4096xi32, #tpu.memory_space<vmem>>, vector<16xi32>,
      %scan3A_819 = arith.constant 0 : i32
      %scan3A_820 = arith.constant 8 : i32
      %mul3A_821 = arith.constant 256 : i32
      %mul3A_822 = arith.muli %scan3A_820, %mul3A_821 : i32
      %add3A_823 = arith.constant 0 : i32
      %add3A_824 = arith.addi %mul3A_822, %add3A_823 : i32
      %swap3A_825 = arith.index_cast %add3A_824 : i32 to index
      %swap3A_826 = tpu.vector_load %arg8[%swap3A_825] {strides = array<i32>} : memref<4096xi32, #tpu.memory_space<vmem>>, vector<16xi32>,
      tpu.vector_store %arg8[%swap3A_825], %broadcast_in_dim3A_10 {strides = array<i32>} : memref<4096xi32, #tpu.memory_space<vmem>>, vector<16xi32>,
      %mul3A_827 = arith.constant 256 : i32
      %mul3A_828 = arith.muli %scan3A_820, %mul3A_827 : i32
      %add3A_829 = arith.constant 16 : i32
      %add3A_830 = arith.addi %mul3A_828, %add3A_829 : i32
      %swap3A_831 = arith.index_cast %add3A_830 : i32 to index
      %swap3A_832 = tpu.vector_load %arg8[%swap3A_831] {strides = array<i32>} : memref<4096xi32, #tpu.memory_space<vmem>>, vector<16xi32>,
      tpu.vector_store %arg8[%swap3A_831], %broadcast_in_dim3A_10 {strides = array<i32>} : memref<4096xi32, #tpu.memory_space<vmem>>, vector<16xi32>,
      %mul3A_833 = arith.constant 256 : i32
      %mul3A_834 = arith.muli %scan3A_820, %mul3A_833 : i32
      %add3A_835 = arith.constant 32 : i32
      %add3A_836 = arith.addi %mul3A_834, %add3A_835 : i32
      %swap3A_837 = arith.index_cast %add3A_836 : i32 to index
      %swap3A_838 = tpu.vector_load %arg8[%swap3A_837] {strides = array<i32>} : memref<4096xi32, #tpu.memory_space<vmem>>, vector<16xi32>,
      tpu.vector_store %arg8[%swap3A_837], %broadcast_in_dim3A_10 {strides = array<i32>} : memref<4096xi32, #tpu.memory_space<vmem>>, vector<16xi32>,
      %mul3A_839 = arith.constant 256 : i32
      %mul3A_840 = arith.muli %scan3A_820, %mul3A_839 : i32
      %add3A_841 = arith.constant 48 : i32
      %add3A_842 = arith.addi %mul3A_840, %add3A_841 : i32
      %swap3A_843 = arith.index_cast %add3A_842 : i32 to index
      %swap3A_844 = tpu.vector_load %arg8[%swap3A_843] {strides = array<i32>} : memref<4096xi32, #tpu.memory_space<vmem>>, vector<16xi32>,
      tpu.vector_store %arg8[%swap3A_843], %broadcast_in_dim3A_10 {strides = array<i32>} : memref<4096xi32, #tpu.memory_space<vmem>>, vector<16xi32>,
      %mul3A_845 = arith.constant 256 : i32
      %mul3A_846 = arith.muli %scan3A_820, %mul3A_845 : i32
      %add3A_847 = arith.constant 64 : i32
      %add3A_848 = arith.addi %mul3A_846, %add3A_847 : i32
      %swap3A_849 = arith.index_cast %add3A_848 : i32 to index
      %swap3A_850 = tpu.vector_load %arg8[%swap3A_849] {strides = array<i32>} : memref<4096xi32, #tpu.memory_space<vmem>>, vector<16xi32>,
      tpu.vector_store %arg8[%swap3A_849], %broadcast_in_dim3A_10 {strides = array<i32>} : memref<4096xi32, #tpu.memory_space<vmem>>, vector<16xi32>,
      %mul3A_851 = arith.constant 256 : i32
      %mul3A_852 = arith.muli %scan3A_820, %mul3A_851 : i32
      %add3A_853 = arith.constant 80 : i32
      %add3A_854 = arith.addi %mul3A_852, %add3A_853 : i32
      %swap3A_855 = arith.index_cast %add3A_854 : i32 to index
      %swap3A_856 = tpu.vector_load %arg8[%swap3A_855] {strides = array<i32>} : memref<4096xi32, #tpu.memory_space<vmem>>, vector<16xi32>,
      tpu.vector_store %arg8[%swap3A_855], %broadcast_in_dim3A_10 {strides = array<i32>} : memref<4096xi32, #tpu.memory_space<vmem>>, vector<16xi32>,
      %mul3A_857 = arith.constant 256 : i32
      %mul3A_858 = arith.muli %scan3A_820, %mul3A_857 : i32
      %add3A_859 = arith.constant 96 : i32
      %add3A_860 = arith.addi %mul3A_858, %add3A_859 : i32
      %swap3A_861 = arith.index_cast %add3A_860 : i32 to index
      %swap3A_862 = tpu.vector_load %arg8[%swap3A_861] {strides = array<i32>} : memref<4096xi32, #tpu.memory_space<vmem>>, vector<16xi32>,
      tpu.vector_store %arg8[%swap3A_861], %broadcast_in_dim3A_10 {strides = array<i32>} : memref<4096xi32, #tpu.memory_space<vmem>>, vector<16xi32>,
      %mul3A_863 = arith.constant 256 : i32
      %mul3A_864 = arith.muli %scan3A_820, %mul3A_863 : i32
      %add3A_865 = arith.constant 112 : i32
      %add3A_866 = arith.addi %mul3A_864, %add3A_865 : i32
      %swap3A_867 = arith.index_cast %add3A_866 : i32 to index
      %swap3A_868 = tpu.vector_load %arg8[%swap3A_867] {strides = array<i32>} : memref<4096xi32, #tpu.memory_space<vmem>>, vector<16xi32>,
      tpu.vector_store %arg8[%swap3A_867], %broadcast_in_dim3A_10 {strides = array<i32>} : memref<4096xi32, #tpu.memory_space<vmem>>, vector<16xi32>,
      %mul3A_869 = arith.constant 256 : i32
      %mul3A_870 = arith.muli %scan3A_820, %mul3A_869 : i32
      %add3A_871 = arith.constant 128 : i32
      %add3A_872 = arith.addi %mul3A_870, %add3A_871 : i32
      %swap3A_873 = arith.index_cast %add3A_872 : i32 to index
      %swap3A_874 = tpu.vector_load %arg8[%swap3A_873] {strides = array<i32>} : memref<4096xi32, #tpu.memory_space<vmem>>, vector<16xi32>,
      tpu.vector_store %arg8[%swap3A_873], %broadcast_in_dim3A_10 {strides = array<i32>} : memref<4096xi32, #tpu.memory_space<vmem>>, vector<16xi32>,
      %mul3A_875 = arith.constant 256 : i32
      %mul3A_876 = arith.muli %scan3A_820, %mul3A_875 : i32
      %add3A_877 = arith.constant 144 : i32
      %add3A_878 = arith.addi %mul3A_876, %add3A_877 : i32
      %swap3A_879 = arith.index_cast %add3A_878 : i32 to index
      %swap3A_880 = tpu.vector_load %arg8[%swap3A_879] {strides = array<i32>} : memref<4096xi32, #tpu.memory_space<vmem>>, vector<16xi32>,
      tpu.vector_store %arg8[%swap3A_879], %broadcast_in_dim3A_10 {strides = array<i32>} : memref<4096xi32, #tpu.memory_space<vmem>>, vector<16xi32>,
      %mul3A_881 = arith.constant 256 : i32
      %mul3A_882 = arith.muli %scan3A_820, %mul3A_881 : i32
      %add3A_883 = arith.constant 160 : i32
      %add3A_884 = arith.addi %mul3A_882, %add3A_883 : i32
      %swap3A_885 = arith.index_cast %add3A_884 : i32 to index
      %swap3A_886 = tpu.vector_load %arg8[%swap3A_885] {strides = array<i32>} : memref<4096xi32, #tpu.memory_space<vmem>>, vector<16xi32>,
      tpu.vector_store %arg8[%swap3A_885], %broadcast_in_dim3A_10 {strides = array<i32>} : memref<4096xi32, #tpu.memory_space<vmem>>, vector<16xi32>,
      %mul3A_887 = arith.constant 256 : i32
      %mul3A_888 = arith.muli %scan3A_820, %mul3A_887 : i32
      %add3A_889 = arith.constant 176 : i32
      %add3A_890 = arith.addi %mul3A_888, %add3A_889 : i32
      %swap3A_891 = arith.index_cast %add3A_890 : i32 to index
      %swap3A_892 = tpu.vector_load %arg8[%swap3A_891] {strides = array<i32>} : memref<4096xi32, #tpu.memory_space<vmem>>, vector<16xi32>,
      tpu.vector_store %arg8[%swap3A_891], %broadcast_in_dim3A_10 {strides = array<i32>} : memref<4096xi32, #tpu.memory_space<vmem>>, vector<16xi32>,
      %mul3A_893 = arith.constant 256 : i32
      %mul3A_894 = arith.muli %scan3A_820, %mul3A_893 : i32
      %add3A_895 = arith.constant 192 : i32
      %add3A_896 = arith.addi %mul3A_894, %add3A_895 : i32
      %swap3A_897 = arith.index_cast %add3A_896 : i32 to index
      %swap3A_898 = tpu.vector_load %arg8[%swap3A_897] {strides = array<i32>} : memref<4096xi32, #tpu.memory_space<vmem>>, vector<16xi32>,
      tpu.vector_store %arg8[%swap3A_897], %broadcast_in_dim3A_10 {strides = array<i32>} : memref<4096xi32, #tpu.memory_space<vmem>>, vector<16xi32>,
      %mul3A_899 = arith.constant 256 : i32
      %mul3A_900 = arith.muli %scan3A_820, %mul3A_899 : i32
      %add3A_901 = arith.constant 208 : i32
      %add3A_902 = arith.addi %mul3A_900, %add3A_901 : i32
      %swap3A_903 = arith.index_cast %add3A_902 : i32 to index
      %swap3A_904 = tpu.vector_load %arg8[%swap3A_903] {strides = array<i32>} : memref<4096xi32, #tpu.memory_space<vmem>>, vector<16xi32>,
      tpu.vector_store %arg8[%swap3A_903], %broadcast_in_dim3A_10 {strides = array<i32>} : memref<4096xi32, #tpu.memory_space<vmem>>, vector<16xi32>,
      %mul3A_905 = arith.constant 256 : i32
      %mul3A_906 = arith.muli %scan3A_820, %mul3A_905 : i32
      %add3A_907 = arith.constant 224 : i32
      %add3A_908 = arith.addi %mul3A_906, %add3A_907 : i32
      %swap3A_909 = arith.index_cast %add3A_908 : i32 to index
      %swap3A_910 = tpu.vector_load %arg8[%swap3A_909] {strides = array<i32>} : memref<4096xi32, #tpu.memory_space<vmem>>, vector<16xi32>,
      tpu.vector_store %arg8[%swap3A_909], %broadcast_in_dim3A_10 {strides = array<i32>} : memref<4096xi32, #tpu.memory_space<vmem>>, vector<16xi32>,
      %mul3A_911 = arith.constant 256 : i32
      %mul3A_912 = arith.muli %scan3A_820, %mul3A_911 : i32
      %add3A_913 = arith.constant 240 : i32
      %add3A_914 = arith.addi %mul3A_912, %add3A_913 : i32
      %swap3A_915 = arith.index_cast %add3A_914 : i32 to index
      %swap3A_916 = tpu.vector_load %arg8[%swap3A_915] {strides = array<i32>} : memref<4096xi32, #tpu.memory_space<vmem>>, vector<16xi32>,
      tpu.vector_store %arg8[%swap3A_915], %broadcast_in_dim3A_10 {strides = array<i32>} : memref<4096xi32, #tpu.memory_space<vmem>>, vector<16xi32>,
      %scan3A_917 = arith.constant 0 : i32
      %scan3A_918 = arith.constant 9 : i32
      %mul3A_919 = arith.constant 256 : i32
      %mul3A_920 = arith.muli %scan3A_918, %mul3A_919 : i32
      %add3A_921 = arith.constant 0 : i32
      %add3A_922 = arith.addi %mul3A_920, %add3A_921 : i32
      %swap3A_923 = arith.index_cast %add3A_922 : i32 to index
      %swap3A_924 = tpu.vector_load %arg8[%swap3A_923] {strides = array<i32>} : memref<4096xi32, #tpu.memory_space<vmem>>, vector<16xi32>,
      tpu.vector_store %arg8[%swap3A_923], %broadcast_in_dim3A_10 {strides = array<i32>} : memref<4096xi32, #tpu.memory_space<vmem>>, vector<16xi32>,
      %mul3A_925 = arith.constant 256 : i32
      %mul3A_926 = arith.muli %scan3A_918, %mul3A_925 : i32
      %add3A_927 = arith.constant 16 : i32
      %add3A_928 = arith.addi %mul3A_926, %add3A_927 : i32
      %swap3A_929 = arith.index_cast %add3A_928 : i32 to index
      %swap3A_930 = tpu.vector_load %arg8[%swap3A_929] {strides = array<i32>} : memref<4096xi32, #tpu.memory_space<vmem>>, vector<16xi32>,
      tpu.vector_store %arg8[%swap3A_929], %broadcast_in_dim3A_10 {strides = array<i32>} : memref<4096xi32, #tpu.memory_space<vmem>>, vector<16xi32>,
      %mul3A_931 = arith.constant 256 : i32
      %mul3A_932 = arith.muli %scan3A_918, %mul3A_931 : i32
      %add3A_933 = arith.constant 32 : i32
      %add3A_934 = arith.addi %mul3A_932, %add3A_933 : i32
      %swap3A_935 = arith.index_cast %add3A_934 : i32 to index
      %swap3A_936 = tpu.vector_load %arg8[%swap3A_935] {strides = array<i32>} : memref<4096xi32, #tpu.memory_space<vmem>>, vector<16xi32>,
      tpu.vector_store %arg8[%swap3A_935], %broadcast_in_dim3A_10 {strides = array<i32>} : memref<4096xi32, #tpu.memory_space<vmem>>, vector<16xi32>,
      %mul3A_937 = arith.constant 256 : i32
      %mul3A_938 = arith.muli %scan3A_918, %mul3A_937 : i32
      %add3A_939 = arith.constant 48 : i32
      %add3A_940 = arith.addi %mul3A_938, %add3A_939 : i32
      %swap3A_941 = arith.index_cast %add3A_940 : i32 to index
      %swap3A_942 = tpu.vector_load %arg8[%swap3A_941] {strides = array<i32>} : memref<4096xi32, #tpu.memory_space<vmem>>, vector<16xi32>,
      tpu.vector_store %arg8[%swap3A_941], %broadcast_in_dim3A_10 {strides = array<i32>} : memref<4096xi32, #tpu.memory_space<vmem>>, vector<16xi32>,
      %mul3A_943 = arith.constant 256 : i32
      %mul3A_944 = arith.muli %scan3A_918, %mul3A_943 : i32
      %add3A_945 = arith.constant 64 : i32
      %add3A_946 = arith.addi %mul3A_944, %add3A_945 : i32
      %swap3A_947 = arith.index_cast %add3A_946 : i32 to index
      %swap3A_948 = tpu.vector_load %arg8[%swap3A_947] {strides = array<i32>} : memref<4096xi32, #tpu.memory_space<vmem>>, vector<16xi32>,
      tpu.vector_store %arg8[%swap3A_947], %broadcast_in_dim3A_10 {strides = array<i32>} : memref<4096xi32, #tpu.memory_space<vmem>>, vector<16xi32>,
      %mul3A_949 = arith.constant 256 : i32
      %mul3A_950 = arith.muli %scan3A_918, %mul3A_949 : i32
      %add3A_951 = arith.constant 80 : i32
      %add3A_952 = arith.addi %mul3A_950, %add3A_951 : i32
      %swap3A_953 = arith.index_cast %add3A_952 : i32 to index
      %swap3A_954 = tpu.vector_load %arg8[%swap3A_953] {strides = array<i32>} : memref<4096xi32, #tpu.memory_space<vmem>>, vector<16xi32>,
      tpu.vector_store %arg8[%swap3A_953], %broadcast_in_dim3A_10 {strides = array<i32>} : memref<4096xi32, #tpu.memory_space<vmem>>, vector<16xi32>,
      %mul3A_955 = arith.constant 256 : i32
      %mul3A_956 = arith.muli %scan3A_918, %mul3A_955 : i32
      %add3A_957 = arith.constant 96 : i32
      %add3A_958 = arith.addi %mul3A_956, %add3A_957 : i32
      %swap3A_959 = arith.index_cast %add3A_958 : i32 to index
      %swap3A_960 = tpu.vector_load %arg8[%swap3A_959] {strides = array<i32>} : memref<4096xi32, #tpu.memory_space<vmem>>, vector<16xi32>,
      tpu.vector_store %arg8[%swap3A_959], %broadcast_in_dim3A_10 {strides = array<i32>} : memref<4096xi32, #tpu.memory_space<vmem>>, vector<16xi32>,
      %mul3A_961 = arith.constant 256 : i32
      %mul3A_962 = arith.muli %scan3A_918, %mul3A_961 : i32
      %add3A_963 = arith.constant 112 : i32
      %add3A_964 = arith.addi %mul3A_962, %add3A_963 : i32
      %swap3A_965 = arith.index_cast %add3A_964 : i32 to index
      %swap3A_966 = tpu.vector_load %arg8[%swap3A_965] {strides = array<i32>} : memref<4096xi32, #tpu.memory_space<vmem>>, vector<16xi32>,
      tpu.vector_store %arg8[%swap3A_965], %broadcast_in_dim3A_10 {strides = array<i32>} : memref<4096xi32, #tpu.memory_space<vmem>>, vector<16xi32>,
      %mul3A_967 = arith.constant 256 : i32
      %mul3A_968 = arith.muli %scan3A_918, %mul3A_967 : i32
      %add3A_969 = arith.constant 128 : i32
      %add3A_970 = arith.addi %mul3A_968, %add3A_969 : i32
      %swap3A_971 = arith.index_cast %add3A_970 : i32 to index
      %swap3A_972 = tpu.vector_load %arg8[%swap3A_971] {strides = array<i32>} : memref<4096xi32, #tpu.memory_space<vmem>>, vector<16xi32>,
      tpu.vector_store %arg8[%swap3A_971], %broadcast_in_dim3A_10 {strides = array<i32>} : memref<4096xi32, #tpu.memory_space<vmem>>, vector<16xi32>,
      %mul3A_973 = arith.constant 256 : i32
      %mul3A_974 = arith.muli %scan3A_918, %mul3A_973 : i32
      %add3A_975 = arith.constant 144 : i32
      %add3A_976 = arith.addi %mul3A_974, %add3A_975 : i32
      %swap3A_977 = arith.index_cast %add3A_976 : i32 to index
      %swap3A_978 = tpu.vector_load %arg8[%swap3A_977] {strides = array<i32>} : memref<4096xi32, #tpu.memory_space<vmem>>, vector<16xi32>,
      tpu.vector_store %arg8[%swap3A_977], %broadcast_in_dim3A_10 {strides = array<i32>} : memref<4096xi32, #tpu.memory_space<vmem>>, vector<16xi32>,
      %mul3A_979 = arith.constant 256 : i32
      %mul3A_980 = arith.muli %scan3A_918, %mul3A_979 : i32
      %add3A_981 = arith.constant 160 : i32
      %add3A_982 = arith.addi %mul3A_980, %add3A_981 : i32
      %swap3A_983 = arith.index_cast %add3A_982 : i32 to index
      %swap3A_984 = tpu.vector_load %arg8[%swap3A_983] {strides = array<i32>} : memref<4096xi32, #tpu.memory_space<vmem>>, vector<16xi32>,
      tpu.vector_store %arg8[%swap3A_983], %broadcast_in_dim3A_10 {strides = array<i32>} : memref<4096xi32, #tpu.memory_space<vmem>>, vector<16xi32>,
      %mul3A_985 = arith.constant 256 : i32
      %mul3A_986 = arith.muli %scan3A_918, %mul3A_985 : i32
      %add3A_987 = arith.constant 176 : i32
      %add3A_988 = arith.addi %mul3A_986, %add3A_987 : i32
      %swap3A_989 = arith.index_cast %add3A_988 : i32 to index
      %swap3A_990 = tpu.vector_load %arg8[%swap3A_989] {strides = array<i32>} : memref<4096xi32, #tpu.memory_space<vmem>>, vector<16xi32>,
      tpu.vector_store %arg8[%swap3A_989], %broadcast_in_dim3A_10 {strides = array<i32>} : memref<4096xi32, #tpu.memory_space<vmem>>, vector<16xi32>,
      %mul3A_991 = arith.constant 256 : i32
      %mul3A_992 = arith.muli %scan3A_918, %mul3A_991 : i32
      %add3A_993 = arith.constant 192 : i32
      %add3A_994 = arith.addi %mul3A_992, %add3A_993 : i32
      %swap3A_995 = arith.index_cast %add3A_994 : i32 to index
      %swap3A_996 = tpu.vector_load %arg8[%swap3A_995] {strides = array<i32>} : memref<4096xi32, #tpu.memory_space<vmem>>, vector<16xi32>,
      tpu.vector_store %arg8[%swap3A_995], %broadcast_in_dim3A_10 {strides = array<i32>} : memref<4096xi32, #tpu.memory_space<vmem>>, vector<16xi32>,
      %mul3A_997 = arith.constant 256 : i32
      %mul3A_998 = arith.muli %scan3A_918, %mul3A_997 : i32
      %add3A_999 = arith.constant 208 : i32
      %add3A_1000 = arith.addi %mul3A_998, %add3A_999 : i32
      %swap3A_1001 = arith.index_cast %add3A_1000 : i32 to index
      %swap3A_1002 = tpu.vector_load %arg8[%swap3A_1001] {strides = array<i32>} : memref<4096xi32, #tpu.memory_space<vmem>>, vector<16xi32>,
      tpu.vector_store %arg8[%swap3A_1001], %broadcast_in_dim3A_10 {strides = array<i32>} : memref<4096xi32, #tpu.memory_space<vmem>>, vector<16xi32>,
      %mul3A_1003 = arith.constant 256 : i32
      %mul3A_1004 = arith.muli %scan3A_918, %mul3A_1003 : i32
      %add3A_1005 = arith.constant 224 : i32
      %add3A_1006 = arith.addi %mul3A_1004, %add3A_1005 : i32
      %swap3A_1007 = arith.index_cast %add3A_1006 : i32 to index
      %swap3A_1008 = tpu.vector_load %arg8[%swap3A_1007] {strides = array<i32>} : memref<4096xi32, #tpu.memory_space<vmem>>, vector<16xi32>,
      tpu.vector_store %arg8[%swap3A_1007], %broadcast_in_dim3A_10 {strides = array<i32>} : memref<4096xi32, #tpu.memory_space<vmem>>, vector<16xi32>,
      %mul3A_1009 = arith.constant 256 : i32
      %mul3A_1010 = arith.muli %scan3A_918, %mul3A_1009 : i32
      %add3A_1011 = arith.constant 240 : i32
      %add3A_1012 = arith.addi %mul3A_1010, %add3A_1011 : i32
      %swap3A_1013 = arith.index_cast %add3A_1012 : i32 to index
      %swap3A_1014 = tpu.vector_load %arg8[%swap3A_1013] {strides = array<i32>} : memref<4096xi32, #tpu.memory_space<vmem>>, vector<16xi32>,
      tpu.vector_store %arg8[%swap3A_1013], %broadcast_in_dim3A_10 {strides = array<i32>} : memref<4096xi32, #tpu.memory_space<vmem>>, vector<16xi32>,
      %scan3A_1015 = arith.constant 0 : i32
      %scan3A_1016 = arith.constant 10 : i32
      %mul3A_1017 = arith.constant 256 : i32
      %mul3A_1018 = arith.muli %scan3A_1016, %mul3A_1017 : i32
      %add3A_1019 = arith.constant 0 : i32
      %add3A_1020 = arith.addi %mul3A_1018, %add3A_1019 : i32
      %swap3A_1021 = arith.index_cast %add3A_1020 : i32 to index
      %swap3A_1022 = tpu.vector_load %arg8[%swap3A_1021] {strides = array<i32>} : memref<4096xi32, #tpu.memory_space<vmem>>, vector<16xi32>,
      tpu.vector_store %arg8[%swap3A_1021], %broadcast_in_dim3A_10 {strides = array<i32>} : memref<4096xi32, #tpu.memory_space<vmem>>, vector<16xi32>,
      %mul3A_1023 = arith.constant 256 : i32
      %mul3A_1024 = arith.muli %scan3A_1016, %mul3A_1023 : i32
      %add3A_1025 = arith.constant 16 : i32
      %add3A_1026 = arith.addi %mul3A_1024, %add3A_1025 : i32
      %swap3A_1027 = arith.index_cast %add3A_1026 : i32 to index
      %swap3A_1028 = tpu.vector_load %arg8[%swap3A_1027] {strides = array<i32>} : memref<4096xi32, #tpu.memory_space<vmem>>, vector<16xi32>,
      tpu.vector_store %arg8[%swap3A_1027], %broadcast_in_dim3A_10 {strides = array<i32>} : memref<4096xi32, #tpu.memory_space<vmem>>, vector<16xi32>,
      %mul3A_1029 = arith.constant 256 : i32
      %mul3A_1030 = arith.muli %scan3A_1016, %mul3A_1029 : i32
      %add3A_1031 = arith.constant 32 : i32
      %add3A_1032 = arith.addi %mul3A_1030, %add3A_1031 : i32
      %swap3A_1033 = arith.index_cast %add3A_1032 : i32 to index
      %swap3A_1034 = tpu.vector_load %arg8[%swap3A_1033] {strides = array<i32>} : memref<4096xi32, #tpu.memory_space<vmem>>, vector<16xi32>,
      tpu.vector_store %arg8[%swap3A_1033], %broadcast_in_dim3A_10 {strides = array<i32>} : memref<4096xi32, #tpu.memory_space<vmem>>, vector<16xi32>,
      %mul3A_1035 = arith.constant 256 : i32
      %mul3A_1036 = arith.muli %scan3A_1016, %mul3A_1035 : i32
      %add3A_1037 = arith.constant 48 : i32
      %add3A_1038 = arith.addi %mul3A_1036, %add3A_1037 : i32
      %swap3A_1039 = arith.index_cast %add3A_1038 : i32 to index
      %swap3A_1040 = tpu.vector_load %arg8[%swap3A_1039] {strides = array<i32>} : memref<4096xi32, #tpu.memory_space<vmem>>, vector<16xi32>,
      tpu.vector_store %arg8[%swap3A_1039], %broadcast_in_dim3A_10 {strides = array<i32>} : memref<4096xi32, #tpu.memory_space<vmem>>, vector<16xi32>,
      %mul3A_1041 = arith.constant 256 : i32
      %mul3A_1042 = arith.muli %scan3A_1016, %mul3A_1041 : i32
      %add3A_1043 = arith.constant 64 : i32
      %add3A_1044 = arith.addi %mul3A_1042, %add3A_1043 : i32
      %swap3A_1045 = arith.index_cast %add3A_1044 : i32 to index
      %swap3A_1046 = tpu.vector_load %arg8[%swap3A_1045] {strides = array<i32>} : memref<4096xi32, #tpu.memory_space<vmem>>, vector<16xi32>,
      tpu.vector_store %arg8[%swap3A_1045], %broadcast_in_dim3A_10 {strides = array<i32>} : memref<4096xi32, #tpu.memory_space<vmem>>, vector<16xi32>,
      %mul3A_1047 = arith.constant 256 : i32
      %mul3A_1048 = arith.muli %scan3A_1016, %mul3A_1047 : i32
      %add3A_1049 = arith.constant 80 : i32
      %add3A_1050 = arith.addi %mul3A_1048, %add3A_1049 : i32
      %swap3A_1051 = arith.index_cast %add3A_1050 : i32 to index
      %swap3A_1052 = tpu.vector_load %arg8[%swap3A_1051] {strides = array<i32>} : memref<4096xi32, #tpu.memory_space<vmem>>, vector<16xi32>,
      tpu.vector_store %arg8[%swap3A_1051], %broadcast_in_dim3A_10 {strides = array<i32>} : memref<4096xi32, #tpu.memory_space<vmem>>, vector<16xi32>,
      %mul3A_1053 = arith.constant 256 : i32
      %mul3A_1054 = arith.muli %scan3A_1016, %mul3A_1053 : i32
      %add3A_1055 = arith.constant 96 : i32
      %add3A_1056 = arith.addi %mul3A_1054, %add3A_1055 : i32
      %swap3A_1057 = arith.index_cast %add3A_1056 : i32 to index
      %swap3A_1058 = tpu.vector_load %arg8[%swap3A_1057] {strides = array<i32>} : memref<4096xi32, #tpu.memory_space<vmem>>, vector<16xi32>,
      tpu.vector_store %arg8[%swap3A_1057], %broadcast_in_dim3A_10 {strides = array<i32>} : memref<4096xi32, #tpu.memory_space<vmem>>, vector<16xi32>,
      %mul3A_1059 = arith.constant 256 : i32
      %mul3A_1060 = arith.muli %scan3A_1016, %mul3A_1059 : i32
      %add3A_1061 = arith.constant 112 : i32
      %add3A_1062 = arith.addi %mul3A_1060, %add3A_1061 : i32
      %swap3A_1063 = arith.index_cast %add3A_1062 : i32 to index
      %swap3A_1064 = tpu.vector_load %arg8[%swap3A_1063] {strides = array<i32>} : memref<4096xi32, #tpu.memory_space<vmem>>, vector<16xi32>,
      tpu.vector_store %arg8[%swap3A_1063], %broadcast_in_dim3A_10 {strides = array<i32>} : memref<4096xi32, #tpu.memory_space<vmem>>, vector<16xi32>,
      %mul3A_1065 = arith.constant 256 : i32
      %mul3A_1066 = arith.muli %scan3A_1016, %mul3A_1065 : i32
      %add3A_1067 = arith.constant 128 : i32
      %add3A_1068 = arith.addi %mul3A_1066, %add3A_1067 : i32
      %swap3A_1069 = arith.index_cast %add3A_1068 : i32 to index
      %swap3A_1070 = tpu.vector_load %arg8[%swap3A_1069] {strides = array<i32>} : memref<4096xi32, #tpu.memory_space<vmem>>, vector<16xi32>,
      tpu.vector_store %arg8[%swap3A_1069], %broadcast_in_dim3A_10 {strides = array<i32>} : memref<4096xi32, #tpu.memory_space<vmem>>, vector<16xi32>,
      %mul3A_1071 = arith.constant 256 : i32
      %mul3A_1072 = arith.muli %scan3A_1016, %mul3A_1071 : i32
      %add3A_1073 = arith.constant 144 : i32
      %add3A_1074 = arith.addi %mul3A_1072, %add3A_1073 : i32
      %swap3A_1075 = arith.index_cast %add3A_1074 : i32 to index
      %swap3A_1076 = tpu.vector_load %arg8[%swap3A_1075] {strides = array<i32>} : memref<4096xi32, #tpu.memory_space<vmem>>, vector<16xi32>,
      tpu.vector_store %arg8[%swap3A_1075], %broadcast_in_dim3A_10 {strides = array<i32>} : memref<4096xi32, #tpu.memory_space<vmem>>, vector<16xi32>,
      %mul3A_1077 = arith.constant 256 : i32
      %mul3A_1078 = arith.muli %scan3A_1016, %mul3A_1077 : i32
      %add3A_1079 = arith.constant 160 : i32
      %add3A_1080 = arith.addi %mul3A_1078, %add3A_1079 : i32
      %swap3A_1081 = arith.index_cast %add3A_1080 : i32 to index
      %swap3A_1082 = tpu.vector_load %arg8[%swap3A_1081] {strides = array<i32>} : memref<4096xi32, #tpu.memory_space<vmem>>, vector<16xi32>,
      tpu.vector_store %arg8[%swap3A_1081], %broadcast_in_dim3A_10 {strides = array<i32>} : memref<4096xi32, #tpu.memory_space<vmem>>, vector<16xi32>,
      %mul3A_1083 = arith.constant 256 : i32
      %mul3A_1084 = arith.muli %scan3A_1016, %mul3A_1083 : i32
      %add3A_1085 = arith.constant 176 : i32
      %add3A_1086 = arith.addi %mul3A_1084, %add3A_1085 : i32
      %swap3A_1087 = arith.index_cast %add3A_1086 : i32 to index
      %swap3A_1088 = tpu.vector_load %arg8[%swap3A_1087] {strides = array<i32>} : memref<4096xi32, #tpu.memory_space<vmem>>, vector<16xi32>,
      tpu.vector_store %arg8[%swap3A_1087], %broadcast_in_dim3A_10 {strides = array<i32>} : memref<4096xi32, #tpu.memory_space<vmem>>, vector<16xi32>,
      %mul3A_1089 = arith.constant 256 : i32
      %mul3A_1090 = arith.muli %scan3A_1016, %mul3A_1089 : i32
      %add3A_1091 = arith.constant 192 : i32
      %add3A_1092 = arith.addi %mul3A_1090, %add3A_1091 : i32
      %swap3A_1093 = arith.index_cast %add3A_1092 : i32 to index
      %swap3A_1094 = tpu.vector_load %arg8[%swap3A_1093] {strides = array<i32>} : memref<4096xi32, #tpu.memory_space<vmem>>, vector<16xi32>,
      tpu.vector_store %arg8[%swap3A_1093], %broadcast_in_dim3A_10 {strides = array<i32>} : memref<4096xi32, #tpu.memory_space<vmem>>, vector<16xi32>,
      %mul3A_1095 = arith.constant 256 : i32
      %mul3A_1096 = arith.muli %scan3A_1016, %mul3A_1095 : i32
      %add3A_1097 = arith.constant 208 : i32
      %add3A_1098 = arith.addi %mul3A_1096, %add3A_1097 : i32
      %swap3A_1099 = arith.index_cast %add3A_1098 : i32 to index
      %swap3A_1100 = tpu.vector_load %arg8[%swap3A_1099] {strides = array<i32>} : memref<4096xi32, #tpu.memory_space<vmem>>, vector<16xi32>,
      tpu.vector_store %arg8[%swap3A_1099], %broadcast_in_dim3A_10 {strides = array<i32>} : memref<4096xi32, #tpu.memory_space<vmem>>, vector<16xi32>,
      %mul3A_1101 = arith.constant 256 : i32
      %mul3A_1102 = arith.muli %scan3A_1016, %mul3A_1101 : i32
      %add3A_1103 = arith.constant 224 : i32
      %add3A_1104 = arith.addi %mul3A_1102, %add3A_1103 : i32
      %swap3A_1105 = arith.index_cast %add3A_1104 : i32 to index
      %swap3A_1106 = tpu.vector_load %arg8[%swap3A_1105] {strides = array<i32>} : memref<4096xi32, #tpu.memory_space<vmem>>, vector<16xi32>,
      tpu.vector_store %arg8[%swap3A_1105], %broadcast_in_dim3A_10 {strides = array<i32>} : memref<4096xi32, #tpu.memory_space<vmem>>, vector<16xi32>,
      %mul3A_1107 = arith.constant 256 : i32
      %mul3A_1108 = arith.muli %scan3A_1016, %mul3A_1107 : i32
      %add3A_1109 = arith.constant 240 : i32
      %add3A_1110 = arith.addi %mul3A_1108, %add3A_1109 : i32
      %swap3A_1111 = arith.index_cast %add3A_1110 : i32 to index
      %swap3A_1112 = tpu.vector_load %arg8[%swap3A_1111] {strides = array<i32>} : memref<4096xi32, #tpu.memory_space<vmem>>, vector<16xi32>,
      tpu.vector_store %arg8[%swap3A_1111], %broadcast_in_dim3A_10 {strides = array<i32>} : memref<4096xi32, #tpu.memory_space<vmem>>, vector<16xi32>,
      %scan3A_1113 = arith.constant 0 : i32
      %scan3A_1114 = arith.constant 11 : i32
      %mul3A_1115 = arith.constant 256 : i32
      %mul3A_1116 = arith.muli %scan3A_1114, %mul3A_1115 : i32
      %add3A_1117 = arith.constant 0 : i32
      %add3A_1118 = arith.addi %mul3A_1116, %add3A_1117 : i32
      %swap3A_1119 = arith.index_cast %add3A_1118 : i32 to index
      %swap3A_1120 = tpu.vector_load %arg8[%swap3A_1119] {strides = array<i32>} : memref<4096xi32, #tpu.memory_space<vmem>>, vector<16xi32>,
      tpu.vector_store %arg8[%swap3A_1119], %broadcast_in_dim3A_10 {strides = array<i32>} : memref<4096xi32, #tpu.memory_space<vmem>>, vector<16xi32>,
      %mul3A_1121 = arith.constant 256 : i32
      %mul3A_1122 = arith.muli %scan3A_1114, %mul3A_1121 : i32
      %add3A_1123 = arith.constant 16 : i32
      %add3A_1124 = arith.addi %mul3A_1122, %add3A_1123 : i32
      %swap3A_1125 = arith.index_cast %add3A_1124 : i32 to index
      %swap3A_1126 = tpu.vector_load %arg8[%swap3A_1125] {strides = array<i32>} : memref<4096xi32, #tpu.memory_space<vmem>>, vector<16xi32>,
      tpu.vector_store %arg8[%swap3A_1125], %broadcast_in_dim3A_10 {strides = array<i32>} : memref<4096xi32, #tpu.memory_space<vmem>>, vector<16xi32>,
      %mul3A_1127 = arith.constant 256 : i32
      %mul3A_1128 = arith.muli %scan3A_1114, %mul3A_1127 : i32
      %add3A_1129 = arith.constant 32 : i32
      %add3A_1130 = arith.addi %mul3A_1128, %add3A_1129 : i32
      %swap3A_1131 = arith.index_cast %add3A_1130 : i32 to index
      %swap3A_1132 = tpu.vector_load %arg8[%swap3A_1131] {strides = array<i32>} : memref<4096xi32, #tpu.memory_space<vmem>>, vector<16xi32>,
      tpu.vector_store %arg8[%swap3A_1131], %broadcast_in_dim3A_10 {strides = array<i32>} : memref<4096xi32, #tpu.memory_space<vmem>>, vector<16xi32>,
      %mul3A_1133 = arith.constant 256 : i32
      %mul3A_1134 = arith.muli %scan3A_1114, %mul3A_1133 : i32
      %add3A_1135 = arith.constant 48 : i32
      %add3A_1136 = arith.addi %mul3A_1134, %add3A_1135 : i32
      %swap3A_1137 = arith.index_cast %add3A_1136 : i32 to index
      %swap3A_1138 = tpu.vector_load %arg8[%swap3A_1137] {strides = array<i32>} : memref<4096xi32, #tpu.memory_space<vmem>>, vector<16xi32>,
      tpu.vector_store %arg8[%swap3A_1137], %broadcast_in_dim3A_10 {strides = array<i32>} : memref<4096xi32, #tpu.memory_space<vmem>>, vector<16xi32>,
      %mul3A_1139 = arith.constant 256 : i32
      %mul3A_1140 = arith.muli %scan3A_1114, %mul3A_1139 : i32
      %add3A_1141 = arith.constant 64 : i32
      %add3A_1142 = arith.addi %mul3A_1140, %add3A_1141 : i32
      %swap3A_1143 = arith.index_cast %add3A_1142 : i32 to index
      %swap3A_1144 = tpu.vector_load %arg8[%swap3A_1143] {strides = array<i32>} : memref<4096xi32, #tpu.memory_space<vmem>>, vector<16xi32>,
      tpu.vector_store %arg8[%swap3A_1143], %broadcast_in_dim3A_10 {strides = array<i32>} : memref<4096xi32, #tpu.memory_space<vmem>>, vector<16xi32>,
      %mul3A_1145 = arith.constant 256 : i32
      %mul3A_1146 = arith.muli %scan3A_1114, %mul3A_1145 : i32
      %add3A_1147 = arith.constant 80 : i32
      %add3A_1148 = arith.addi %mul3A_1146, %add3A_1147 : i32
      %swap3A_1149 = arith.index_cast %add3A_1148 : i32 to index
      %swap3A_1150 = tpu.vector_load %arg8[%swap3A_1149] {strides = array<i32>} : memref<4096xi32, #tpu.memory_space<vmem>>, vector<16xi32>,
      tpu.vector_store %arg8[%swap3A_1149], %broadcast_in_dim3A_10 {strides = array<i32>} : memref<4096xi32, #tpu.memory_space<vmem>>, vector<16xi32>,
      %mul3A_1151 = arith.constant 256 : i32
      %mul3A_1152 = arith.muli %scan3A_1114, %mul3A_1151 : i32
      %add3A_1153 = arith.constant 96 : i32
      %add3A_1154 = arith.addi %mul3A_1152, %add3A_1153 : i32
      %swap3A_1155 = arith.index_cast %add3A_1154 : i32 to index
      %swap3A_1156 = tpu.vector_load %arg8[%swap3A_1155] {strides = array<i32>} : memref<4096xi32, #tpu.memory_space<vmem>>, vector<16xi32>,
      tpu.vector_store %arg8[%swap3A_1155], %broadcast_in_dim3A_10 {strides = array<i32>} : memref<4096xi32, #tpu.memory_space<vmem>>, vector<16xi32>,
      %mul3A_1157 = arith.constant 256 : i32
      %mul3A_1158 = arith.muli %scan3A_1114, %mul3A_1157 : i32
      %add3A_1159 = arith.constant 112 : i32
      %add3A_1160 = arith.addi %mul3A_1158, %add3A_1159 : i32
      %swap3A_1161 = arith.index_cast %add3A_1160 : i32 to index
      %swap3A_1162 = tpu.vector_load %arg8[%swap3A_1161] {strides = array<i32>} : memref<4096xi32, #tpu.memory_space<vmem>>, vector<16xi32>,
      tpu.vector_store %arg8[%swap3A_1161], %broadcast_in_dim3A_10 {strides = array<i32>} : memref<4096xi32, #tpu.memory_space<vmem>>, vector<16xi32>,
      %mul3A_1163 = arith.constant 256 : i32
      %mul3A_1164 = arith.muli %scan3A_1114, %mul3A_1163 : i32
      %add3A_1165 = arith.constant 128 : i32
      %add3A_1166 = arith.addi %mul3A_1164, %add3A_1165 : i32
      %swap3A_1167 = arith.index_cast %add3A_1166 : i32 to index
      %swap3A_1168 = tpu.vector_load %arg8[%swap3A_1167] {strides = array<i32>} : memref<4096xi32, #tpu.memory_space<vmem>>, vector<16xi32>,
      tpu.vector_store %arg8[%swap3A_1167], %broadcast_in_dim3A_10 {strides = array<i32>} : memref<4096xi32, #tpu.memory_space<vmem>>, vector<16xi32>,
      %mul3A_1169 = arith.constant 256 : i32
      %mul3A_1170 = arith.muli %scan3A_1114, %mul3A_1169 : i32
      %add3A_1171 = arith.constant 144 : i32
      %add3A_1172 = arith.addi %mul3A_1170, %add3A_1171 : i32
      %swap3A_1173 = arith.index_cast %add3A_1172 : i32 to index
      %swap3A_1174 = tpu.vector_load %arg8[%swap3A_1173] {strides = array<i32>} : memref<4096xi32, #tpu.memory_space<vmem>>, vector<16xi32>,
      tpu.vector_store %arg8[%swap3A_1173], %broadcast_in_dim3A_10 {strides = array<i32>} : memref<4096xi32, #tpu.memory_space<vmem>>, vector<16xi32>,
      %mul3A_1175 = arith.constant 256 : i32
      %mul3A_1176 = arith.muli %scan3A_1114, %mul3A_1175 : i32
      %add3A_1177 = arith.constant 160 : i32
      %add3A_1178 = arith.addi %mul3A_1176, %add3A_1177 : i32
      %swap3A_1179 = arith.index_cast %add3A_1178 : i32 to index
      %swap3A_1180 = tpu.vector_load %arg8[%swap3A_1179] {strides = array<i32>} : memref<4096xi32, #tpu.memory_space<vmem>>, vector<16xi32>,
      tpu.vector_store %arg8[%swap3A_1179], %broadcast_in_dim3A_10 {strides = array<i32>} : memref<4096xi32, #tpu.memory_space<vmem>>, vector<16xi32>,
      %mul3A_1181 = arith.constant 256 : i32
      %mul3A_1182 = arith.muli %scan3A_1114, %mul3A_1181 : i32
      %add3A_1183 = arith.constant 176 : i32
      %add3A_1184 = arith.addi %mul3A_1182, %add3A_1183 : i32
      %swap3A_1185 = arith.index_cast %add3A_1184 : i32 to index
      %swap3A_1186 = tpu.vector_load %arg8[%swap3A_1185] {strides = array<i32>} : memref<4096xi32, #tpu.memory_space<vmem>>, vector<16xi32>,
      tpu.vector_store %arg8[%swap3A_1185], %broadcast_in_dim3A_10 {strides = array<i32>} : memref<4096xi32, #tpu.memory_space<vmem>>, vector<16xi32>,
      %mul3A_1187 = arith.constant 256 : i32
      %mul3A_1188 = arith.muli %scan3A_1114, %mul3A_1187 : i32
      %add3A_1189 = arith.constant 192 : i32
      %add3A_1190 = arith.addi %mul3A_1188, %add3A_1189 : i32
      %swap3A_1191 = arith.index_cast %add3A_1190 : i32 to index
      %swap3A_1192 = tpu.vector_load %arg8[%swap3A_1191] {strides = array<i32>} : memref<4096xi32, #tpu.memory_space<vmem>>, vector<16xi32>,
      tpu.vector_store %arg8[%swap3A_1191], %broadcast_in_dim3A_10 {strides = array<i32>} : memref<4096xi32, #tpu.memory_space<vmem>>, vector<16xi32>,
      %mul3A_1193 = arith.constant 256 : i32
      %mul3A_1194 = arith.muli %scan3A_1114, %mul3A_1193 : i32
      %add3A_1195 = arith.constant 208 : i32
      %add3A_1196 = arith.addi %mul3A_1194, %add3A_1195 : i32
      %swap3A_1197 = arith.index_cast %add3A_1196 : i32 to index
      %swap3A_1198 = tpu.vector_load %arg8[%swap3A_1197] {strides = array<i32>} : memref<4096xi32, #tpu.memory_space<vmem>>, vector<16xi32>,
      tpu.vector_store %arg8[%swap3A_1197], %broadcast_in_dim3A_10 {strides = array<i32>} : memref<4096xi32, #tpu.memory_space<vmem>>, vector<16xi32>,
      %mul3A_1199 = arith.constant 256 : i32
      %mul3A_1200 = arith.muli %scan3A_1114, %mul3A_1199 : i32
      %add3A_1201 = arith.constant 224 : i32
      %add3A_1202 = arith.addi %mul3A_1200, %add3A_1201 : i32
      %swap3A_1203 = arith.index_cast %add3A_1202 : i32 to index
      %swap3A_1204 = tpu.vector_load %arg8[%swap3A_1203] {strides = array<i32>} : memref<4096xi32, #tpu.memory_space<vmem>>, vector<16xi32>,
      tpu.vector_store %arg8[%swap3A_1203], %broadcast_in_dim3A_10 {strides = array<i32>} : memref<4096xi32, #tpu.memory_space<vmem>>, vector<16xi32>,
      %mul3A_1205 = arith.constant 256 : i32
      %mul3A_1206 = arith.muli %scan3A_1114, %mul3A_1205 : i32
      %add3A_1207 = arith.constant 240 : i32
      %add3A_1208 = arith.addi %mul3A_1206, %add3A_1207 : i32
      %swap3A_1209 = arith.index_cast %add3A_1208 : i32 to index
      %swap3A_1210 = tpu.vector_load %arg8[%swap3A_1209] {strides = array<i32>} : memref<4096xi32, #tpu.memory_space<vmem>>, vector<16xi32>,
      tpu.vector_store %arg8[%swap3A_1209], %broadcast_in_dim3A_10 {strides = array<i32>} : memref<4096xi32, #tpu.memory_space<vmem>>, vector<16xi32>,
      %scan3A_1211 = arith.constant 0 : i32
      %scan3A_1212 = arith.constant 12 : i32
      %mul3A_1213 = arith.constant 256 : i32
      %mul3A_1214 = arith.muli %scan3A_1212, %mul3A_1213 : i32
      %add3A_1215 = arith.constant 0 : i32
      %add3A_1216 = arith.addi %mul3A_1214, %add3A_1215 : i32
      %swap3A_1217 = arith.index_cast %add3A_1216 : i32 to index
      %swap3A_1218 = tpu.vector_load %arg8[%swap3A_1217] {strides = array<i32>} : memref<4096xi32, #tpu.memory_space<vmem>>, vector<16xi32>,
      tpu.vector_store %arg8[%swap3A_1217], %broadcast_in_dim3A_10 {strides = array<i32>} : memref<4096xi32, #tpu.memory_space<vmem>>, vector<16xi32>,
      %mul3A_1219 = arith.constant 256 : i32
      %mul3A_1220 = arith.muli %scan3A_1212, %mul3A_1219 : i32
      %add3A_1221 = arith.constant 16 : i32
      %add3A_1222 = arith.addi %mul3A_1220, %add3A_1221 : i32
      %swap3A_1223 = arith.index_cast %add3A_1222 : i32 to index
      %swap3A_1224 = tpu.vector_load %arg8[%swap3A_1223] {strides = array<i32>} : memref<4096xi32, #tpu.memory_space<vmem>>, vector<16xi32>,
      tpu.vector_store %arg8[%swap3A_1223], %broadcast_in_dim3A_10 {strides = array<i32>} : memref<4096xi32, #tpu.memory_space<vmem>>, vector<16xi32>,
      %mul3A_1225 = arith.constant 256 : i32
      %mul3A_1226 = arith.muli %scan3A_1212, %mul3A_1225 : i32
      %add3A_1227 = arith.constant 32 : i32
      %add3A_1228 = arith.addi %mul3A_1226, %add3A_1227 : i32
      %swap3A_1229 = arith.index_cast %add3A_1228 : i32 to index
      %swap3A_1230 = tpu.vector_load %arg8[%swap3A_1229] {strides = array<i32>} : memref<4096xi32, #tpu.memory_space<vmem>>, vector<16xi32>,
      tpu.vector_store %arg8[%swap3A_1229], %broadcast_in_dim3A_10 {strides = array<i32>} : memref<4096xi32, #tpu.memory_space<vmem>>, vector<16xi32>,
      %mul3A_1231 = arith.constant 256 : i32
      %mul3A_1232 = arith.muli %scan3A_1212, %mul3A_1231 : i32
      %add3A_1233 = arith.constant 48 : i32
      %add3A_1234 = arith.addi %mul3A_1232, %add3A_1233 : i32
      %swap3A_1235 = arith.index_cast %add3A_1234 : i32 to index
      %swap3A_1236 = tpu.vector_load %arg8[%swap3A_1235] {strides = array<i32>} : memref<4096xi32, #tpu.memory_space<vmem>>, vector<16xi32>,
      tpu.vector_store %arg8[%swap3A_1235], %broadcast_in_dim3A_10 {strides = array<i32>} : memref<4096xi32, #tpu.memory_space<vmem>>, vector<16xi32>,
      %mul3A_1237 = arith.constant 256 : i32
      %mul3A_1238 = arith.muli %scan3A_1212, %mul3A_1237 : i32
      %add3A_1239 = arith.constant 64 : i32
      %add3A_1240 = arith.addi %mul3A_1238, %add3A_1239 : i32
      %swap3A_1241 = arith.index_cast %add3A_1240 : i32 to index
      %swap3A_1242 = tpu.vector_load %arg8[%swap3A_1241] {strides = array<i32>} : memref<4096xi32, #tpu.memory_space<vmem>>, vector<16xi32>,
      tpu.vector_store %arg8[%swap3A_1241], %broadcast_in_dim3A_10 {strides = array<i32>} : memref<4096xi32, #tpu.memory_space<vmem>>, vector<16xi32>,
      %mul3A_1243 = arith.constant 256 : i32
      %mul3A_1244 = arith.muli %scan3A_1212, %mul3A_1243 : i32
      %add3A_1245 = arith.constant 80 : i32
      %add3A_1246 = arith.addi %mul3A_1244, %add3A_1245 : i32
      %swap3A_1247 = arith.index_cast %add3A_1246 : i32 to index
      %swap3A_1248 = tpu.vector_load %arg8[%swap3A_1247] {strides = array<i32>} : memref<4096xi32, #tpu.memory_space<vmem>>, vector<16xi32>,
      tpu.vector_store %arg8[%swap3A_1247], %broadcast_in_dim3A_10 {strides = array<i32>} : memref<4096xi32, #tpu.memory_space<vmem>>, vector<16xi32>,
      %mul3A_1249 = arith.constant 256 : i32
      %mul3A_1250 = arith.muli %scan3A_1212, %mul3A_1249 : i32
      %add3A_1251 = arith.constant 96 : i32
      %add3A_1252 = arith.addi %mul3A_1250, %add3A_1251 : i32
      %swap3A_1253 = arith.index_cast %add3A_1252 : i32 to index
      %swap3A_1254 = tpu.vector_load %arg8[%swap3A_1253] {strides = array<i32>} : memref<4096xi32, #tpu.memory_space<vmem>>, vector<16xi32>,
      tpu.vector_store %arg8[%swap3A_1253], %broadcast_in_dim3A_10 {strides = array<i32>} : memref<4096xi32, #tpu.memory_space<vmem>>, vector<16xi32>,
      %mul3A_1255 = arith.constant 256 : i32
      %mul3A_1256 = arith.muli %scan3A_1212, %mul3A_1255 : i32
      %add3A_1257 = arith.constant 112 : i32
      %add3A_1258 = arith.addi %mul3A_1256, %add3A_1257 : i32
      %swap3A_1259 = arith.index_cast %add3A_1258 : i32 to index
      %swap3A_1260 = tpu.vector_load %arg8[%swap3A_1259] {strides = array<i32>} : memref<4096xi32, #tpu.memory_space<vmem>>, vector<16xi32>,
      tpu.vector_store %arg8[%swap3A_1259], %broadcast_in_dim3A_10 {strides = array<i32>} : memref<4096xi32, #tpu.memory_space<vmem>>, vector<16xi32>,
      %mul3A_1261 = arith.constant 256 : i32
      %mul3A_1262 = arith.muli %scan3A_1212, %mul3A_1261 : i32
      %add3A_1263 = arith.constant 128 : i32
      %add3A_1264 = arith.addi %mul3A_1262, %add3A_1263 : i32
      %swap3A_1265 = arith.index_cast %add3A_1264 : i32 to index
      %swap3A_1266 = tpu.vector_load %arg8[%swap3A_1265] {strides = array<i32>} : memref<4096xi32, #tpu.memory_space<vmem>>, vector<16xi32>,
      tpu.vector_store %arg8[%swap3A_1265], %broadcast_in_dim3A_10 {strides = array<i32>} : memref<4096xi32, #tpu.memory_space<vmem>>, vector<16xi32>,
      %mul3A_1267 = arith.constant 256 : i32
      %mul3A_1268 = arith.muli %scan3A_1212, %mul3A_1267 : i32
      %add3A_1269 = arith.constant 144 : i32
      %add3A_1270 = arith.addi %mul3A_1268, %add3A_1269 : i32
      %swap3A_1271 = arith.index_cast %add3A_1270 : i32 to index
      %swap3A_1272 = tpu.vector_load %arg8[%swap3A_1271] {strides = array<i32>} : memref<4096xi32, #tpu.memory_space<vmem>>, vector<16xi32>,
      tpu.vector_store %arg8[%swap3A_1271], %broadcast_in_dim3A_10 {strides = array<i32>} : memref<4096xi32, #tpu.memory_space<vmem>>, vector<16xi32>,
      %mul3A_1273 = arith.constant 256 : i32
      %mul3A_1274 = arith.muli %scan3A_1212, %mul3A_1273 : i32
      %add3A_1275 = arith.constant 160 : i32
      %add3A_1276 = arith.addi %mul3A_1274, %add3A_1275 : i32
      %swap3A_1277 = arith.index_cast %add3A_1276 : i32 to index
      %swap3A_1278 = tpu.vector_load %arg8[%swap3A_1277] {strides = array<i32>} : memref<4096xi32, #tpu.memory_space<vmem>>, vector<16xi32>,
      tpu.vector_store %arg8[%swap3A_1277], %broadcast_in_dim3A_10 {strides = array<i32>} : memref<4096xi32, #tpu.memory_space<vmem>>, vector<16xi32>,
      %mul3A_1279 = arith.constant 256 : i32
      %mul3A_1280 = arith.muli %scan3A_1212, %mul3A_1279 : i32
      %add3A_1281 = arith.constant 176 : i32
      %add3A_1282 = arith.addi %mul3A_1280, %add3A_1281 : i32
      %swap3A_1283 = arith.index_cast %add3A_1282 : i32 to index
      %swap3A_1284 = tpu.vector_load %arg8[%swap3A_1283] {strides = array<i32>} : memref<4096xi32, #tpu.memory_space<vmem>>, vector<16xi32>,
      tpu.vector_store %arg8[%swap3A_1283], %broadcast_in_dim3A_10 {strides = array<i32>} : memref<4096xi32, #tpu.memory_space<vmem>>, vector<16xi32>,
      %mul3A_1285 = arith.constant 256 : i32
      %mul3A_1286 = arith.muli %scan3A_1212, %mul3A_1285 : i32
      %add3A_1287 = arith.constant 192 : i32
      %add3A_1288 = arith.addi %mul3A_1286, %add3A_1287 : i32
      %swap3A_1289 = arith.index_cast %add3A_1288 : i32 to index
      %swap3A_1290 = tpu.vector_load %arg8[%swap3A_1289] {strides = array<i32>} : memref<4096xi32, #tpu.memory_space<vmem>>, vector<16xi32>,
      tpu.vector_store %arg8[%swap3A_1289], %broadcast_in_dim3A_10 {strides = array<i32>} : memref<4096xi32, #tpu.memory_space<vmem>>, vector<16xi32>,
      %mul3A_1291 = arith.constant 256 : i32
      %mul3A_1292 = arith.muli %scan3A_1212, %mul3A_1291 : i32
      %add3A_1293 = arith.constant 208 : i32
      %add3A_1294 = arith.addi %mul3A_1292, %add3A_1293 : i32
      %swap3A_1295 = arith.index_cast %add3A_1294 : i32 to index
      %swap3A_1296 = tpu.vector_load %arg8[%swap3A_1295] {strides = array<i32>} : memref<4096xi32, #tpu.memory_space<vmem>>, vector<16xi32>,
      tpu.vector_store %arg8[%swap3A_1295], %broadcast_in_dim3A_10 {strides = array<i32>} : memref<4096xi32, #tpu.memory_space<vmem>>, vector<16xi32>,
      %mul3A_1297 = arith.constant 256 : i32
      %mul3A_1298 = arith.muli %scan3A_1212, %mul3A_1297 : i32
      %add3A_1299 = arith.constant 224 : i32
      %add3A_1300 = arith.addi %mul3A_1298, %add3A_1299 : i32
      %swap3A_1301 = arith.index_cast %add3A_1300 : i32 to index
      %swap3A_1302 = tpu.vector_load %arg8[%swap3A_1301] {strides = array<i32>} : memref<4096xi32, #tpu.memory_space<vmem>>, vector<16xi32>,
      tpu.vector_store %arg8[%swap3A_1301], %broadcast_in_dim3A_10 {strides = array<i32>} : memref<4096xi32, #tpu.memory_space<vmem>>, vector<16xi32>,
      %mul3A_1303 = arith.constant 256 : i32
      %mul3A_1304 = arith.muli %scan3A_1212, %mul3A_1303 : i32
      %add3A_1305 = arith.constant 240 : i32
      %add3A_1306 = arith.addi %mul3A_1304, %add3A_1305 : i32
      %swap3A_1307 = arith.index_cast %add3A_1306 : i32 to index
      %swap3A_1308 = tpu.vector_load %arg8[%swap3A_1307] {strides = array<i32>} : memref<4096xi32, #tpu.memory_space<vmem>>, vector<16xi32>,
      tpu.vector_store %arg8[%swap3A_1307], %broadcast_in_dim3A_10 {strides = array<i32>} : memref<4096xi32, #tpu.memory_space<vmem>>, vector<16xi32>,
      %scan3A_1309 = arith.constant 0 : i32
      %scan3A_1310 = arith.constant 13 : i32
      %mul3A_1311 = arith.constant 256 : i32
      %mul3A_1312 = arith.muli %scan3A_1310, %mul3A_1311 : i32
      %add3A_1313 = arith.constant 0 : i32
      %add3A_1314 = arith.addi %mul3A_1312, %add3A_1313 : i32
      %swap3A_1315 = arith.index_cast %add3A_1314 : i32 to index
      %swap3A_1316 = tpu.vector_load %arg8[%swap3A_1315] {strides = array<i32>} : memref<4096xi32, #tpu.memory_space<vmem>>, vector<16xi32>,
      tpu.vector_store %arg8[%swap3A_1315], %broadcast_in_dim3A_10 {strides = array<i32>} : memref<4096xi32, #tpu.memory_space<vmem>>, vector<16xi32>,
      %mul3A_1317 = arith.constant 256 : i32
      %mul3A_1318 = arith.muli %scan3A_1310, %mul3A_1317 : i32
      %add3A_1319 = arith.constant 16 : i32
      %add3A_1320 = arith.addi %mul3A_1318, %add3A_1319 : i32
      %swap3A_1321 = arith.index_cast %add3A_1320 : i32 to index
      %swap3A_1322 = tpu.vector_load %arg8[%swap3A_1321] {strides = array<i32>} : memref<4096xi32, #tpu.memory_space<vmem>>, vector<16xi32>,
      tpu.vector_store %arg8[%swap3A_1321], %broadcast_in_dim3A_10 {strides = array<i32>} : memref<4096xi32, #tpu.memory_space<vmem>>, vector<16xi32>,
      %mul3A_1323 = arith.constant 256 : i32
      %mul3A_1324 = arith.muli %scan3A_1310, %mul3A_1323 : i32
      %add3A_1325 = arith.constant 32 : i32
      %add3A_1326 = arith.addi %mul3A_1324, %add3A_1325 : i32
      %swap3A_1327 = arith.index_cast %add3A_1326 : i32 to index
      %swap3A_1328 = tpu.vector_load %arg8[%swap3A_1327] {strides = array<i32>} : memref<4096xi32, #tpu.memory_space<vmem>>, vector<16xi32>,
      tpu.vector_store %arg8[%swap3A_1327], %broadcast_in_dim3A_10 {strides = array<i32>} : memref<4096xi32, #tpu.memory_space<vmem>>, vector<16xi32>,
      %mul3A_1329 = arith.constant 256 : i32
      %mul3A_1330 = arith.muli %scan3A_1310, %mul3A_1329 : i32
      %add3A_1331 = arith.constant 48 : i32
      %add3A_1332 = arith.addi %mul3A_1330, %add3A_1331 : i32
      %swap3A_1333 = arith.index_cast %add3A_1332 : i32 to index
      %swap3A_1334 = tpu.vector_load %arg8[%swap3A_1333] {strides = array<i32>} : memref<4096xi32, #tpu.memory_space<vmem>>, vector<16xi32>,
      tpu.vector_store %arg8[%swap3A_1333], %broadcast_in_dim3A_10 {strides = array<i32>} : memref<4096xi32, #tpu.memory_space<vmem>>, vector<16xi32>,
      %mul3A_1335 = arith.constant 256 : i32
      %mul3A_1336 = arith.muli %scan3A_1310, %mul3A_1335 : i32
      %add3A_1337 = arith.constant 64 : i32
      %add3A_1338 = arith.addi %mul3A_1336, %add3A_1337 : i32
      %swap3A_1339 = arith.index_cast %add3A_1338 : i32 to index
      %swap3A_1340 = tpu.vector_load %arg8[%swap3A_1339] {strides = array<i32>} : memref<4096xi32, #tpu.memory_space<vmem>>, vector<16xi32>,
      tpu.vector_store %arg8[%swap3A_1339], %broadcast_in_dim3A_10 {strides = array<i32>} : memref<4096xi32, #tpu.memory_space<vmem>>, vector<16xi32>,
      %mul3A_1341 = arith.constant 256 : i32
      %mul3A_1342 = arith.muli %scan3A_1310, %mul3A_1341 : i32
      %add3A_1343 = arith.constant 80 : i32
      %add3A_1344 = arith.addi %mul3A_1342, %add3A_1343 : i32
      %swap3A_1345 = arith.index_cast %add3A_1344 : i32 to index
      %swap3A_1346 = tpu.vector_load %arg8[%swap3A_1345] {strides = array<i32>} : memref<4096xi32, #tpu.memory_space<vmem>>, vector<16xi32>,
      tpu.vector_store %arg8[%swap3A_1345], %broadcast_in_dim3A_10 {strides = array<i32>} : memref<4096xi32, #tpu.memory_space<vmem>>, vector<16xi32>,
      %mul3A_1347 = arith.constant 256 : i32
      %mul3A_1348 = arith.muli %scan3A_1310, %mul3A_1347 : i32
      %add3A_1349 = arith.constant 96 : i32
      %add3A_1350 = arith.addi %mul3A_1348, %add3A_1349 : i32
      %swap3A_1351 = arith.index_cast %add3A_1350 : i32 to index
      %swap3A_1352 = tpu.vector_load %arg8[%swap3A_1351] {strides = array<i32>} : memref<4096xi32, #tpu.memory_space<vmem>>, vector<16xi32>,
      tpu.vector_store %arg8[%swap3A_1351], %broadcast_in_dim3A_10 {strides = array<i32>} : memref<4096xi32, #tpu.memory_space<vmem>>, vector<16xi32>,
      %mul3A_1353 = arith.constant 256 : i32
      %mul3A_1354 = arith.muli %scan3A_1310, %mul3A_1353 : i32
      %add3A_1355 = arith.constant 112 : i32
      %add3A_1356 = arith.addi %mul3A_1354, %add3A_1355 : i32
      %swap3A_1357 = arith.index_cast %add3A_1356 : i32 to index
      %swap3A_1358 = tpu.vector_load %arg8[%swap3A_1357] {strides = array<i32>} : memref<4096xi32, #tpu.memory_space<vmem>>, vector<16xi32>,
      tpu.vector_store %arg8[%swap3A_1357], %broadcast_in_dim3A_10 {strides = array<i32>} : memref<4096xi32, #tpu.memory_space<vmem>>, vector<16xi32>,
      %mul3A_1359 = arith.constant 256 : i32
      %mul3A_1360 = arith.muli %scan3A_1310, %mul3A_1359 : i32
      %add3A_1361 = arith.constant 128 : i32
      %add3A_1362 = arith.addi %mul3A_1360, %add3A_1361 : i32
      %swap3A_1363 = arith.index_cast %add3A_1362 : i32 to index
      %swap3A_1364 = tpu.vector_load %arg8[%swap3A_1363] {strides = array<i32>} : memref<4096xi32, #tpu.memory_space<vmem>>, vector<16xi32>,
      tpu.vector_store %arg8[%swap3A_1363], %broadcast_in_dim3A_10 {strides = array<i32>} : memref<4096xi32, #tpu.memory_space<vmem>>, vector<16xi32>,
      %mul3A_1365 = arith.constant 256 : i32
      %mul3A_1366 = arith.muli %scan3A_1310, %mul3A_1365 : i32
      %add3A_1367 = arith.constant 144 : i32
      %add3A_1368 = arith.addi %mul3A_1366, %add3A_1367 : i32
      %swap3A_1369 = arith.index_cast %add3A_1368 : i32 to index
      %swap3A_1370 = tpu.vector_load %arg8[%swap3A_1369] {strides = array<i32>} : memref<4096xi32, #tpu.memory_space<vmem>>, vector<16xi32>,
      tpu.vector_store %arg8[%swap3A_1369], %broadcast_in_dim3A_10 {strides = array<i32>} : memref<4096xi32, #tpu.memory_space<vmem>>, vector<16xi32>,
      %mul3A_1371 = arith.constant 256 : i32
      %mul3A_1372 = arith.muli %scan3A_1310, %mul3A_1371 : i32
      %add3A_1373 = arith.constant 160 : i32
      %add3A_1374 = arith.addi %mul3A_1372, %add3A_1373 : i32
      %swap3A_1375 = arith.index_cast %add3A_1374 : i32 to index
      %swap3A_1376 = tpu.vector_load %arg8[%swap3A_1375] {strides = array<i32>} : memref<4096xi32, #tpu.memory_space<vmem>>, vector<16xi32>,
      tpu.vector_store %arg8[%swap3A_1375], %broadcast_in_dim3A_10 {strides = array<i32>} : memref<4096xi32, #tpu.memory_space<vmem>>, vector<16xi32>,
      %mul3A_1377 = arith.constant 256 : i32
      %mul3A_1378 = arith.muli %scan3A_1310, %mul3A_1377 : i32
      %add3A_1379 = arith.constant 176 : i32
      %add3A_1380 = arith.addi %mul3A_1378, %add3A_1379 : i32
      %swap3A_1381 = arith.index_cast %add3A_1380 : i32 to index
      %swap3A_1382 = tpu.vector_load %arg8[%swap3A_1381] {strides = array<i32>} : memref<4096xi32, #tpu.memory_space<vmem>>, vector<16xi32>,
      tpu.vector_store %arg8[%swap3A_1381], %broadcast_in_dim3A_10 {strides = array<i32>} : memref<4096xi32, #tpu.memory_space<vmem>>, vector<16xi32>,
      %mul3A_1383 = arith.constant 256 : i32
      %mul3A_1384 = arith.muli %scan3A_1310, %mul3A_1383 : i32
      %add3A_1385 = arith.constant 192 : i32
      %add3A_1386 = arith.addi %mul3A_1384, %add3A_1385 : i32
      %swap3A_1387 = arith.index_cast %add3A_1386 : i32 to index
      %swap3A_1388 = tpu.vector_load %arg8[%swap3A_1387] {strides = array<i32>} : memref<4096xi32, #tpu.memory_space<vmem>>, vector<16xi32>,
      tpu.vector_store %arg8[%swap3A_1387], %broadcast_in_dim3A_10 {strides = array<i32>} : memref<4096xi32, #tpu.memory_space<vmem>>, vector<16xi32>,
      %mul3A_1389 = arith.constant 256 : i32
      %mul3A_1390 = arith.muli %scan3A_1310, %mul3A_1389 : i32
      %add3A_1391 = arith.constant 208 : i32
      %add3A_1392 = arith.addi %mul3A_1390, %add3A_1391 : i32
      %swap3A_1393 = arith.index_cast %add3A_1392 : i32 to index
      %swap3A_1394 = tpu.vector_load %arg8[%swap3A_1393] {strides = array<i32>} : memref<4096xi32, #tpu.memory_space<vmem>>, vector<16xi32>,
      tpu.vector_store %arg8[%swap3A_1393], %broadcast_in_dim3A_10 {strides = array<i32>} : memref<4096xi32, #tpu.memory_space<vmem>>, vector<16xi32>,
      %mul3A_1395 = arith.constant 256 : i32
      %mul3A_1396 = arith.muli %scan3A_1310, %mul3A_1395 : i32
      %add3A_1397 = arith.constant 224 : i32
      %add3A_1398 = arith.addi %mul3A_1396, %add3A_1397 : i32
      %swap3A_1399 = arith.index_cast %add3A_1398 : i32 to index
      %swap3A_1400 = tpu.vector_load %arg8[%swap3A_1399] {strides = array<i32>} : memref<4096xi32, #tpu.memory_space<vmem>>, vector<16xi32>,
      tpu.vector_store %arg8[%swap3A_1399], %broadcast_in_dim3A_10 {strides = array<i32>} : memref<4096xi32, #tpu.memory_space<vmem>>, vector<16xi32>,
      %mul3A_1401 = arith.constant 256 : i32
      %mul3A_1402 = arith.muli %scan3A_1310, %mul3A_1401 : i32
      %add3A_1403 = arith.constant 240 : i32
      %add3A_1404 = arith.addi %mul3A_1402, %add3A_1403 : i32
      %swap3A_1405 = arith.index_cast %add3A_1404 : i32 to index
      %swap3A_1406 = tpu.vector_load %arg8[%swap3A_1405] {strides = array<i32>} : memref<4096xi32, #tpu.memory_space<vmem>>, vector<16xi32>,
      tpu.vector_store %arg8[%swap3A_1405], %broadcast_in_dim3A_10 {strides = array<i32>} : memref<4096xi32, #tpu.memory_space<vmem>>, vector<16xi32>,
      %scan3A_1407 = arith.constant 0 : i32
      %scan3A_1408 = arith.constant 14 : i32
      %mul3A_1409 = arith.constant 256 : i32
      %mul3A_1410 = arith.muli %scan3A_1408, %mul3A_1409 : i32
      %add3A_1411 = arith.constant 0 : i32
      %add3A_1412 = arith.addi %mul3A_1410, %add3A_1411 : i32
      %swap3A_1413 = arith.index_cast %add3A_1412 : i32 to index
      %swap3A_1414 = tpu.vector_load %arg8[%swap3A_1413] {strides = array<i32>} : memref<4096xi32, #tpu.memory_space<vmem>>, vector<16xi32>,
      tpu.vector_store %arg8[%swap3A_1413], %broadcast_in_dim3A_10 {strides = array<i32>} : memref<4096xi32, #tpu.memory_space<vmem>>, vector<16xi32>,
      %mul3A_1415 = arith.constant 256 : i32
      %mul3A_1416 = arith.muli %scan3A_1408, %mul3A_1415 : i32
      %add3A_1417 = arith.constant 16 : i32
      %add3A_1418 = arith.addi %mul3A_1416, %add3A_1417 : i32
      %swap3A_1419 = arith.index_cast %add3A_1418 : i32 to index
      %swap3A_1420 = tpu.vector_load %arg8[%swap3A_1419] {strides = array<i32>} : memref<4096xi32, #tpu.memory_space<vmem>>, vector<16xi32>,
      tpu.vector_store %arg8[%swap3A_1419], %broadcast_in_dim3A_10 {strides = array<i32>} : memref<4096xi32, #tpu.memory_space<vmem>>, vector<16xi32>,
      %mul3A_1421 = arith.constant 256 : i32
      %mul3A_1422 = arith.muli %scan3A_1408, %mul3A_1421 : i32
      %add3A_1423 = arith.constant 32 : i32
      %add3A_1424 = arith.addi %mul3A_1422, %add3A_1423 : i32
      %swap3A_1425 = arith.index_cast %add3A_1424 : i32 to index
      %swap3A_1426 = tpu.vector_load %arg8[%swap3A_1425] {strides = array<i32>} : memref<4096xi32, #tpu.memory_space<vmem>>, vector<16xi32>,
      tpu.vector_store %arg8[%swap3A_1425], %broadcast_in_dim3A_10 {strides = array<i32>} : memref<4096xi32, #tpu.memory_space<vmem>>, vector<16xi32>,
      %mul3A_1427 = arith.constant 256 : i32
      %mul3A_1428 = arith.muli %scan3A_1408, %mul3A_1427 : i32
      %add3A_1429 = arith.constant 48 : i32
      %add3A_1430 = arith.addi %mul3A_1428, %add3A_1429 : i32
      %swap3A_1431 = arith.index_cast %add3A_1430 : i32 to index
      %swap3A_1432 = tpu.vector_load %arg8[%swap3A_1431] {strides = array<i32>} : memref<4096xi32, #tpu.memory_space<vmem>>, vector<16xi32>,
      tpu.vector_store %arg8[%swap3A_1431], %broadcast_in_dim3A_10 {strides = array<i32>} : memref<4096xi32, #tpu.memory_space<vmem>>, vector<16xi32>,
      %mul3A_1433 = arith.constant 256 : i32
      %mul3A_1434 = arith.muli %scan3A_1408, %mul3A_1433 : i32
      %add3A_1435 = arith.constant 64 : i32
      %add3A_1436 = arith.addi %mul3A_1434, %add3A_1435 : i32
      %swap3A_1437 = arith.index_cast %add3A_1436 : i32 to index
      %swap3A_1438 = tpu.vector_load %arg8[%swap3A_1437] {strides = array<i32>} : memref<4096xi32, #tpu.memory_space<vmem>>, vector<16xi32>,
      tpu.vector_store %arg8[%swap3A_1437], %broadcast_in_dim3A_10 {strides = array<i32>} : memref<4096xi32, #tpu.memory_space<vmem>>, vector<16xi32>,
      %mul3A_1439 = arith.constant 256 : i32
      %mul3A_1440 = arith.muli %scan3A_1408, %mul3A_1439 : i32
      %add3A_1441 = arith.constant 80 : i32
      %add3A_1442 = arith.addi %mul3A_1440, %add3A_1441 : i32
      %swap3A_1443 = arith.index_cast %add3A_1442 : i32 to index
      %swap3A_1444 = tpu.vector_load %arg8[%swap3A_1443] {strides = array<i32>} : memref<4096xi32, #tpu.memory_space<vmem>>, vector<16xi32>,
      tpu.vector_store %arg8[%swap3A_1443], %broadcast_in_dim3A_10 {strides = array<i32>} : memref<4096xi32, #tpu.memory_space<vmem>>, vector<16xi32>,
      %mul3A_1445 = arith.constant 256 : i32
      %mul3A_1446 = arith.muli %scan3A_1408, %mul3A_1445 : i32
      %add3A_1447 = arith.constant 96 : i32
      %add3A_1448 = arith.addi %mul3A_1446, %add3A_1447 : i32
      %swap3A_1449 = arith.index_cast %add3A_1448 : i32 to index
      %swap3A_1450 = tpu.vector_load %arg8[%swap3A_1449] {strides = array<i32>} : memref<4096xi32, #tpu.memory_space<vmem>>, vector<16xi32>,
      tpu.vector_store %arg8[%swap3A_1449], %broadcast_in_dim3A_10 {strides = array<i32>} : memref<4096xi32, #tpu.memory_space<vmem>>, vector<16xi32>,
      %mul3A_1451 = arith.constant 256 : i32
      %mul3A_1452 = arith.muli %scan3A_1408, %mul3A_1451 : i32
      %add3A_1453 = arith.constant 112 : i32
      %add3A_1454 = arith.addi %mul3A_1452, %add3A_1453 : i32
      %swap3A_1455 = arith.index_cast %add3A_1454 : i32 to index
      %swap3A_1456 = tpu.vector_load %arg8[%swap3A_1455] {strides = array<i32>} : memref<4096xi32, #tpu.memory_space<vmem>>, vector<16xi32>,
      tpu.vector_store %arg8[%swap3A_1455], %broadcast_in_dim3A_10 {strides = array<i32>} : memref<4096xi32, #tpu.memory_space<vmem>>, vector<16xi32>,
      %mul3A_1457 = arith.constant 256 : i32
      %mul3A_1458 = arith.muli %scan3A_1408, %mul3A_1457 : i32
      %add3A_1459 = arith.constant 128 : i32
      %add3A_1460 = arith.addi %mul3A_1458, %add3A_1459 : i32
      %swap3A_1461 = arith.index_cast %add3A_1460 : i32 to index
      %swap3A_1462 = tpu.vector_load %arg8[%swap3A_1461] {strides = array<i32>} : memref<4096xi32, #tpu.memory_space<vmem>>, vector<16xi32>,
      tpu.vector_store %arg8[%swap3A_1461], %broadcast_in_dim3A_10 {strides = array<i32>} : memref<4096xi32, #tpu.memory_space<vmem>>, vector<16xi32>,
      %mul3A_1463 = arith.constant 256 : i32
      %mul3A_1464 = arith.muli %scan3A_1408, %mul3A_1463 : i32
      %add3A_1465 = arith.constant 144 : i32
      %add3A_1466 = arith.addi %mul3A_1464, %add3A_1465 : i32
      %swap3A_1467 = arith.index_cast %add3A_1466 : i32 to index
      %swap3A_1468 = tpu.vector_load %arg8[%swap3A_1467] {strides = array<i32>} : memref<4096xi32, #tpu.memory_space<vmem>>, vector<16xi32>,
      tpu.vector_store %arg8[%swap3A_1467], %broadcast_in_dim3A_10 {strides = array<i32>} : memref<4096xi32, #tpu.memory_space<vmem>>, vector<16xi32>,
      %mul3A_1469 = arith.constant 256 : i32
      %mul3A_1470 = arith.muli %scan3A_1408, %mul3A_1469 : i32
      %add3A_1471 = arith.constant 160 : i32
      %add3A_1472 = arith.addi %mul3A_1470, %add3A_1471 : i32
      %swap3A_1473 = arith.index_cast %add3A_1472 : i32 to index
      %swap3A_1474 = tpu.vector_load %arg8[%swap3A_1473] {strides = array<i32>} : memref<4096xi32, #tpu.memory_space<vmem>>, vector<16xi32>,
      tpu.vector_store %arg8[%swap3A_1473], %broadcast_in_dim3A_10 {strides = array<i32>} : memref<4096xi32, #tpu.memory_space<vmem>>, vector<16xi32>,
      %mul3A_1475 = arith.constant 256 : i32
      %mul3A_1476 = arith.muli %scan3A_1408, %mul3A_1475 : i32
      %add3A_1477 = arith.constant 176 : i32
      %add3A_1478 = arith.addi %mul3A_1476, %add3A_1477 : i32
      %swap3A_1479 = arith.index_cast %add3A_1478 : i32 to index
      %swap3A_1480 = tpu.vector_load %arg8[%swap3A_1479] {strides = array<i32>} : memref<4096xi32, #tpu.memory_space<vmem>>, vector<16xi32>,
      tpu.vector_store %arg8[%swap3A_1479], %broadcast_in_dim3A_10 {strides = array<i32>} : memref<4096xi32, #tpu.memory_space<vmem>>, vector<16xi32>,
      %mul3A_1481 = arith.constant 256 : i32
      %mul3A_1482 = arith.muli %scan3A_1408, %mul3A_1481 : i32
      %add3A_1483 = arith.constant 192 : i32
      %add3A_1484 = arith.addi %mul3A_1482, %add3A_1483 : i32
      %swap3A_1485 = arith.index_cast %add3A_1484 : i32 to index
      %swap3A_1486 = tpu.vector_load %arg8[%swap3A_1485] {strides = array<i32>} : memref<4096xi32, #tpu.memory_space<vmem>>, vector<16xi32>,
      tpu.vector_store %arg8[%swap3A_1485], %broadcast_in_dim3A_10 {strides = array<i32>} : memref<4096xi32, #tpu.memory_space<vmem>>, vector<16xi32>,
      %mul3A_1487 = arith.constant 256 : i32
      %mul3A_1488 = arith.muli %scan3A_1408, %mul3A_1487 : i32
      %add3A_1489 = arith.constant 208 : i32
      %add3A_1490 = arith.addi %mul3A_1488, %add3A_1489 : i32
      %swap3A_1491 = arith.index_cast %add3A_1490 : i32 to index
      %swap3A_1492 = tpu.vector_load %arg8[%swap3A_1491] {strides = array<i32>} : memref<4096xi32, #tpu.memory_space<vmem>>, vector<16xi32>,
      tpu.vector_store %arg8[%swap3A_1491], %broadcast_in_dim3A_10 {strides = array<i32>} : memref<4096xi32, #tpu.memory_space<vmem>>, vector<16xi32>,
      %mul3A_1493 = arith.constant 256 : i32
      %mul3A_1494 = arith.muli %scan3A_1408, %mul3A_1493 : i32
      %add3A_1495 = arith.constant 224 : i32
      %add3A_1496 = arith.addi %mul3A_1494, %add3A_1495 : i32
      %swap3A_1497 = arith.index_cast %add3A_1496 : i32 to index
      %swap3A_1498 = tpu.vector_load %arg8[%swap3A_1497] {strides = array<i32>} : memref<4096xi32, #tpu.memory_space<vmem>>, vector<16xi32>,
      tpu.vector_store %arg8[%swap3A_1497], %broadcast_in_dim3A_10 {strides = array<i32>} : memref<4096xi32, #tpu.memory_space<vmem>>, vector<16xi32>,
      %mul3A_1499 = arith.constant 256 : i32
      %mul3A_1500 = arith.muli %scan3A_1408, %mul3A_1499 : i32
      %add3A_1501 = arith.constant 240 : i32
      %add3A_1502 = arith.addi %mul3A_1500, %add3A_1501 : i32
      %swap3A_1503 = arith.index_cast %add3A_1502 : i32 to index
      %swap3A_1504 = tpu.vector_load %arg8[%swap3A_1503] {strides = array<i32>} : memref<4096xi32, #tpu.memory_space<vmem>>, vector<16xi32>,
      tpu.vector_store %arg8[%swap3A_1503], %broadcast_in_dim3A_10 {strides = array<i32>} : memref<4096xi32, #tpu.memory_space<vmem>>, vector<16xi32>,
      %scan3A_1505 = arith.constant 0 : i32
      %scan3A_1506 = arith.constant 15 : i32
      %mul3A_1507 = arith.constant 256 : i32
      %mul3A_1508 = arith.muli %scan3A_1506, %mul3A_1507 : i32
      %add3A_1509 = arith.constant 0 : i32
      %add3A_1510 = arith.addi %mul3A_1508, %add3A_1509 : i32
      %swap3A_1511 = arith.index_cast %add3A_1510 : i32 to index
      %swap3A_1512 = tpu.vector_load %arg8[%swap3A_1511] {strides = array<i32>} : memref<4096xi32, #tpu.memory_space<vmem>>, vector<16xi32>,
      tpu.vector_store %arg8[%swap3A_1511], %broadcast_in_dim3A_10 {strides = array<i32>} : memref<4096xi32, #tpu.memory_space<vmem>>, vector<16xi32>,
      %mul3A_1513 = arith.constant 256 : i32
      %mul3A_1514 = arith.muli %scan3A_1506, %mul3A_1513 : i32
      %add3A_1515 = arith.constant 16 : i32
      %add3A_1516 = arith.addi %mul3A_1514, %add3A_1515 : i32
      %swap3A_1517 = arith.index_cast %add3A_1516 : i32 to index
      %swap3A_1518 = tpu.vector_load %arg8[%swap3A_1517] {strides = array<i32>} : memref<4096xi32, #tpu.memory_space<vmem>>, vector<16xi32>,
      tpu.vector_store %arg8[%swap3A_1517], %broadcast_in_dim3A_10 {strides = array<i32>} : memref<4096xi32, #tpu.memory_space<vmem>>, vector<16xi32>,
      %mul3A_1519 = arith.constant 256 : i32
      %mul3A_1520 = arith.muli %scan3A_1506, %mul3A_1519 : i32
      %add3A_1521 = arith.constant 32 : i32
      %add3A_1522 = arith.addi %mul3A_1520, %add3A_1521 : i32
      %swap3A_1523 = arith.index_cast %add3A_1522 : i32 to index
      %swap3A_1524 = tpu.vector_load %arg8[%swap3A_1523] {strides = array<i32>} : memref<4096xi32, #tpu.memory_space<vmem>>, vector<16xi32>,
      tpu.vector_store %arg8[%swap3A_1523], %broadcast_in_dim3A_10 {strides = array<i32>} : memref<4096xi32, #tpu.memory_space<vmem>>, vector<16xi32>,
      %mul3A_1525 = arith.constant 256 : i32
      %mul3A_1526 = arith.muli %scan3A_1506, %mul3A_1525 : i32
      %add3A_1527 = arith.constant 48 : i32
      %add3A_1528 = arith.addi %mul3A_1526, %add3A_1527 : i32
      %swap3A_1529 = arith.index_cast %add3A_1528 : i32 to index
      %swap3A_1530 = tpu.vector_load %arg8[%swap3A_1529] {strides = array<i32>} : memref<4096xi32, #tpu.memory_space<vmem>>, vector<16xi32>,
      tpu.vector_store %arg8[%swap3A_1529], %broadcast_in_dim3A_10 {strides = array<i32>} : memref<4096xi32, #tpu.memory_space<vmem>>, vector<16xi32>,
      %mul3A_1531 = arith.constant 256 : i32
      %mul3A_1532 = arith.muli %scan3A_1506, %mul3A_1531 : i32
      %add3A_1533 = arith.constant 64 : i32
      %add3A_1534 = arith.addi %mul3A_1532, %add3A_1533 : i32
      %swap3A_1535 = arith.index_cast %add3A_1534 : i32 to index
      %swap3A_1536 = tpu.vector_load %arg8[%swap3A_1535] {strides = array<i32>} : memref<4096xi32, #tpu.memory_space<vmem>>, vector<16xi32>,
      tpu.vector_store %arg8[%swap3A_1535], %broadcast_in_dim3A_10 {strides = array<i32>} : memref<4096xi32, #tpu.memory_space<vmem>>, vector<16xi32>,
      %mul3A_1537 = arith.constant 256 : i32
      %mul3A_1538 = arith.muli %scan3A_1506, %mul3A_1537 : i32
      %add3A_1539 = arith.constant 80 : i32
      %add3A_1540 = arith.addi %mul3A_1538, %add3A_1539 : i32
      %swap3A_1541 = arith.index_cast %add3A_1540 : i32 to index
      %swap3A_1542 = tpu.vector_load %arg8[%swap3A_1541] {strides = array<i32>} : memref<4096xi32, #tpu.memory_space<vmem>>, vector<16xi32>,
      tpu.vector_store %arg8[%swap3A_1541], %broadcast_in_dim3A_10 {strides = array<i32>} : memref<4096xi32, #tpu.memory_space<vmem>>, vector<16xi32>,
      %mul3A_1543 = arith.constant 256 : i32
      %mul3A_1544 = arith.muli %scan3A_1506, %mul3A_1543 : i32
      %add3A_1545 = arith.constant 96 : i32
      %add3A_1546 = arith.addi %mul3A_1544, %add3A_1545 : i32
      %swap3A_1547 = arith.index_cast %add3A_1546 : i32 to index
      %swap3A_1548 = tpu.vector_load %arg8[%swap3A_1547] {strides = array<i32>} : memref<4096xi32, #tpu.memory_space<vmem>>, vector<16xi32>,
      tpu.vector_store %arg8[%swap3A_1547], %broadcast_in_dim3A_10 {strides = array<i32>} : memref<4096xi32, #tpu.memory_space<vmem>>, vector<16xi32>,
      %mul3A_1549 = arith.constant 256 : i32
      %mul3A_1550 = arith.muli %scan3A_1506, %mul3A_1549 : i32
      %add3A_1551 = arith.constant 112 : i32
      %add3A_1552 = arith.addi %mul3A_1550, %add3A_1551 : i32
      %swap3A_1553 = arith.index_cast %add3A_1552 : i32 to index
      %swap3A_1554 = tpu.vector_load %arg8[%swap3A_1553] {strides = array<i32>} : memref<4096xi32, #tpu.memory_space<vmem>>, vector<16xi32>,
      tpu.vector_store %arg8[%swap3A_1553], %broadcast_in_dim3A_10 {strides = array<i32>} : memref<4096xi32, #tpu.memory_space<vmem>>, vector<16xi32>,
      %mul3A_1555 = arith.constant 256 : i32
      %mul3A_1556 = arith.muli %scan3A_1506, %mul3A_1555 : i32
      %add3A_1557 = arith.constant 128 : i32
      %add3A_1558 = arith.addi %mul3A_1556, %add3A_1557 : i32
      %swap3A_1559 = arith.index_cast %add3A_1558 : i32 to index
      %swap3A_1560 = tpu.vector_load %arg8[%swap3A_1559] {strides = array<i32>} : memref<4096xi32, #tpu.memory_space<vmem>>, vector<16xi32>,
      tpu.vector_store %arg8[%swap3A_1559], %broadcast_in_dim3A_10 {strides = array<i32>} : memref<4096xi32, #tpu.memory_space<vmem>>, vector<16xi32>,
      %mul3A_1561 = arith.constant 256 : i32
      %mul3A_1562 = arith.muli %scan3A_1506, %mul3A_1561 : i32
      %add3A_1563 = arith.constant 144 : i32
      %add3A_1564 = arith.addi %mul3A_1562, %add3A_1563 : i32
      %swap3A_1565 = arith.index_cast %add3A_1564 : i32 to index
      %swap3A_1566 = tpu.vector_load %arg8[%swap3A_1565] {strides = array<i32>} : memref<4096xi32, #tpu.memory_space<vmem>>, vector<16xi32>,
      tpu.vector_store %arg8[%swap3A_1565], %broadcast_in_dim3A_10 {strides = array<i32>} : memref<4096xi32, #tpu.memory_space<vmem>>, vector<16xi32>,
      %mul3A_1567 = arith.constant 256 : i32
      %mul3A_1568 = arith.muli %scan3A_1506, %mul3A_1567 : i32
      %add3A_1569 = arith.constant 160 : i32
      %add3A_1570 = arith.addi %mul3A_1568, %add3A_1569 : i32
      %swap3A_1571 = arith.index_cast %add3A_1570 : i32 to index
      %swap3A_1572 = tpu.vector_load %arg8[%swap3A_1571] {strides = array<i32>} : memref<4096xi32, #tpu.memory_space<vmem>>, vector<16xi32>,
      tpu.vector_store %arg8[%swap3A_1571], %broadcast_in_dim3A_10 {strides = array<i32>} : memref<4096xi32, #tpu.memory_space<vmem>>, vector<16xi32>,
      %mul3A_1573 = arith.constant 256 : i32
      %mul3A_1574 = arith.muli %scan3A_1506, %mul3A_1573 : i32
      %add3A_1575 = arith.constant 176 : i32
      %add3A_1576 = arith.addi %mul3A_1574, %add3A_1575 : i32
      %swap3A_1577 = arith.index_cast %add3A_1576 : i32 to index
      %swap3A_1578 = tpu.vector_load %arg8[%swap3A_1577] {strides = array<i32>} : memref<4096xi32, #tpu.memory_space<vmem>>, vector<16xi32>,
      tpu.vector_store %arg8[%swap3A_1577], %broadcast_in_dim3A_10 {strides = array<i32>} : memref<4096xi32, #tpu.memory_space<vmem>>, vector<16xi32>,
      %mul3A_1579 = arith.constant 256 : i32
      %mul3A_1580 = arith.muli %scan3A_1506, %mul3A_1579 : i32
      %add3A_1581 = arith.constant 192 : i32
      %add3A_1582 = arith.addi %mul3A_1580, %add3A_1581 : i32
      %swap3A_1583 = arith.index_cast %add3A_1582 : i32 to index
      %swap3A_1584 = tpu.vector_load %arg8[%swap3A_1583] {strides = array<i32>} : memref<4096xi32, #tpu.memory_space<vmem>>, vector<16xi32>,
      tpu.vector_store %arg8[%swap3A_1583], %broadcast_in_dim3A_10 {strides = array<i32>} : memref<4096xi32, #tpu.memory_space<vmem>>, vector<16xi32>,
      %mul3A_1585 = arith.constant 256 : i32
      %mul3A_1586 = arith.muli %scan3A_1506, %mul3A_1585 : i32
      %add3A_1587 = arith.constant 208 : i32
      %add3A_1588 = arith.addi %mul3A_1586, %add3A_1587 : i32
      %swap3A_1589 = arith.index_cast %add3A_1588 : i32 to index
      %swap3A_1590 = tpu.vector_load %arg8[%swap3A_1589] {strides = array<i32>} : memref<4096xi32, #tpu.memory_space<vmem>>, vector<16xi32>,
      tpu.vector_store %arg8[%swap3A_1589], %broadcast_in_dim3A_10 {strides = array<i32>} : memref<4096xi32, #tpu.memory_space<vmem>>, vector<16xi32>,
      %mul3A_1591 = arith.constant 256 : i32
      %mul3A_1592 = arith.muli %scan3A_1506, %mul3A_1591 : i32
      %add3A_1593 = arith.constant 224 : i32
      %add3A_1594 = arith.addi %mul3A_1592, %add3A_1593 : i32
      %swap3A_1595 = arith.index_cast %add3A_1594 : i32 to index
      %swap3A_1596 = tpu.vector_load %arg8[%swap3A_1595] {strides = array<i32>} : memref<4096xi32, #tpu.memory_space<vmem>>, vector<16xi32>,
      tpu.vector_store %arg8[%swap3A_1595], %broadcast_in_dim3A_10 {strides = array<i32>} : memref<4096xi32, #tpu.memory_space<vmem>>, vector<16xi32>,
      %mul3A_1597 = arith.constant 256 : i32
      %mul3A_1598 = arith.muli %scan3A_1506, %mul3A_1597 : i32
      %add3A_1599 = arith.constant 240 : i32
      %add3A_1600 = arith.addi %mul3A_1598, %add3A_1599 : i32
      %swap3A_1601 = arith.index_cast %add3A_1600 : i32 to index
      %swap3A_1602 = tpu.vector_load %arg8[%swap3A_1601] {strides = array<i32>} : memref<4096xi32, #tpu.memory_space<vmem>>, vector<16xi32>,
      tpu.vector_store %arg8[%swap3A_1601], %broadcast_in_dim3A_10 {strides = array<i32>} : memref<4096xi32, #tpu.memory_space<vmem>>, vector<16xi32>,
      %scan3A_1603 = arith.constant 0 : i32
      %scan3A_1604 = arith.constant 16 : i32
      %scan3A_1605 = arith.constant 0 : i32
      %scan3A_1606 = arith.constant 32 : i32
      %scan3A_1607 = arith.addi %scan3A_1605, %scan3A_1606 : i32
      %scan3A_1608 = arith.constant 1 : i32
      %scan3A_1609 = scf.for %scan3A_2776 = %scan3A_1605 to %scan3A_1607 step %scan3A_1608 iter_args(%scan3A_2777 = %broadcast_in_dim3A_8) -> (vector<16xf32>)  : i32 {
        %mul3A_2778 = arith.constant 128 : i32
        %mul3A_2779 = arith.muli %scan3A_2776, %mul3A_2778 : i32
        %add3A_2780 = arith.constant 0 : i32
        %add3A_2781 = arith.addi %mul3A_2779, %add3A_2780 : i32
        %get3A_2782 = arith.index_cast %scan3A_33 : i32 to index
        %get3A_2783 = arith.index_cast %add3A_2781 : i32 to index
        %get3A_2784 = tpu.vector_load %arg5[%get3A_2782, %get3A_2783] {strides = array<i32>} : memref<4x4096xf32, #tpu.memory_space<vmem>>, vector<16xf32>,
        %bitcast_convert_type3A = tpu.bitcast %get3A_2784 : vector<16xf32> -> vector<16xi32>
        %and3A = arith.constant 2147483647 : i32
        %and3A_2785 = vector.broadcast %and3A : i32 to vector<16xi32>
        %and3A_2786 = arith.andi %bitcast_convert_type3A, %and3A_2785 : vector<16xi32>
        %shift_right_arithmetic3A_2787 = arith.constant 23 : i32
        %shift_right_arithmetic3A_2788 = vector.broadcast %shift_right_arithmetic3A_2787 : i32 to vector<16xi32>
        %shift_right_arithmetic3A_2789 = arith.shrsi %and3A_2786, %shift_right_arithmetic3A_2788 : vector<16xi32>
        %add3A_2790 = arith.addi %shift_right_arithmetic3A_2789, %mul3A_5 : vector<16xi32>
        tpu.vector_store_idx %arg8[%add3A_2790], %broadcast_in_dim3A_6 {add = true} : memref<4096xi32, #tpu.memory_space<vmem>>[vector<16xi32>], vector<16xi32>,
        %add3A_2791 = arith.addf %scan3A_2777, %get3A_2784 : vector<16xf32>
        %mul3A_2792 = arith.constant 128 : i32
        %mul3A_2793 = arith.muli %scan3A_2776, %mul3A_2792 : i32
        %add3A_2794 = arith.constant 16 : i32
        %add3A_2795 = arith.addi %mul3A_2793, %add3A_2794 : i32
        %get3A_2796 = arith.index_cast %scan3A_33 : i32 to index
        %get3A_2797 = arith.index_cast %add3A_2795 : i32 to index
        %get3A_2798 = tpu.vector_load %arg5[%get3A_2796, %get3A_2797] {strides = array<i32>} : memref<4x4096xf32, #tpu.memory_space<vmem>>, vector<16xf32>,
        %bitcast_convert_type3A_2799 = tpu.bitcast %get3A_2798 : vector<16xf32> -> vector<16xi32>
        %and3A_2800 = arith.constant 2147483647 : i32
        %and3A_2801 = vector.broadcast %and3A_2800 : i32 to vector<16xi32>
        %and3A_2802 = arith.andi %bitcast_convert_type3A_2799, %and3A_2801 : vector<16xi32>
        %shift_right_arithmetic3A_2803 = arith.constant 23 : i32
        %shift_right_arithmetic3A_2804 = vector.broadcast %shift_right_arithmetic3A_2803 : i32 to vector<16xi32>
        %shift_right_arithmetic3A_2805 = arith.shrsi %and3A_2802, %shift_right_arithmetic3A_2804 : vector<16xi32>
        %add3A_2806 = arith.addi %shift_right_arithmetic3A_2805, %mul3A_5 : vector<16xi32>
        tpu.vector_store_idx %arg8[%add3A_2806], %broadcast_in_dim3A_6 {add = true} : memref<4096xi32, #tpu.memory_space<vmem>>[vector<16xi32>], vector<16xi32>,
        %add3A_2807 = arith.addf %add3A_2791, %get3A_2798 : vector<16xf32>
        %mul3A_2808 = arith.constant 128 : i32
        %mul3A_2809 = arith.muli %scan3A_2776, %mul3A_2808 : i32
        %add3A_2810 = arith.constant 32 : i32
        %add3A_2811 = arith.addi %mul3A_2809, %add3A_2810 : i32
        %get3A_2812 = arith.index_cast %scan3A_33 : i32 to index
        %get3A_2813 = arith.index_cast %add3A_2811 : i32 to index
        %get3A_2814 = tpu.vector_load %arg5[%get3A_2812, %get3A_2813] {strides = array<i32>} : memref<4x4096xf32, #tpu.memory_space<vmem>>, vector<16xf32>,
        %bitcast_convert_type3A_2815 = tpu.bitcast %get3A_2814 : vector<16xf32> -> vector<16xi32>
        %and3A_2816 = arith.constant 2147483647 : i32
        %and3A_2817 = vector.broadcast %and3A_2816 : i32 to vector<16xi32>
        %and3A_2818 = arith.andi %bitcast_convert_type3A_2815, %and3A_2817 : vector<16xi32>
        %shift_right_arithmetic3A_2819 = arith.constant 23 : i32
        %shift_right_arithmetic3A_2820 = vector.broadcast %shift_right_arithmetic3A_2819 : i32 to vector<16xi32>
        %shift_right_arithmetic3A_2821 = arith.shrsi %and3A_2818, %shift_right_arithmetic3A_2820 : vector<16xi32>
        %add3A_2822 = arith.addi %shift_right_arithmetic3A_2821, %mul3A_5 : vector<16xi32>
        tpu.vector_store_idx %arg8[%add3A_2822], %broadcast_in_dim3A_6 {add = true} : memref<4096xi32, #tpu.memory_space<vmem>>[vector<16xi32>], vector<16xi32>,
        %add3A_2823 = arith.addf %add3A_2807, %get3A_2814 : vector<16xf32>
        %mul3A_2824 = arith.constant 128 : i32
        %mul3A_2825 = arith.muli %scan3A_2776, %mul3A_2824 : i32
        %add3A_2826 = arith.constant 48 : i32
        %add3A_2827 = arith.addi %mul3A_2825, %add3A_2826 : i32
        %get3A_2828 = arith.index_cast %scan3A_33 : i32 to index
        %get3A_2829 = arith.index_cast %add3A_2827 : i32 to index
        %get3A_2830 = tpu.vector_load %arg5[%get3A_2828, %get3A_2829] {strides = array<i32>} : memref<4x4096xf32, #tpu.memory_space<vmem>>, vector<16xf32>,
        %bitcast_convert_type3A_2831 = tpu.bitcast %get3A_2830 : vector<16xf32> -> vector<16xi32>
        %and3A_2832 = arith.constant 2147483647 : i32
        %and3A_2833 = vector.broadcast %and3A_2832 : i32 to vector<16xi32>
        %and3A_2834 = arith.andi %bitcast_convert_type3A_2831, %and3A_2833 : vector<16xi32>
        %shift_right_arithmetic3A_2835 = arith.constant 23 : i32
        %shift_right_arithmetic3A_2836 = vector.broadcast %shift_right_arithmetic3A_2835 : i32 to vector<16xi32>
        %shift_right_arithmetic3A_2837 = arith.shrsi %and3A_2834, %shift_right_arithmetic3A_2836 : vector<16xi32>
        %add3A_2838 = arith.addi %shift_right_arithmetic3A_2837, %mul3A_5 : vector<16xi32>
        tpu.vector_store_idx %arg8[%add3A_2838], %broadcast_in_dim3A_6 {add = true} : memref<4096xi32, #tpu.memory_space<vmem>>[vector<16xi32>], vector<16xi32>,
        %add3A_2839 = arith.addf %add3A_2823, %get3A_2830 : vector<16xf32>
        %mul3A_2840 = arith.constant 128 : i32
        %mul3A_2841 = arith.muli %scan3A_2776, %mul3A_2840 : i32
        %add3A_2842 = arith.constant 64 : i32
        %add3A_2843 = arith.addi %mul3A_2841, %add3A_2842 : i32
        %get3A_2844 = arith.index_cast %scan3A_33 : i32 to index
        %get3A_2845 = arith.index_cast %add3A_2843 : i32 to index
        %get3A_2846 = tpu.vector_load %arg5[%get3A_2844, %get3A_2845] {strides = array<i32>} : memref<4x4096xf32, #tpu.memory_space<vmem>>, vector<16xf32>,
        %bitcast_convert_type3A_2847 = tpu.bitcast %get3A_2846 : vector<16xf32> -> vector<16xi32>
        %and3A_2848 = arith.constant 2147483647 : i32
        %and3A_2849 = vector.broadcast %and3A_2848 : i32 to vector<16xi32>
        %and3A_2850 = arith.andi %bitcast_convert_type3A_2847, %and3A_2849 : vector<16xi32>
        %shift_right_arithmetic3A_2851 = arith.constant 23 : i32
        %shift_right_arithmetic3A_2852 = vector.broadcast %shift_right_arithmetic3A_2851 : i32 to vector<16xi32>
        %shift_right_arithmetic3A_2853 = arith.shrsi %and3A_2850, %shift_right_arithmetic3A_2852 : vector<16xi32>
        %add3A_2854 = arith.addi %shift_right_arithmetic3A_2853, %mul3A_5 : vector<16xi32>
        tpu.vector_store_idx %arg8[%add3A_2854], %broadcast_in_dim3A_6 {add = true} : memref<4096xi32, #tpu.memory_space<vmem>>[vector<16xi32>], vector<16xi32>,
        %add3A_2855 = arith.addf %add3A_2839, %get3A_2846 : vector<16xf32>
        %mul3A_2856 = arith.constant 128 : i32
        %mul3A_2857 = arith.muli %scan3A_2776, %mul3A_2856 : i32
        %add3A_2858 = arith.constant 80 : i32
        %add3A_2859 = arith.addi %mul3A_2857, %add3A_2858 : i32
        %get3A_2860 = arith.index_cast %scan3A_33 : i32 to index
        %get3A_2861 = arith.index_cast %add3A_2859 : i32 to index
        %get3A_2862 = tpu.vector_load %arg5[%get3A_2860, %get3A_2861] {strides = array<i32>} : memref<4x4096xf32, #tpu.memory_space<vmem>>, vector<16xf32>,
        %bitcast_convert_type3A_2863 = tpu.bitcast %get3A_2862 : vector<16xf32> -> vector<16xi32>
        %and3A_2864 = arith.constant 2147483647 : i32
        %and3A_2865 = vector.broadcast %and3A_2864 : i32 to vector<16xi32>
        %and3A_2866 = arith.andi %bitcast_convert_type3A_2863, %and3A_2865 : vector<16xi32>
        %shift_right_arithmetic3A_2867 = arith.constant 23 : i32
        %shift_right_arithmetic3A_2868 = vector.broadcast %shift_right_arithmetic3A_2867 : i32 to vector<16xi32>
        %shift_right_arithmetic3A_2869 = arith.shrsi %and3A_2866, %shift_right_arithmetic3A_2868 : vector<16xi32>
        %add3A_2870 = arith.addi %shift_right_arithmetic3A_2869, %mul3A_5 : vector<16xi32>
        tpu.vector_store_idx %arg8[%add3A_2870], %broadcast_in_dim3A_6 {add = true} : memref<4096xi32, #tpu.memory_space<vmem>>[vector<16xi32>], vector<16xi32>,
        %add3A_2871 = arith.addf %add3A_2855, %get3A_2862 : vector<16xf32>
        %mul3A_2872 = arith.constant 128 : i32
        %mul3A_2873 = arith.muli %scan3A_2776, %mul3A_2872 : i32
        %add3A_2874 = arith.constant 96 : i32
        %add3A_2875 = arith.addi %mul3A_2873, %add3A_2874 : i32
        %get3A_2876 = arith.index_cast %scan3A_33 : i32 to index
        %get3A_2877 = arith.index_cast %add3A_2875 : i32 to index
        %get3A_2878 = tpu.vector_load %arg5[%get3A_2876, %get3A_2877] {strides = array<i32>} : memref<4x4096xf32, #tpu.memory_space<vmem>>, vector<16xf32>,
        %bitcast_convert_type3A_2879 = tpu.bitcast %get3A_2878 : vector<16xf32> -> vector<16xi32>
        %and3A_2880 = arith.constant 2147483647 : i32
        %and3A_2881 = vector.broadcast %and3A_2880 : i32 to vector<16xi32>
        %and3A_2882 = arith.andi %bitcast_convert_type3A_2879, %and3A_2881 : vector<16xi32>
        %shift_right_arithmetic3A_2883 = arith.constant 23 : i32
        %shift_right_arithmetic3A_2884 = vector.broadcast %shift_right_arithmetic3A_2883 : i32 to vector<16xi32>
        %shift_right_arithmetic3A_2885 = arith.shrsi %and3A_2882, %shift_right_arithmetic3A_2884 : vector<16xi32>
        %add3A_2886 = arith.addi %shift_right_arithmetic3A_2885, %mul3A_5 : vector<16xi32>
        tpu.vector_store_idx %arg8[%add3A_2886], %broadcast_in_dim3A_6 {add = true} : memref<4096xi32, #tpu.memory_space<vmem>>[vector<16xi32>], vector<16xi32>,
        %add3A_2887 = arith.addf %add3A_2871, %get3A_2878 : vector<16xf32>
        %mul3A_2888 = arith.constant 128 : i32
        %mul3A_2889 = arith.muli %scan3A_2776, %mul3A_2888 : i32
        %add3A_2890 = arith.constant 112 : i32
        %add3A_2891 = arith.addi %mul3A_2889, %add3A_2890 : i32
        %get3A_2892 = arith.index_cast %scan3A_33 : i32 to index
        %get3A_2893 = arith.index_cast %add3A_2891 : i32 to index
        %get3A_2894 = tpu.vector_load %arg5[%get3A_2892, %get3A_2893] {strides = array<i32>} : memref<4x4096xf32, #tpu.memory_space<vmem>>, vector<16xf32>,
        %bitcast_convert_type3A_2895 = tpu.bitcast %get3A_2894 : vector<16xf32> -> vector<16xi32>
        %and3A_2896 = arith.constant 2147483647 : i32
        %and3A_2897 = vector.broadcast %and3A_2896 : i32 to vector<16xi32>
        %and3A_2898 = arith.andi %bitcast_convert_type3A_2895, %and3A_2897 : vector<16xi32>
        %shift_right_arithmetic3A_2899 = arith.constant 23 : i32
        %shift_right_arithmetic3A_2900 = vector.broadcast %shift_right_arithmetic3A_2899 : i32 to vector<16xi32>
        %shift_right_arithmetic3A_2901 = arith.shrsi %and3A_2898, %shift_right_arithmetic3A_2900 : vector<16xi32>
        %add3A_2902 = arith.addi %shift_right_arithmetic3A_2901, %mul3A_5 : vector<16xi32>
        tpu.vector_store_idx %arg8[%add3A_2902], %broadcast_in_dim3A_6 {add = true} : memref<4096xi32, #tpu.memory_space<vmem>>[vector<16xi32>], vector<16xi32>,
        %add3A_2903 = arith.addf %add3A_2887, %get3A_2894 : vector<16xf32>
        scf.yield %add3A_2903 : vector<16xf32>
      }
      %scan3A_1610 = arith.constant 32 : i32
      %reduce_sum3A = arith.constant true
      %reduce_sum3A_1611 = vector.broadcast %reduce_sum3A : i1 to vector<16xi1>
      %reduce_sum3A_1612 = tpu.scan <sum>, %scan3A_1609 masked %reduce_sum3A_1611 : vector<16xf32>, vector<16xi1> -> vector<16xf32>
      %reduce_sum3A_1613 = vector.extract %reduce_sum3A_1612[15] : f32 from vector<16xf32>
      %get3A_1614 = arith.constant 0 : index
      %get3A_1615 = tpu.vector_load %arg8[%get3A_1614] {strides = array<i32>} : memref<4096xi32, #tpu.memory_space<vmem>>, vector<16xi32>,
      %get3A_1616 = arith.constant 256 : index
      %get3A_1617 = tpu.vector_load %arg8[%get3A_1616] {strides = array<i32>} : memref<4096xi32, #tpu.memory_space<vmem>>, vector<16xi32>,
      %add3A_1618 = arith.addi %get3A_1615, %get3A_1617 : vector<16xi32>
      %get3A_1619 = arith.constant 512 : index
      %get3A_1620 = tpu.vector_load %arg8[%get3A_1619] {strides = array<i32>} : memref<4096xi32, #tpu.memory_space<vmem>>, vector<16xi32>,
      %add3A_1621 = arith.addi %add3A_1618, %get3A_1620 : vector<16xi32>
      %get3A_1622 = arith.constant 768 : index
      %get3A_1623 = tpu.vector_load %arg8[%get3A_1622] {strides = array<i32>} : memref<4096xi32, #tpu.memory_space<vmem>>, vector<16xi32>,
      %add3A_1624 = arith.addi %add3A_1621, %get3A_1623 : vector<16xi32>
      %get3A_1625 = arith.constant 1024 : index
      %get3A_1626 = tpu.vector_load %arg8[%get3A_1625] {strides = array<i32>} : memref<4096xi32, #tpu.memory_space<vmem>>, vector<16xi32>,
      %add3A_1627 = arith.addi %add3A_1624, %get3A_1626 : vector<16xi32>
      %get3A_1628 = arith.constant 1280 : index
      %get3A_1629 = tpu.vector_load %arg8[%get3A_1628] {strides = array<i32>} : memref<4096xi32, #tpu.memory_space<vmem>>, vector<16xi32>,
      %add3A_1630 = arith.addi %add3A_1627, %get3A_1629 : vector<16xi32>
      %get3A_1631 = arith.constant 1536 : index
      %get3A_1632 = tpu.vector_load %arg8[%get3A_1631] {strides = array<i32>} : memref<4096xi32, #tpu.memory_space<vmem>>, vector<16xi32>,
      %add3A_1633 = arith.addi %add3A_1630, %get3A_1632 : vector<16xi32>
      %get3A_1634 = arith.constant 1792 : index
      %get3A_1635 = tpu.vector_load %arg8[%get3A_1634] {strides = array<i32>} : memref<4096xi32, #tpu.memory_space<vmem>>, vector<16xi32>,
      %add3A_1636 = arith.addi %add3A_1633, %get3A_1635 : vector<16xi32>
      %get3A_1637 = arith.constant 2048 : index
      %get3A_1638 = tpu.vector_load %arg8[%get3A_1637] {strides = array<i32>} : memref<4096xi32, #tpu.memory_space<vmem>>, vector<16xi32>,
      %add3A_1639 = arith.addi %add3A_1636, %get3A_1638 : vector<16xi32>
      %get3A_1640 = arith.constant 2304 : index
      %get3A_1641 = tpu.vector_load %arg8[%get3A_1640] {strides = array<i32>} : memref<4096xi32, #tpu.memory_space<vmem>>, vector<16xi32>,
      %add3A_1642 = arith.addi %add3A_1639, %get3A_1641 : vector<16xi32>
      %get3A_1643 = arith.constant 2560 : index
      %get3A_1644 = tpu.vector_load %arg8[%get3A_1643] {strides = array<i32>} : memref<4096xi32, #tpu.memory_space<vmem>>, vector<16xi32>,
      %add3A_1645 = arith.addi %add3A_1642, %get3A_1644 : vector<16xi32>
      %get3A_1646 = arith.constant 2816 : index
      %get3A_1647 = tpu.vector_load %arg8[%get3A_1646] {strides = array<i32>} : memref<4096xi32, #tpu.memory_space<vmem>>, vector<16xi32>,
      %add3A_1648 = arith.addi %add3A_1645, %get3A_1647 : vector<16xi32>
      %get3A_1649 = arith.constant 3072 : index
      %get3A_1650 = tpu.vector_load %arg8[%get3A_1649] {strides = array<i32>} : memref<4096xi32, #tpu.memory_space<vmem>>, vector<16xi32>,
      %add3A_1651 = arith.addi %add3A_1648, %get3A_1650 : vector<16xi32>
      %get3A_1652 = arith.constant 3328 : index
      %get3A_1653 = tpu.vector_load %arg8[%get3A_1652] {strides = array<i32>} : memref<4096xi32, #tpu.memory_space<vmem>>, vector<16xi32>,
      %add3A_1654 = arith.addi %add3A_1651, %get3A_1653 : vector<16xi32>
      %get3A_1655 = arith.constant 3584 : index
      %get3A_1656 = tpu.vector_load %arg8[%get3A_1655] {strides = array<i32>} : memref<4096xi32, #tpu.memory_space<vmem>>, vector<16xi32>,
      %add3A_1657 = arith.addi %add3A_1654, %get3A_1656 : vector<16xi32>
      %get3A_1658 = arith.constant 3840 : index
      %get3A_1659 = tpu.vector_load %arg8[%get3A_1658] {strides = array<i32>} : memref<4096xi32, #tpu.memory_space<vmem>>, vector<16xi32>,
      %add3A_1660 = arith.addi %add3A_1657, %get3A_1659 : vector<16xi32>
      %broadcast_in_dim3A_1661 = arith.constant true
      %broadcast_in_dim3A_1662 = vector.broadcast %broadcast_in_dim3A_1661 : i1 to vector<16xi1>
      %masked_cumsum3A = tpu.scan <sum>, %add3A_1660 masked %broadcast_in_dim3A_1662 : vector<16xi32>, vector<16xi1> -> vector<16xi32>
      %add3A_1663 = arith.addi %masked_cumsum3A, %broadcast_in_dim3A_10 : vector<16xi32>
      %lt3A_1664 = arith.constant 410 : i32
      %lt3A_1665 = vector.broadcast %lt3A_1664 : i32 to vector<16xi32>
      %lt3A_1666 = arith.cmpi slt, %add3A_1663, %lt3A_1665 : vector<16xi32>
      %all_reduce_population_count3A = tpu.all_reduce %lt3A_1666 {dim = 0 : i64, kind = #tpu.reduction_kind<sum>} : vector<16xi1> -> vector<16xi32>
      %add3A_1667 = arith.addi %broadcast_in_dim3A_10, %all_reduce_population_count3A : vector<16xi32>
      %select_n3A_1668 = arith.select %lt3A_1666, %add3A_1663, %broadcast_in_dim3A_10 : vector<16xi1>, vector<16xi32>
      %max3A_1669 = arith.maxsi %broadcast_in_dim3A_10, %select_n3A_1668 : vector<16xi32>
      %reduce_max3A = arith.constant true
      %reduce_max3A_1670 = vector.broadcast %reduce_max3A : i1 to vector<16xi1>
      %reduce_max3A_1671 = arith.constant -2147483648 : i32
      %reduce_max3A_1672 = vector.broadcast %reduce_max3A_1671 : i32 to vector<16xi32>
      %reduce_max3A_1673 = arith.xori %add3A_1663, %reduce_max3A_1672 : vector<16xi32>
      %reduce_max3A_1674 = tpu.scan <max>, %reduce_max3A_1673 masked %reduce_max3A_1670 : vector<16xi32>, vector<16xi1> -> vector<16xi32>
      %reduce_max3A_1675 = arith.xori %reduce_max3A_1674, %reduce_max3A_1672 : vector<16xi32>
      %reduce_max3A_1676 = vector.extract %reduce_max3A_1675[15] : i32 from vector<16xi32>
      %broadcast_in_dim3A_1677 = vector.broadcast %reduce_max3A_1676 : i32 to vector<16xi32>
      %get3A_1678 = arith.constant 16 : index
      %get3A_1679 = tpu.vector_load %arg8[%get3A_1678] {strides = array<i32>} : memref<4096xi32, #tpu.memory_space<vmem>>, vector<16xi32>,
      %get3A_1680 = arith.constant 272 : index
      %get3A_1681 = tpu.vector_load %arg8[%get3A_1680] {strides = array<i32>} : memref<4096xi32, #tpu.memory_space<vmem>>, vector<16xi32>,
      %add3A_1682 = arith.addi %get3A_1679, %get3A_1681 : vector<16xi32>
      %get3A_1683 = arith.constant 528 : index
      %get3A_1684 = tpu.vector_load %arg8[%get3A_1683] {strides = array<i32>} : memref<4096xi32, #tpu.memory_space<vmem>>, vector<16xi32>,
      %add3A_1685 = arith.addi %add3A_1682, %get3A_1684 : vector<16xi32>
      %get3A_1686 = arith.constant 784 : index
      %get3A_1687 = tpu.vector_load %arg8[%get3A_1686] {strides = array<i32>} : memref<4096xi32, #tpu.memory_space<vmem>>, vector<16xi32>,
      %add3A_1688 = arith.addi %add3A_1685, %get3A_1687 : vector<16xi32>
      %get3A_1689 = arith.constant 1040 : index
      %get3A_1690 = tpu.vector_load %arg8[%get3A_1689] {strides = array<i32>} : memref<4096xi32, #tpu.memory_space<vmem>>, vector<16xi32>,
      %add3A_1691 = arith.addi %add3A_1688, %get3A_1690 : vector<16xi32>
      %get3A_1692 = arith.constant 1296 : index
      %get3A_1693 = tpu.vector_load %arg8[%get3A_1692] {strides = array<i32>} : memref<4096xi32, #tpu.memory_space<vmem>>, vector<16xi32>,
      %add3A_1694 = arith.addi %add3A_1691, %get3A_1693 : vector<16xi32>
      %get3A_1695 = arith.constant 1552 : index
      %get3A_1696 = tpu.vector_load %arg8[%get3A_1695] {strides = array<i32>} : memref<4096xi32, #tpu.memory_space<vmem>>, vector<16xi32>,
      %add3A_1697 = arith.addi %add3A_1694, %get3A_1696 : vector<16xi32>
      %get3A_1698 = arith.constant 1808 : index
      %get3A_1699 = tpu.vector_load %arg8[%get3A_1698] {strides = array<i32>} : memref<4096xi32, #tpu.memory_space<vmem>>, vector<16xi32>,
      %add3A_1700 = arith.addi %add3A_1697, %get3A_1699 : vector<16xi32>
      %get3A_1701 = arith.constant 2064 : index
      %get3A_1702 = tpu.vector_load %arg8[%get3A_1701] {strides = array<i32>} : memref<4096xi32, #tpu.memory_space<vmem>>, vector<16xi32>,
      %add3A_1703 = arith.addi %add3A_1700, %get3A_1702 : vector<16xi32>
      %get3A_1704 = arith.constant 2320 : index
      %get3A_1705 = tpu.vector_load %arg8[%get3A_1704] {strides = array<i32>} : memref<4096xi32, #tpu.memory_space<vmem>>, vector<16xi32>,
      %add3A_1706 = arith.addi %add3A_1703, %get3A_1705 : vector<16xi32>
      %get3A_1707 = arith.constant 2576 : index
      %get3A_1708 = tpu.vector_load %arg8[%get3A_1707] {strides = array<i32>} : memref<4096xi32, #tpu.memory_space<vmem>>, vector<16xi32>,
      %add3A_1709 = arith.addi %add3A_1706, %get3A_1708 : vector<16xi32>
      %get3A_1710 = arith.constant 2832 : index
      %get3A_1711 = tpu.vector_load %arg8[%get3A_1710] {strides = array<i32>} : memref<4096xi32, #tpu.memory_space<vmem>>, vector<16xi32>,
      %add3A_1712 = arith.addi %add3A_1709, %get3A_1711 : vector<16xi32>
      %get3A_1713 = arith.constant 3088 : index
      %get3A_1714 = tpu.vector_load %arg8[%get3A_1713] {strides = array<i32>} : memref<4096xi32, #tpu.memory_space<vmem>>, vector<16xi32>,
      %add3A_1715 = arith.addi %add3A_1712, %get3A_1714 : vector<16xi32>
      %get3A_1716 = arith.constant 3344 : index
      %get3A_1717 = tpu.vector_load %arg8[%get3A_1716] {strides = array<i32>} : memref<4096xi32, #tpu.memory_space<vmem>>, vector<16xi32>,
      %add3A_1718 = arith.addi %add3A_1715, %get3A_1717 : vector<16xi32>
      %get3A_1719 = arith.constant 3600 : index
      %get3A_1720 = tpu.vector_load %arg8[%get3A_1719] {strides = array<i32>} : memref<4096xi32, #tpu.memory_space<vmem>>, vector<16xi32>,
      %add3A_1721 = arith.addi %add3A_1718, %get3A_1720 : vector<16xi32>
      %get3A_1722 = arith.constant 3856 : index
      %get3A_1723 = tpu.vector_load %arg8[%get3A_1722] {strides = array<i32>} : memref<4096xi32, #tpu.memory_space<vmem>>, vector<16xi32>,
      %add3A_1724 = arith.addi %add3A_1721, %get3A_1723 : vector<16xi32>
      %broadcast_in_dim3A_1725 = arith.constant true
      %broadcast_in_dim3A_1726 = vector.broadcast %broadcast_in_dim3A_1725 : i1 to vector<16xi1>
      %masked_cumsum3A_1727 = tpu.scan <sum>, %add3A_1724 masked %broadcast_in_dim3A_1726 : vector<16xi32>, vector<16xi1> -> vector<16xi32>
      %add3A_1728 = arith.addi %masked_cumsum3A_1727, %broadcast_in_dim3A_1677 : vector<16xi32>
      %lt3A_1729 = arith.constant 410 : i32
      %lt3A_1730 = vector.broadcast %lt3A_1729 : i32 to vector<16xi32>
      %lt3A_1731 = arith.cmpi slt, %add3A_1728, %lt3A_1730 : vector<16xi32>
      %all_reduce_population_count3A_1732 = tpu.all_reduce %lt3A_1731 {dim = 0 : i64, kind = #tpu.reduction_kind<sum>} : vector<16xi1> -> vector<16xi32>
      %add3A_1733 = arith.addi %add3A_1667, %all_reduce_population_count3A_1732 : vector<16xi32>
      %select_n3A_1734 = arith.select %lt3A_1731, %add3A_1728, %broadcast_in_dim3A_10 : vector<16xi1>, vector<16xi32>
      %max3A_1735 = arith.maxsi %max3A_1669, %select_n3A_1734 : vector<16xi32>
      %reduce_max3A_1736 = arith.constant true
      %reduce_max3A_1737 = vector.broadcast %reduce_max3A_1736 : i1 to vector<16xi1>
      %reduce_max3A_1738 = arith.constant -2147483648 : i32
      %reduce_max3A_1739 = vector.broadcast %reduce_max3A_1738 : i32 to vector<16xi32>
      %reduce_max3A_1740 = arith.xori %add3A_1728, %reduce_max3A_1739 : vector<16xi32>
      %reduce_max3A_1741 = tpu.scan <max>, %reduce_max3A_1740 masked %reduce_max3A_1737 : vector<16xi32>, vector<16xi1> -> vector<16xi32>
      %reduce_max3A_1742 = arith.xori %reduce_max3A_1741, %reduce_max3A_1739 : vector<16xi32>
      %reduce_max3A_1743 = vector.extract %reduce_max3A_1742[15] : i32 from vector<16xi32>
      %broadcast_in_dim3A_1744 = vector.broadcast %reduce_max3A_1743 : i32 to vector<16xi32>
      %get3A_1745 = arith.constant 32 : index
      %get3A_1746 = tpu.vector_load %arg8[%get3A_1745] {strides = array<i32>} : memref<4096xi32, #tpu.memory_space<vmem>>, vector<16xi32>,
      %get3A_1747 = arith.constant 288 : index
      %get3A_1748 = tpu.vector_load %arg8[%get3A_1747] {strides = array<i32>} : memref<4096xi32, #tpu.memory_space<vmem>>, vector<16xi32>,
      %add3A_1749 = arith.addi %get3A_1746, %get3A_1748 : vector<16xi32>
      %get3A_1750 = arith.constant 544 : index
      %get3A_1751 = tpu.vector_load %arg8[%get3A_1750] {strides = array<i32>} : memref<4096xi32, #tpu.memory_space<vmem>>, vector<16xi32>,
      %add3A_1752 = arith.addi %add3A_1749, %get3A_1751 : vector<16xi32>
      %get3A_1753 = arith.constant 800 : index
      %get3A_1754 = tpu.vector_load %arg8[%get3A_1753] {strides = array<i32>} : memref<4096xi32, #tpu.memory_space<vmem>>, vector<16xi32>,
      %add3A_1755 = arith.addi %add3A_1752, %get3A_1754 : vector<16xi32>
      %get3A_1756 = arith.constant 1056 : index
      %get3A_1757 = tpu.vector_load %arg8[%get3A_1756] {strides = array<i32>} : memref<4096xi32, #tpu.memory_space<vmem>>, vector<16xi32>,
      %add3A_1758 = arith.addi %add3A_1755, %get3A_1757 : vector<16xi32>
      %get3A_1759 = arith.constant 1312 : index
      %get3A_1760 = tpu.vector_load %arg8[%get3A_1759] {strides = array<i32>} : memref<4096xi32, #tpu.memory_space<vmem>>, vector<16xi32>,
      %add3A_1761 = arith.addi %add3A_1758, %get3A_1760 : vector<16xi32>
      %get3A_1762 = arith.constant 1568 : index
      %get3A_1763 = tpu.vector_load %arg8[%get3A_1762] {strides = array<i32>} : memref<4096xi32, #tpu.memory_space<vmem>>, vector<16xi32>,
      %add3A_1764 = arith.addi %add3A_1761, %get3A_1763 : vector<16xi32>
      %get3A_1765 = arith.constant 1824 : index
      %get3A_1766 = tpu.vector_load %arg8[%get3A_1765] {strides = array<i32>} : memref<4096xi32, #tpu.memory_space<vmem>>, vector<16xi32>,
      %add3A_1767 = arith.addi %add3A_1764, %get3A_1766 : vector<16xi32>
      %get3A_1768 = arith.constant 2080 : index
      %get3A_1769 = tpu.vector_load %arg8[%get3A_1768] {strides = array<i32>} : memref<4096xi32, #tpu.memory_space<vmem>>, vector<16xi32>,
      %add3A_1770 = arith.addi %add3A_1767, %get3A_1769 : vector<16xi32>
      %get3A_1771 = arith.constant 2336 : index
      %get3A_1772 = tpu.vector_load %arg8[%get3A_1771] {strides = array<i32>} : memref<4096xi32, #tpu.memory_space<vmem>>, vector<16xi32>,
      %add3A_1773 = arith.addi %add3A_1770, %get3A_1772 : vector<16xi32>
      %get3A_1774 = arith.constant 2592 : index
      %get3A_1775 = tpu.vector_load %arg8[%get3A_1774] {strides = array<i32>} : memref<4096xi32, #tpu.memory_space<vmem>>, vector<16xi32>,
      %add3A_1776 = arith.addi %add3A_1773, %get3A_1775 : vector<16xi32>
      %get3A_1777 = arith.constant 2848 : index
      %get3A_1778 = tpu.vector_load %arg8[%get3A_1777] {strides = array<i32>} : memref<4096xi32, #tpu.memory_space<vmem>>, vector<16xi32>,
      %add3A_1779 = arith.addi %add3A_1776, %get3A_1778 : vector<16xi32>
      %get3A_1780 = arith.constant 3104 : index
      %get3A_1781 = tpu.vector_load %arg8[%get3A_1780] {strides = array<i32>} : memref<4096xi32, #tpu.memory_space<vmem>>, vector<16xi32>,
      %add3A_1782 = arith.addi %add3A_1779, %get3A_1781 : vector<16xi32>
      %get3A_1783 = arith.constant 3360 : index
      %get3A_1784 = tpu.vector_load %arg8[%get3A_1783] {strides = array<i32>} : memref<4096xi32, #tpu.memory_space<vmem>>, vector<16xi32>,
      %add3A_1785 = arith.addi %add3A_1782, %get3A_1784 : vector<16xi32>
      %get3A_1786 = arith.constant 3616 : index
      %get3A_1787 = tpu.vector_load %arg8[%get3A_1786] {strides = array<i32>} : memref<4096xi32, #tpu.memory_space<vmem>>, vector<16xi32>,
      %add3A_1788 = arith.addi %add3A_1785, %get3A_1787 : vector<16xi32>
      %get3A_1789 = arith.constant 3872 : index
      %get3A_1790 = tpu.vector_load %arg8[%get3A_1789] {strides = array<i32>} : memref<4096xi32, #tpu.memory_space<vmem>>, vector<16xi32>,
      %add3A_1791 = arith.addi %add3A_1788, %get3A_1790 : vector<16xi32>
      %broadcast_in_dim3A_1792 = arith.constant true
      %broadcast_in_dim3A_1793 = vector.broadcast %broadcast_in_dim3A_1792 : i1 to vector<16xi1>
      %masked_cumsum3A_1794 = tpu.scan <sum>, %add3A_1791 masked %broadcast_in_dim3A_1793 : vector<16xi32>, vector<16xi1> -> vector<16xi32>
      %add3A_1795 = arith.addi %masked_cumsum3A_1794, %broadcast_in_dim3A_1744 : vector<16xi32>
      %lt3A_1796 = arith.constant 410 : i32
      %lt3A_1797 = vector.broadcast %lt3A_1796 : i32 to vector<16xi32>
      %lt3A_1798 = arith.cmpi slt, %add3A_1795, %lt3A_1797 : vector<16xi32>
      %all_reduce_population_count3A_1799 = tpu.all_reduce %lt3A_1798 {dim = 0 : i64, kind = #tpu.reduction_kind<sum>} : vector<16xi1> -> vector<16xi32>
      %add3A_1800 = arith.addi %add3A_1733, %all_reduce_population_count3A_1799 : vector<16xi32>
      %select_n3A_1801 = arith.select %lt3A_1798, %add3A_1795, %broadcast_in_dim3A_10 : vector<16xi1>, vector<16xi32>
      %max3A_1802 = arith.maxsi %max3A_1735, %select_n3A_1801 : vector<16xi32>
      %reduce_max3A_1803 = arith.constant true
      %reduce_max3A_1804 = vector.broadcast %reduce_max3A_1803 : i1 to vector<16xi1>
      %reduce_max3A_1805 = arith.constant -2147483648 : i32
      %reduce_max3A_1806 = vector.broadcast %reduce_max3A_1805 : i32 to vector<16xi32>
      %reduce_max3A_1807 = arith.xori %add3A_1795, %reduce_max3A_1806 : vector<16xi32>
      %reduce_max3A_1808 = tpu.scan <max>, %reduce_max3A_1807 masked %reduce_max3A_1804 : vector<16xi32>, vector<16xi1> -> vector<16xi32>
      %reduce_max3A_1809 = arith.xori %reduce_max3A_1808, %reduce_max3A_1806 : vector<16xi32>
      %reduce_max3A_1810 = vector.extract %reduce_max3A_1809[15] : i32 from vector<16xi32>
      %broadcast_in_dim3A_1811 = vector.broadcast %reduce_max3A_1810 : i32 to vector<16xi32>
      %get3A_1812 = arith.constant 48 : index
      %get3A_1813 = tpu.vector_load %arg8[%get3A_1812] {strides = array<i32>} : memref<4096xi32, #tpu.memory_space<vmem>>, vector<16xi32>,
      %get3A_1814 = arith.constant 304 : index
      %get3A_1815 = tpu.vector_load %arg8[%get3A_1814] {strides = array<i32>} : memref<4096xi32, #tpu.memory_space<vmem>>, vector<16xi32>,
      %add3A_1816 = arith.addi %get3A_1813, %get3A_1815 : vector<16xi32>
      %get3A_1817 = arith.constant 560 : index
      %get3A_1818 = tpu.vector_load %arg8[%get3A_1817] {strides = array<i32>} : memref<4096xi32, #tpu.memory_space<vmem>>, vector<16xi32>,
      %add3A_1819 = arith.addi %add3A_1816, %get3A_1818 : vector<16xi32>
      %get3A_1820 = arith.constant 816 : index
      %get3A_1821 = tpu.vector_load %arg8[%get3A_1820] {strides = array<i32>} : memref<4096xi32, #tpu.memory_space<vmem>>, vector<16xi32>,
      %add3A_1822 = arith.addi %add3A_1819, %get3A_1821 : vector<16xi32>
      %get3A_1823 = arith.constant 1072 : index
      %get3A_1824 = tpu.vector_load %arg8[%get3A_1823] {strides = array<i32>} : memref<4096xi32, #tpu.memory_space<vmem>>, vector<16xi32>,
      %add3A_1825 = arith.addi %add3A_1822, %get3A_1824 : vector<16xi32>
      %get3A_1826 = arith.constant 1328 : index
      %get3A_1827 = tpu.vector_load %arg8[%get3A_1826] {strides = array<i32>} : memref<4096xi32, #tpu.memory_space<vmem>>, vector<16xi32>,
      %add3A_1828 = arith.addi %add3A_1825, %get3A_1827 : vector<16xi32>
      %get3A_1829 = arith.constant 1584 : index
      %get3A_1830 = tpu.vector_load %arg8[%get3A_1829] {strides = array<i32>} : memref<4096xi32, #tpu.memory_space<vmem>>, vector<16xi32>,
      %add3A_1831 = arith.addi %add3A_1828, %get3A_1830 : vector<16xi32>
      %get3A_1832 = arith.constant 1840 : index
      %get3A_1833 = tpu.vector_load %arg8[%get3A_1832] {strides = array<i32>} : memref<4096xi32, #tpu.memory_space<vmem>>, vector<16xi32>,
      %add3A_1834 = arith.addi %add3A_1831, %get3A_1833 : vector<16xi32>
      %get3A_1835 = arith.constant 2096 : index
      %get3A_1836 = tpu.vector_load %arg8[%get3A_1835] {strides = array<i32>} : memref<4096xi32, #tpu.memory_space<vmem>>, vector<16xi32>,
      %add3A_1837 = arith.addi %add3A_1834, %get3A_1836 : vector<16xi32>
      %get3A_1838 = arith.constant 2352 : index
      %get3A_1839 = tpu.vector_load %arg8[%get3A_1838] {strides = array<i32>} : memref<4096xi32, #tpu.memory_space<vmem>>, vector<16xi32>,
      %add3A_1840 = arith.addi %add3A_1837, %get3A_1839 : vector<16xi32>
      %get3A_1841 = arith.constant 2608 : index
      %get3A_1842 = tpu.vector_load %arg8[%get3A_1841] {strides = array<i32>} : memref<4096xi32, #tpu.memory_space<vmem>>, vector<16xi32>,
      %add3A_1843 = arith.addi %add3A_1840, %get3A_1842 : vector<16xi32>
      %get3A_1844 = arith.constant 2864 : index
      %get3A_1845 = tpu.vector_load %arg8[%get3A_1844] {strides = array<i32>} : memref<4096xi32, #tpu.memory_space<vmem>>, vector<16xi32>,
      %add3A_1846 = arith.addi %add3A_1843, %get3A_1845 : vector<16xi32>
      %get3A_1847 = arith.constant 3120 : index
      %get3A_1848 = tpu.vector_load %arg8[%get3A_1847] {strides = array<i32>} : memref<4096xi32, #tpu.memory_space<vmem>>, vector<16xi32>,
      %add3A_1849 = arith.addi %add3A_1846, %get3A_1848 : vector<16xi32>
      %get3A_1850 = arith.constant 3376 : index
      %get3A_1851 = tpu.vector_load %arg8[%get3A_1850] {strides = array<i32>} : memref<4096xi32, #tpu.memory_space<vmem>>, vector<16xi32>,
      %add3A_1852 = arith.addi %add3A_1849, %get3A_1851 : vector<16xi32>
      %get3A_1853 = arith.constant 3632 : index
      %get3A_1854 = tpu.vector_load %arg8[%get3A_1853] {strides = array<i32>} : memref<4096xi32, #tpu.memory_space<vmem>>, vector<16xi32>,
      %add3A_1855 = arith.addi %add3A_1852, %get3A_1854 : vector<16xi32>
      %get3A_1856 = arith.constant 3888 : index
      %get3A_1857 = tpu.vector_load %arg8[%get3A_1856] {strides = array<i32>} : memref<4096xi32, #tpu.memory_space<vmem>>, vector<16xi32>,
      %add3A_1858 = arith.addi %add3A_1855, %get3A_1857 : vector<16xi32>
      %broadcast_in_dim3A_1859 = arith.constant true
      %broadcast_in_dim3A_1860 = vector.broadcast %broadcast_in_dim3A_1859 : i1 to vector<16xi1>
      %masked_cumsum3A_1861 = tpu.scan <sum>, %add3A_1858 masked %broadcast_in_dim3A_1860 : vector<16xi32>, vector<16xi1> -> vector<16xi32>
      %add3A_1862 = arith.addi %masked_cumsum3A_1861, %broadcast_in_dim3A_1811 : vector<16xi32>
      %lt3A_1863 = arith.constant 410 : i32
      %lt3A_1864 = vector.broadcast %lt3A_1863 : i32 to vector<16xi32>
      %lt3A_1865 = arith.cmpi slt, %add3A_1862, %lt3A_1864 : vector<16xi32>
      %all_reduce_population_count3A_1866 = tpu.all_reduce %lt3A_1865 {dim = 0 : i64, kind = #tpu.reduction_kind<sum>} : vector<16xi1> -> vector<16xi32>
      %add3A_1867 = arith.addi %add3A_1800, %all_reduce_population_count3A_1866 : vector<16xi32>
      %select_n3A_1868 = arith.select %lt3A_1865, %add3A_1862, %broadcast_in_dim3A_10 : vector<16xi1>, vector<16xi32>
      %max3A_1869 = arith.maxsi %max3A_1802, %select_n3A_1868 : vector<16xi32>
      %reduce_max3A_1870 = arith.constant true
      %reduce_max3A_1871 = vector.broadcast %reduce_max3A_1870 : i1 to vector<16xi1>
      %reduce_max3A_1872 = arith.constant -2147483648 : i32
      %reduce_max3A_1873 = vector.broadcast %reduce_max3A_1872 : i32 to vector<16xi32>
      %reduce_max3A_1874 = arith.xori %add3A_1862, %reduce_max3A_1873 : vector<16xi32>
      %reduce_max3A_1875 = tpu.scan <max>, %reduce_max3A_1874 masked %reduce_max3A_1871 : vector<16xi32>, vector<16xi1> -> vector<16xi32>
      %reduce_max3A_1876 = arith.xori %reduce_max3A_1875, %reduce_max3A_1873 : vector<16xi32>
      %reduce_max3A_1877 = vector.extract %reduce_max3A_1876[15] : i32 from vector<16xi32>
      %broadcast_in_dim3A_1878 = vector.broadcast %reduce_max3A_1877 : i32 to vector<16xi32>
      %get3A_1879 = arith.constant 64 : index
      %get3A_1880 = tpu.vector_load %arg8[%get3A_1879] {strides = array<i32>} : memref<4096xi32, #tpu.memory_space<vmem>>, vector<16xi32>,
      %get3A_1881 = arith.constant 320 : index
      %get3A_1882 = tpu.vector_load %arg8[%get3A_1881] {strides = array<i32>} : memref<4096xi32, #tpu.memory_space<vmem>>, vector<16xi32>,
      %add3A_1883 = arith.addi %get3A_1880, %get3A_1882 : vector<16xi32>
      %get3A_1884 = arith.constant 576 : index
      %get3A_1885 = tpu.vector_load %arg8[%get3A_1884] {strides = array<i32>} : memref<4096xi32, #tpu.memory_space<vmem>>, vector<16xi32>,
      %add3A_1886 = arith.addi %add3A_1883, %get3A_1885 : vector<16xi32>
      %get3A_1887 = arith.constant 832 : index
      %get3A_1888 = tpu.vector_load %arg8[%get3A_1887] {strides = array<i32>} : memref<4096xi32, #tpu.memory_space<vmem>>, vector<16xi32>,
      %add3A_1889 = arith.addi %add3A_1886, %get3A_1888 : vector<16xi32>
      %get3A_1890 = arith.constant 1088 : index
      %get3A_1891 = tpu.vector_load %arg8[%get3A_1890] {strides = array<i32>} : memref<4096xi32, #tpu.memory_space<vmem>>, vector<16xi32>,
      %add3A_1892 = arith.addi %add3A_1889, %get3A_1891 : vector<16xi32>
      %get3A_1893 = arith.constant 1344 : index
      %get3A_1894 = tpu.vector_load %arg8[%get3A_1893] {strides = array<i32>} : memref<4096xi32, #tpu.memory_space<vmem>>, vector<16xi32>,
      %add3A_1895 = arith.addi %add3A_1892, %get3A_1894 : vector<16xi32>
      %get3A_1896 = arith.constant 1600 : index
      %get3A_1897 = tpu.vector_load %arg8[%get3A_1896] {strides = array<i32>} : memref<4096xi32, #tpu.memory_space<vmem>>, vector<16xi32>,
      %add3A_1898 = arith.addi %add3A_1895, %get3A_1897 : vector<16xi32>
      %get3A_1899 = arith.constant 1856 : index
      %get3A_1900 = tpu.vector_load %arg8[%get3A_1899] {strides = array<i32>} : memref<4096xi32, #tpu.memory_space<vmem>>, vector<16xi32>,
      %add3A_1901 = arith.addi %add3A_1898, %get3A_1900 : vector<16xi32>
      %get3A_1902 = arith.constant 2112 : index
      %get3A_1903 = tpu.vector_load %arg8[%get3A_1902] {strides = array<i32>} : memref<4096xi32, #tpu.memory_space<vmem>>, vector<16xi32>,
      %add3A_1904 = arith.addi %add3A_1901, %get3A_1903 : vector<16xi32>
      %get3A_1905 = arith.constant 2368 : index
      %get3A_1906 = tpu.vector_load %arg8[%get3A_1905] {strides = array<i32>} : memref<4096xi32, #tpu.memory_space<vmem>>, vector<16xi32>,
      %add3A_1907 = arith.addi %add3A_1904, %get3A_1906 : vector<16xi32>
      %get3A_1908 = arith.constant 2624 : index
      %get3A_1909 = tpu.vector_load %arg8[%get3A_1908] {strides = array<i32>} : memref<4096xi32, #tpu.memory_space<vmem>>, vector<16xi32>,
      %add3A_1910 = arith.addi %add3A_1907, %get3A_1909 : vector<16xi32>
      %get3A_1911 = arith.constant 2880 : index
      %get3A_1912 = tpu.vector_load %arg8[%get3A_1911] {strides = array<i32>} : memref<4096xi32, #tpu.memory_space<vmem>>, vector<16xi32>,
      %add3A_1913 = arith.addi %add3A_1910, %get3A_1912 : vector<16xi32>
      %get3A_1914 = arith.constant 3136 : index
      %get3A_1915 = tpu.vector_load %arg8[%get3A_1914] {strides = array<i32>} : memref<4096xi32, #tpu.memory_space<vmem>>, vector<16xi32>,
      %add3A_1916 = arith.addi %add3A_1913, %get3A_1915 : vector<16xi32>
      %get3A_1917 = arith.constant 3392 : index
      %get3A_1918 = tpu.vector_load %arg8[%get3A_1917] {strides = array<i32>} : memref<4096xi32, #tpu.memory_space<vmem>>, vector<16xi32>,
      %add3A_1919 = arith.addi %add3A_1916, %get3A_1918 : vector<16xi32>
      %get3A_1920 = arith.constant 3648 : index
      %get3A_1921 = tpu.vector_load %arg8[%get3A_1920] {strides = array<i32>} : memref<4096xi32, #tpu.memory_space<vmem>>, vector<16xi32>,
      %add3A_1922 = arith.addi %add3A_1919, %get3A_1921 : vector<16xi32>
      %get3A_1923 = arith.constant 3904 : index
      %get3A_1924 = tpu.vector_load %arg8[%get3A_1923] {strides = array<i32>} : memref<4096xi32, #tpu.memory_space<vmem>>, vector<16xi32>,
      %add3A_1925 = arith.addi %add3A_1922, %get3A_1924 : vector<16xi32>
      %broadcast_in_dim3A_1926 = arith.constant true
      %broadcast_in_dim3A_1927 = vector.broadcast %broadcast_in_dim3A_1926 : i1 to vector<16xi1>
      %masked_cumsum3A_1928 = tpu.scan <sum>, %add3A_1925 masked %broadcast_in_dim3A_1927 : vector<16xi32>, vector<16xi1> -> vector<16xi32>
      %add3A_1929 = arith.addi %masked_cumsum3A_1928, %broadcast_in_dim3A_1878 : vector<16xi32>
      %lt3A_1930 = arith.constant 410 : i32
      %lt3A_1931 = vector.broadcast %lt3A_1930 : i32 to vector<16xi32>
      %lt3A_1932 = arith.cmpi slt, %add3A_1929, %lt3A_1931 : vector<16xi32>
      %all_reduce_population_count3A_1933 = tpu.all_reduce %lt3A_1932 {dim = 0 : i64, kind = #tpu.reduction_kind<sum>} : vector<16xi1> -> vector<16xi32>
      %add3A_1934 = arith.addi %add3A_1867, %all_reduce_population_count3A_1933 : vector<16xi32>
      %select_n3A_1935 = arith.select %lt3A_1932, %add3A_1929, %broadcast_in_dim3A_10 : vector<16xi1>, vector<16xi32>
      %max3A_1936 = arith.maxsi %max3A_1869, %select_n3A_1935 : vector<16xi32>
      %reduce_max3A_1937 = arith.constant true
      %reduce_max3A_1938 = vector.broadcast %reduce_max3A_1937 : i1 to vector<16xi1>
      %reduce_max3A_1939 = arith.constant -2147483648 : i32
      %reduce_max3A_1940 = vector.broadcast %reduce_max3A_1939 : i32 to vector<16xi32>
      %reduce_max3A_1941 = arith.xori %add3A_1929, %reduce_max3A_1940 : vector<16xi32>
      %reduce_max3A_1942 = tpu.scan <max>, %reduce_max3A_1941 masked %reduce_max3A_1938 : vector<16xi32>, vector<16xi1> -> vector<16xi32>
      %reduce_max3A_1943 = arith.xori %reduce_max3A_1942, %reduce_max3A_1940 : vector<16xi32>
      %reduce_max3A_1944 = vector.extract %reduce_max3A_1943[15] : i32 from vector<16xi32>
      %broadcast_in_dim3A_1945 = vector.broadcast %reduce_max3A_1944 : i32 to vector<16xi32>
      %get3A_1946 = arith.constant 80 : index
      %get3A_1947 = tpu.vector_load %arg8[%get3A_1946] {strides = array<i32>} : memref<4096xi32, #tpu.memory_space<vmem>>, vector<16xi32>,
      %get3A_1948 = arith.constant 336 : index
      %get3A_1949 = tpu.vector_load %arg8[%get3A_1948] {strides = array<i32>} : memref<4096xi32, #tpu.memory_space<vmem>>, vector<16xi32>,
      %add3A_1950 = arith.addi %get3A_1947, %get3A_1949 : vector<16xi32>
      %get3A_1951 = arith.constant 592 : index
      %get3A_1952 = tpu.vector_load %arg8[%get3A_1951] {strides = array<i32>} : memref<4096xi32, #tpu.memory_space<vmem>>, vector<16xi32>,
      %add3A_1953 = arith.addi %add3A_1950, %get3A_1952 : vector<16xi32>
      %get3A_1954 = arith.constant 848 : index
      %get3A_1955 = tpu.vector_load %arg8[%get3A_1954] {strides = array<i32>} : memref<4096xi32, #tpu.memory_space<vmem>>, vector<16xi32>,
      %add3A_1956 = arith.addi %add3A_1953, %get3A_1955 : vector<16xi32>
      %get3A_1957 = arith.constant 1104 : index
      %get3A_1958 = tpu.vector_load %arg8[%get3A_1957] {strides = array<i32>} : memref<4096xi32, #tpu.memory_space<vmem>>, vector<16xi32>,
      %add3A_1959 = arith.addi %add3A_1956, %get3A_1958 : vector<16xi32>
      %get3A_1960 = arith.constant 1360 : index
      %get3A_1961 = tpu.vector_load %arg8[%get3A_1960] {strides = array<i32>} : memref<4096xi32, #tpu.memory_space<vmem>>, vector<16xi32>,
      %add3A_1962 = arith.addi %add3A_1959, %get3A_1961 : vector<16xi32>
      %get3A_1963 = arith.constant 1616 : index
      %get3A_1964 = tpu.vector_load %arg8[%get3A_1963] {strides = array<i32>} : memref<4096xi32, #tpu.memory_space<vmem>>, vector<16xi32>,
      %add3A_1965 = arith.addi %add3A_1962, %get3A_1964 : vector<16xi32>
      %get3A_1966 = arith.constant 1872 : index
      %get3A_1967 = tpu.vector_load %arg8[%get3A_1966] {strides = array<i32>} : memref<4096xi32, #tpu.memory_space<vmem>>, vector<16xi32>,
      %add3A_1968 = arith.addi %add3A_1965, %get3A_1967 : vector<16xi32>
      %get3A_1969 = arith.constant 2128 : index
      %get3A_1970 = tpu.vector_load %arg8[%get3A_1969] {strides = array<i32>} : memref<4096xi32, #tpu.memory_space<vmem>>, vector<16xi32>,
      %add3A_1971 = arith.addi %add3A_1968, %get3A_1970 : vector<16xi32>
      %get3A_1972 = arith.constant 2384 : index
      %get3A_1973 = tpu.vector_load %arg8[%get3A_1972] {strides = array<i32>} : memref<4096xi32, #tpu.memory_space<vmem>>, vector<16xi32>,
      %add3A_1974 = arith.addi %add3A_1971, %get3A_1973 : vector<16xi32>
      %get3A_1975 = arith.constant 2640 : index
      %get3A_1976 = tpu.vector_load %arg8[%get3A_1975] {strides = array<i32>} : memref<4096xi32, #tpu.memory_space<vmem>>, vector<16xi32>,
      %add3A_1977 = arith.addi %add3A_1974, %get3A_1976 : vector<16xi32>
      %get3A_1978 = arith.constant 2896 : index
      %get3A_1979 = tpu.vector_load %arg8[%get3A_1978] {strides = array<i32>} : memref<4096xi32, #tpu.memory_space<vmem>>, vector<16xi32>,
      %add3A_1980 = arith.addi %add3A_1977, %get3A_1979 : vector<16xi32>
      %get3A_1981 = arith.constant 3152 : index
      %get3A_1982 = tpu.vector_load %arg8[%get3A_1981] {strides = array<i32>} : memref<4096xi32, #tpu.memory_space<vmem>>, vector<16xi32>,
      %add3A_1983 = arith.addi %add3A_1980, %get3A_1982 : vector<16xi32>
      %get3A_1984 = arith.constant 3408 : index
      %get3A_1985 = tpu.vector_load %arg8[%get3A_1984] {strides = array<i32>} : memref<4096xi32, #tpu.memory_space<vmem>>, vector<16xi32>,
      %add3A_1986 = arith.addi %add3A_1983, %get3A_1985 : vector<16xi32>
      %get3A_1987 = arith.constant 3664 : index
      %get3A_1988 = tpu.vector_load %arg8[%get3A_1987] {strides = array<i32>} : memref<4096xi32, #tpu.memory_space<vmem>>, vector<16xi32>,
      %add3A_1989 = arith.addi %add3A_1986, %get3A_1988 : vector<16xi32>
      %get3A_1990 = arith.constant 3920 : index
      %get3A_1991 = tpu.vector_load %arg8[%get3A_1990] {strides = array<i32>} : memref<4096xi32, #tpu.memory_space<vmem>>, vector<16xi32>,
      %add3A_1992 = arith.addi %add3A_1989, %get3A_1991 : vector<16xi32>
      %broadcast_in_dim3A_1993 = arith.constant true
      %broadcast_in_dim3A_1994 = vector.broadcast %broadcast_in_dim3A_1993 : i1 to vector<16xi1>
      %masked_cumsum3A_1995 = tpu.scan <sum>, %add3A_1992 masked %broadcast_in_dim3A_1994 : vector<16xi32>, vector<16xi1> -> vector<16xi32>
      %add3A_1996 = arith.addi %masked_cumsum3A_1995, %broadcast_in_dim3A_1945 : vector<16xi32>
      %lt3A_1997 = arith.constant 410 : i32
      %lt3A_1998 = vector.broadcast %lt3A_1997 : i32 to vector<16xi32>
      %lt3A_1999 = arith.cmpi slt, %add3A_1996, %lt3A_1998 : vector<16xi32>
      %all_reduce_population_count3A_2000 = tpu.all_reduce %lt3A_1999 {dim = 0 : i64, kind = #tpu.reduction_kind<sum>} : vector<16xi1> -> vector<16xi32>
      %add3A_2001 = arith.addi %add3A_1934, %all_reduce_population_count3A_2000 : vector<16xi32>
      %select_n3A_2002 = arith.select %lt3A_1999, %add3A_1996, %broadcast_in_dim3A_10 : vector<16xi1>, vector<16xi32>
      %max3A_2003 = arith.maxsi %max3A_1936, %select_n3A_2002 : vector<16xi32>
      %reduce_max3A_2004 = arith.constant true
      %reduce_max3A_2005 = vector.broadcast %reduce_max3A_2004 : i1 to vector<16xi1>
      %reduce_max3A_2006 = arith.constant -2147483648 : i32
      %reduce_max3A_2007 = vector.broadcast %reduce_max3A_2006 : i32 to vector<16xi32>
      %reduce_max3A_2008 = arith.xori %add3A_1996, %reduce_max3A_2007 : vector<16xi32>
      %reduce_max3A_2009 = tpu.scan <max>, %reduce_max3A_2008 masked %reduce_max3A_2005 : vector<16xi32>, vector<16xi1> -> vector<16xi32>
      %reduce_max3A_2010 = arith.xori %reduce_max3A_2009, %reduce_max3A_2007 : vector<16xi32>
      %reduce_max3A_2011 = vector.extract %reduce_max3A_2010[15] : i32 from vector<16xi32>
      %broadcast_in_dim3A_2012 = vector.broadcast %reduce_max3A_2011 : i32 to vector<16xi32>
      %get3A_2013 = arith.constant 96 : index
      %get3A_2014 = tpu.vector_load %arg8[%get3A_2013] {strides = array<i32>} : memref<4096xi32, #tpu.memory_space<vmem>>, vector<16xi32>,
      %get3A_2015 = arith.constant 352 : index
      %get3A_2016 = tpu.vector_load %arg8[%get3A_2015] {strides = array<i32>} : memref<4096xi32, #tpu.memory_space<vmem>>, vector<16xi32>,
      %add3A_2017 = arith.addi %get3A_2014, %get3A_2016 : vector<16xi32>
      %get3A_2018 = arith.constant 608 : index
      %get3A_2019 = tpu.vector_load %arg8[%get3A_2018] {strides = array<i32>} : memref<4096xi32, #tpu.memory_space<vmem>>, vector<16xi32>,
      %add3A_2020 = arith.addi %add3A_2017, %get3A_2019 : vector<16xi32>
      %get3A_2021 = arith.constant 864 : index
      %get3A_2022 = tpu.vector_load %arg8[%get3A_2021] {strides = array<i32>} : memref<4096xi32, #tpu.memory_space<vmem>>, vector<16xi32>,
      %add3A_2023 = arith.addi %add3A_2020, %get3A_2022 : vector<16xi32>
      %get3A_2024 = arith.constant 1120 : index
      %get3A_2025 = tpu.vector_load %arg8[%get3A_2024] {strides = array<i32>} : memref<4096xi32, #tpu.memory_space<vmem>>, vector<16xi32>,
      %add3A_2026 = arith.addi %add3A_2023, %get3A_2025 : vector<16xi32>
      %get3A_2027 = arith.constant 1376 : index
      %get3A_2028 = tpu.vector_load %arg8[%get3A_2027] {strides = array<i32>} : memref<4096xi32, #tpu.memory_space<vmem>>, vector<16xi32>,
      %add3A_2029 = arith.addi %add3A_2026, %get3A_2028 : vector<16xi32>
      %get3A_2030 = arith.constant 1632 : index
      %get3A_2031 = tpu.vector_load %arg8[%get3A_2030] {strides = array<i32>} : memref<4096xi32, #tpu.memory_space<vmem>>, vector<16xi32>,
      %add3A_2032 = arith.addi %add3A_2029, %get3A_2031 : vector<16xi32>
      %get3A_2033 = arith.constant 1888 : index
      %get3A_2034 = tpu.vector_load %arg8[%get3A_2033] {strides = array<i32>} : memref<4096xi32, #tpu.memory_space<vmem>>, vector<16xi32>,
      %add3A_2035 = arith.addi %add3A_2032, %get3A_2034 : vector<16xi32>
      %get3A_2036 = arith.constant 2144 : index
      %get3A_2037 = tpu.vector_load %arg8[%get3A_2036] {strides = array<i32>} : memref<4096xi32, #tpu.memory_space<vmem>>, vector<16xi32>,
      %add3A_2038 = arith.addi %add3A_2035, %get3A_2037 : vector<16xi32>
      %get3A_2039 = arith.constant 2400 : index
      %get3A_2040 = tpu.vector_load %arg8[%get3A_2039] {strides = array<i32>} : memref<4096xi32, #tpu.memory_space<vmem>>, vector<16xi32>,
      %add3A_2041 = arith.addi %add3A_2038, %get3A_2040 : vector<16xi32>
      %get3A_2042 = arith.constant 2656 : index
      %get3A_2043 = tpu.vector_load %arg8[%get3A_2042] {strides = array<i32>} : memref<4096xi32, #tpu.memory_space<vmem>>, vector<16xi32>,
      %add3A_2044 = arith.addi %add3A_2041, %get3A_2043 : vector<16xi32>
      %get3A_2045 = arith.constant 2912 : index
      %get3A_2046 = tpu.vector_load %arg8[%get3A_2045] {strides = array<i32>} : memref<4096xi32, #tpu.memory_space<vmem>>, vector<16xi32>,
      %add3A_2047 = arith.addi %add3A_2044, %get3A_2046 : vector<16xi32>
      %get3A_2048 = arith.constant 3168 : index
      %get3A_2049 = tpu.vector_load %arg8[%get3A_2048] {strides = array<i32>} : memref<4096xi32, #tpu.memory_space<vmem>>, vector<16xi32>,
      %add3A_2050 = arith.addi %add3A_2047, %get3A_2049 : vector<16xi32>
      %get3A_2051 = arith.constant 3424 : index
      %get3A_2052 = tpu.vector_load %arg8[%get3A_2051] {strides = array<i32>} : memref<4096xi32, #tpu.memory_space<vmem>>, vector<16xi32>,
      %add3A_2053 = arith.addi %add3A_2050, %get3A_2052 : vector<16xi32>
      %get3A_2054 = arith.constant 3680 : index
      %get3A_2055 = tpu.vector_load %arg8[%get3A_2054] {strides = array<i32>} : memref<4096xi32, #tpu.memory_space<vmem>>, vector<16xi32>,
      %add3A_2056 = arith.addi %add3A_2053, %get3A_2055 : vector<16xi32>
      %get3A_2057 = arith.constant 3936 : index
      %get3A_2058 = tpu.vector_load %arg8[%get3A_2057] {strides = array<i32>} : memref<4096xi32, #tpu.memory_space<vmem>>, vector<16xi32>,
      %add3A_2059 = arith.addi %add3A_2056, %get3A_2058 : vector<16xi32>
      %broadcast_in_dim3A_2060 = arith.constant true
      %broadcast_in_dim3A_2061 = vector.broadcast %broadcast_in_dim3A_2060 : i1 to vector<16xi1>
      %masked_cumsum3A_2062 = tpu.scan <sum>, %add3A_2059 masked %broadcast_in_dim3A_2061 : vector<16xi32>, vector<16xi1> -> vector<16xi32>
      %add3A_2063 = arith.addi %masked_cumsum3A_2062, %broadcast_in_dim3A_2012 : vector<16xi32>
      %lt3A_2064 = arith.constant 410 : i32
      %lt3A_2065 = vector.broadcast %lt3A_2064 : i32 to vector<16xi32>
      %lt3A_2066 = arith.cmpi slt, %add3A_2063, %lt3A_2065 : vector<16xi32>
      %all_reduce_population_count3A_2067 = tpu.all_reduce %lt3A_2066 {dim = 0 : i64, kind = #tpu.reduction_kind<sum>} : vector<16xi1> -> vector<16xi32>
      %add3A_2068 = arith.addi %add3A_2001, %all_reduce_population_count3A_2067 : vector<16xi32>
      %select_n3A_2069 = arith.select %lt3A_2066, %add3A_2063, %broadcast_in_dim3A_10 : vector<16xi1>, vector<16xi32>
      %max3A_2070 = arith.maxsi %max3A_2003, %select_n3A_2069 : vector<16xi32>
      %reduce_max3A_2071 = arith.constant true
      %reduce_max3A_2072 = vector.broadcast %reduce_max3A_2071 : i1 to vector<16xi1>
      %reduce_max3A_2073 = arith.constant -2147483648 : i32
      %reduce_max3A_2074 = vector.broadcast %reduce_max3A_2073 : i32 to vector<16xi32>
      %reduce_max3A_2075 = arith.xori %add3A_2063, %reduce_max3A_2074 : vector<16xi32>
      %reduce_max3A_2076 = tpu.scan <max>, %reduce_max3A_2075 masked %reduce_max3A_2072 : vector<16xi32>, vector<16xi1> -> vector<16xi32>
      %reduce_max3A_2077 = arith.xori %reduce_max3A_2076, %reduce_max3A_2074 : vector<16xi32>
      %reduce_max3A_2078 = vector.extract %reduce_max3A_2077[15] : i32 from vector<16xi32>
      %broadcast_in_dim3A_2079 = vector.broadcast %reduce_max3A_2078 : i32 to vector<16xi32>
      %get3A_2080 = arith.constant 112 : index
      %get3A_2081 = tpu.vector_load %arg8[%get3A_2080] {strides = array<i32>} : memref<4096xi32, #tpu.memory_space<vmem>>, vector<16xi32>,
      %get3A_2082 = arith.constant 368 : index
      %get3A_2083 = tpu.vector_load %arg8[%get3A_2082] {strides = array<i32>} : memref<4096xi32, #tpu.memory_space<vmem>>, vector<16xi32>,
      %add3A_2084 = arith.addi %get3A_2081, %get3A_2083 : vector<16xi32>
      %get3A_2085 = arith.constant 624 : index
      %get3A_2086 = tpu.vector_load %arg8[%get3A_2085] {strides = array<i32>} : memref<4096xi32, #tpu.memory_space<vmem>>, vector<16xi32>,
      %add3A_2087 = arith.addi %add3A_2084, %get3A_2086 : vector<16xi32>
      %get3A_2088 = arith.constant 880 : index
      %get3A_2089 = tpu.vector_load %arg8[%get3A_2088] {strides = array<i32>} : memref<4096xi32, #tpu.memory_space<vmem>>, vector<16xi32>,
      %add3A_2090 = arith.addi %add3A_2087, %get3A_2089 : vector<16xi32>
      %get3A_2091 = arith.constant 1136 : index
      %get3A_2092 = tpu.vector_load %arg8[%get3A_2091] {strides = array<i32>} : memref<4096xi32, #tpu.memory_space<vmem>>, vector<16xi32>,
      %add3A_2093 = arith.addi %add3A_2090, %get3A_2092 : vector<16xi32>
      %get3A_2094 = arith.constant 1392 : index
      %get3A_2095 = tpu.vector_load %arg8[%get3A_2094] {strides = array<i32>} : memref<4096xi32, #tpu.memory_space<vmem>>, vector<16xi32>,
      %add3A_2096 = arith.addi %add3A_2093, %get3A_2095 : vector<16xi32>
      %get3A_2097 = arith.constant 1648 : index
      %get3A_2098 = tpu.vector_load %arg8[%get3A_2097] {strides = array<i32>} : memref<4096xi32, #tpu.memory_space<vmem>>, vector<16xi32>,
      %add3A_2099 = arith.addi %add3A_2096, %get3A_2098 : vector<16xi32>
      %get3A_2100 = arith.constant 1904 : index
      %get3A_2101 = tpu.vector_load %arg8[%get3A_2100] {strides = array<i32>} : memref<4096xi32, #tpu.memory_space<vmem>>, vector<16xi32>,
      %add3A_2102 = arith.addi %add3A_2099, %get3A_2101 : vector<16xi32>
      %get3A_2103 = arith.constant 2160 : index
      %get3A_2104 = tpu.vector_load %arg8[%get3A_2103] {strides = array<i32>} : memref<4096xi32, #tpu.memory_space<vmem>>, vector<16xi32>,
      %add3A_2105 = arith.addi %add3A_2102, %get3A_2104 : vector<16xi32>
      %get3A_2106 = arith.constant 2416 : index
      %get3A_2107 = tpu.vector_load %arg8[%get3A_2106] {strides = array<i32>} : memref<4096xi32, #tpu.memory_space<vmem>>, vector<16xi32>,
      %add3A_2108 = arith.addi %add3A_2105, %get3A_2107 : vector<16xi32>
      %get3A_2109 = arith.constant 2672 : index
      %get3A_2110 = tpu.vector_load %arg8[%get3A_2109] {strides = array<i32>} : memref<4096xi32, #tpu.memory_space<vmem>>, vector<16xi32>,
      %add3A_2111 = arith.addi %add3A_2108, %get3A_2110 : vector<16xi32>
      %get3A_2112 = arith.constant 2928 : index
      %get3A_2113 = tpu.vector_load %arg8[%get3A_2112] {strides = array<i32>} : memref<4096xi32, #tpu.memory_space<vmem>>, vector<16xi32>,
      %add3A_2114 = arith.addi %add3A_2111, %get3A_2113 : vector<16xi32>
      %get3A_2115 = arith.constant 3184 : index
      %get3A_2116 = tpu.vector_load %arg8[%get3A_2115] {strides = array<i32>} : memref<4096xi32, #tpu.memory_space<vmem>>, vector<16xi32>,
      %add3A_2117 = arith.addi %add3A_2114, %get3A_2116 : vector<16xi32>
      %get3A_2118 = arith.constant 3440 : index
      %get3A_2119 = tpu.vector_load %arg8[%get3A_2118] {strides = array<i32>} : memref<4096xi32, #tpu.memory_space<vmem>>, vector<16xi32>,
      %add3A_2120 = arith.addi %add3A_2117, %get3A_2119 : vector<16xi32>
      %get3A_2121 = arith.constant 3696 : index
      %get3A_2122 = tpu.vector_load %arg8[%get3A_2121] {strides = array<i32>} : memref<4096xi32, #tpu.memory_space<vmem>>, vector<16xi32>,
      %add3A_2123 = arith.addi %add3A_2120, %get3A_2122 : vector<16xi32>
      %get3A_2124 = arith.constant 3952 : index
      %get3A_2125 = tpu.vector_load %arg8[%get3A_2124] {strides = array<i32>} : memref<4096xi32, #tpu.memory_space<vmem>>, vector<16xi32>,
      %add3A_2126 = arith.addi %add3A_2123, %get3A_2125 : vector<16xi32>
      %broadcast_in_dim3A_2127 = arith.constant true
      %broadcast_in_dim3A_2128 = vector.broadcast %broadcast_in_dim3A_2127 : i1 to vector<16xi1>
      %masked_cumsum3A_2129 = tpu.scan <sum>, %add3A_2126 masked %broadcast_in_dim3A_2128 : vector<16xi32>, vector<16xi1> -> vector<16xi32>
      %add3A_2130 = arith.addi %masked_cumsum3A_2129, %broadcast_in_dim3A_2079 : vector<16xi32>
      %lt3A_2131 = arith.constant 410 : i32
      %lt3A_2132 = vector.broadcast %lt3A_2131 : i32 to vector<16xi32>
      %lt3A_2133 = arith.cmpi slt, %add3A_2130, %lt3A_2132 : vector<16xi32>
      %all_reduce_population_count3A_2134 = tpu.all_reduce %lt3A_2133 {dim = 0 : i64, kind = #tpu.reduction_kind<sum>} : vector<16xi1> -> vector<16xi32>
      %add3A_2135 = arith.addi %add3A_2068, %all_reduce_population_count3A_2134 : vector<16xi32>
      %select_n3A_2136 = arith.select %lt3A_2133, %add3A_2130, %broadcast_in_dim3A_10 : vector<16xi1>, vector<16xi32>
      %max3A_2137 = arith.maxsi %max3A_2070, %select_n3A_2136 : vector<16xi32>
      %reduce_max3A_2138 = arith.constant true
      %reduce_max3A_2139 = vector.broadcast %reduce_max3A_2138 : i1 to vector<16xi1>
      %reduce_max3A_2140 = arith.constant -2147483648 : i32
      %reduce_max3A_2141 = vector.broadcast %reduce_max3A_2140 : i32 to vector<16xi32>
      %reduce_max3A_2142 = arith.xori %add3A_2130, %reduce_max3A_2141 : vector<16xi32>
      %reduce_max3A_2143 = tpu.scan <max>, %reduce_max3A_2142 masked %reduce_max3A_2139 : vector<16xi32>, vector<16xi1> -> vector<16xi32>
      %reduce_max3A_2144 = arith.xori %reduce_max3A_2143, %reduce_max3A_2141 : vector<16xi32>
      %reduce_max3A_2145 = vector.extract %reduce_max3A_2144[15] : i32 from vector<16xi32>
      %broadcast_in_dim3A_2146 = vector.broadcast %reduce_max3A_2145 : i32 to vector<16xi32>
      %get3A_2147 = arith.constant 128 : index
      %get3A_2148 = tpu.vector_load %arg8[%get3A_2147] {strides = array<i32>} : memref<4096xi32, #tpu.memory_space<vmem>>, vector<16xi32>,
      %get3A_2149 = arith.constant 384 : index
      %get3A_2150 = tpu.vector_load %arg8[%get3A_2149] {strides = array<i32>} : memref<4096xi32, #tpu.memory_space<vmem>>, vector<16xi32>,
      %add3A_2151 = arith.addi %get3A_2148, %get3A_2150 : vector<16xi32>
      %get3A_2152 = arith.constant 640 : index
      %get3A_2153 = tpu.vector_load %arg8[%get3A_2152] {strides = array<i32>} : memref<4096xi32, #tpu.memory_space<vmem>>, vector<16xi32>,
      %add3A_2154 = arith.addi %add3A_2151, %get3A_2153 : vector<16xi32>
      %get3A_2155 = arith.constant 896 : index
      %get3A_2156 = tpu.vector_load %arg8[%get3A_2155] {strides = array<i32>} : memref<4096xi32, #tpu.memory_space<vmem>>, vector<16xi32>,
      %add3A_2157 = arith.addi %add3A_2154, %get3A_2156 : vector<16xi32>
      %get3A_2158 = arith.constant 1152 : index
      %get3A_2159 = tpu.vector_load %arg8[%get3A_2158] {strides = array<i32>} : memref<4096xi32, #tpu.memory_space<vmem>>, vector<16xi32>,
      %add3A_2160 = arith.addi %add3A_2157, %get3A_2159 : vector<16xi32>
      %get3A_2161 = arith.constant 1408 : index
      %get3A_2162 = tpu.vector_load %arg8[%get3A_2161] {strides = array<i32>} : memref<4096xi32, #tpu.memory_space<vmem>>, vector<16xi32>,
      %add3A_2163 = arith.addi %add3A_2160, %get3A_2162 : vector<16xi32>
      %get3A_2164 = arith.constant 1664 : index
      %get3A_2165 = tpu.vector_load %arg8[%get3A_2164] {strides = array<i32>} : memref<4096xi32, #tpu.memory_space<vmem>>, vector<16xi32>,
      %add3A_2166 = arith.addi %add3A_2163, %get3A_2165 : vector<16xi32>
      %get3A_2167 = arith.constant 1920 : index
      %get3A_2168 = tpu.vector_load %arg8[%get3A_2167] {strides = array<i32>} : memref<4096xi32, #tpu.memory_space<vmem>>, vector<16xi32>,
      %add3A_2169 = arith.addi %add3A_2166, %get3A_2168 : vector<16xi32>
      %get3A_2170 = arith.constant 2176 : index
      %get3A_2171 = tpu.vector_load %arg8[%get3A_2170] {strides = array<i32>} : memref<4096xi32, #tpu.memory_space<vmem>>, vector<16xi32>,
      %add3A_2172 = arith.addi %add3A_2169, %get3A_2171 : vector<16xi32>
      %get3A_2173 = arith.constant 2432 : index
      %get3A_2174 = tpu.vector_load %arg8[%get3A_2173] {strides = array<i32>} : memref<4096xi32, #tpu.memory_space<vmem>>, vector<16xi32>,
      %add3A_2175 = arith.addi %add3A_2172, %get3A_2174 : vector<16xi32>
      %get3A_2176 = arith.constant 2688 : index
      %get3A_2177 = tpu.vector_load %arg8[%get3A_2176] {strides = array<i32>} : memref<4096xi32, #tpu.memory_space<vmem>>, vector<16xi32>,
      %add3A_2178 = arith.addi %add3A_2175, %get3A_2177 : vector<16xi32>
      %get3A_2179 = arith.constant 2944 : index
      %get3A_2180 = tpu.vector_load %arg8[%get3A_2179] {strides = array<i32>} : memref<4096xi32, #tpu.memory_space<vmem>>, vector<16xi32>,
      %add3A_2181 = arith.addi %add3A_2178, %get3A_2180 : vector<16xi32>
      %get3A_2182 = arith.constant 3200 : index
      %get3A_2183 = tpu.vector_load %arg8[%get3A_2182] {strides = array<i32>} : memref<4096xi32, #tpu.memory_space<vmem>>, vector<16xi32>,
      %add3A_2184 = arith.addi %add3A_2181, %get3A_2183 : vector<16xi32>
      %get3A_2185 = arith.constant 3456 : index
      %get3A_2186 = tpu.vector_load %arg8[%get3A_2185] {strides = array<i32>} : memref<4096xi32, #tpu.memory_space<vmem>>, vector<16xi32>,
      %add3A_2187 = arith.addi %add3A_2184, %get3A_2186 : vector<16xi32>
      %get3A_2188 = arith.constant 3712 : index
      %get3A_2189 = tpu.vector_load %arg8[%get3A_2188] {strides = array<i32>} : memref<4096xi32, #tpu.memory_space<vmem>>, vector<16xi32>,
      %add3A_2190 = arith.addi %add3A_2187, %get3A_2189 : vector<16xi32>
      %get3A_2191 = arith.constant 3968 : index
      %get3A_2192 = tpu.vector_load %arg8[%get3A_2191] {strides = array<i32>} : memref<4096xi32, #tpu.memory_space<vmem>>, vector<16xi32>,
      %add3A_2193 = arith.addi %add3A_2190, %get3A_2192 : vector<16xi32>
      %broadcast_in_dim3A_2194 = arith.constant true
      %broadcast_in_dim3A_2195 = vector.broadcast %broadcast_in_dim3A_2194 : i1 to vector<16xi1>
      %masked_cumsum3A_2196 = tpu.scan <sum>, %add3A_2193 masked %broadcast_in_dim3A_2195 : vector<16xi32>, vector<16xi1> -> vector<16xi32>
      %add3A_2197 = arith.addi %masked_cumsum3A_2196, %broadcast_in_dim3A_2146 : vector<16xi32>
      %lt3A_2198 = arith.constant 410 : i32
      %lt3A_2199 = vector.broadcast %lt3A_2198 : i32 to vector<16xi32>
      %lt3A_2200 = arith.cmpi slt, %add3A_2197, %lt3A_2199 : vector<16xi32>
      %all_reduce_population_count3A_2201 = tpu.all_reduce %lt3A_2200 {dim = 0 : i64, kind = #tpu.reduction_kind<sum>} : vector<16xi1> -> vector<16xi32>
      %add3A_2202 = arith.addi %add3A_2135, %all_reduce_population_count3A_2201 : vector<16xi32>
      %select_n3A_2203 = arith.select %lt3A_2200, %add3A_2197, %broadcast_in_dim3A_10 : vector<16xi1>, vector<16xi32>
      %max3A_2204 = arith.maxsi %max3A_2137, %select_n3A_2203 : vector<16xi32>
      %reduce_max3A_2205 = arith.constant true
      %reduce_max3A_2206 = vector.broadcast %reduce_max3A_2205 : i1 to vector<16xi1>
      %reduce_max3A_2207 = arith.constant -2147483648 : i32
      %reduce_max3A_2208 = vector.broadcast %reduce_max3A_2207 : i32 to vector<16xi32>
      %reduce_max3A_2209 = arith.xori %add3A_2197, %reduce_max3A_2208 : vector<16xi32>
      %reduce_max3A_2210 = tpu.scan <max>, %reduce_max3A_2209 masked %reduce_max3A_2206 : vector<16xi32>, vector<16xi1> -> vector<16xi32>
      %reduce_max3A_2211 = arith.xori %reduce_max3A_2210, %reduce_max3A_2208 : vector<16xi32>
      %reduce_max3A_2212 = vector.extract %reduce_max3A_2211[15] : i32 from vector<16xi32>
      %broadcast_in_dim3A_2213 = vector.broadcast %reduce_max3A_2212 : i32 to vector<16xi32>
      %get3A_2214 = arith.constant 144 : index
      %get3A_2215 = tpu.vector_load %arg8[%get3A_2214] {strides = array<i32>} : memref<4096xi32, #tpu.memory_space<vmem>>, vector<16xi32>,
      %get3A_2216 = arith.constant 400 : index
      %get3A_2217 = tpu.vector_load %arg8[%get3A_2216] {strides = array<i32>} : memref<4096xi32, #tpu.memory_space<vmem>>, vector<16xi32>,
      %add3A_2218 = arith.addi %get3A_2215, %get3A_2217 : vector<16xi32>
      %get3A_2219 = arith.constant 656 : index
      %get3A_2220 = tpu.vector_load %arg8[%get3A_2219] {strides = array<i32>} : memref<4096xi32, #tpu.memory_space<vmem>>, vector<16xi32>,
      %add3A_2221 = arith.addi %add3A_2218, %get3A_2220 : vector<16xi32>
      %get3A_2222 = arith.constant 912 : index
      %get3A_2223 = tpu.vector_load %arg8[%get3A_2222] {strides = array<i32>} : memref<4096xi32, #tpu.memory_space<vmem>>, vector<16xi32>,
      %add3A_2224 = arith.addi %add3A_2221, %get3A_2223 : vector<16xi32>
      %get3A_2225 = arith.constant 1168 : index
      %get3A_2226 = tpu.vector_load %arg8[%get3A_2225] {strides = array<i32>} : memref<4096xi32, #tpu.memory_space<vmem>>, vector<16xi32>,
      %add3A_2227 = arith.addi %add3A_2224, %get3A_2226 : vector<16xi32>
      %get3A_2228 = arith.constant 1424 : index
      %get3A_2229 = tpu.vector_load %arg8[%get3A_2228] {strides = array<i32>} : memref<4096xi32, #tpu.memory_space<vmem>>, vector<16xi32>,
      %add3A_2230 = arith.addi %add3A_2227, %get3A_2229 : vector<16xi32>
      %get3A_2231 = arith.constant 1680 : index
      %get3A_2232 = tpu.vector_load %arg8[%get3A_2231] {strides = array<i32>} : memref<4096xi32, #tpu.memory_space<vmem>>, vector<16xi32>,
      %add3A_2233 = arith.addi %add3A_2230, %get3A_2232 : vector<16xi32>
      %get3A_2234 = arith.constant 1936 : index
      %get3A_2235 = tpu.vector_load %arg8[%get3A_2234] {strides = array<i32>} : memref<4096xi32, #tpu.memory_space<vmem>>, vector<16xi32>,
      %add3A_2236 = arith.addi %add3A_2233, %get3A_2235 : vector<16xi32>
      %get3A_2237 = arith.constant 2192 : index
      %get3A_2238 = tpu.vector_load %arg8[%get3A_2237] {strides = array<i32>} : memref<4096xi32, #tpu.memory_space<vmem>>, vector<16xi32>,
      %add3A_2239 = arith.addi %add3A_2236, %get3A_2238 : vector<16xi32>
      %get3A_2240 = arith.constant 2448 : index
      %get3A_2241 = tpu.vector_load %arg8[%get3A_2240] {strides = array<i32>} : memref<4096xi32, #tpu.memory_space<vmem>>, vector<16xi32>,
      %add3A_2242 = arith.addi %add3A_2239, %get3A_2241 : vector<16xi32>
      %get3A_2243 = arith.constant 2704 : index
      %get3A_2244 = tpu.vector_load %arg8[%get3A_2243] {strides = array<i32>} : memref<4096xi32, #tpu.memory_space<vmem>>, vector<16xi32>,
      %add3A_2245 = arith.addi %add3A_2242, %get3A_2244 : vector<16xi32>
      %get3A_2246 = arith.constant 2960 : index
      %get3A_2247 = tpu.vector_load %arg8[%get3A_2246] {strides = array<i32>} : memref<4096xi32, #tpu.memory_space<vmem>>, vector<16xi32>,
      %add3A_2248 = arith.addi %add3A_2245, %get3A_2247 : vector<16xi32>
      %get3A_2249 = arith.constant 3216 : index
      %get3A_2250 = tpu.vector_load %arg8[%get3A_2249] {strides = array<i32>} : memref<4096xi32, #tpu.memory_space<vmem>>, vector<16xi32>,
      %add3A_2251 = arith.addi %add3A_2248, %get3A_2250 : vector<16xi32>
      %get3A_2252 = arith.constant 3472 : index
      %get3A_2253 = tpu.vector_load %arg8[%get3A_2252] {strides = array<i32>} : memref<4096xi32, #tpu.memory_space<vmem>>, vector<16xi32>,
      %add3A_2254 = arith.addi %add3A_2251, %get3A_2253 : vector<16xi32>
      %get3A_2255 = arith.constant 3728 : index
      %get3A_2256 = tpu.vector_load %arg8[%get3A_2255] {strides = array<i32>} : memref<4096xi32, #tpu.memory_space<vmem>>, vector<16xi32>,
      %add3A_2257 = arith.addi %add3A_2254, %get3A_2256 : vector<16xi32>
      %get3A_2258 = arith.constant 3984 : index
      %get3A_2259 = tpu.vector_load %arg8[%get3A_2258] {strides = array<i32>} : memref<4096xi32, #tpu.memory_space<vmem>>, vector<16xi32>,
      %add3A_2260 = arith.addi %add3A_2257, %get3A_2259 : vector<16xi32>
      %broadcast_in_dim3A_2261 = arith.constant true
      %broadcast_in_dim3A_2262 = vector.broadcast %broadcast_in_dim3A_2261 : i1 to vector<16xi1>
      %masked_cumsum3A_2263 = tpu.scan <sum>, %add3A_2260 masked %broadcast_in_dim3A_2262 : vector<16xi32>, vector<16xi1> -> vector<16xi32>
      %add3A_2264 = arith.addi %masked_cumsum3A_2263, %broadcast_in_dim3A_2213 : vector<16xi32>
      %lt3A_2265 = arith.constant 410 : i32
      %lt3A_2266 = vector.broadcast %lt3A_2265 : i32 to vector<16xi32>
      %lt3A_2267 = arith.cmpi slt, %add3A_2264, %lt3A_2266 : vector<16xi32>
      %all_reduce_population_count3A_2268 = tpu.all_reduce %lt3A_2267 {dim = 0 : i64, kind = #tpu.reduction_kind<sum>} : vector<16xi1> -> vector<16xi32>
      %add3A_2269 = arith.addi %add3A_2202, %all_reduce_population_count3A_2268 : vector<16xi32>
      %select_n3A_2270 = arith.select %lt3A_2267, %add3A_2264, %broadcast_in_dim3A_10 : vector<16xi1>, vector<16xi32>
      %max3A_2271 = arith.maxsi %max3A_2204, %select_n3A_2270 : vector<16xi32>
      %reduce_max3A_2272 = arith.constant true
      %reduce_max3A_2273 = vector.broadcast %reduce_max3A_2272 : i1 to vector<16xi1>
      %reduce_max3A_2274 = arith.constant -2147483648 : i32
      %reduce_max3A_2275 = vector.broadcast %reduce_max3A_2274 : i32 to vector<16xi32>
      %reduce_max3A_2276 = arith.xori %add3A_2264, %reduce_max3A_2275 : vector<16xi32>
      %reduce_max3A_2277 = tpu.scan <max>, %reduce_max3A_2276 masked %reduce_max3A_2273 : vector<16xi32>, vector<16xi1> -> vector<16xi32>
      %reduce_max3A_2278 = arith.xori %reduce_max3A_2277, %reduce_max3A_2275 : vector<16xi32>
      %reduce_max3A_2279 = vector.extract %reduce_max3A_2278[15] : i32 from vector<16xi32>
      %broadcast_in_dim3A_2280 = vector.broadcast %reduce_max3A_2279 : i32 to vector<16xi32>
      %get3A_2281 = arith.constant 160 : index
      %get3A_2282 = tpu.vector_load %arg8[%get3A_2281] {strides = array<i32>} : memref<4096xi32, #tpu.memory_space<vmem>>, vector<16xi32>,
      %get3A_2283 = arith.constant 416 : index
      %get3A_2284 = tpu.vector_load %arg8[%get3A_2283] {strides = array<i32>} : memref<4096xi32, #tpu.memory_space<vmem>>, vector<16xi32>,
      %add3A_2285 = arith.addi %get3A_2282, %get3A_2284 : vector<16xi32>
      %get3A_2286 = arith.constant 672 : index
      %get3A_2287 = tpu.vector_load %arg8[%get3A_2286] {strides = array<i32>} : memref<4096xi32, #tpu.memory_space<vmem>>, vector<16xi32>,
      %add3A_2288 = arith.addi %add3A_2285, %get3A_2287 : vector<16xi32>
      %get3A_2289 = arith.constant 928 : index
      %get3A_2290 = tpu.vector_load %arg8[%get3A_2289] {strides = array<i32>} : memref<4096xi32, #tpu.memory_space<vmem>>, vector<16xi32>,
      %add3A_2291 = arith.addi %add3A_2288, %get3A_2290 : vector<16xi32>
      %get3A_2292 = arith.constant 1184 : index
      %get3A_2293 = tpu.vector_load %arg8[%get3A_2292] {strides = array<i32>} : memref<4096xi32, #tpu.memory_space<vmem>>, vector<16xi32>,
      %add3A_2294 = arith.addi %add3A_2291, %get3A_2293 : vector<16xi32>
      %get3A_2295 = arith.constant 1440 : index
      %get3A_2296 = tpu.vector_load %arg8[%get3A_2295] {strides = array<i32>} : memref<4096xi32, #tpu.memory_space<vmem>>, vector<16xi32>,
      %add3A_2297 = arith.addi %add3A_2294, %get3A_2296 : vector<16xi32>
      %get3A_2298 = arith.constant 1696 : index
      %get3A_2299 = tpu.vector_load %arg8[%get3A_2298] {strides = array<i32>} : memref<4096xi32, #tpu.memory_space<vmem>>, vector<16xi32>,
      %add3A_2300 = arith.addi %add3A_2297, %get3A_2299 : vector<16xi32>
      %get3A_2301 = arith.constant 1952 : index
      %get3A_2302 = tpu.vector_load %arg8[%get3A_2301] {strides = array<i32>} : memref<4096xi32, #tpu.memory_space<vmem>>, vector<16xi32>,
      %add3A_2303 = arith.addi %add3A_2300, %get3A_2302 : vector<16xi32>
      %get3A_2304 = arith.constant 2208 : index
      %get3A_2305 = tpu.vector_load %arg8[%get3A_2304] {strides = array<i32>} : memref<4096xi32, #tpu.memory_space<vmem>>, vector<16xi32>,
      %add3A_2306 = arith.addi %add3A_2303, %get3A_2305 : vector<16xi32>
      %get3A_2307 = arith.constant 2464 : index
      %get3A_2308 = tpu.vector_load %arg8[%get3A_2307] {strides = array<i32>} : memref<4096xi32, #tpu.memory_space<vmem>>, vector<16xi32>,
      %add3A_2309 = arith.addi %add3A_2306, %get3A_2308 : vector<16xi32>
      %get3A_2310 = arith.constant 2720 : index
      %get3A_2311 = tpu.vector_load %arg8[%get3A_2310] {strides = array<i32>} : memref<4096xi32, #tpu.memory_space<vmem>>, vector<16xi32>,
      %add3A_2312 = arith.addi %add3A_2309, %get3A_2311 : vector<16xi32>
      %get3A_2313 = arith.constant 2976 : index
      %get3A_2314 = tpu.vector_load %arg8[%get3A_2313] {strides = array<i32>} : memref<4096xi32, #tpu.memory_space<vmem>>, vector<16xi32>,
      %add3A_2315 = arith.addi %add3A_2312, %get3A_2314 : vector<16xi32>
      %get3A_2316 = arith.constant 3232 : index
      %get3A_2317 = tpu.vector_load %arg8[%get3A_2316] {strides = array<i32>} : memref<4096xi32, #tpu.memory_space<vmem>>, vector<16xi32>,
      %add3A_2318 = arith.addi %add3A_2315, %get3A_2317 : vector<16xi32>
      %get3A_2319 = arith.constant 3488 : index
      %get3A_2320 = tpu.vector_load %arg8[%get3A_2319] {strides = array<i32>} : memref<4096xi32, #tpu.memory_space<vmem>>, vector<16xi32>,
      %add3A_2321 = arith.addi %add3A_2318, %get3A_2320 : vector<16xi32>
      %get3A_2322 = arith.constant 3744 : index
      %get3A_2323 = tpu.vector_load %arg8[%get3A_2322] {strides = array<i32>} : memref<4096xi32, #tpu.memory_space<vmem>>, vector<16xi32>,
      %add3A_2324 = arith.addi %add3A_2321, %get3A_2323 : vector<16xi32>
      %get3A_2325 = arith.constant 4000 : index
      %get3A_2326 = tpu.vector_load %arg8[%get3A_2325] {strides = array<i32>} : memref<4096xi32, #tpu.memory_space<vmem>>, vector<16xi32>,
      %add3A_2327 = arith.addi %add3A_2324, %get3A_2326 : vector<16xi32>
      %broadcast_in_dim3A_2328 = arith.constant true
      %broadcast_in_dim3A_2329 = vector.broadcast %broadcast_in_dim3A_2328 : i1 to vector<16xi1>
      %masked_cumsum3A_2330 = tpu.scan <sum>, %add3A_2327 masked %broadcast_in_dim3A_2329 : vector<16xi32>, vector<16xi1> -> vector<16xi32>
      %add3A_2331 = arith.addi %masked_cumsum3A_2330, %broadcast_in_dim3A_2280 : vector<16xi32>
      %lt3A_2332 = arith.constant 410 : i32
      %lt3A_2333 = vector.broadcast %lt3A_2332 : i32 to vector<16xi32>
      %lt3A_2334 = arith.cmpi slt, %add3A_2331, %lt3A_2333 : vector<16xi32>
      %all_reduce_population_count3A_2335 = tpu.all_reduce %lt3A_2334 {dim = 0 : i64, kind = #tpu.reduction_kind<sum>} : vector<16xi1> -> vector<16xi32>
      %add3A_2336 = arith.addi %add3A_2269, %all_reduce_population_count3A_2335 : vector<16xi32>
      %select_n3A_2337 = arith.select %lt3A_2334, %add3A_2331, %broadcast_in_dim3A_10 : vector<16xi1>, vector<16xi32>
      %max3A_2338 = arith.maxsi %max3A_2271, %select_n3A_2337 : vector<16xi32>
      %reduce_max3A_2339 = arith.constant true
      %reduce_max3A_2340 = vector.broadcast %reduce_max3A_2339 : i1 to vector<16xi1>
      %reduce_max3A_2341 = arith.constant -2147483648 : i32
      %reduce_max3A_2342 = vector.broadcast %reduce_max3A_2341 : i32 to vector<16xi32>
      %reduce_max3A_2343 = arith.xori %add3A_2331, %reduce_max3A_2342 : vector<16xi32>
      %reduce_max3A_2344 = tpu.scan <max>, %reduce_max3A_2343 masked %reduce_max3A_2340 : vector<16xi32>, vector<16xi1> -> vector<16xi32>
      %reduce_max3A_2345 = arith.xori %reduce_max3A_2344, %reduce_max3A_2342 : vector<16xi32>
      %reduce_max3A_2346 = vector.extract %reduce_max3A_2345[15] : i32 from vector<16xi32>
      %broadcast_in_dim3A_2347 = vector.broadcast %reduce_max3A_2346 : i32 to vector<16xi32>
      %get3A_2348 = arith.constant 176 : index
      %get3A_2349 = tpu.vector_load %arg8[%get3A_2348] {strides = array<i32>} : memref<4096xi32, #tpu.memory_space<vmem>>, vector<16xi32>,
      %get3A_2350 = arith.constant 432 : index
      %get3A_2351 = tpu.vector_load %arg8[%get3A_2350] {strides = array<i32>} : memref<4096xi32, #tpu.memory_space<vmem>>, vector<16xi32>,
      %add3A_2352 = arith.addi %get3A_2349, %get3A_2351 : vector<16xi32>
      %get3A_2353 = arith.constant 688 : index
      %get3A_2354 = tpu.vector_load %arg8[%get3A_2353] {strides = array<i32>} : memref<4096xi32, #tpu.memory_space<vmem>>, vector<16xi32>,
      %add3A_2355 = arith.addi %add3A_2352, %get3A_2354 : vector<16xi32>
      %get3A_2356 = arith.constant 944 : index
      %get3A_2357 = tpu.vector_load %arg8[%get3A_2356] {strides = array<i32>} : memref<4096xi32, #tpu.memory_space<vmem>>, vector<16xi32>,
      %add3A_2358 = arith.addi %add3A_2355, %get3A_2357 : vector<16xi32>
      %get3A_2359 = arith.constant 1200 : index
      %get3A_2360 = tpu.vector_load %arg8[%get3A_2359] {strides = array<i32>} : memref<4096xi32, #tpu.memory_space<vmem>>, vector<16xi32>,
      %add3A_2361 = arith.addi %add3A_2358, %get3A_2360 : vector<16xi32>
      %get3A_2362 = arith.constant 1456 : index
      %get3A_2363 = tpu.vector_load %arg8[%get3A_2362] {strides = array<i32>} : memref<4096xi32, #tpu.memory_space<vmem>>, vector<16xi32>,
      %add3A_2364 = arith.addi %add3A_2361, %get3A_2363 : vector<16xi32>
      %get3A_2365 = arith.constant 1712 : index
      %get3A_2366 = tpu.vector_load %arg8[%get3A_2365] {strides = array<i32>} : memref<4096xi32, #tpu.memory_space<vmem>>, vector<16xi32>,
      %add3A_2367 = arith.addi %add3A_2364, %get3A_2366 : vector<16xi32>
      %get3A_2368 = arith.constant 1968 : index
      %get3A_2369 = tpu.vector_load %arg8[%get3A_2368] {strides = array<i32>} : memref<4096xi32, #tpu.memory_space<vmem>>, vector<16xi32>,
      %add3A_2370 = arith.addi %add3A_2367, %get3A_2369 : vector<16xi32>
      %get3A_2371 = arith.constant 2224 : index
      %get3A_2372 = tpu.vector_load %arg8[%get3A_2371] {strides = array<i32>} : memref<4096xi32, #tpu.memory_space<vmem>>, vector<16xi32>,
      %add3A_2373 = arith.addi %add3A_2370, %get3A_2372 : vector<16xi32>
      %get3A_2374 = arith.constant 2480 : index
      %get3A_2375 = tpu.vector_load %arg8[%get3A_2374] {strides = array<i32>} : memref<4096xi32, #tpu.memory_space<vmem>>, vector<16xi32>,
      %add3A_2376 = arith.addi %add3A_2373, %get3A_2375 : vector<16xi32>
      %get3A_2377 = arith.constant 2736 : index
      %get3A_2378 = tpu.vector_load %arg8[%get3A_2377] {strides = array<i32>} : memref<4096xi32, #tpu.memory_space<vmem>>, vector<16xi32>,
      %add3A_2379 = arith.addi %add3A_2376, %get3A_2378 : vector<16xi32>
      %get3A_2380 = arith.constant 2992 : index
      %get3A_2381 = tpu.vector_load %arg8[%get3A_2380] {strides = array<i32>} : memref<4096xi32, #tpu.memory_space<vmem>>, vector<16xi32>,
      %add3A_2382 = arith.addi %add3A_2379, %get3A_2381 : vector<16xi32>
      %get3A_2383 = arith.constant 3248 : index
      %get3A_2384 = tpu.vector_load %arg8[%get3A_2383] {strides = array<i32>} : memref<4096xi32, #tpu.memory_space<vmem>>, vector<16xi32>,
      %add3A_2385 = arith.addi %add3A_2382, %get3A_2384 : vector<16xi32>
      %get3A_2386 = arith.constant 3504 : index
      %get3A_2387 = tpu.vector_load %arg8[%get3A_2386] {strides = array<i32>} : memref<4096xi32, #tpu.memory_space<vmem>>, vector<16xi32>,
      %add3A_2388 = arith.addi %add3A_2385, %get3A_2387 : vector<16xi32>
      %get3A_2389 = arith.constant 3760 : index
      %get3A_2390 = tpu.vector_load %arg8[%get3A_2389] {strides = array<i32>} : memref<4096xi32, #tpu.memory_space<vmem>>, vector<16xi32>,
      %add3A_2391 = arith.addi %add3A_2388, %get3A_2390 : vector<16xi32>
      %get3A_2392 = arith.constant 4016 : index
      %get3A_2393 = tpu.vector_load %arg8[%get3A_2392] {strides = array<i32>} : memref<4096xi32, #tpu.memory_space<vmem>>, vector<16xi32>,
      %add3A_2394 = arith.addi %add3A_2391, %get3A_2393 : vector<16xi32>
      %broadcast_in_dim3A_2395 = arith.constant true
      %broadcast_in_dim3A_2396 = vector.broadcast %broadcast_in_dim3A_2395 : i1 to vector<16xi1>
      %masked_cumsum3A_2397 = tpu.scan <sum>, %add3A_2394 masked %broadcast_in_dim3A_2396 : vector<16xi32>, vector<16xi1> -> vector<16xi32>
      %add3A_2398 = arith.addi %masked_cumsum3A_2397, %broadcast_in_dim3A_2347 : vector<16xi32>
      %lt3A_2399 = arith.constant 410 : i32
      %lt3A_2400 = vector.broadcast %lt3A_2399 : i32 to vector<16xi32>
      %lt3A_2401 = arith.cmpi slt, %add3A_2398, %lt3A_2400 : vector<16xi32>
      %all_reduce_population_count3A_2402 = tpu.all_reduce %lt3A_2401 {dim = 0 : i64, kind = #tpu.reduction_kind<sum>} : vector<16xi1> -> vector<16xi32>
      %add3A_2403 = arith.addi %add3A_2336, %all_reduce_population_count3A_2402 : vector<16xi32>
      %select_n3A_2404 = arith.select %lt3A_2401, %add3A_2398, %broadcast_in_dim3A_10 : vector<16xi1>, vector<16xi32>
      %max3A_2405 = arith.maxsi %max3A_2338, %select_n3A_2404 : vector<16xi32>
      %reduce_max3A_2406 = arith.constant true
      %reduce_max3A_2407 = vector.broadcast %reduce_max3A_2406 : i1 to vector<16xi1>
      %reduce_max3A_2408 = arith.constant -2147483648 : i32
      %reduce_max3A_2409 = vector.broadcast %reduce_max3A_2408 : i32 to vector<16xi32>
      %reduce_max3A_2410 = arith.xori %add3A_2398, %reduce_max3A_2409 : vector<16xi32>
      %reduce_max3A_2411 = tpu.scan <max>, %reduce_max3A_2410 masked %reduce_max3A_2407 : vector<16xi32>, vector<16xi1> -> vector<16xi32>
      %reduce_max3A_2412 = arith.xori %reduce_max3A_2411, %reduce_max3A_2409 : vector<16xi32>
      %reduce_max3A_2413 = vector.extract %reduce_max3A_2412[15] : i32 from vector<16xi32>
      %broadcast_in_dim3A_2414 = vector.broadcast %reduce_max3A_2413 : i32 to vector<16xi32>
      %get3A_2415 = arith.constant 192 : index
      %get3A_2416 = tpu.vector_load %arg8[%get3A_2415] {strides = array<i32>} : memref<4096xi32, #tpu.memory_space<vmem>>, vector<16xi32>,
      %get3A_2417 = arith.constant 448 : index
      %get3A_2418 = tpu.vector_load %arg8[%get3A_2417] {strides = array<i32>} : memref<4096xi32, #tpu.memory_space<vmem>>, vector<16xi32>,
      %add3A_2419 = arith.addi %get3A_2416, %get3A_2418 : vector<16xi32>
      %get3A_2420 = arith.constant 704 : index
      %get3A_2421 = tpu.vector_load %arg8[%get3A_2420] {strides = array<i32>} : memref<4096xi32, #tpu.memory_space<vmem>>, vector<16xi32>,
      %add3A_2422 = arith.addi %add3A_2419, %get3A_2421 : vector<16xi32>
      %get3A_2423 = arith.constant 960 : index
      %get3A_2424 = tpu.vector_load %arg8[%get3A_2423] {strides = array<i32>} : memref<4096xi32, #tpu.memory_space<vmem>>, vector<16xi32>,
      %add3A_2425 = arith.addi %add3A_2422, %get3A_2424 : vector<16xi32>
      %get3A_2426 = arith.constant 1216 : index
      %get3A_2427 = tpu.vector_load %arg8[%get3A_2426] {strides = array<i32>} : memref<4096xi32, #tpu.memory_space<vmem>>, vector<16xi32>,
      %add3A_2428 = arith.addi %add3A_2425, %get3A_2427 : vector<16xi32>
      %get3A_2429 = arith.constant 1472 : index
      %get3A_2430 = tpu.vector_load %arg8[%get3A_2429] {strides = array<i32>} : memref<4096xi32, #tpu.memory_space<vmem>>, vector<16xi32>,
      %add3A_2431 = arith.addi %add3A_2428, %get3A_2430 : vector<16xi32>
      %get3A_2432 = arith.constant 1728 : index
      %get3A_2433 = tpu.vector_load %arg8[%get3A_2432] {strides = array<i32>} : memref<4096xi32, #tpu.memory_space<vmem>>, vector<16xi32>,
      %add3A_2434 = arith.addi %add3A_2431, %get3A_2433 : vector<16xi32>
      %get3A_2435 = arith.constant 1984 : index
      %get3A_2436 = tpu.vector_load %arg8[%get3A_2435] {strides = array<i32>} : memref<4096xi32, #tpu.memory_space<vmem>>, vector<16xi32>,
      %add3A_2437 = arith.addi %add3A_2434, %get3A_2436 : vector<16xi32>
      %get3A_2438 = arith.constant 2240 : index
      %get3A_2439 = tpu.vector_load %arg8[%get3A_2438] {strides = array<i32>} : memref<4096xi32, #tpu.memory_space<vmem>>, vector<16xi32>,
      %add3A_2440 = arith.addi %add3A_2437, %get3A_2439 : vector<16xi32>
      %get3A_2441 = arith.constant 2496 : index
      %get3A_2442 = tpu.vector_load %arg8[%get3A_2441] {strides = array<i32>} : memref<4096xi32, #tpu.memory_space<vmem>>, vector<16xi32>,
      %add3A_2443 = arith.addi %add3A_2440, %get3A_2442 : vector<16xi32>
      %get3A_2444 = arith.constant 2752 : index
      %get3A_2445 = tpu.vector_load %arg8[%get3A_2444] {strides = array<i32>} : memref<4096xi32, #tpu.memory_space<vmem>>, vector<16xi32>,
      %add3A_2446 = arith.addi %add3A_2443, %get3A_2445 : vector<16xi32>
      %get3A_2447 = arith.constant 3008 : index
      %get3A_2448 = tpu.vector_load %arg8[%get3A_2447] {strides = array<i32>} : memref<4096xi32, #tpu.memory_space<vmem>>, vector<16xi32>,
      %add3A_2449 = arith.addi %add3A_2446, %get3A_2448 : vector<16xi32>
      %get3A_2450 = arith.constant 3264 : index
      %get3A_2451 = tpu.vector_load %arg8[%get3A_2450] {strides = array<i32>} : memref<4096xi32, #tpu.memory_space<vmem>>, vector<16xi32>,
      %add3A_2452 = arith.addi %add3A_2449, %get3A_2451 : vector<16xi32>
      %get3A_2453 = arith.constant 3520 : index
      %get3A_2454 = tpu.vector_load %arg8[%get3A_2453] {strides = array<i32>} : memref<4096xi32, #tpu.memory_space<vmem>>, vector<16xi32>,
      %add3A_2455 = arith.addi %add3A_2452, %get3A_2454 : vector<16xi32>
      %get3A_2456 = arith.constant 3776 : index
      %get3A_2457 = tpu.vector_load %arg8[%get3A_2456] {strides = array<i32>} : memref<4096xi32, #tpu.memory_space<vmem>>, vector<16xi32>,
      %add3A_2458 = arith.addi %add3A_2455, %get3A_2457 : vector<16xi32>
      %get3A_2459 = arith.constant 4032 : index
      %get3A_2460 = tpu.vector_load %arg8[%get3A_2459] {strides = array<i32>} : memref<4096xi32, #tpu.memory_space<vmem>>, vector<16xi32>,
      %add3A_2461 = arith.addi %add3A_2458, %get3A_2460 : vector<16xi32>
      %broadcast_in_dim3A_2462 = arith.constant true
      %broadcast_in_dim3A_2463 = vector.broadcast %broadcast_in_dim3A_2462 : i1 to vector<16xi1>
      %masked_cumsum3A_2464 = tpu.scan <sum>, %add3A_2461 masked %broadcast_in_dim3A_2463 : vector<16xi32>, vector<16xi1> -> vector<16xi32>
      %add3A_2465 = arith.addi %masked_cumsum3A_2464, %broadcast_in_dim3A_2414 : vector<16xi32>
      %lt3A_2466 = arith.constant 410 : i32
      %lt3A_2467 = vector.broadcast %lt3A_2466 : i32 to vector<16xi32>
      %lt3A_2468 = arith.cmpi slt, %add3A_2465, %lt3A_2467 : vector<16xi32>
      %all_reduce_population_count3A_2469 = tpu.all_reduce %lt3A_2468 {dim = 0 : i64, kind = #tpu.reduction_kind<sum>} : vector<16xi1> -> vector<16xi32>
      %add3A_2470 = arith.addi %add3A_2403, %all_reduce_population_count3A_2469 : vector<16xi32>
      %select_n3A_2471 = arith.select %lt3A_2468, %add3A_2465, %broadcast_in_dim3A_10 : vector<16xi1>, vector<16xi32>
      %max3A_2472 = arith.maxsi %max3A_2405, %select_n3A_2471 : vector<16xi32>
      %reduce_max3A_2473 = arith.constant true
      %reduce_max3A_2474 = vector.broadcast %reduce_max3A_2473 : i1 to vector<16xi1>
      %reduce_max3A_2475 = arith.constant -2147483648 : i32
      %reduce_max3A_2476 = vector.broadcast %reduce_max3A_2475 : i32 to vector<16xi32>
      %reduce_max3A_2477 = arith.xori %add3A_2465, %reduce_max3A_2476 : vector<16xi32>
      %reduce_max3A_2478 = tpu.scan <max>, %reduce_max3A_2477 masked %reduce_max3A_2474 : vector<16xi32>, vector<16xi1> -> vector<16xi32>
      %reduce_max3A_2479 = arith.xori %reduce_max3A_2478, %reduce_max3A_2476 : vector<16xi32>
      %reduce_max3A_2480 = vector.extract %reduce_max3A_2479[15] : i32 from vector<16xi32>
      %broadcast_in_dim3A_2481 = vector.broadcast %reduce_max3A_2480 : i32 to vector<16xi32>
      %get3A_2482 = arith.constant 208 : index
      %get3A_2483 = tpu.vector_load %arg8[%get3A_2482] {strides = array<i32>} : memref<4096xi32, #tpu.memory_space<vmem>>, vector<16xi32>,
      %get3A_2484 = arith.constant 464 : index
      %get3A_2485 = tpu.vector_load %arg8[%get3A_2484] {strides = array<i32>} : memref<4096xi32, #tpu.memory_space<vmem>>, vector<16xi32>,
      %add3A_2486 = arith.addi %get3A_2483, %get3A_2485 : vector<16xi32>
      %get3A_2487 = arith.constant 720 : index
      %get3A_2488 = tpu.vector_load %arg8[%get3A_2487] {strides = array<i32>} : memref<4096xi32, #tpu.memory_space<vmem>>, vector<16xi32>,
      %add3A_2489 = arith.addi %add3A_2486, %get3A_2488 : vector<16xi32>
      %get3A_2490 = arith.constant 976 : index
      %get3A_2491 = tpu.vector_load %arg8[%get3A_2490] {strides = array<i32>} : memref<4096xi32, #tpu.memory_space<vmem>>, vector<16xi32>,
      %add3A_2492 = arith.addi %add3A_2489, %get3A_2491 : vector<16xi32>
      %get3A_2493 = arith.constant 1232 : index
      %get3A_2494 = tpu.vector_load %arg8[%get3A_2493] {strides = array<i32>} : memref<4096xi32, #tpu.memory_space<vmem>>, vector<16xi32>,
      %add3A_2495 = arith.addi %add3A_2492, %get3A_2494 : vector<16xi32>
      %get3A_2496 = arith.constant 1488 : index
      %get3A_2497 = tpu.vector_load %arg8[%get3A_2496] {strides = array<i32>} : memref<4096xi32, #tpu.memory_space<vmem>>, vector<16xi32>,
      %add3A_2498 = arith.addi %add3A_2495, %get3A_2497 : vector<16xi32>
      %get3A_2499 = arith.constant 1744 : index
      %get3A_2500 = tpu.vector_load %arg8[%get3A_2499] {strides = array<i32>} : memref<4096xi32, #tpu.memory_space<vmem>>, vector<16xi32>,
      %add3A_2501 = arith.addi %add3A_2498, %get3A_2500 : vector<16xi32>
      %get3A_2502 = arith.constant 2000 : index
      %get3A_2503 = tpu.vector_load %arg8[%get3A_2502] {strides = array<i32>} : memref<4096xi32, #tpu.memory_space<vmem>>, vector<16xi32>,
      %add3A_2504 = arith.addi %add3A_2501, %get3A_2503 : vector<16xi32>
      %get3A_2505 = arith.constant 2256 : index
      %get3A_2506 = tpu.vector_load %arg8[%get3A_2505] {strides = array<i32>} : memref<4096xi32, #tpu.memory_space<vmem>>, vector<16xi32>,
      %add3A_2507 = arith.addi %add3A_2504, %get3A_2506 : vector<16xi32>
      %get3A_2508 = arith.constant 2512 : index
      %get3A_2509 = tpu.vector_load %arg8[%get3A_2508] {strides = array<i32>} : memref<4096xi32, #tpu.memory_space<vmem>>, vector<16xi32>,
      %add3A_2510 = arith.addi %add3A_2507, %get3A_2509 : vector<16xi32>
      %get3A_2511 = arith.constant 2768 : index
      %get3A_2512 = tpu.vector_load %arg8[%get3A_2511] {strides = array<i32>} : memref<4096xi32, #tpu.memory_space<vmem>>, vector<16xi32>,
      %add3A_2513 = arith.addi %add3A_2510, %get3A_2512 : vector<16xi32>
      %get3A_2514 = arith.constant 3024 : index
      %get3A_2515 = tpu.vector_load %arg8[%get3A_2514] {strides = array<i32>} : memref<4096xi32, #tpu.memory_space<vmem>>, vector<16xi32>,
      %add3A_2516 = arith.addi %add3A_2513, %get3A_2515 : vector<16xi32>
      %get3A_2517 = arith.constant 3280 : index
      %get3A_2518 = tpu.vector_load %arg8[%get3A_2517] {strides = array<i32>} : memref<4096xi32, #tpu.memory_space<vmem>>, vector<16xi32>,
      %add3A_2519 = arith.addi %add3A_2516, %get3A_2518 : vector<16xi32>
      %get3A_2520 = arith.constant 3536 : index
      %get3A_2521 = tpu.vector_load %arg8[%get3A_2520] {strides = array<i32>} : memref<4096xi32, #tpu.memory_space<vmem>>, vector<16xi32>,
      %add3A_2522 = arith.addi %add3A_2519, %get3A_2521 : vector<16xi32>
      %get3A_2523 = arith.constant 3792 : index
      %get3A_2524 = tpu.vector_load %arg8[%get3A_2523] {strides = array<i32>} : memref<4096xi32, #tpu.memory_space<vmem>>, vector<16xi32>,
      %add3A_2525 = arith.addi %add3A_2522, %get3A_2524 : vector<16xi32>
      %get3A_2526 = arith.constant 4048 : index
      %get3A_2527 = tpu.vector_load %arg8[%get3A_2526] {strides = array<i32>} : memref<4096xi32, #tpu.memory_space<vmem>>, vector<16xi32>,
      %add3A_2528 = arith.addi %add3A_2525, %get3A_2527 : vector<16xi32>
      %broadcast_in_dim3A_2529 = arith.constant true
      %broadcast_in_dim3A_2530 = vector.broadcast %broadcast_in_dim3A_2529 : i1 to vector<16xi1>
      %masked_cumsum3A_2531 = tpu.scan <sum>, %add3A_2528 masked %broadcast_in_dim3A_2530 : vector<16xi32>, vector<16xi1> -> vector<16xi32>
      %add3A_2532 = arith.addi %masked_cumsum3A_2531, %broadcast_in_dim3A_2481 : vector<16xi32>
      %lt3A_2533 = arith.constant 410 : i32
      %lt3A_2534 = vector.broadcast %lt3A_2533 : i32 to vector<16xi32>
      %lt3A_2535 = arith.cmpi slt, %add3A_2532, %lt3A_2534 : vector<16xi32>
      %all_reduce_population_count3A_2536 = tpu.all_reduce %lt3A_2535 {dim = 0 : i64, kind = #tpu.reduction_kind<sum>} : vector<16xi1> -> vector<16xi32>
      %add3A_2537 = arith.addi %add3A_2470, %all_reduce_population_count3A_2536 : vector<16xi32>
      %select_n3A_2538 = arith.select %lt3A_2535, %add3A_2532, %broadcast_in_dim3A_10 : vector<16xi1>, vector<16xi32>
      %max3A_2539 = arith.maxsi %max3A_2472, %select_n3A_2538 : vector<16xi32>
      %reduce_max3A_2540 = arith.constant true
      %reduce_max3A_2541 = vector.broadcast %reduce_max3A_2540 : i1 to vector<16xi1>
      %reduce_max3A_2542 = arith.constant -2147483648 : i32
      %reduce_max3A_2543 = vector.broadcast %reduce_max3A_2542 : i32 to vector<16xi32>
      %reduce_max3A_2544 = arith.xori %add3A_2532, %reduce_max3A_2543 : vector<16xi32>
      %reduce_max3A_2545 = tpu.scan <max>, %reduce_max3A_2544 masked %reduce_max3A_2541 : vector<16xi32>, vector<16xi1> -> vector<16xi32>
      %reduce_max3A_2546 = arith.xori %reduce_max3A_2545, %reduce_max3A_2543 : vector<16xi32>
      %reduce_max3A_2547 = vector.extract %reduce_max3A_2546[15] : i32 from vector<16xi32>
      %broadcast_in_dim3A_2548 = vector.broadcast %reduce_max3A_2547 : i32 to vector<16xi32>
      %get3A_2549 = arith.constant 224 : index
      %get3A_2550 = tpu.vector_load %arg8[%get3A_2549] {strides = array<i32>} : memref<4096xi32, #tpu.memory_space<vmem>>, vector<16xi32>,
      %get3A_2551 = arith.constant 480 : index
      %get3A_2552 = tpu.vector_load %arg8[%get3A_2551] {strides = array<i32>} : memref<4096xi32, #tpu.memory_space<vmem>>, vector<16xi32>,
      %add3A_2553 = arith.addi %get3A_2550, %get3A_2552 : vector<16xi32>
      %get3A_2554 = arith.constant 736 : index
      %get3A_2555 = tpu.vector_load %arg8[%get3A_2554] {strides = array<i32>} : memref<4096xi32, #tpu.memory_space<vmem>>, vector<16xi32>,
      %add3A_2556 = arith.addi %add3A_2553, %get3A_2555 : vector<16xi32>
      %get3A_2557 = arith.constant 992 : index
      %get3A_2558 = tpu.vector_load %arg8[%get3A_2557] {strides = array<i32>} : memref<4096xi32, #tpu.memory_space<vmem>>, vector<16xi32>,
      %add3A_2559 = arith.addi %add3A_2556, %get3A_2558 : vector<16xi32>
      %get3A_2560 = arith.constant 1248 : index
      %get3A_2561 = tpu.vector_load %arg8[%get3A_2560] {strides = array<i32>} : memref<4096xi32, #tpu.memory_space<vmem>>, vector<16xi32>,
      %add3A_2562 = arith.addi %add3A_2559, %get3A_2561 : vector<16xi32>
      %get3A_2563 = arith.constant 1504 : index
      %get3A_2564 = tpu.vector_load %arg8[%get3A_2563] {strides = array<i32>} : memref<4096xi32, #tpu.memory_space<vmem>>, vector<16xi32>,
      %add3A_2565 = arith.addi %add3A_2562, %get3A_2564 : vector<16xi32>
      %get3A_2566 = arith.constant 1760 : index
      %get3A_2567 = tpu.vector_load %arg8[%get3A_2566] {strides = array<i32>} : memref<4096xi32, #tpu.memory_space<vmem>>, vector<16xi32>,
      %add3A_2568 = arith.addi %add3A_2565, %get3A_2567 : vector<16xi32>
      %get3A_2569 = arith.constant 2016 : index
      %get3A_2570 = tpu.vector_load %arg8[%get3A_2569] {strides = array<i32>} : memref<4096xi32, #tpu.memory_space<vmem>>, vector<16xi32>,
      %add3A_2571 = arith.addi %add3A_2568, %get3A_2570 : vector<16xi32>
      %get3A_2572 = arith.constant 2272 : index
      %get3A_2573 = tpu.vector_load %arg8[%get3A_2572] {strides = array<i32>} : memref<4096xi32, #tpu.memory_space<vmem>>, vector<16xi32>,
      %add3A_2574 = arith.addi %add3A_2571, %get3A_2573 : vector<16xi32>
      %get3A_2575 = arith.constant 2528 : index
      %get3A_2576 = tpu.vector_load %arg8[%get3A_2575] {strides = array<i32>} : memref<4096xi32, #tpu.memory_space<vmem>>, vector<16xi32>,
      %add3A_2577 = arith.addi %add3A_2574, %get3A_2576 : vector<16xi32>
      %get3A_2578 = arith.constant 2784 : index
      %get3A_2579 = tpu.vector_load %arg8[%get3A_2578] {strides = array<i32>} : memref<4096xi32, #tpu.memory_space<vmem>>, vector<16xi32>,
      %add3A_2580 = arith.addi %add3A_2577, %get3A_2579 : vector<16xi32>
      %get3A_2581 = arith.constant 3040 : index
      %get3A_2582 = tpu.vector_load %arg8[%get3A_2581] {strides = array<i32>} : memref<4096xi32, #tpu.memory_space<vmem>>, vector<16xi32>,
      %add3A_2583 = arith.addi %add3A_2580, %get3A_2582 : vector<16xi32>
      %get3A_2584 = arith.constant 3296 : index
      %get3A_2585 = tpu.vector_load %arg8[%get3A_2584] {strides = array<i32>} : memref<4096xi32, #tpu.memory_space<vmem>>, vector<16xi32>,
      %add3A_2586 = arith.addi %add3A_2583, %get3A_2585 : vector<16xi32>
      %get3A_2587 = arith.constant 3552 : index
      %get3A_2588 = tpu.vector_load %arg8[%get3A_2587] {strides = array<i32>} : memref<4096xi32, #tpu.memory_space<vmem>>, vector<16xi32>,
      %add3A_2589 = arith.addi %add3A_2586, %get3A_2588 : vector<16xi32>
      %get3A_2590 = arith.constant 3808 : index
      %get3A_2591 = tpu.vector_load %arg8[%get3A_2590] {strides = array<i32>} : memref<4096xi32, #tpu.memory_space<vmem>>, vector<16xi32>,
      %add3A_2592 = arith.addi %add3A_2589, %get3A_2591 : vector<16xi32>
      %get3A_2593 = arith.constant 4064 : index
      %get3A_2594 = tpu.vector_load %arg8[%get3A_2593] {strides = array<i32>} : memref<4096xi32, #tpu.memory_space<vmem>>, vector<16xi32>,
      %add3A_2595 = arith.addi %add3A_2592, %get3A_2594 : vector<16xi32>
      %broadcast_in_dim3A_2596 = arith.constant true
      %broadcast_in_dim3A_2597 = vector.broadcast %broadcast_in_dim3A_2596 : i1 to vector<16xi1>
      %masked_cumsum3A_2598 = tpu.scan <sum>, %add3A_2595 masked %broadcast_in_dim3A_2597 : vector<16xi32>, vector<16xi1> -> vector<16xi32>
      %add3A_2599 = arith.addi %masked_cumsum3A_2598, %broadcast_in_dim3A_2548 : vector<16xi32>
      %lt3A_2600 = arith.constant 410 : i32
      %lt3A_2601 = vector.broadcast %lt3A_2600 : i32 to vector<16xi32>
      %lt3A_2602 = arith.cmpi slt, %add3A_2599, %lt3A_2601 : vector<16xi32>
      %all_reduce_population_count3A_2603 = tpu.all_reduce %lt3A_2602 {dim = 0 : i64, kind = #tpu.reduction_kind<sum>} : vector<16xi1> -> vector<16xi32>
      %add3A_2604 = arith.addi %add3A_2537, %all_reduce_population_count3A_2603 : vector<16xi32>
      %select_n3A_2605 = arith.select %lt3A_2602, %add3A_2599, %broadcast_in_dim3A_10 : vector<16xi1>, vector<16xi32>
      %max3A_2606 = arith.maxsi %max3A_2539, %select_n3A_2605 : vector<16xi32>
      %reduce_max3A_2607 = arith.constant true
      %reduce_max3A_2608 = vector.broadcast %reduce_max3A_2607 : i1 to vector<16xi1>
      %reduce_max3A_2609 = arith.constant -2147483648 : i32
      %reduce_max3A_2610 = vector.broadcast %reduce_max3A_2609 : i32 to vector<16xi32>
      %reduce_max3A_2611 = arith.xori %add3A_2599, %reduce_max3A_2610 : vector<16xi32>
      %reduce_max3A_2612 = tpu.scan <max>, %reduce_max3A_2611 masked %reduce_max3A_2608 : vector<16xi32>, vector<16xi1> -> vector<16xi32>
      %reduce_max3A_2613 = arith.xori %reduce_max3A_2612, %reduce_max3A_2610 : vector<16xi32>
      %reduce_max3A_2614 = vector.extract %reduce_max3A_2613[15] : i32 from vector<16xi32>
      %broadcast_in_dim3A_2615 = vector.broadcast %reduce_max3A_2614 : i32 to vector<16xi32>
      %get3A_2616 = arith.constant 240 : index
      %get3A_2617 = tpu.vector_load %arg8[%get3A_2616] {strides = array<i32>} : memref<4096xi32, #tpu.memory_space<vmem>>, vector<16xi32>,
      %get3A_2618 = arith.constant 496 : index
      %get3A_2619 = tpu.vector_load %arg8[%get3A_2618] {strides = array<i32>} : memref<4096xi32, #tpu.memory_space<vmem>>, vector<16xi32>,
      %add3A_2620 = arith.addi %get3A_2617, %get3A_2619 : vector<16xi32>
      %get3A_2621 = arith.constant 752 : index
      %get3A_2622 = tpu.vector_load %arg8[%get3A_2621] {strides = array<i32>} : memref<4096xi32, #tpu.memory_space<vmem>>, vector<16xi32>,
      %add3A_2623 = arith.addi %add3A_2620, %get3A_2622 : vector<16xi32>
      %get3A_2624 = arith.constant 1008 : index
      %get3A_2625 = tpu.vector_load %arg8[%get3A_2624] {strides = array<i32>} : memref<4096xi32, #tpu.memory_space<vmem>>, vector<16xi32>,
      %add3A_2626 = arith.addi %add3A_2623, %get3A_2625 : vector<16xi32>
      %get3A_2627 = arith.constant 1264 : index
      %get3A_2628 = tpu.vector_load %arg8[%get3A_2627] {strides = array<i32>} : memref<4096xi32, #tpu.memory_space<vmem>>, vector<16xi32>,
      %add3A_2629 = arith.addi %add3A_2626, %get3A_2628 : vector<16xi32>
      %get3A_2630 = arith.constant 1520 : index
      %get3A_2631 = tpu.vector_load %arg8[%get3A_2630] {strides = array<i32>} : memref<4096xi32, #tpu.memory_space<vmem>>, vector<16xi32>,
      %add3A_2632 = arith.addi %add3A_2629, %get3A_2631 : vector<16xi32>
      %get3A_2633 = arith.constant 1776 : index
      %get3A_2634 = tpu.vector_load %arg8[%get3A_2633] {strides = array<i32>} : memref<4096xi32, #tpu.memory_space<vmem>>, vector<16xi32>,
      %add3A_2635 = arith.addi %add3A_2632, %get3A_2634 : vector<16xi32>
      %get3A_2636 = arith.constant 2032 : index
      %get3A_2637 = tpu.vector_load %arg8[%get3A_2636] {strides = array<i32>} : memref<4096xi32, #tpu.memory_space<vmem>>, vector<16xi32>,
      %add3A_2638 = arith.addi %add3A_2635, %get3A_2637 : vector<16xi32>
      %get3A_2639 = arith.constant 2288 : index
      %get3A_2640 = tpu.vector_load %arg8[%get3A_2639] {strides = array<i32>} : memref<4096xi32, #tpu.memory_space<vmem>>, vector<16xi32>,
      %add3A_2641 = arith.addi %add3A_2638, %get3A_2640 : vector<16xi32>
      %get3A_2642 = arith.constant 2544 : index
      %get3A_2643 = tpu.vector_load %arg8[%get3A_2642] {strides = array<i32>} : memref<4096xi32, #tpu.memory_space<vmem>>, vector<16xi32>,
      %add3A_2644 = arith.addi %add3A_2641, %get3A_2643 : vector<16xi32>
      %get3A_2645 = arith.constant 2800 : index
      %get3A_2646 = tpu.vector_load %arg8[%get3A_2645] {strides = array<i32>} : memref<4096xi32, #tpu.memory_space<vmem>>, vector<16xi32>,
      %add3A_2647 = arith.addi %add3A_2644, %get3A_2646 : vector<16xi32>
      %get3A_2648 = arith.constant 3056 : index
      %get3A_2649 = tpu.vector_load %arg8[%get3A_2648] {strides = array<i32>} : memref<4096xi32, #tpu.memory_space<vmem>>, vector<16xi32>,
      %add3A_2650 = arith.addi %add3A_2647, %get3A_2649 : vector<16xi32>
      %get3A_2651 = arith.constant 3312 : index
      %get3A_2652 = tpu.vector_load %arg8[%get3A_2651] {strides = array<i32>} : memref<4096xi32, #tpu.memory_space<vmem>>, vector<16xi32>,
      %add3A_2653 = arith.addi %add3A_2650, %get3A_2652 : vector<16xi32>
      %get3A_2654 = arith.constant 3568 : index
      %get3A_2655 = tpu.vector_load %arg8[%get3A_2654] {strides = array<i32>} : memref<4096xi32, #tpu.memory_space<vmem>>, vector<16xi32>,
      %add3A_2656 = arith.addi %add3A_2653, %get3A_2655 : vector<16xi32>
      %get3A_2657 = arith.constant 3824 : index
      %get3A_2658 = tpu.vector_load %arg8[%get3A_2657] {strides = array<i32>} : memref<4096xi32, #tpu.memory_space<vmem>>, vector<16xi32>,
      %add3A_2659 = arith.addi %add3A_2656, %get3A_2658 : vector<16xi32>
      %get3A_2660 = arith.constant 4080 : index
      %get3A_2661 = tpu.vector_load %arg8[%get3A_2660] {strides = array<i32>} : memref<4096xi32, #tpu.memory_space<vmem>>, vector<16xi32>,
      %add3A_2662 = arith.addi %add3A_2659, %get3A_2661 : vector<16xi32>
      %broadcast_in_dim3A_2663 = arith.constant true
      %broadcast_in_dim3A_2664 = vector.broadcast %broadcast_in_dim3A_2663 : i1 to vector<16xi1>
      %masked_cumsum3A_2665 = tpu.scan <sum>, %add3A_2662 masked %broadcast_in_dim3A_2664 : vector<16xi32>, vector<16xi1> -> vector<16xi32>
      %add3A_2666 = arith.addi %masked_cumsum3A_2665, %broadcast_in_dim3A_2615 : vector<16xi32>
      %lt3A_2667 = arith.constant 410 : i32
      %lt3A_2668 = vector.broadcast %lt3A_2667 : i32 to vector<16xi32>
      %lt3A_2669 = arith.cmpi slt, %add3A_2666, %lt3A_2668 : vector<16xi32>
      %all_reduce_population_count3A_2670 = tpu.all_reduce %lt3A_2669 {dim = 0 : i64, kind = #tpu.reduction_kind<sum>} : vector<16xi1> -> vector<16xi32>
      %add3A_2671 = arith.addi %add3A_2604, %all_reduce_population_count3A_2670 : vector<16xi32>
      %select_n3A_2672 = arith.select %lt3A_2669, %add3A_2666, %broadcast_in_dim3A_10 : vector<16xi1>, vector<16xi32>
      %max3A_2673 = arith.maxsi %max3A_2606, %select_n3A_2672 : vector<16xi32>
      %reduce_max3A_2674 = arith.constant true
      %reduce_max3A_2675 = vector.broadcast %reduce_max3A_2674 : i1 to vector<16xi1>
      %reduce_max3A_2676 = arith.constant -2147483648 : i32
      %reduce_max3A_2677 = vector.broadcast %reduce_max3A_2676 : i32 to vector<16xi32>
      %reduce_max3A_2678 = arith.xori %add3A_2666, %reduce_max3A_2677 : vector<16xi32>
      %reduce_max3A_2679 = tpu.scan <max>, %reduce_max3A_2678 masked %reduce_max3A_2675 : vector<16xi32>, vector<16xi1> -> vector<16xi32>
      %reduce_max3A_2680 = arith.xori %reduce_max3A_2679, %reduce_max3A_2677 : vector<16xi32>
      %reduce_max3A_2681 = vector.extract %reduce_max3A_2680[15] : i32 from vector<16xi32>
      %broadcast_in_dim3A_2682 = vector.broadcast %reduce_max3A_2681 : i32 to vector<16xi32>
      %reduce_max3A_2683 = arith.constant true
      %reduce_max3A_2684 = vector.broadcast %reduce_max3A_2683 : i1 to vector<16xi1>
      %reduce_max3A_2685 = arith.constant -2147483648 : i32
      %reduce_max3A_2686 = vector.broadcast %reduce_max3A_2685 : i32 to vector<16xi32>
      %reduce_max3A_2687 = arith.xori %max3A_2673, %reduce_max3A_2686 : vector<16xi32>
      %reduce_max3A_2688 = tpu.scan <max>, %reduce_max3A_2687 masked %reduce_max3A_2684 : vector<16xi32>, vector<16xi1> -> vector<16xi32>
      %reduce_max3A_2689 = arith.xori %reduce_max3A_2688, %reduce_max3A_2686 : vector<16xi32>
      %reduce_max3A_2690 = vector.extract %reduce_max3A_2689[15] : i32 from vector<16xi32>
      %sub3A_2691 = arith.constant 410 : i32
      %sub3A_2692 = arith.subi %sub3A_2691, %reduce_max3A_2690 : i32
      %scan3A_2693 = arith.constant 0 : i32
      %scan3A_2694 = arith.constant 64 : i32
      %scan3A_2695 = arith.addi %scan3A_2693, %scan3A_2694 : i32
      %scan3A_2696 = arith.constant 1 : i32
      %scan3A_2697:2 = scf.for %scan3A_2776 = %scan3A_2693 to %scan3A_2695 step %scan3A_2696 iter_args(%scan3A_2777 = %broadcast_in_dim3A_10, %scan3A_2778 = %broadcast_in_dim3A_8) -> (vector<16xi32>, vector<16xf32>)  : i32 {
        %mul3A_2779 = arith.constant 64 : i32
        %mul3A_2780 = arith.muli %scan3A_2776, %mul3A_2779 : i32
        %add3A_2781 = arith.constant 0 : i32
        %add3A_2782 = arith.addi %mul3A_2780, %add3A_2781 : i32
        %get3A_2783 = arith.index_cast %scan3A_33 : i32 to index
        %get3A_2784 = arith.index_cast %add3A_2782 : i32 to index
        %get3A_2785 = tpu.vector_load %arg5[%get3A_2783, %get3A_2784] {strides = array<i32>} : memref<4x4096xf32, #tpu.memory_space<vmem>>, vector<16xf32>,
        %bitcast_convert_type3A = tpu.bitcast %get3A_2785 : vector<16xf32> -> vector<16xi32>
        %and3A = arith.constant 2147483647 : i32
        %and3A_2786 = vector.broadcast %and3A : i32 to vector<16xi32>
        %and3A_2787 = arith.andi %bitcast_convert_type3A, %and3A_2786 : vector<16xi32>
        %shift_right_arithmetic3A_2788 = arith.constant 23 : i32
        %shift_right_arithmetic3A_2789 = vector.broadcast %shift_right_arithmetic3A_2788 : i32 to vector<16xi32>
        %shift_right_arithmetic3A_2790 = arith.shrsi %and3A_2787, %shift_right_arithmetic3A_2789 : vector<16xi32>
        %lt3A_2791 = arith.cmpi slt, %shift_right_arithmetic3A_2790, %add3A_2671 : vector<16xi32>
        %eq3A_2792 = arith.cmpi eq, %shift_right_arithmetic3A_2790, %add3A_2671 : vector<16xi32>
        %select_n3A_2793 = arith.select %lt3A_2791, %get3A_2785, %broadcast_in_dim3A_8 : vector<16xi1>, vector<16xf32>
        %add3A_2794 = arith.addf %scan3A_2778, %select_n3A_2793 : vector<16xf32>
        %convert_element_type3A_2795 = arith.extui %eq3A_2792 : vector<16xi1> to vector<16xi32>
        %broadcast_in_dim3A_2796 = arith.constant true
        %broadcast_in_dim3A_2797 = vector.broadcast %broadcast_in_dim3A_2796 : i1 to vector<16xi1>
        %masked_cumsum3A_2798 = tpu.scan <sum>, %convert_element_type3A_2795 masked %broadcast_in_dim3A_2797 : vector<16xi32>, vector<16xi1> -> vector<16xi32>
        %add3A_2799 = arith.addi %scan3A_2777, %masked_cumsum3A_2798 : vector<16xi32>
        %sub3A_2800 = arith.constant 1 : i32
        %sub3A_2801 = vector.broadcast %sub3A_2800 : i32 to vector<16xi32>
        %sub3A_2802 = arith.subi %add3A_2799, %sub3A_2801 : vector<16xi32>
        tpu.vector_store_idx %arg6[%sub3A_2802], %and3A_2787 masked %eq3A_2792 : memref<4160xi32, #tpu.memory_space<vmem>>[vector<16xi32>], vector<16xi32>, vector<16xi1>
        tpu.vector_store_idx %arg7[%sub3A_2802], %get3A_2785 masked %eq3A_2792 : memref<4160xf32, #tpu.memory_space<vmem>>[vector<16xi32>], vector<16xf32>, vector<16xi1>
        %all_reduce_population_count3A_2803 = tpu.all_reduce %eq3A_2792 {dim = 0 : i64, kind = #tpu.reduction_kind<sum>} : vector<16xi1> -> vector<16xi32>
        %add3A_2804 = arith.addi %scan3A_2777, %all_reduce_population_count3A_2803 : vector<16xi32>
        %mul3A_2805 = arith.constant 64 : i32
        %mul3A_2806 = arith.muli %scan3A_2776, %mul3A_2805 : i32
        %add3A_2807 = arith.constant 16 : i32
        %add3A_2808 = arith.addi %mul3A_2806, %add3A_2807 : i32
        %get3A_2809 = arith.index_cast %scan3A_33 : i32 to index
        %get3A_2810 = arith.index_cast %add3A_2808 : i32 to index
        %get3A_2811 = tpu.vector_load %arg5[%get3A_2809, %get3A_2810] {strides = array<i32>} : memref<4x4096xf32, #tpu.memory_space<vmem>>, vector<16xf32>,
        %bitcast_convert_type3A_2812 = tpu.bitcast %get3A_2811 : vector<16xf32> -> vector<16xi32>
        %and3A_2813 = arith.constant 2147483647 : i32
        %and3A_2814 = vector.broadcast %and3A_2813 : i32 to vector<16xi32>
        %and3A_2815 = arith.andi %bitcast_convert_type3A_2812, %and3A_2814 : vector<16xi32>
        %shift_right_arithmetic3A_2816 = arith.constant 23 : i32
        %shift_right_arithmetic3A_2817 = vector.broadcast %shift_right_arithmetic3A_2816 : i32 to vector<16xi32>
        %shift_right_arithmetic3A_2818 = arith.shrsi %and3A_2815, %shift_right_arithmetic3A_2817 : vector<16xi32>
        %lt3A_2819 = arith.cmpi slt, %shift_right_arithmetic3A_2818, %add3A_2671 : vector<16xi32>
        %eq3A_2820 = arith.cmpi eq, %shift_right_arithmetic3A_2818, %add3A_2671 : vector<16xi32>
        %select_n3A_2821 = arith.select %lt3A_2819, %get3A_2811, %broadcast_in_dim3A_8 : vector<16xi1>, vector<16xf32>
        %add3A_2822 = arith.addf %add3A_2794, %select_n3A_2821 : vector<16xf32>
        %convert_element_type3A_2823 = arith.extui %eq3A_2820 : vector<16xi1> to vector<16xi32>
        %broadcast_in_dim3A_2824 = arith.constant true
        %broadcast_in_dim3A_2825 = vector.broadcast %broadcast_in_dim3A_2824 : i1 to vector<16xi1>
        %masked_cumsum3A_2826 = tpu.scan <sum>, %convert_element_type3A_2823 masked %broadcast_in_dim3A_2825 : vector<16xi32>, vector<16xi1> -> vector<16xi32>
        %add3A_2827 = arith.addi %add3A_2804, %masked_cumsum3A_2826 : vector<16xi32>
        %sub3A_2828 = arith.constant 1 : i32
        %sub3A_2829 = vector.broadcast %sub3A_2828 : i32 to vector<16xi32>
        %sub3A_2830 = arith.subi %add3A_2827, %sub3A_2829 : vector<16xi32>
        tpu.vector_store_idx %arg6[%sub3A_2830], %and3A_2815 masked %eq3A_2820 : memref<4160xi32, #tpu.memory_space<vmem>>[vector<16xi32>], vector<16xi32>, vector<16xi1>
        tpu.vector_store_idx %arg7[%sub3A_2830], %get3A_2811 masked %eq3A_2820 : memref<4160xf32, #tpu.memory_space<vmem>>[vector<16xi32>], vector<16xf32>, vector<16xi1>
        %all_reduce_population_count3A_2831 = tpu.all_reduce %eq3A_2820 {dim = 0 : i64, kind = #tpu.reduction_kind<sum>} : vector<16xi1> -> vector<16xi32>
        %add3A_2832 = arith.addi %add3A_2804, %all_reduce_population_count3A_2831 : vector<16xi32>
        %mul3A_2833 = arith.constant 64 : i32
        %mul3A_2834 = arith.muli %scan3A_2776, %mul3A_2833 : i32
        %add3A_2835 = arith.constant 32 : i32
        %add3A_2836 = arith.addi %mul3A_2834, %add3A_2835 : i32
        %get3A_2837 = arith.index_cast %scan3A_33 : i32 to index
        %get3A_2838 = arith.index_cast %add3A_2836 : i32 to index
        %get3A_2839 = tpu.vector_load %arg5[%get3A_2837, %get3A_2838] {strides = array<i32>} : memref<4x4096xf32, #tpu.memory_space<vmem>>, vector<16xf32>,
        %bitcast_convert_type3A_2840 = tpu.bitcast %get3A_2839 : vector<16xf32> -> vector<16xi32>
        %and3A_2841 = arith.constant 2147483647 : i32
        %and3A_2842 = vector.broadcast %and3A_2841 : i32 to vector<16xi32>
        %and3A_2843 = arith.andi %bitcast_convert_type3A_2840, %and3A_2842 : vector<16xi32>
        %shift_right_arithmetic3A_2844 = arith.constant 23 : i32
        %shift_right_arithmetic3A_2845 = vector.broadcast %shift_right_arithmetic3A_2844 : i32 to vector<16xi32>
        %shift_right_arithmetic3A_2846 = arith.shrsi %and3A_2843, %shift_right_arithmetic3A_2845 : vector<16xi32>
        %lt3A_2847 = arith.cmpi slt, %shift_right_arithmetic3A_2846, %add3A_2671 : vector<16xi32>
        %eq3A_2848 = arith.cmpi eq, %shift_right_arithmetic3A_2846, %add3A_2671 : vector<16xi32>
        %select_n3A_2849 = arith.select %lt3A_2847, %get3A_2839, %broadcast_in_dim3A_8 : vector<16xi1>, vector<16xf32>
        %add3A_2850 = arith.addf %add3A_2822, %select_n3A_2849 : vector<16xf32>
        %convert_element_type3A_2851 = arith.extui %eq3A_2848 : vector<16xi1> to vector<16xi32>
        %broadcast_in_dim3A_2852 = arith.constant true
        %broadcast_in_dim3A_2853 = vector.broadcast %broadcast_in_dim3A_2852 : i1 to vector<16xi1>
        %masked_cumsum3A_2854 = tpu.scan <sum>, %convert_element_type3A_2851 masked %broadcast_in_dim3A_2853 : vector<16xi32>, vector<16xi1> -> vector<16xi32>
        %add3A_2855 = arith.addi %add3A_2832, %masked_cumsum3A_2854 : vector<16xi32>
        %sub3A_2856 = arith.constant 1 : i32
        %sub3A_2857 = vector.broadcast %sub3A_2856 : i32 to vector<16xi32>
        %sub3A_2858 = arith.subi %add3A_2855, %sub3A_2857 : vector<16xi32>
        tpu.vector_store_idx %arg6[%sub3A_2858], %and3A_2843 masked %eq3A_2848 : memref<4160xi32, #tpu.memory_space<vmem>>[vector<16xi32>], vector<16xi32>, vector<16xi1>
        tpu.vector_store_idx %arg7[%sub3A_2858], %get3A_2839 masked %eq3A_2848 : memref<4160xf32, #tpu.memory_space<vmem>>[vector<16xi32>], vector<16xf32>, vector<16xi1>
        %all_reduce_population_count3A_2859 = tpu.all_reduce %eq3A_2848 {dim = 0 : i64, kind = #tpu.reduction_kind<sum>} : vector<16xi1> -> vector<16xi32>
        %add3A_2860 = arith.addi %add3A_2832, %all_reduce_population_count3A_2859 : vector<16xi32>
        %mul3A_2861 = arith.constant 64 : i32
        %mul3A_2862 = arith.muli %scan3A_2776, %mul3A_2861 : i32
        %add3A_2863 = arith.constant 48 : i32
        %add3A_2864 = arith.addi %mul3A_2862, %add3A_2863 : i32
        %get3A_2865 = arith.index_cast %scan3A_33 : i32 to index
        %get3A_2866 = arith.index_cast %add3A_2864 : i32 to index
        %get3A_2867 = tpu.vector_load %arg5[%get3A_2865, %get3A_2866] {strides = array<i32>} : memref<4x4096xf32, #tpu.memory_space<vmem>>, vector<16xf32>,
        %bitcast_convert_type3A_2868 = tpu.bitcast %get3A_2867 : vector<16xf32> -> vector<16xi32>
        %and3A_2869 = arith.constant 2147483647 : i32
        %and3A_2870 = vector.broadcast %and3A_2869 : i32 to vector<16xi32>
        %and3A_2871 = arith.andi %bitcast_convert_type3A_2868, %and3A_2870 : vector<16xi32>
        %shift_right_arithmetic3A_2872 = arith.constant 23 : i32
        %shift_right_arithmetic3A_2873 = vector.broadcast %shift_right_arithmetic3A_2872 : i32 to vector<16xi32>
        %shift_right_arithmetic3A_2874 = arith.shrsi %and3A_2871, %shift_right_arithmetic3A_2873 : vector<16xi32>
        %lt3A_2875 = arith.cmpi slt, %shift_right_arithmetic3A_2874, %add3A_2671 : vector<16xi32>
        %eq3A_2876 = arith.cmpi eq, %shift_right_arithmetic3A_2874, %add3A_2671 : vector<16xi32>
        %select_n3A_2877 = arith.select %lt3A_2875, %get3A_2867, %broadcast_in_dim3A_8 : vector<16xi1>, vector<16xf32>
        %add3A_2878 = arith.addf %add3A_2850, %select_n3A_2877 : vector<16xf32>
        %convert_element_type3A_2879 = arith.extui %eq3A_2876 : vector<16xi1> to vector<16xi32>
        %broadcast_in_dim3A_2880 = arith.constant true
        %broadcast_in_dim3A_2881 = vector.broadcast %broadcast_in_dim3A_2880 : i1 to vector<16xi1>
        %masked_cumsum3A_2882 = tpu.scan <sum>, %convert_element_type3A_2879 masked %broadcast_in_dim3A_2881 : vector<16xi32>, vector<16xi1> -> vector<16xi32>
        %add3A_2883 = arith.addi %add3A_2860, %masked_cumsum3A_2882 : vector<16xi32>
        %sub3A_2884 = arith.constant 1 : i32
        %sub3A_2885 = vector.broadcast %sub3A_2884 : i32 to vector<16xi32>
        %sub3A_2886 = arith.subi %add3A_2883, %sub3A_2885 : vector<16xi32>
        tpu.vector_store_idx %arg6[%sub3A_2886], %and3A_2871 masked %eq3A_2876 : memref<4160xi32, #tpu.memory_space<vmem>>[vector<16xi32>], vector<16xi32>, vector<16xi1>
        tpu.vector_store_idx %arg7[%sub3A_2886], %get3A_2867 masked %eq3A_2876 : memref<4160xf32, #tpu.memory_space<vmem>>[vector<16xi32>], vector<16xf32>, vector<16xi1>
        %all_reduce_population_count3A_2887 = tpu.all_reduce %eq3A_2876 {dim = 0 : i64, kind = #tpu.reduction_kind<sum>} : vector<16xi1> -> vector<16xi32>
        %add3A_2888 = arith.addi %add3A_2860, %all_reduce_population_count3A_2887 : vector<16xi32>
        scf.yield %add3A_2888, %add3A_2878 : vector<16xi32>, vector<16xf32>
      }
      %scan3A_2698 = arith.constant 64 : i32
      %reduce_sum3A_2699 = arith.constant true
      %reduce_sum3A_2700 = vector.broadcast %reduce_sum3A_2699 : i1 to vector<16xi1>
      %reduce_sum3A_2701 = tpu.scan <sum>, %scan3A_2697#1 masked %reduce_sum3A_2700 : vector<16xf32>, vector<16xi1> -> vector<16xf32>
      %reduce_sum3A_2702 = vector.extract %reduce_sum3A_2701[15] : f32 from vector<16xf32>
      %reduce_max3A_2703 = arith.constant true
      %reduce_max3A_2704 = vector.broadcast %reduce_max3A_2703 : i1 to vector<16xi1>
      %reduce_max3A_2705 = arith.constant -2147483648 : i32
      %reduce_max3A_2706 = vector.broadcast %reduce_max3A_2705 : i32 to vector<16xi32>
      %reduce_max3A_2707 = arith.xori %scan3A_2697#0, %reduce_max3A_2706 : vector<16xi32>
      %reduce_max3A_2708 = tpu.scan <max>, %reduce_max3A_2707 masked %reduce_max3A_2704 : vector<16xi32>, vector<16xi1> -> vector<16xi32>
      %reduce_max3A_2709 = arith.xori %reduce_max3A_2708, %reduce_max3A_2706 : vector<16xi32>
      %reduce_max3A_2710 = vector.extract %reduce_max3A_2709[15] : i32 from vector<16xi32>
      %broadcast_in_dim3A_2711 = arith.constant 2147483647 : i32
      %broadcast_in_dim3A_2712 = vector.broadcast %broadcast_in_dim3A_2711 : i32 to vector<16xi32>
      %add3A_2713 = arith.addi %scan3A_2697#0, %iota3A : vector<16xi32>
      %add3A_2714 = arith.constant 0 : i32
      %add3A_2715 = vector.broadcast %add3A_2714 : i32 to vector<16xi32>
      %add3A_2716 = arith.addi %add3A_2713, %add3A_2715 : vector<16xi32>
      tpu.vector_store_idx %arg6[%add3A_2716], %broadcast_in_dim3A_2712 : memref<4160xi32, #tpu.memory_space<vmem>>[vector<16xi32>], vector<16xi32>,
      %add3A_2717 = arith.addi %scan3A_2697#0, %iota3A : vector<16xi32>
      %add3A_2718 = arith.constant 16 : i32
      %add3A_2719 = vector.broadcast %add3A_2718 : i32 to vector<16xi32>
      %add3A_2720 = arith.addi %add3A_2717, %add3A_2719 : vector<16xi32>
      tpu.vector_store_idx %arg6[%add3A_2720], %broadcast_in_dim3A_2712 : memref<4160xi32, #tpu.memory_space<vmem>>[vector<16xi32>], vector<16xi32>,
      %add3A_2721 = arith.addi %scan3A_2697#0, %iota3A : vector<16xi32>
      %add3A_2722 = arith.constant 32 : i32
      %add3A_2723 = vector.broadcast %add3A_2722 : i32 to vector<16xi32>
      %add3A_2724 = arith.addi %add3A_2721, %add3A_2723 : vector<16xi32>
      tpu.vector_store_idx %arg6[%add3A_2724], %broadcast_in_dim3A_2712 : memref<4160xi32, #tpu.memory_space<vmem>>[vector<16xi32>], vector<16xi32>,
      %add3A_2725 = arith.addi %scan3A_2697#0, %iota3A : vector<16xi32>
      %add3A_2726 = arith.constant 48 : i32
      %add3A_2727 = vector.broadcast %add3A_2726 : i32 to vector<16xi32>
      %add3A_2728 = arith.addi %add3A_2725, %add3A_2727 : vector<16xi32>
      tpu.vector_store_idx %arg6[%add3A_2728], %broadcast_in_dim3A_2712 : memref<4160xi32, #tpu.memory_space<vmem>>[vector<16xi32>], vector<16xi32>,
      %add3A_2729 = arith.constant 63 : i32
      %add3A_2730 = arith.addi %reduce_max3A_2710, %add3A_2729 : i32
      %shift_right_arithmetic3A = arith.constant 6 : i32
      %shift_right_arithmetic3A_2731 = arith.shrsi %add3A_2730, %shift_right_arithmetic3A : i32
      %shift_left3A = arith.constant 23 : i32
      %shift_left3A_2732 = vector.broadcast %shift_left3A : i32 to vector<16xi32>
      %shift_left3A_2733 = arith.shli %add3A_2671, %shift_left3A_2732 : vector<16xi32>
      %add3A_2734 = arith.constant 8388607 : i32
      %add3A_2735 = vector.broadcast %add3A_2734 : i32 to vector<16xi32>
      %add3A_2736 = arith.addi %shift_left3A_2733, %add3A_2735 : vector<16xi32>
      %scan3A_2737 = arith.constant 0 : i32
      %scan3A_2738 = arith.constant 23 : i32
      %scan3A_2739 = arith.addi %scan3A_2737, %scan3A_2738 : i32
      %scan3A_2740 = arith.constant 1 : i32
      %scan3A_2741:2 = scf.for %scan3A_2776 = %scan3A_2737 to %scan3A_2739 step %scan3A_2740 iter_args(%scan3A_2777 = %shift_left3A_2733, %scan3A_2778 = %add3A_2736) -> (vector<16xi32>, vector<16xi32>)  : i32 {
        %sub3A_2779 = arith.subi %scan3A_2778, %scan3A_2777 : vector<16xi32>
        %shift_right_arithmetic3A_2780 = arith.constant 1 : i32
        %shift_right_arithmetic3A_2781 = vector.broadcast %shift_right_arithmetic3A_2780 : i32 to vector<16xi32>
        %shift_right_arithmetic3A_2782 = arith.shrsi %sub3A_2779, %shift_right_arithmetic3A_2781 : vector<16xi32>
        %add3A_2783 = arith.addi %scan3A_2777, %shift_right_arithmetic3A_2782 : vector<16xi32>
        %while3A_2784 = arith.constant 0 : i32
        %while3A_2785 = arith.subi %shift_right_arithmetic3A_2731, %while3A_2784 : i32
        %while3A_2786 = arith.addi %while3A_2784, %while3A_2785 : i32
        %while3A_2787 = arith.constant 1 : i32
        %while3A_2788 = arith.divsi %while3A_2785, %while3A_2787 : i32
        %while3A_2789 = arith.muli %while3A_2788, %while3A_2787 : i32
        %while3A_2790 = arith.addi %while3A_2784, %while3A_2789 : i32
        %while3A_2791 = arith.constant 1 : i32
        %while3A_2792 = scf.for %while3A_2801 = %while3A_2784 to %while3A_2790 step %while3A_2791 iter_args(%while3A_2802 = %broadcast_in_dim3A_10) -> (vector<16xi32>)  : i32 {
          %mul3A_2803 = arith.constant 64 : i32
          %mul3A_2804 = arith.muli %while3A_2801, %mul3A_2803 : i32
          %add3A_2805 = arith.constant 0 : i32
          %add3A_2806 = arith.addi %mul3A_2804, %add3A_2805 : i32
          %get3A_2807 = arith.index_cast %add3A_2806 : i32 to index
          %get3A_2808 = tpu.vector_load %arg6[%get3A_2807] {strides = array<i32>} : memref<4160xi32, #tpu.memory_space<vmem>>, vector<16xi32>,
          %le3A = arith.cmpi sle, %get3A_2808, %add3A_2783 : vector<16xi32>
          %all_reduce_population_count3A_2809 = tpu.all_reduce %le3A {dim = 0 : i64, kind = #tpu.reduction_kind<sum>} : vector<16xi1> -> vector<16xi32>
          %add3A_2810 = arith.addi %while3A_2802, %all_reduce_population_count3A_2809 : vector<16xi32>
          %mul3A_2811 = arith.constant 64 : i32
          %mul3A_2812 = arith.muli %while3A_2801, %mul3A_2811 : i32
          %add3A_2813 = arith.constant 16 : i32
          %add3A_2814 = arith.addi %mul3A_2812, %add3A_2813 : i32
          %get3A_2815 = arith.index_cast %add3A_2814 : i32 to index
          %get3A_2816 = tpu.vector_load %arg6[%get3A_2815] {strides = array<i32>} : memref<4160xi32, #tpu.memory_space<vmem>>, vector<16xi32>,
          %le3A_2817 = arith.cmpi sle, %get3A_2816, %add3A_2783 : vector<16xi32>
          %all_reduce_population_count3A_2818 = tpu.all_reduce %le3A_2817 {dim = 0 : i64, kind = #tpu.reduction_kind<sum>} : vector<16xi1> -> vector<16xi32>
          %add3A_2819 = arith.addi %add3A_2810, %all_reduce_population_count3A_2818 : vector<16xi32>
          %mul3A_2820 = arith.constant 64 : i32
          %mul3A_2821 = arith.muli %while3A_2801, %mul3A_2820 : i32
          %add3A_2822 = arith.constant 32 : i32
          %add3A_2823 = arith.addi %mul3A_2821, %add3A_2822 : i32
          %get3A_2824 = arith.index_cast %add3A_2823 : i32 to index
          %get3A_2825 = tpu.vector_load %arg6[%get3A_2824] {strides = array<i32>} : memref<4160xi32, #tpu.memory_space<vmem>>, vector<16xi32>,
          %le3A_2826 = arith.cmpi sle, %get3A_2825, %add3A_2783 : vector<16xi32>
          %all_reduce_population_count3A_2827 = tpu.all_reduce %le3A_2826 {dim = 0 : i64, kind = #tpu.reduction_kind<sum>} : vector<16xi1> -> vector<16xi32>
          %add3A_2828 = arith.addi %add3A_2819, %all_reduce_population_count3A_2827 : vector<16xi32>
          %mul3A_2829 = arith.constant 64 : i32
          %mul3A_2830 = arith.muli %while3A_2801, %mul3A_2829 : i32
          %add3A_2831 = arith.constant 48 : i32
          %add3A_2832 = arith.addi %mul3A_2830, %add3A_2831 : i32
          %get3A_2833 = arith.index_cast %add3A_2832 : i32 to index
          %get3A_2834 = tpu.vector_load %arg6[%get3A_2833] {strides = array<i32>} : memref<4160xi32, #tpu.memory_space<vmem>>, vector<16xi32>,
          %le3A_2835 = arith.cmpi sle, %get3A_2834, %add3A_2783 : vector<16xi32>
          %all_reduce_population_count3A_2836 = tpu.all_reduce %le3A_2835 {dim = 0 : i64, kind = #tpu.reduction_kind<sum>} : vector<16xi1> -> vector<16xi32>
          %add3A_2837 = arith.addi %add3A_2828, %all_reduce_population_count3A_2836 : vector<16xi32>
          scf.yield %add3A_2837 : vector<16xi32>
        }
        %while3A_2793 = arith.constant 1 : i32
        %while3A_2794 = scf.for %while3A_2801 = %while3A_2790 to %while3A_2786 step %while3A_2793 iter_args(%while3A_2802 = %while3A_2792) -> (vector<16xi32>)  : i32 {
          %mul3A_2803 = arith.constant 64 : i32
          %mul3A_2804 = arith.muli %while3A_2801, %mul3A_2803 : i32
          %add3A_2805 = arith.constant 0 : i32
          %add3A_2806 = arith.addi %mul3A_2804, %add3A_2805 : i32
          %get3A_2807 = arith.index_cast %add3A_2806 : i32 to index
          %get3A_2808 = tpu.vector_load %arg6[%get3A_2807] {strides = array<i32>} : memref<4160xi32, #tpu.memory_space<vmem>>, vector<16xi32>,
          %le3A = arith.cmpi sle, %get3A_2808, %add3A_2783 : vector<16xi32>
          %all_reduce_population_count3A_2809 = tpu.all_reduce %le3A {dim = 0 : i64, kind = #tpu.reduction_kind<sum>} : vector<16xi1> -> vector<16xi32>
          %add3A_2810 = arith.addi %while3A_2802, %all_reduce_population_count3A_2809 : vector<16xi32>
          %mul3A_2811 = arith.constant 64 : i32
          %mul3A_2812 = arith.muli %while3A_2801, %mul3A_2811 : i32
          %add3A_2813 = arith.constant 16 : i32
          %add3A_2814 = arith.addi %mul3A_2812, %add3A_2813 : i32
          %get3A_2815 = arith.index_cast %add3A_2814 : i32 to index
          %get3A_2816 = tpu.vector_load %arg6[%get3A_2815] {strides = array<i32>} : memref<4160xi32, #tpu.memory_space<vmem>>, vector<16xi32>,
          %le3A_2817 = arith.cmpi sle, %get3A_2816, %add3A_2783 : vector<16xi32>
          %all_reduce_population_count3A_2818 = tpu.all_reduce %le3A_2817 {dim = 0 : i64, kind = #tpu.reduction_kind<sum>} : vector<16xi1> -> vector<16xi32>
          %add3A_2819 = arith.addi %add3A_2810, %all_reduce_population_count3A_2818 : vector<16xi32>
          %mul3A_2820 = arith.constant 64 : i32
          %mul3A_2821 = arith.muli %while3A_2801, %mul3A_2820 : i32
          %add3A_2822 = arith.constant 32 : i32
          %add3A_2823 = arith.addi %mul3A_2821, %add3A_2822 : i32
          %get3A_2824 = arith.index_cast %add3A_2823 : i32 to index
          %get3A_2825 = tpu.vector_load %arg6[%get3A_2824] {strides = array<i32>} : memref<4160xi32, #tpu.memory_space<vmem>>, vector<16xi32>,
          %le3A_2826 = arith.cmpi sle, %get3A_2825, %add3A_2783 : vector<16xi32>
          %all_reduce_population_count3A_2827 = tpu.all_reduce %le3A_2826 {dim = 0 : i64, kind = #tpu.reduction_kind<sum>} : vector<16xi1> -> vector<16xi32>
          %add3A_2828 = arith.addi %add3A_2819, %all_reduce_population_count3A_2827 : vector<16xi32>
          %mul3A_2829 = arith.constant 64 : i32
          %mul3A_2830 = arith.muli %while3A_2801, %mul3A_2829 : i32
          %add3A_2831 = arith.constant 48 : i32
          %add3A_2832 = arith.addi %mul3A_2830, %add3A_2831 : i32
          %get3A_2833 = arith.index_cast %add3A_2832 : i32 to index
          %get3A_2834 = tpu.vector_load %arg6[%get3A_2833] {strides = array<i32>} : memref<4160xi32, #tpu.memory_space<vmem>>, vector<16xi32>,
          %le3A_2835 = arith.cmpi sle, %get3A_2834, %add3A_2783 : vector<16xi32>
          %all_reduce_population_count3A_2836 = tpu.all_reduce %le3A_2835 {dim = 0 : i64, kind = #tpu.reduction_kind<sum>} : vector<16xi1> -> vector<16xi32>
          %add3A_2837 = arith.addi %add3A_2828, %all_reduce_population_count3A_2836 : vector<16xi32>
          scf.yield %add3A_2837 : vector<16xi32>
        }
        %ge3A = vector.broadcast %sub3A_2692 : i32 to vector<16xi32>
        %ge3A_2795 = arith.cmpi sge, %while3A_2794, %ge3A : vector<16xi32>
        %add3A_2796 = arith.constant 1 : i32
        %add3A_2797 = vector.broadcast %add3A_2796 : i32 to vector<16xi32>
        %add3A_2798 = arith.addi %add3A_2783, %add3A_2797 : vector<16xi32>
        %select_n3A_2799 = arith.select %ge3A_2795, %scan3A_2777, %add3A_2798 : vector<16xi1>, vector<16xi32>
        %select_n3A_2800 = arith.select %ge3A_2795, %add3A_2783, %scan3A_2778 : vector<16xi1>, vector<16xi32>
        scf.yield %select_n3A_2799, %select_n3A_2800 : vector<16xi32>, vector<16xi32>
      }
      %scan3A_2742 = arith.constant 23 : i32
      %while3A = arith.constant 0 : i32
      %while3A_2743 = arith.subi %shift_right_arithmetic3A_2731, %while3A : i32
      %while3A_2744 = arith.addi %while3A, %while3A_2743 : i32
      %while3A_2745 = arith.constant 1 : i32
      %while3A_2746 = arith.divsi %while3A_2743, %while3A_2745 : i32
      %while3A_2747 = arith.muli %while3A_2746, %while3A_2745 : i32
      %while3A_2748 = arith.addi %while3A, %while3A_2747 : i32
      %while3A_2749 = arith.constant 1 : i32
      %while3A_2750:4 = scf.for %while3A_2776 = %while3A to %while3A_2748 step %while3A_2749 iter_args(%while3A_2777 = %broadcast_in_dim3A_8, %while3A_2778 = %broadcast_in_dim3A_10, %while3A_2779 = %broadcast_in_dim3A_8, %while3A_2780 = %broadcast_in_dim3A_10) -> (vector<16xf32>, vector<16xi32>, vector<16xf32>, vector<16xi32>)  : i32 {
        %mul3A_2781 = arith.constant 64 : i32
        %mul3A_2782 = arith.muli %while3A_2776, %mul3A_2781 : i32
        %add3A_2783 = arith.constant 0 : i32
        %add3A_2784 = arith.addi %mul3A_2782, %add3A_2783 : i32
        %get3A_2785 = arith.index_cast %add3A_2784 : i32 to index
        %get3A_2786 = tpu.vector_load %arg6[%get3A_2785] {strides = array<i32>} : memref<4160xi32, #tpu.memory_space<vmem>>, vector<16xi32>,
        %mul3A_2787 = arith.constant 64 : i32
        %mul3A_2788 = arith.muli %while3A_2776, %mul3A_2787 : i32
        %add3A_2789 = arith.constant 0 : i32
        %add3A_2790 = arith.addi %mul3A_2788, %add3A_2789 : i32
        %get3A_2791 = arith.index_cast %add3A_2790 : i32 to index
        %get3A_2792 = tpu.vector_load %arg7[%get3A_2791] {strides = array<i32>} : memref<4160xf32, #tpu.memory_space<vmem>>, vector<16xf32>,
        %lt3A_2793 = arith.cmpi slt, %get3A_2786, %scan3A_2741#0 : vector<16xi32>
        %eq3A_2794 = arith.cmpi eq, %get3A_2786, %scan3A_2741#0 : vector<16xi32>
        %select_n3A_2795 = arith.select %lt3A_2793, %get3A_2792, %broadcast_in_dim3A_8 : vector<16xi1>, vector<16xf32>
        %add3A_2796 = arith.addf %while3A_2777, %select_n3A_2795 : vector<16xf32>
        %all_reduce_population_count3A_2797 = tpu.all_reduce %lt3A_2793 {dim = 0 : i64, kind = #tpu.reduction_kind<sum>} : vector<16xi1> -> vector<16xi32>
        %add3A_2798 = arith.addi %while3A_2778, %all_reduce_population_count3A_2797 : vector<16xi32>
        %select_n3A_2799 = arith.select %eq3A_2794, %get3A_2792, %broadcast_in_dim3A_8 : vector<16xi1>, vector<16xf32>
        %add3A_2800 = arith.addf %while3A_2779, %select_n3A_2799 : vector<16xf32>
        %all_reduce_population_count3A_2801 = tpu.all_reduce %eq3A_2794 {dim = 0 : i64, kind = #tpu.reduction_kind<sum>} : vector<16xi1> -> vector<16xi32>
        %add3A_2802 = arith.addi %while3A_2780, %all_reduce_population_count3A_2801 : vector<16xi32>
        %mul3A_2803 = arith.constant 64 : i32
        %mul3A_2804 = arith.muli %while3A_2776, %mul3A_2803 : i32
        %add3A_2805 = arith.constant 16 : i32
        %add3A_2806 = arith.addi %mul3A_2804, %add3A_2805 : i32
        %get3A_2807 = arith.index_cast %add3A_2806 : i32 to index
        %get3A_2808 = tpu.vector_load %arg6[%get3A_2807] {strides = array<i32>} : memref<4160xi32, #tpu.memory_space<vmem>>, vector<16xi32>,
        %mul3A_2809 = arith.constant 64 : i32
        %mul3A_2810 = arith.muli %while3A_2776, %mul3A_2809 : i32
        %add3A_2811 = arith.constant 16 : i32
        %add3A_2812 = arith.addi %mul3A_2810, %add3A_2811 : i32
        %get3A_2813 = arith.index_cast %add3A_2812 : i32 to index
        %get3A_2814 = tpu.vector_load %arg7[%get3A_2813] {strides = array<i32>} : memref<4160xf32, #tpu.memory_space<vmem>>, vector<16xf32>,
        %lt3A_2815 = arith.cmpi slt, %get3A_2808, %scan3A_2741#0 : vector<16xi32>
        %eq3A_2816 = arith.cmpi eq, %get3A_2808, %scan3A_2741#0 : vector<16xi32>
        %select_n3A_2817 = arith.select %lt3A_2815, %get3A_2814, %broadcast_in_dim3A_8 : vector<16xi1>, vector<16xf32>
        %add3A_2818 = arith.addf %add3A_2796, %select_n3A_2817 : vector<16xf32>
        %all_reduce_population_count3A_2819 = tpu.all_reduce %lt3A_2815 {dim = 0 : i64, kind = #tpu.reduction_kind<sum>} : vector<16xi1> -> vector<16xi32>
        %add3A_2820 = arith.addi %add3A_2798, %all_reduce_population_count3A_2819 : vector<16xi32>
        %select_n3A_2821 = arith.select %eq3A_2816, %get3A_2814, %broadcast_in_dim3A_8 : vector<16xi1>, vector<16xf32>
        %add3A_2822 = arith.addf %add3A_2800, %select_n3A_2821 : vector<16xf32>
        %all_reduce_population_count3A_2823 = tpu.all_reduce %eq3A_2816 {dim = 0 : i64, kind = #tpu.reduction_kind<sum>} : vector<16xi1> -> vector<16xi32>
        %add3A_2824 = arith.addi %add3A_2802, %all_reduce_population_count3A_2823 : vector<16xi32>
        %mul3A_2825 = arith.constant 64 : i32
        %mul3A_2826 = arith.muli %while3A_2776, %mul3A_2825 : i32
        %add3A_2827 = arith.constant 32 : i32
        %add3A_2828 = arith.addi %mul3A_2826, %add3A_2827 : i32
        %get3A_2829 = arith.index_cast %add3A_2828 : i32 to index
        %get3A_2830 = tpu.vector_load %arg6[%get3A_2829] {strides = array<i32>} : memref<4160xi32, #tpu.memory_space<vmem>>, vector<16xi32>,
        %mul3A_2831 = arith.constant 64 : i32
        %mul3A_2832 = arith.muli %while3A_2776, %mul3A_2831 : i32
        %add3A_2833 = arith.constant 32 : i32
        %add3A_2834 = arith.addi %mul3A_2832, %add3A_2833 : i32
        %get3A_2835 = arith.index_cast %add3A_2834 : i32 to index
        %get3A_2836 = tpu.vector_load %arg7[%get3A_2835] {strides = array<i32>} : memref<4160xf32, #tpu.memory_space<vmem>>, vector<16xf32>,
        %lt3A_2837 = arith.cmpi slt, %get3A_2830, %scan3A_2741#0 : vector<16xi32>
        %eq3A_2838 = arith.cmpi eq, %get3A_2830, %scan3A_2741#0 : vector<16xi32>
        %select_n3A_2839 = arith.select %lt3A_2837, %get3A_2836, %broadcast_in_dim3A_8 : vector<16xi1>, vector<16xf32>
        %add3A_2840 = arith.addf %add3A_2818, %select_n3A_2839 : vector<16xf32>
        %all_reduce_population_count3A_2841 = tpu.all_reduce %lt3A_2837 {dim = 0 : i64, kind = #tpu.reduction_kind<sum>} : vector<16xi1> -> vector<16xi32>
        %add3A_2842 = arith.addi %add3A_2820, %all_reduce_population_count3A_2841 : vector<16xi32>
        %select_n3A_2843 = arith.select %eq3A_2838, %get3A_2836, %broadcast_in_dim3A_8 : vector<16xi1>, vector<16xf32>
        %add3A_2844 = arith.addf %add3A_2822, %select_n3A_2843 : vector<16xf32>
        %all_reduce_population_count3A_2845 = tpu.all_reduce %eq3A_2838 {dim = 0 : i64, kind = #tpu.reduction_kind<sum>} : vector<16xi1> -> vector<16xi32>
        %add3A_2846 = arith.addi %add3A_2824, %all_reduce_population_count3A_2845 : vector<16xi32>
        %mul3A_2847 = arith.constant 64 : i32
        %mul3A_2848 = arith.muli %while3A_2776, %mul3A_2847 : i32
        %add3A_2849 = arith.constant 48 : i32
        %add3A_2850 = arith.addi %mul3A_2848, %add3A_2849 : i32
        %get3A_2851 = arith.index_cast %add3A_2850 : i32 to index
        %get3A_2852 = tpu.vector_load %arg6[%get3A_2851] {strides = array<i32>} : memref<4160xi32, #tpu.memory_space<vmem>>, vector<16xi32>,
        %mul3A_2853 = arith.constant 64 : i32
        %mul3A_2854 = arith.muli %while3A_2776, %mul3A_2853 : i32
        %add3A_2855 = arith.constant 48 : i32
        %add3A_2856 = arith.addi %mul3A_2854, %add3A_2855 : i32
        %get3A_2857 = arith.index_cast %add3A_2856 : i32 to index
        %get3A_2858 = tpu.vector_load %arg7[%get3A_2857] {strides = array<i32>} : memref<4160xf32, #tpu.memory_space<vmem>>, vector<16xf32>,
        %lt3A_2859 = arith.cmpi slt, %get3A_2852, %scan3A_2741#0 : vector<16xi32>
        %eq3A_2860 = arith.cmpi eq, %get3A_2852, %scan3A_2741#0 : vector<16xi32>
        %select_n3A_2861 = arith.select %lt3A_2859, %get3A_2858, %broadcast_in_dim3A_8 : vector<16xi1>, vector<16xf32>
        %add3A_2862 = arith.addf %add3A_2840, %select_n3A_2861 : vector<16xf32>
        %all_reduce_population_count3A_2863 = tpu.all_reduce %lt3A_2859 {dim = 0 : i64, kind = #tpu.reduction_kind<sum>} : vector<16xi1> -> vector<16xi32>
        %add3A_2864 = arith.addi %add3A_2842, %all_reduce_population_count3A_2863 : vector<16xi32>
        %select_n3A_2865 = arith.select %eq3A_2860, %get3A_2858, %broadcast_in_dim3A_8 : vector<16xi1>, vector<16xf32>
        %add3A_2866 = arith.addf %add3A_2844, %select_n3A_2865 : vector<16xf32>
        %all_reduce_population_count3A_2867 = tpu.all_reduce %eq3A_2860 {dim = 0 : i64, kind = #tpu.reduction_kind<sum>} : vector<16xi1> -> vector<16xi32>
        %add3A_2868 = arith.addi %add3A_2846, %all_reduce_population_count3A_2867 : vector<16xi32>
        scf.yield %add3A_2862, %add3A_2864, %add3A_2866, %add3A_2868 : vector<16xf32>, vector<16xi32>, vector<16xf32>, vector<16xi32>
      }
      %while3A_2751 = arith.constant 1 : i32
      %while3A_2752:4 = scf.for %while3A_2776 = %while3A_2748 to %while3A_2744 step %while3A_2751 iter_args(%while3A_2777 = %while3A_2750#0, %while3A_2778 = %while3A_2750#1, %while3A_2779 = %while3A_2750#2, %while3A_2780 = %while3A_2750#3) -> (vector<16xf32>, vector<16xi32>, vector<16xf32>, vector<16xi32>)  : i32 {
        %mul3A_2781 = arith.constant 64 : i32
        %mul3A_2782 = arith.muli %while3A_2776, %mul3A_2781 : i32
        %add3A_2783 = arith.constant 0 : i32
        %add3A_2784 = arith.addi %mul3A_2782, %add3A_2783 : i32
        %get3A_2785 = arith.index_cast %add3A_2784 : i32 to index
        %get3A_2786 = tpu.vector_load %arg6[%get3A_2785] {strides = array<i32>} : memref<4160xi32, #tpu.memory_space<vmem>>, vector<16xi32>,
        %mul3A_2787 = arith.constant 64 : i32
        %mul3A_2788 = arith.muli %while3A_2776, %mul3A_2787 : i32
        %add3A_2789 = arith.constant 0 : i32
        %add3A_2790 = arith.addi %mul3A_2788, %add3A_2789 : i32
        %get3A_2791 = arith.index_cast %add3A_2790 : i32 to index
        %get3A_2792 = tpu.vector_load %arg7[%get3A_2791] {strides = array<i32>} : memref<4160xf32, #tpu.memory_space<vmem>>, vector<16xf32>,
        %lt3A_2793 = arith.cmpi slt, %get3A_2786, %scan3A_2741#0 : vector<16xi32>
        %eq3A_2794 = arith.cmpi eq, %get3A_2786, %scan3A_2741#0 : vector<16xi32>
        %select_n3A_2795 = arith.select %lt3A_2793, %get3A_2792, %broadcast_in_dim3A_8 : vector<16xi1>, vector<16xf32>
        %add3A_2796 = arith.addf %while3A_2777, %select_n3A_2795 : vector<16xf32>
        %all_reduce_population_count3A_2797 = tpu.all_reduce %lt3A_2793 {dim = 0 : i64, kind = #tpu.reduction_kind<sum>} : vector<16xi1> -> vector<16xi32>
        %add3A_2798 = arith.addi %while3A_2778, %all_reduce_population_count3A_2797 : vector<16xi32>
        %select_n3A_2799 = arith.select %eq3A_2794, %get3A_2792, %broadcast_in_dim3A_8 : vector<16xi1>, vector<16xf32>
        %add3A_2800 = arith.addf %while3A_2779, %select_n3A_2799 : vector<16xf32>
        %all_reduce_population_count3A_2801 = tpu.all_reduce %eq3A_2794 {dim = 0 : i64, kind = #tpu.reduction_kind<sum>} : vector<16xi1> -> vector<16xi32>
        %add3A_2802 = arith.addi %while3A_2780, %all_reduce_population_count3A_2801 : vector<16xi32>
        %mul3A_2803 = arith.constant 64 : i32
        %mul3A_2804 = arith.muli %while3A_2776, %mul3A_2803 : i32
        %add3A_2805 = arith.constant 16 : i32
        %add3A_2806 = arith.addi %mul3A_2804, %add3A_2805 : i32
        %get3A_2807 = arith.index_cast %add3A_2806 : i32 to index
        %get3A_2808 = tpu.vector_load %arg6[%get3A_2807] {strides = array<i32>} : memref<4160xi32, #tpu.memory_space<vmem>>, vector<16xi32>,
        %mul3A_2809 = arith.constant 64 : i32
        %mul3A_2810 = arith.muli %while3A_2776, %mul3A_2809 : i32
        %add3A_2811 = arith.constant 16 : i32
        %add3A_2812 = arith.addi %mul3A_2810, %add3A_2811 : i32
        %get3A_2813 = arith.index_cast %add3A_2812 : i32 to index
        %get3A_2814 = tpu.vector_load %arg7[%get3A_2813] {strides = array<i32>} : memref<4160xf32, #tpu.memory_space<vmem>>, vector<16xf32>,
        %lt3A_2815 = arith.cmpi slt, %get3A_2808, %scan3A_2741#0 : vector<16xi32>
        %eq3A_2816 = arith.cmpi eq, %get3A_2808, %scan3A_2741#0 : vector<16xi32>
        %select_n3A_2817 = arith.select %lt3A_2815, %get3A_2814, %broadcast_in_dim3A_8 : vector<16xi1>, vector<16xf32>
        %add3A_2818 = arith.addf %add3A_2796, %select_n3A_2817 : vector<16xf32>
        %all_reduce_population_count3A_2819 = tpu.all_reduce %lt3A_2815 {dim = 0 : i64, kind = #tpu.reduction_kind<sum>} : vector<16xi1> -> vector<16xi32>
        %add3A_2820 = arith.addi %add3A_2798, %all_reduce_population_count3A_2819 : vector<16xi32>
        %select_n3A_2821 = arith.select %eq3A_2816, %get3A_2814, %broadcast_in_dim3A_8 : vector<16xi1>, vector<16xf32>
        %add3A_2822 = arith.addf %add3A_2800, %select_n3A_2821 : vector<16xf32>
        %all_reduce_population_count3A_2823 = tpu.all_reduce %eq3A_2816 {dim = 0 : i64, kind = #tpu.reduction_kind<sum>} : vector<16xi1> -> vector<16xi32>
        %add3A_2824 = arith.addi %add3A_2802, %all_reduce_population_count3A_2823 : vector<16xi32>
        %mul3A_2825 = arith.constant 64 : i32
        %mul3A_2826 = arith.muli %while3A_2776, %mul3A_2825 : i32
        %add3A_2827 = arith.constant 32 : i32
        %add3A_2828 = arith.addi %mul3A_2826, %add3A_2827 : i32
        %get3A_2829 = arith.index_cast %add3A_2828 : i32 to index
        %get3A_2830 = tpu.vector_load %arg6[%get3A_2829] {strides = array<i32>} : memref<4160xi32, #tpu.memory_space<vmem>>, vector<16xi32>,
        %mul3A_2831 = arith.constant 64 : i32
        %mul3A_2832 = arith.muli %while3A_2776, %mul3A_2831 : i32
        %add3A_2833 = arith.constant 32 : i32
        %add3A_2834 = arith.addi %mul3A_2832, %add3A_2833 : i32
        %get3A_2835 = arith.index_cast %add3A_2834 : i32 to index
        %get3A_2836 = tpu.vector_load %arg7[%get3A_2835] {strides = array<i32>} : memref<4160xf32, #tpu.memory_space<vmem>>, vector<16xf32>,
        %lt3A_2837 = arith.cmpi slt, %get3A_2830, %scan3A_2741#0 : vector<16xi32>
        %eq3A_2838 = arith.cmpi eq, %get3A_2830, %scan3A_2741#0 : vector<16xi32>
        %select_n3A_2839 = arith.select %lt3A_2837, %get3A_2836, %broadcast_in_dim3A_8 : vector<16xi1>, vector<16xf32>
        %add3A_2840 = arith.addf %add3A_2818, %select_n3A_2839 : vector<16xf32>
        %all_reduce_population_count3A_2841 = tpu.all_reduce %lt3A_2837 {dim = 0 : i64, kind = #tpu.reduction_kind<sum>} : vector<16xi1> -> vector<16xi32>
        %add3A_2842 = arith.addi %add3A_2820, %all_reduce_population_count3A_2841 : vector<16xi32>
        %select_n3A_2843 = arith.select %eq3A_2838, %get3A_2836, %broadcast_in_dim3A_8 : vector<16xi1>, vector<16xf32>
        %add3A_2844 = arith.addf %add3A_2822, %select_n3A_2843 : vector<16xf32>
        %all_reduce_population_count3A_2845 = tpu.all_reduce %eq3A_2838 {dim = 0 : i64, kind = #tpu.reduction_kind<sum>} : vector<16xi1> -> vector<16xi32>
        %add3A_2846 = arith.addi %add3A_2824, %all_reduce_population_count3A_2845 : vector<16xi32>
        %mul3A_2847 = arith.constant 64 : i32
        %mul3A_2848 = arith.muli %while3A_2776, %mul3A_2847 : i32
        %add3A_2849 = arith.constant 48 : i32
        %add3A_2850 = arith.addi %mul3A_2848, %add3A_2849 : i32
        %get3A_2851 = arith.index_cast %add3A_2850 : i32 to index
        %get3A_2852 = tpu.vector_load %arg6[%get3A_2851] {strides = array<i32>} : memref<4160xi32, #tpu.memory_space<vmem>>, vector<16xi32>,
        %mul3A_2853 = arith.constant 64 : i32
        %mul3A_2854 = arith.muli %while3A_2776, %mul3A_2853 : i32
        %add3A_2855 = arith.constant 48 : i32
        %add3A_2856 = arith.addi %mul3A_2854, %add3A_2855 : i32
        %get3A_2857 = arith.index_cast %add3A_2856 : i32 to index
        %get3A_2858 = tpu.vector_load %arg7[%get3A_2857] {strides = array<i32>} : memref<4160xf32, #tpu.memory_space<vmem>>, vector<16xf32>,
        %lt3A_2859 = arith.cmpi slt, %get3A_2852, %scan3A_2741#0 : vector<16xi32>
        %eq3A_2860 = arith.cmpi eq, %get3A_2852, %scan3A_2741#0 : vector<16xi32>
        %select_n3A_2861 = arith.select %lt3A_2859, %get3A_2858, %broadcast_in_dim3A_8 : vector<16xi1>, vector<16xf32>
        %add3A_2862 = arith.addf %add3A_2840, %select_n3A_2861 : vector<16xf32>
        %all_reduce_population_count3A_2863 = tpu.all_reduce %lt3A_2859 {dim = 0 : i64, kind = #tpu.reduction_kind<sum>} : vector<16xi1> -> vector<16xi32>
        %add3A_2864 = arith.addi %add3A_2842, %all_reduce_population_count3A_2863 : vector<16xi32>
        %select_n3A_2865 = arith.select %eq3A_2860, %get3A_2858, %broadcast_in_dim3A_8 : vector<16xi1>, vector<16xf32>
        %add3A_2866 = arith.addf %add3A_2844, %select_n3A_2865 : vector<16xf32>
        %all_reduce_population_count3A_2867 = tpu.all_reduce %eq3A_2860 {dim = 0 : i64, kind = #tpu.reduction_kind<sum>} : vector<16xi1> -> vector<16xi32>
        %add3A_2868 = arith.addi %add3A_2846, %all_reduce_population_count3A_2867 : vector<16xi32>
        scf.yield %add3A_2862, %add3A_2864, %add3A_2866, %add3A_2868 : vector<16xf32>, vector<16xi32>, vector<16xf32>, vector<16xi32>
      }
      %reduce_sum3A_2753 = arith.constant true
      %reduce_sum3A_2754 = vector.broadcast %reduce_sum3A_2753 : i1 to vector<16xi1>
      %reduce_sum3A_2755 = tpu.scan <sum>, %while3A_2752#0 masked %reduce_sum3A_2754 : vector<16xf32>, vector<16xi1> -> vector<16xf32>
      %reduce_sum3A_2756 = vector.extract %reduce_sum3A_2755[15] : f32 from vector<16xf32>
      %reduce_sum3A_2757 = arith.constant true
      %reduce_sum3A_2758 = vector.broadcast %reduce_sum3A_2757 : i1 to vector<16xi1>
      %reduce_sum3A_2759 = tpu.scan <sum>, %while3A_2752#2 masked %reduce_sum3A_2758 : vector<16xf32>, vector<16xi1> -> vector<16xf32>
      %reduce_sum3A_2760 = vector.extract %reduce_sum3A_2759[15] : f32 from vector<16xf32>
      %sub3A_2761 = vector.broadcast %sub3A_2692 : i32 to vector<16xi32>
      %sub3A_2762 = arith.subi %sub3A_2761, %while3A_2752#1 : vector<16xi32>
      %convert_element_type3A = arith.sitofp %sub3A_2762 : vector<16xi32> to vector<16xf32>
      %add3A_2763 = arith.addf %reduce_sum3A_2702, %reduce_sum3A_2756 : f32
      %mul3A_2764 = vector.broadcast %reduce_sum3A_2760 : f32 to vector<16xf32>
      %mul3A_2765 = arith.mulf %convert_element_type3A, %mul3A_2764 : vector<16xf32>
      %convert_element_type3A_2766 = arith.sitofp %while3A_2752#3 : vector<16xi32> to vector<16xf32>
      %div3A = arith.divf %mul3A_2765, %convert_element_type3A_2766 : vector<16xf32>
      %add3A_2767 = vector.broadcast %add3A_2763 : f32 to vector<16xf32>
      %add3A_2768 = arith.addf %add3A_2767, %div3A : vector<16xf32>
      %sub3A_2769 = vector.broadcast %reduce_sum3A_1613 : f32 to vector<16xf32>
      %sub3A_2770 = arith.subf %sub3A_2769, %add3A_2768 : vector<16xf32>
      %div3A_2771 = arith.constant 4.096000e+03 : f32
      %div3A_2772 = vector.broadcast %div3A_2771 : f32 to vector<16xf32>
      %div3A_2773 = arith.divf %sub3A_2770, %div3A_2772 : vector<16xf32>
      %eq3A = vector.broadcast %scan3A_33 : i32 to vector<16xi32>
      %eq3A_2774 = arith.cmpi eq, %iota3A, %eq3A : vector<16xi32>
      %select_n3A_2775 = arith.select %eq3A_2774, %div3A_2773, %scan3A_34 : vector<16xi1>, vector<16xf32>
      scf.yield %select_n3A_2775 : vector<16xf32>
    }
    %scan3A_21 = arith.constant 4 : i32
    %add3A_22 = arith.constant 128 : i32
    %add3A_23 = arith.addi %add3A_22, %mul3A_2 : i32
    %get3A = arith.index_cast %add3A_23 : i32 to index
    %get3A_24 = tpu.vector_load %arg9[%get3A] {strides = array<i32>} : memref<272xf32, #tpu.memory_space<vmem>>, vector<16xf32>,
    %lt3A = arith.constant 4 : i32
    %lt3A_25 = vector.broadcast %lt3A : i32 to vector<16xi32>
    %lt3A_26 = arith.cmpi slt, %iota3A, %lt3A_25 : vector<16xi32>
    %mul3A_27 = arith.mulf %get3A_24, %scan3A_20 : vector<16xf32>
    %sub3A = arith.constant 1.000000e-01 : f32
    %sub3A_28 = vector.broadcast %sub3A : f32 to vector<16xf32>
    %sub3A_29 = arith.subf %sub3A_28, %mul3A_27 : vector<16xf32>
    %max3A = arith.constant 0.000000e+00 : f32
    %max3A_30 = vector.broadcast %max3A : f32 to vector<16xf32>
    %max3A_31 = arith.maximumf %sub3A_29, %max3A_30 : vector<16xf32>
    %select_n3A = arith.select %lt3A_26, %max3A_31, %broadcast_in_dim3A_8 : vector<16xi1>, vector<16xf32>
    %swap3A = arith.constant 0 : index
    %swap3A_32 = tpu.vector_load %arg10[%swap3A] {strides = array<i32>} : memref<16xf32, #tpu.memory_space<vmem>>, vector<16xf32>,
    tpu.vector_store %arg10[%swap3A], %select_n3A {strides = array<i32>} : memref<16xf32, #tpu.memory_space<vmem>>, vector<16xf32>,
    "tpu.region"() ({
      %run_scoped3A = tpu.sem_alloc : memref<!tpu.dma_semaphore, #tpu.memory_space<semaphore_mem>>
      %dma_start3A_33 = arith.constant 0 : i32
      %dma_start3A_34 = tpu.memref_slice %arg4[%add3A, %dma_start3A_33] : memref<32x16xf32, #tpu.memory_space<hbm>> -> memref<1x16xf32, #tpu.memory_space<hbm>>
      %dma_start3A_35 = tpu.memref_squeeze %dma_start3A_34 : memref<1x16xf32, #tpu.memory_space<hbm>> -> memref<16xf32, #tpu.memory_space<hbm>>
      %dma_start3A_36 = arith.constant 0 : i32
      %dma_start3A_37 = tpu.memref_slice %arg4[%add3A, %dma_start3A_36] : memref<32x16xf32, #tpu.memory_space<hbm>> -> memref<1x16xf32, #tpu.memory_space<hbm>>
      %dma_start3A_38 = tpu.memref_squeeze %dma_start3A_37 : memref<1x16xf32, #tpu.memory_space<hbm>> -> memref<16xf32, #tpu.memory_space<hbm>>
      tpu.enqueue_dma source(%arg10 : memref<16xf32, #tpu.memory_space<vmem>>) target(%dma_start3A_38 : memref<16xf32, #tpu.memory_space<hbm>>) target_semaphore(%run_scoped3A : memref<!tpu.dma_semaphore, #tpu.memory_space<semaphore_mem>>)
      %dma_wait3A_39 = arith.constant 0 : i32
      %dma_wait3A_40 = tpu.memref_slice %arg4[%add3A, %dma_wait3A_39] : memref<32x16xf32, #tpu.memory_space<hbm>> -> memref<1x16xf32, #tpu.memory_space<hbm>>
      %dma_wait3A_41 = tpu.memref_squeeze %dma_wait3A_40 : memref<1x16xf32, #tpu.memory_space<hbm>> -> memref<16xf32, #tpu.memory_space<hbm>>
      %dma_wait3A_42 = arith.constant 0 : i32
      %dma_wait3A_43 = tpu.memref_slice %arg4[%add3A, %dma_wait3A_42] : memref<32x16xf32, #tpu.memory_space<hbm>> -> memref<1x16xf32, #tpu.memory_space<hbm>>
      %dma_wait3A_44 = tpu.memref_squeeze %dma_wait3A_43 : memref<1x16xf32, #tpu.memory_space<hbm>> -> memref<16xf32, #tpu.memory_space<hbm>>
      tpu.wait_dma2 semaphore(%run_scoped3A : memref<!tpu.dma_semaphore, #tpu.memory_space<semaphore_mem>>) src(%arg10 : memref<16xf32, #tpu.memory_space<vmem>>) dst(%dma_wait3A_44 : memref<16xf32, #tpu.memory_space<hbm>>)
      tpu.yield
    }) : () -> ()
    return
  }
}

module attributes {stable_mosaic.version = 14 : i64} {
  func.func @_pool_body(%arg0: i32, %arg1: memref<256x4096xf32, #tpu.memory_space<vmem>>, %arg2: memref<256x4096xf32, #tpu.memory_space<vmem>>, %arg3: memref<4096x256xf32, #tpu.memory_space<vmem>>, %arg4: memref<16x4096xf32, #tpu.memory_space<vmem>>) attributes {dimension_semantics = [#tpu.dimension_semantics<arbitrary>], iteration_bounds = array<i64: 8>, scalar_prefetch = 0 : i64, scratch_operands = 0 : i64, tpu.core_type = #tpu.core_type<tc>, window_params = [{transform_indices = @transform_0, window_bounds = array<i64: 256, 4096>}, {transform_indices = @transform_1, window_bounds = array<i64: 256, 4096>}, {pipeline_mode = #tpu.pipeline_mode<synchronous>, transform_indices = @transform_2, window_bounds = array<i64: 4096, 256>}, {transform_indices = @transform_3, window_bounds = array<i64: 16, 4096>}]} {
    %get3A = arith.constant 0 : index
    %get3A_0 = arith.constant 0 : index
    %get3A_1 = vector.load %arg1[%get3A, %get3A_0] : memref<256x4096xf32, #tpu.memory_space<vmem>>, vector<256x4096xf32>
    %get3A_2 = arith.constant 0 : index
    %get3A_3 = arith.constant 0 : index
    %get3A_4 = vector.load %arg2[%get3A_2, %get3A_3] : memref<256x4096xf32, #tpu.memory_space<vmem>>, vector<256x4096xf32>
    %add3A = arith.addf %get3A_1, %get3A_4 : vector<256x4096xf32>
    %get3A_5 = arith.constant 0 : index
    %get3A_6 = arith.constant 0 : index
    %get3A_7 = vector.load %arg3[%get3A_5, %get3A_6] : memref<4096x256xf32, #tpu.memory_space<vmem>>, vector<4096x256xf32>
    %dot_general3A = arith.constant dense<0.000000e+00> : vector<256x256xf32>
    %dot_general3A_8 = tpu.matmul %add3A, %get3A_7, %dot_general3A {dimension_numbers = #tpu.dot_dimension_numbers<[1], [0], [0], [1], [0, 0, 1, 1], [], []>, transpose_lhs_hint = false} : vector<256x4096xf32>, vector<4096x256xf32>, vector<256x256xf32> -> vector<256x256xf32>
    %reshape3A = vector.shape_cast %dot_general3A_8 : vector<256x256xf32> to vector<16x4096xf32>
    %swap3A = arith.constant 0 : index
    %swap3A_9 = arith.constant 0 : index
    %swap3A_10 = vector.load %arg4[%swap3A, %swap3A_9] : memref<16x4096xf32, #tpu.memory_space<vmem>>, vector<16x4096xf32>
    tpu.vector_store %arg4[%swap3A, %swap3A_9], %reshape3A {strides = array<i32>} : memref<16x4096xf32, #tpu.memory_space<vmem>>, vector<16x4096xf32>,
    return
  }
  func.func @transform_0(%arg0: i32) -> (i32, i32) {
    %add3A = arith.constant 8 : i32
    %add3A_0 = arith.addi %arg0, %add3A : i32
    %c0_i32 = arith.constant 0 : i32
    %c0_i32_1 = arith.constant 0 : i32
    return %add3A_0, %c0_i32 : i32, i32
  }
  func.func @transform_1(%arg0: i32) -> (i32, i32) {
    %add3A = arith.constant 8 : i32
    %add3A_0 = arith.addi %arg0, %add3A : i32
    %c0_i32 = arith.constant 0 : i32
    %c0_i32_1 = arith.constant 0 : i32
    return %add3A_0, %c0_i32 : i32, i32
  }
  func.func @transform_2(%arg0: i32) -> (i32, i32) {
    %c0_i32 = arith.constant 0 : i32
    %c0_i32_0 = arith.constant 0 : i32
    %c0_i32_1 = arith.constant 0 : i32
    return %c0_i32, %c0_i32_0 : i32, i32
  }
  func.func @transform_3(%arg0: i32) -> (i32, i32) {
    %c0_i32 = arith.constant 0 : i32
    %c0_i32_0 = arith.constant 0 : i32
    return %arg0, %c0_i32 : i32, i32
  }
}

module attributes {stable_mosaic.version = 14 : i64} {
  func.func @_tc_select_body(%arg0: i32, %arg1: memref<128x4096xf32, #tpu.memory_space<vmem>>, %arg2: memref<128x1xf32, #tpu.memory_space<vmem>>, %arg3: memref<1x1xf32, #tpu.memory_space<smem>>) attributes {dimension_semantics = [#tpu.dimension_semantics<arbitrary>], iteration_bounds = array<i64: 1>, scalar_prefetch = 0 : i64, scratch_operands = 0 : i64, tpu.core_type = #tpu.core_type<tc>, window_params = [{pipeline_mode = #tpu.pipeline_mode<synchronous>, transform_indices = @transform_0, window_bounds = array<i64: 128, 4096>}, {transform_indices = @transform_1, window_bounds = array<i64: 128, 1>}, {transform_indices = @transform_2, window_bounds = array<i64: 1, 1>}]} {
    %get3A = arith.constant 0 : index
    %get3A_0 = arith.constant 0 : index
    %get3A_1 = vector.load %arg1[%get3A, %get3A_0] : memref<128x4096xf32, #tpu.memory_space<vmem>>, vector<128x4096xf32>
    %abs3A = math.absf %get3A_1 : vector<128x4096xf32>
    %bitcast_convert_type3A = tpu.bitcast %abs3A : vector<128x4096xf32> -> vector<128x4096xi32>
    %broadcast_in_dim3A = arith.constant 0 : i32
    %broadcast_in_dim3A_2 = vector.broadcast %broadcast_in_dim3A : i32 to vector<128x1xi32>
    %broadcast_in_dim3A_3 = arith.constant 2139095040 : i32
    %broadcast_in_dim3A_4 = vector.broadcast %broadcast_in_dim3A_3 : i32 to vector<128x1xi32>
    %scan3A = arith.constant 0 : i32
    %scan3A_5 = arith.constant 31 : i32
    %scan3A_6 = arith.addi %scan3A, %scan3A_5 : i32
    %scan3A_7 = arith.constant 1 : i32
    %scan3A_8:2 = scf.for %scan3A_54 = %scan3A to %scan3A_6 step %scan3A_7 iter_args(%scan3A_55 = %broadcast_in_dim3A_2, %scan3A_56 = %broadcast_in_dim3A_4) -> (vector<128x1xi32>, vector<128x1xi32>)  : i32 {
      %sub3A_57 = arith.subi %scan3A_56, %scan3A_55 : vector<128x1xi32>
      %shift_right_arithmetic3A = arith.constant 1 : i32
      %shift_right_arithmetic3A_58 = vector.broadcast %shift_right_arithmetic3A : i32 to vector<128x1xi32>
      %shift_right_arithmetic3A_59 = arith.shrsi %sub3A_57, %shift_right_arithmetic3A_58 : vector<128x1xi32>
      %add3A_60 = arith.addi %scan3A_55, %shift_right_arithmetic3A_59 : vector<128x1xi32>
      %le3A = vector.broadcast %add3A_60 : vector<128x1xi32> to vector<128x4096xi32>
      %le3A_61 = arith.cmpi sle, %bitcast_convert_type3A, %le3A : vector<128x4096xi32>
      %convert_element_type3A_62 = arith.extui %le3A_61 : vector<128x4096xi1> to vector<128x4096xi32>
      %reduce_sum3A_63 = arith.constant dense<0> : vector<128xi32>
      %reduce_sum3A_64 = vector.multi_reduction <add>, %convert_element_type3A_62, %reduce_sum3A_63 [1] : vector<128x4096xi32> to vector<128xi32>
      %broadcast_in_dim3A_65 = vector.shape_cast %reduce_sum3A_64 : vector<128xi32> to vector<128x1xi32>
      %ge3A = arith.constant 410 : i32
      %ge3A_66 = vector.broadcast %ge3A : i32 to vector<128x1xi32>
      %ge3A_67 = arith.cmpi sge, %broadcast_in_dim3A_65, %ge3A_66 : vector<128x1xi32>
      %add3A_68 = arith.constant 1 : i32
      %add3A_69 = vector.broadcast %add3A_68 : i32 to vector<128x1xi32>
      %add3A_70 = arith.addi %add3A_60, %add3A_69 : vector<128x1xi32>
      %select_n3A_71 = arith.select %ge3A_67, %scan3A_55, %add3A_70 : vector<128x1xi1>, vector<128x1xi32>
      %select_n3A_72 = arith.select %ge3A_67, %add3A_60, %scan3A_56 : vector<128x1xi1>, vector<128x1xi32>
      scf.yield %select_n3A_71, %select_n3A_72 : vector<128x1xi32>, vector<128x1xi32>
    }
    %lt3A = vector.broadcast %scan3A_8#0 : vector<128x1xi32> to vector<128x4096xi32>
    %lt3A_9 = arith.cmpi slt, %bitcast_convert_type3A, %lt3A : vector<128x4096xi32>
    %eq3A = vector.broadcast %scan3A_8#0 : vector<128x1xi32> to vector<128x4096xi32>
    %eq3A_10 = arith.cmpi eq, %bitcast_convert_type3A, %eq3A : vector<128x4096xi32>
    %convert_element_type3A = arith.extui %lt3A_9 : vector<128x4096xi1> to vector<128x4096xi32>
    %convert_element_type3A_11 = arith.sitofp %convert_element_type3A : vector<128x4096xi32> to vector<128x4096xf32>
    %reduce_sum3A = arith.constant dense<0.000000e+00> : vector<128xf32>
    %reduce_sum3A_12 = vector.multi_reduction <add>, %convert_element_type3A_11, %reduce_sum3A [1] : vector<128x4096xf32> to vector<128xf32>
    %broadcast_in_dim3A_13 = vector.shape_cast %reduce_sum3A_12 : vector<128xf32> to vector<128x1xf32>
    %convert_element_type3A_14 = arith.extui %eq3A_10 : vector<128x4096xi1> to vector<128x4096xi32>
    %convert_element_type3A_15 = arith.sitofp %convert_element_type3A_14 : vector<128x4096xi32> to vector<128x4096xf32>
    %reduce_sum3A_16 = arith.constant dense<0.000000e+00> : vector<128xf32>
    %reduce_sum3A_17 = vector.multi_reduction <add>, %convert_element_type3A_15, %reduce_sum3A_16 [1] : vector<128x4096xf32> to vector<128xf32>
    %broadcast_in_dim3A_18 = vector.shape_cast %reduce_sum3A_17 : vector<128xf32> to vector<128x1xf32>
    %jit3A = arith.constant 0.000000e+00 : f32
    %broadcast_in_dim3A_19 = vector.broadcast %jit3A : f32 to vector<128x4096xf32>
    %select_n3A = arith.select %lt3A_9, %get3A_1, %broadcast_in_dim3A_19 : vector<128x4096xi1>, vector<128x4096xf32>
    %reduce_sum3A_20 = arith.constant dense<0.000000e+00> : vector<128xf32>
    %reduce_sum3A_21 = vector.multi_reduction <add>, %select_n3A, %reduce_sum3A_20 [1] : vector<128x4096xf32> to vector<128xf32>
    %broadcast_in_dim3A_22 = vector.shape_cast %reduce_sum3A_21 : vector<128xf32> to vector<128x1xf32>
    %jit3A_23 = arith.constant 0.000000e+00 : f32
    %broadcast_in_dim3A_24 = vector.broadcast %jit3A_23 : f32 to vector<128x4096xf32>
    %select_n3A_25 = arith.select %eq3A_10, %get3A_1, %broadcast_in_dim3A_24 : vector<128x4096xi1>, vector<128x4096xf32>
    %reduce_sum3A_26 = arith.constant dense<0.000000e+00> : vector<128xf32>
    %reduce_sum3A_27 = vector.multi_reduction <add>, %select_n3A_25, %reduce_sum3A_26 [1] : vector<128x4096xf32> to vector<128xf32>
    %broadcast_in_dim3A_28 = vector.shape_cast %reduce_sum3A_27 : vector<128xf32> to vector<128x1xf32>
    %reduce_sum3A_29 = arith.constant dense<0.000000e+00> : vector<128xf32>
    %reduce_sum3A_30 = vector.multi_reduction <add>, %get3A_1, %reduce_sum3A_29 [1] : vector<128x4096xf32> to vector<128xf32>
    %broadcast_in_dim3A_31 = vector.shape_cast %reduce_sum3A_30 : vector<128xf32> to vector<128x1xf32>
    %sub3A = arith.constant 4.100000e+02 : f32
    %sub3A_32 = vector.broadcast %sub3A : f32 to vector<128x1xf32>
    %sub3A_33 = arith.subf %sub3A_32, %broadcast_in_dim3A_13 : vector<128x1xf32>
    %mul3A = arith.mulf %broadcast_in_dim3A_28, %sub3A_33 : vector<128x1xf32>
    %div3A = arith.divf %mul3A, %broadcast_in_dim3A_18 : vector<128x1xf32>
    %add3A = arith.addf %broadcast_in_dim3A_22, %div3A : vector<128x1xf32>
    %sub3A_34 = arith.subf %broadcast_in_dim3A_31, %add3A : vector<128x1xf32>
    %div3A_35 = arith.constant 4.096000e+03 : f32
    %div3A_36 = vector.broadcast %div3A_35 : f32 to vector<128x1xf32>
    %div3A_37 = arith.divf %sub3A_34, %div3A_36 : vector<128x1xf32>
    %get3A_38 = arith.constant 0 : index
    %get3A_39 = arith.constant 0 : index
    %get3A_40 = vector.load %arg2[%get3A_38, %get3A_39] : memref<128x1xf32, #tpu.memory_space<vmem>>, vector<128x1xf32>
    %mul3A_41 = arith.mulf %get3A_40, %div3A_37 : vector<128x1xf32>
    %sub3A_42 = arith.constant 1.000000e-01 : f32
    %sub3A_43 = vector.broadcast %sub3A_42 : f32 to vector<128x1xf32>
    %sub3A_44 = arith.subf %sub3A_43, %mul3A_41 : vector<128x1xf32>
    %max3A = arith.constant 0.000000e+00 : f32
    %max3A_45 = vector.broadcast %max3A : f32 to vector<128x1xf32>
    %max3A_46 = arith.maximumf %sub3A_44, %max3A_45 : vector<128x1xf32>
    %reduce_sum3A_47 = vector.shape_cast %max3A_46 : vector<128x1xf32> to vector<1x128x1xf32>
    %reduce_sum3A_48 = arith.constant dense<0.000000e+00> : vector<1xf32>
    %reduce_sum3A_49 = vector.multi_reduction <add>, %reduce_sum3A_47, %reduce_sum3A_48 [1, 2] : vector<1x128x1xf32> to vector<1xf32>
    %reduce_sum3A_50 = vector.shape_cast %reduce_sum3A_49 : vector<1xf32> to vector<1x1x1xf32>
    %reduce_sum3A_51 = vector.extract %reduce_sum3A_50[0, 0, 0] : f32 from vector<1x1x1xf32>
    %swap3A = arith.constant 0 : index
    %swap3A_52 = arith.constant 0 : index
    %swap3A_53 = memref.load %arg3[%swap3A, %swap3A_52] : memref<1x1xf32, #tpu.memory_space<smem>>
    memref.store %reduce_sum3A_51, %arg3[%swap3A, %swap3A_52] : memref<1x1xf32, #tpu.memory_space<smem>>
    return
  }
  func.func @transform_0(%arg0: i32) -> (i32, i32) {
    %c0_i32 = arith.constant 0 : i32
    %c0_i32_0 = arith.constant 0 : i32
    %c0_i32_1 = arith.constant 0 : i32
    return %c0_i32, %c0_i32_0 : i32, i32
  }
  func.func @transform_1(%arg0: i32) -> (i32, i32) {
    %c0_i32 = arith.constant 0 : i32
    %c0_i32_0 = arith.constant 0 : i32
    %c0_i32_1 = arith.constant 0 : i32
    return %c0_i32, %c0_i32_0 : i32, i32
  }
  func.func @transform_2(%arg0: i32) -> (i32, i32) {
    %c0_i32 = arith.constant 0 : i32
    %c0_i32_0 = arith.constant 0 : i32
    %c0_i32_1 = arith.constant 0 : i32
    return %c0_i32, %c0_i32_0 : i32, i32
  }
}

module attributes {stable_mosaic.version = 14 : i64} {
  func.func @_pool_body(%arg0: i32, %arg1: memref<256x4096xf32, #tpu.memory_space<vmem>>, %arg2: memref<256x4096xf32, #tpu.memory_space<vmem>>, %arg3: memref<4096x256xf32, #tpu.memory_space<vmem>>, %arg4: memref<16x4096xf32, #tpu.memory_space<vmem>>) attributes {dimension_semantics = [#tpu.dimension_semantics<arbitrary>], iteration_bounds = array<i64: 8>, scalar_prefetch = 0 : i64, scratch_operands = 0 : i64, tpu.core_type = #tpu.core_type<tc>, window_params = [{transform_indices = @transform_0, window_bounds = array<i64: 256, 4096>}, {transform_indices = @transform_1, window_bounds = array<i64: 256, 4096>}, {pipeline_mode = #tpu.pipeline_mode<synchronous>, transform_indices = @transform_2, window_bounds = array<i64: 4096, 256>}, {transform_indices = @transform_3, window_bounds = array<i64: 16, 4096>}]} {
    %get3A = arith.constant 0 : index
    %get3A_0 = arith.constant 0 : index
    %get3A_1 = vector.load %arg1[%get3A, %get3A_0] : memref<256x4096xf32, #tpu.memory_space<vmem>>, vector<256x4096xf32>
    %get3A_2 = arith.constant 0 : index
    %get3A_3 = arith.constant 0 : index
    %get3A_4 = vector.load %arg2[%get3A_2, %get3A_3] : memref<256x4096xf32, #tpu.memory_space<vmem>>, vector<256x4096xf32>
    %add3A = arith.addf %get3A_1, %get3A_4 : vector<256x4096xf32>
    %get3A_5 = arith.constant 0 : index
    %get3A_6 = arith.constant 0 : index
    %get3A_7 = vector.load %arg3[%get3A_5, %get3A_6] : memref<4096x256xf32, #tpu.memory_space<vmem>>, vector<4096x256xf32>
    %dot_general3A = arith.constant dense<0.000000e+00> : vector<256x256xf32>
    %dot_general3A_8 = tpu.matmul %add3A, %get3A_7, %dot_general3A {dimension_numbers = #tpu.dot_dimension_numbers<[1], [0], [0], [1], [0, 0, 1, 1], [], []>, transpose_lhs_hint = false} : vector<256x4096xf32>, vector<4096x256xf32>, vector<256x256xf32> -> vector<256x256xf32>
    %reshape3A = vector.shape_cast %dot_general3A_8 : vector<256x256xf32> to vector<16x4096xf32>
    %swap3A = arith.constant 0 : index
    %swap3A_9 = arith.constant 0 : index
    %swap3A_10 = vector.load %arg4[%swap3A, %swap3A_9] : memref<16x4096xf32, #tpu.memory_space<vmem>>, vector<16x4096xf32>
    tpu.vector_store %arg4[%swap3A, %swap3A_9], %reshape3A {strides = array<i32>} : memref<16x4096xf32, #tpu.memory_space<vmem>>, vector<16x4096xf32>,
    return
  }
  func.func @transform_0(%arg0: i32) -> (i32, i32) {
    %add3A = arith.constant 0 : i32
    %add3A_0 = arith.addi %arg0, %add3A : i32
    %c0_i32 = arith.constant 0 : i32
    %c0_i32_1 = arith.constant 0 : i32
    return %add3A_0, %c0_i32 : i32, i32
  }
  func.func @transform_1(%arg0: i32) -> (i32, i32) {
    %add3A = arith.constant 0 : i32
    %add3A_0 = arith.addi %arg0, %add3A : i32
    %c0_i32 = arith.constant 0 : i32
    %c0_i32_1 = arith.constant 0 : i32
    return %add3A_0, %c0_i32 : i32, i32
  }
  func.func @transform_2(%arg0: i32) -> (i32, i32) {
    %c0_i32 = arith.constant 0 : i32
    %c0_i32_0 = arith.constant 0 : i32
    %c0_i32_1 = arith.constant 0 : i32
    return %c0_i32, %c0_i32_0 : i32, i32
  }
  func.func @transform_3(%arg0: i32) -> (i32, i32) {
    %c0_i32 = arith.constant 0 : i32
    %c0_i32_0 = arith.constant 0 : i32
    return %arg0, %c0_i32 : i32, i32
  }
}

module attributes {stable_mosaic.version = 14 : i64} {
  func.func @_final_body(%arg0: memref<32x16xf32, #tpu.memory_space<vmem>>, %arg1: memref<1x1xf32, #tpu.memory_space<smem>>, %arg2: memref<1x1xf32, #tpu.memory_space<smem>>) attributes {dimension_semantics = [], scalar_prefetch = 0 : i64, scratch_operands = 0 : i64, tpu.core_type = #tpu.core_type<tc>} {
    %get3A = arith.constant 0 : index
    %get3A_0 = arith.constant 0 : index
    %get3A_1 = vector.load %arg0[%get3A, %get3A_0] : memref<32x16xf32, #tpu.memory_space<vmem>>, vector<32x16xf32>
    %reduce_sum3A = vector.shape_cast %get3A_1 : vector<32x16xf32> to vector<1x32x16xf32>
    %reduce_sum3A_2 = arith.constant dense<0.000000e+00> : vector<1xf32>
    %reduce_sum3A_3 = vector.multi_reduction <add>, %reduce_sum3A, %reduce_sum3A_2 [1, 2] : vector<1x32x16xf32> to vector<1xf32>
    %reduce_sum3A_4 = vector.shape_cast %reduce_sum3A_3 : vector<1xf32> to vector<1x1x1xf32>
    %reduce_sum3A_5 = vector.extract %reduce_sum3A_4[0, 0, 0] : f32 from vector<1x1x1xf32>
    %get3A_6 = arith.constant 0 : index
    %get3A_7 = arith.constant 0 : index
    %get3A_8 = memref.load %arg1[%get3A_6, %get3A_7] : memref<1x1xf32, #tpu.memory_space<smem>>
    %add3A = arith.addf %reduce_sum3A_5, %get3A_8 : f32
    %mul3A = arith.constant 1.000000e+00 : f32
    %mul3A_9 = arith.mulf %mul3A, %add3A : f32
    %swap3A = arith.constant 0 : index
    %swap3A_10 = arith.constant 0 : index
    %swap3A_11 = memref.load %arg2[%swap3A, %swap3A_10] : memref<1x1xf32, #tpu.memory_space<smem>>
    memref.store %mul3A_9, %arg2[%swap3A, %swap3A_10] : memref<1x1xf32, #tpu.memory_space<smem>>
    return
  }
}

</mosaic_0001>

<sc_bundles>
// kernel: kernel.7.cloned.1.call-start
scs
__scs_entry_jumppad:
0x0: {  	(pc) =	sbr.rel $0x88, $3  }
0x1: {  	(tag) =	ssettag $0x0;
	lr =	simm.s32 $0x1  }
0x2: {  	[smem:$0x3F9E] =	sst lr;
	_ =	strace $0xD0000000  }
0x3: {  	_ = 	snop  }
0x4: {  	_ = 	snop  }
0x5: {  	_ = 	snop  }
0x6: {  	_ = 	snop  }
0x7: {  	_ = 	snop  }
__scs_overlays_trampoline_lowered:
0x8: {  	[smem:$0x3FAD] =	sst s0  }
0x9: {  	[smem:$0x3FAE] =	sst s1  }
0xa: {  	[smem:$0x3FAF] =	sst s2  }
0xb: {  	[smem:$0x3FB0] =	sst s3  }
0xc: {  	[smem:$0x3FB1] =	sst s4  }
0xd: {  	[smem:$0x3FB2] =	sst s5  }
0xe: {  	[smem:$0x3FB3] =	sst s6  }
0xf: {  	[smem:$0x3FB4] =	sst s7  }
0x10: {  	[smem:$0x3FB5] =	sst s8  }
0x11: {  	[smem:$0x3FB6] =	sst s9;
	s0 =	simm.s32 @!p0 $0x0  }
0x12: {  	s1 =	sld [smem:$0x3F9C];
	s0 =	simm.s32 @p0 $0x1  }
0x13: {  	[smem:$0x3FB7] =	sst s0;
	s0 =	simm.s32 @!p1 $0x0  }
0x14: {  	s2 =	sld [smem:$0x3F9B];
	s0 =	simm.s32 @p1 $0x1  }
0x15: {  	[smem:$0x3FB8] =	sst s0;
	s0 =	simm.s32 @!p2 $0x0  }
0x16: {  	s3 =	sld [smem:$0x3FDB];
	s0 =	simm.s32 @p2 $0x1  }
0x17: {  	s4 =	simm.s32 $0x1BF5;
	[smem:$0x3FBA] =	sst s0  }
0x18: {  	s0 =	sld [smem:$0x3F9D];
	_ =	swait.ge [sflag:s4], $0x0  }
0x19: {  	s7 =	sld [smem:$0x3F9E]  }
0x1a: {  	s8 =	sadd.s32 $0xFFFFE003, lr  }
0x1b: {  	s9 =	sadd.s32 $0xFFFFFEF7, lr;
	s5 =	simm.s32 $0xFFFFFFFF;
	p2 =	slt.u32 s8, $0xFFFFF086  }
0x1c: {  	p1 =	slt.u32 s9, $0xF7A;
	s5 =	simm.s32 @!p2 $0x0  }
0x1d: {  	s5 =	simm.s32 @p1 $0x1;
	p0 =	seq.s32 s7, s2  }
0x1e: {  	s7 =	smul.u32 @!p0 $0xF7A, s2;
	p2 =	seq.s32 @!p0 s5, $0x0  }
0x1f: {  	s9 =	smul.u32 $0xF7A, s1;
	s8 =	simm.s32 @!p0 $0x1BF5;
	p2 =	por !p2, p0  }
0x20: {  	[sflag:s8] =	ssyncset.s32 @!p0 $0xFFFFF086;
	s6 =	sadd.s32 @!p0 s3, s7;
	s7 =	simm.s32 @!p0 $0x108  }
0x21: {  	s3 =	sadd.s32 s3, s9;
	s6 =	sadd.s32 @!p0 $0x88, s6;
	s7 =	simm.s32 @p2 $0x1082  }
0x22: {  	[simem:s7], [sflag:s8] =	dma.local @!p0 [hbm:s6], $0xF7A  }
0x23: {  	s9 =	sor.u32 $0xD0000000, s2;
	s6 =	simm.s32 $0x108;
	_ =	swait.ge @!p0 [sflag:s8], $0x0  }
0x24: {  	s3 =	sadd.s32 $0x88, s3;
	s6 =	simm.s32 @!p1 $0x1082;
	[sflag:s4] =	ssyncset.s32 $0xFFFFF086  }
0x25: {  	[simem:s6], [sflag:s4] =	dma.local [hbm:s3], $0xF7A  }
0x26: {  	[smem:$0x3F9E] =	sst s1;
	(tag) =	ssettag s2;
	_ =	strace s9  }
0x27: {  	s1 =	sld [smem:$0x3FAE]  }
0x28: {  	s2 =	sld [smem:$0x3FAF]  }
0x29: {  	s4 =	sld [smem:$0x3FB1]  }
0x2a: {  	p0 =	seq.s32 s5, $0x0;
	s5 =	sld [smem:$0x3FB2]  }
0x2b: {  	s6 =	sld [smem:$0x3FB3]  }
0x2c: {  	s7 =	sld [smem:$0x3FB4]  }
0x2d: {  	s3 =	simm.s32 $0x108;
	s8 =	sld [smem:$0x3FB5]  }
0x2e: {  	s3 =	simm.s32 @!p0 $0x1082;
	s9 =	sld [smem:$0x3FB6]  }
0x2f: {  	lr =	sadd.s32 s0, s3;
	s0 =	sld [smem:$0x3FAD]  }
0x30: {  	s3 =	sld [smem:$0x3FB0]  }
0x31: {  	[smem:$0x3FB9] =	sst s10  }
0x32: {  	s10 =	sld [smem:$0x3FB7];
	_ =	sdelay $0x3  }
0x33: {  	p0 =	seq.s32 s10, $0x1;
	s10 =	sld [smem:$0x3FB9];
	_ =	sdelay $0x3  }
0x34: {  	[smem:$0x3FB9] =	sst s10  }
0x35: {  	s10 =	sld [smem:$0x3FB8];
	_ =	sdelay $0x3  }
0x36: {  	p1 =	seq.s32 s10, $0x1;
	s10 =	sld [smem:$0x3FB9];
	_ =	sdelay $0x3  }
0x37: {  	[smem:$0x3FB9] =	sst s10  }
0x38: {  	s10 =	sld [smem:$0x3FBA]  }
0x39: {  	_ = 	snop;
	(pc) =	sbr.ind lr, $3  }
0x3a: {  	_ = 	snop  }
0x3b: {  	_ = 	snop  }
0x3c: {  	p2 =	seq.s32 s10, $0x1;
	s10 =	sld [smem:$0x3FB9]  }
0x3d: {  	_ =	shalt  }
0x3e: {  	_ =	shalt  }
0x3f: {  	_ =	shalt  }
0x40: {  	_ =	shalt  }
0x41: {  	_ =	shalt  }
0x42: {  	_ =	shalt  }
0x43: {  	_ =	shalt  }
0x44: {  	_ =	shalt  }
0x45: {  	_ =	shalt  }
0x46: {  	_ =	shalt  }
0x47: {  	_ =	shalt  }
0x48: {  	_ =	shalt  }
0x49: {  	_ =	shalt  }
0x4a: {  	_ =	shalt  }
0x4b: {  	_ =	shalt  }
0x4c: {  	_ =	shalt  }
0x4d: {  	_ =	shalt  }
0x4e: {  	_ =	shalt  }
0x4f: {  	_ =	shalt  }
0x50: {  	_ =	shalt  }
0x51: {  	_ =	shalt  }
0x52: {  	_ =	shalt  }
0x53: {  	_ =	shalt  }
0x54: {  	_ =	shalt  }
0x55: {  	_ =	shalt  }
0x56: {  	_ =	shalt  }
0x57: {  	_ =	shalt  }
0x58: {  	_ =	shalt  }
0x59: {  	_ =	shalt  }
0x5a: {  	_ =	shalt  }
0x5b: {  	_ =	shalt  }
0x5c: {  	_ =	shalt  }
0x5d: {  	_ =	shalt  }
0x5e: {  	_ =	shalt  }
0x5f: {  	_ =	shalt  }
0x60: {  	_ =	shalt  }
0x61: {  	_ =	shalt  }
0x62: {  	_ =	shalt  }
0x63: {  	_ =	shalt  }
0x64: {  	_ =	shalt  }
0x65: {  	_ =	shalt  }
0x66: {  	_ =	shalt  }
0x67: {  	_ =	shalt  }
0x68: {  	_ =	shalt  }
0x69: {  	_ =	shalt  }
0x6a: {  	_ =	shalt  }
0x6b: {  	_ =	shalt  }
0x6c: {  	_ =	shalt  }
0x6d: {  	_ =	shalt  }
0x6e: {  	_ =	shalt  }
0x6f: {  	_ =	shalt  }
0x70: {  	_ =	shalt  }
0x71: {  	_ =	shalt  }
0x72: {  	_ =	shalt  }
0x73: {  	_ =	shalt  }
0x74: {  	_ =	shalt  }
0x75: {  	_ =	shalt  }
0x76: {  	_ =	shalt  }
0x77: {  	_ =	shalt  }
0x78: {  	_ =	shalt  }
0x79: {  	_ =	shalt  }
0x7a: {  	_ =	shalt  }
0x7b: {  	_ =	shalt  }
0x7c: {  	_ =	shalt  }
0x7d: {  	_ =	shalt  }
0x7e: {  	_ =	shalt  }
0x7f: {  	_ =	shalt  }
0x80: {  	_ =	shalt  }
0x81: {  	_ =	shalt  }
0x82: {  	_ =	shalt  }
0x83: {  	_ =	shalt  }
0x84: {  	_ =	shalt  }
0x85: {  	_ =	shalt  }
0x86: {  	_ =	shalt  }
0x87: {  	_ =	shalt  }
.Lfunc_end0:
.L_simem_size_0:
called_computation_lowered:
.L_overlay_start_0:
0x88: {  	s2 =	sld [smem:$0x3FD9]  }
0x89: {  	s3 =	sld [smem:$0x3FFE];
	_ =	sdelay $0x1  }
0x8a: {  	s1 =	srdreg.scid  }
0x8b: {  	s0 =	sand.u32 $0x1, s1  }
0x8c: {  	s17 =	sshll.u32 s0, $0xA;
	s2 =	sadd.s32 s3, s2  }
0x8d: {  	s2 =	sadd.s32 s2, s17  }
0x8e: {  	[smem:$0x3FC5] =	sst s2  }
0x8f: {  	_ = 	snop  }
0x90: {  	s2 =	sld [smem:$0x3FC7];
	(tm) =	ssettm $0x1  }
0x91: {  	s18 =	sld [smem:$0x3FFB];
	_ =	sdelay $0x3  }
0x92: {  	_ =	strace s18  }
0x93: {  	s3 =	sld [smem:$0x3FFC];
	_ =	sdelay $0x3  }
0x94: {  	_ =	strace s3  }
0x95: {  	s3 =	sld [smem:$0x3FFD];
	_ =	sdelay $0x3  }
0x96: {  	_ =	strace s3  }
0x97: {  	_ =	strace $0x8FFFFFFF  }
0x98: {  	s19 =	sld [smem:$0x3FDB];
	_ =	sdelay $0x1  }
0x99: {  	s4 =	simm.s32 $_scs_section_size  }
0x9a: {  	s5 =	simm.s32 $_size__tile_overlayer_lowered;
	s6 =	simm.s32 $_tile_overlayer_lowered  }
0x9b: {  	s22 =	simm.s32 $0x1BFF;
	s21 =	sshll.u32 s6, $0x1;
	s3 =	sadd.s32 s4, s19  }
0x9c: {  	s7 =	simm.s32 $0x0;
	s20 =	sshll.u32 s5, $0x1;
	s5 =	sadd.s32 s21, s3  }
0x9d: {  	[timem:s7], [sflag:s22] =	dma.local [hbm:s5], s20  }
0x9e: {  	_ =	swait.ge [sflag:s22], s20  }
0x9f: {  	s4 =	ssub.s32 $0x0, s20;
	[sflag:s22] =	ssyncset.done $0x0  }
0xa0: {  	[sflag:s22] =	ssyncadd.s32 s4;
	_ =	sdelay $0x1  }
0xa1: {  	s23 =	simm.s32 $0x1B8B  }
0xa2: {  	_ =	swait.ge [sflag:s23], $0x1  }
0xa3: {  	[sflag:s23] =	ssyncset.done $0x0  }
0xa4: {  	s25 =	simm.s32 $0x1B8E;
	s24 =	sld [smem:$0x3FFE];
	[sflag:s23] =	ssyncadd.s32 $0xFFFFFFFF  }
0xa5: {  	s26 =	simm.s32 $execute0_lowered;
	[smem:$0x3FD2] =	sst s25  }
0xa6: {  	s5 =	sshll.u32 s26, $0x1;
	_ =	strace $0x80000046;
	[dreg:$0x1] =	wrdreg $0xFFFFFFFF  }
0xa7: {  	s28 =	simm.s32 $_size_execute0_lowered;
	s3 =	sadd.s32 s3, s5;
	[dreg:$0x0] =	wrdreg $0x0  }
0xa8: {  	s5 =	sshll.u32 s28, $0x1;
	[dreg:$0x2] =	wrdreg s3  }
0xa9: {  	[dreg:$0x3] =	wrdreg s5  }
0xaa: {  	[dreg:$0x4] =	wrdreg $0xC0  }
0xab: {  	_ =	task [dreg:s7], $0x5FFFF  }
0xac: {  	[dreg:$0x1] =	wrdreg $0xFFFFFFFF  }
0xad: {  	[dreg:$0x0] =	wrdreg $0x60  }
0xae: {  	[dreg:$0x2] =	wrdreg s24  }
0xaf: {  	[dreg:$0x3] =	wrdreg s2  }
0xb0: {  	[dreg:$0x4] =	wrdreg $0x9  }
0xb1: {  	_ =	task.clear_ibuf [dreg:s7], $0x5FFFF;
	_ =	strace $0x90000046  }
0xb2: {  	s29 =	simm.s32 $0x9;
	_ =	strace $0x80000048  }
0xb3: {  	_ =	swait.ge [sflag:s29], $0x1  }
0xb4: {  	[sflag:s29] =	ssyncadd.s32 $0xFFFFFFFF  }
0xb5: {  	_ =	strace $0x90000048  }
0xb6: {  	_ =	sfence  }
0xb7: {  	s30 =	sld [smem:$0x0];
	_ =	sdelay $0x2  }
0xb8: {  	s31 =	sshll.u32 s1, $0xD;
	s1 =	sshrl.u32 s1, $0x2  }
0xb9: {  	s3 =	sand.u32 $0x4000, s31;
	s1 =	sadd.s32 s1, s30  }
0xba: {  	s0 =	sor.u32 s3, s0;
	s1 =	sshll.u32 s1, $0x11  }
0xbb: {  	s0 =	sor.u32 s1, s0  }
0xbc: {  	s0 =	sadd.s32 $0x8F2B, s0  }
0xbd: {  	[sflag:s0] =	ssyncadd.remote.s32 $0x1  }
0xbe: {  	_ =	sfence.sel $0xFFFF  }
0xbf: {  	[dreg:$0x0] =	wrdreg $0xFFFFFFFF;
	(pc) =	sbr.abs _section_cstart, $3  }
0xc0: {  	[dreg:$0x1] =	wrdreg $0xFFFFFFFF  }
0xc1: {  	_ =	task.clear_ibuf [dreg:s7], $0x2FFFF;
	_ =	strace $0x9FFFFFFF  }
0xc2: {  	(tm) =	ssettm $0x7FFFFFFF  }
0xc3: {  	_ =	shalt  }
tec
execute0_lowered:
.L_overlay_start_1:
0x0: {  	(tag) =	ssettag $0x1  }
0x1: {  	s5 =	rddreg [dreg:$0x0]  }
0x2: {  	s1 =	rddreg [dreg:$0x1];
	s2 =	simm.s32 $0x0  }
0x3: {  	[smem:$0x7FF] =	sst s2  }
0x4: {  	s0 =	rddreg [dreg:$0x2];
	v0 =	vimm.f32 $4.096000000e+03;
	_ =	strace $0x80000047  }
0x5: {  	s3 =	srdreg.scid;
	(erf) = vrcp.f32 v0  }
0x6: {  	s11 =	simm.s32 $0x7100;
	s12 =	simm.s32 $0x2;
	s13 =	simm.s32 $0x6100  }
0x7: {  	s14 =	simm.s32 $0x4000;
	s15 =	simm.s32 $0x5080;
	s16 =	simm.s32 $0x7280  }
0x8: {  	s17 =	simm.s32 $0x0;
	s4 =	sand.u32 $0x1, s3;
	s3 =	stileid.u32  }
0x9: {  	s6 =	sshll.u32 s4, $0x6;
	s7 =	sshll.u32 s3, $0x5;
	s8 =	sshll.u32 s4, $0x4  }
.Ltmp0:
0xa: {  	s9 =	ssub.s32 $0x2, s4;
	s10 =	sshll.u32 s3, $0xC;
	(pc) =	sbr.rel .LBB2_1-.Ltmp0, $4  }
0xb: {  	s6 =	sadd.s32 s6, s5;
	s4 =	sor.u32 s8, s7;
	s31 =	sshrl.u32 s9, $0x1  }
0xc: {  	s6 =	sadd.s32 s10, s6;
	s8 =	sadd.s32 s4, s5;
	s7 =	ssub.s32 s9, s31  }
0xd: {  	v1 =	vlaneseq.u32;
	v4 =	vimm.s32 $0x1;
	s9 =	simm.s32 $0x400;
	s10 =	simm.s32 $0x1;
	s5 =	sadd.s32 $0xE00, s6  }
0xe: {  	v5 =	vimm.s32 $0x7FFFFFFF;
	v3 =	vmul.u32 $0x100, v1;
	v0 =	vimm.s32 $0x0;
	s6 =	sadd.s32 $0x10E00, s8;
	s7 =	smax.u32 s7, $0x1;
	s8 =	simm.s32 $0x200;
	v2 =	vpop (erf)  }
.LBB2_18:
0xf: {  	s18 =	sshrl.u32 s4, $0x2  }
0x10: {  	v7 =	vld [tilespmem:s18+$0x7180];
	_ =	sdelay $0x4  }
0x11: {  	v6 =	vmul.f32 v7, v6;
	_ =	sdelay $0x1  }
0x12: {  	v6 =	vsub.f32 $1.000000010e-01, v6;
	_ =	sdelay $0x1  }
0x13: {  	vm0 =	vmmov $0xf;
	s17 =	sadd.s32 $0x1, s17;
	v6 =	vmax.f32 v6, $0.0e+00  }
0x14: {  	p0 =	sne.s32 s17, s7;
	v6 =	vnsel vm0, $0x0, v6  }
.Ltmp1:
0x15: {  	[tilespmem:$0x7280] =	vst v6;
	(pc) =	sbr.rel @!p0 .LBB2_19-.Ltmp1, $4  }
0x16: {  	[hbm4b:s6+s2] =	stream.linear.scatter [tilespmem:s16], [sflag:$0x2], $0x80, $0x38;
	[tilespmem:$0x7300] =	vst v63  }
0x17: {  	_ =	swait.ge [sflag:s12], $0x80  }
0x18: {  	[sflag:s12] =	ssyncset.done $0x0  }
0x19: {  	[sflag:s12] =	ssyncadd.s32 $0xFFFFFF80  }
.LBB2_1:
0x1a: {  	[tilespmem:s2], [sflag:$0x1] =	stream.strided.gather [hbm4b:s5+s8], $0x4000, s9, s8, $0x38;
	[tilespmem:$0x7300] =	vst v63  }
0x1b: {  	_ =	swait.ge [sflag:s10], $0x4000  }
0x1c: {  	[sflag:s10] =	ssyncset.done $0x0  }
.Ltmp2:
0x1d: {  	[sflag:s10] =	ssyncadd.s32 $0xFFFFC000;
	(pc) =	sbr.rel .LBB2_2-.Ltmp2, $4  }
0x1e: {  	[tilespmem:s11], [sflag:$0x2] =	stream.linear.gather [hbm4b:s1+s2], $0x100, $0x38;
	[tilespmem:$0x7300] =	vst v63  }
0x1f: {  	_ =	swait.ge [sflag:s12], $0x100  }
0x20: {  	[sflag:s12] =	ssyncset.done $0x0  }
0x21: {  	v6 =	vimm.f32 $0.0e+00;
	s18 =	simm.s32 $0x40;
	s19 =	simm.s32 $0x0;
	[sflag:s12] =	ssyncadd.s32 $0xFFFFFF00  }
.LBB2_13:
0x22: {  	v9 =	vimm.f32 $0.0e+00;
	v12 =	vimm.f32 $0.0e+00  }
.LBB2_17:
0x23: {  	(xrf2) =	vadd.scan.msk.f32 $0xffff, v11;
	_ =	sdelay $0x9  }
0x24: {  	v11, _, _ =	vpop (xrf2)  }
0x25: {  	(v2sf) =	vpush v11, $0xF  }
0x26: {  	(xrf2) =	vadd.scan.msk.f32 $0xffff, v9;
	_ =	sdelay $0x4  }
0x27: {  	(erf) = vrcp.f32 v12;
	_ =	sdelay $0x4  }
0x28: {  	v8 =	vsub.s32 v8, v10;
	v9, _, _ =	vpop (xrf2)  }
0x29: {  	v8 =	vcvt.s32.f32 v8;
	v9 =	vbroadcast v9, $0xF;
	_ =	sdelay $0x1  }
0x2a: {  	v8 =	vmul.f32 v8, v9  }
0x2b: {  	v63 =	vpop (erf);
	s21 =	spop (v2sf)  }
0x2c: {  	v8 =	vmul.f32 v8, v63;
	s20 =	sadd.f32 s21, s20;
	_ =	sdelay $0x1  }
0x2d: {  	v7 =	vbroadcast v7, $0xF;
	v8 =	vadd.f32 s20, v8;
	_ =	sdelay $0x1  }
0x2e: {  	v7 =	vsub.f32 v7, v8;
	v8 =	vmov s19;
	s19 =	sadd.s32 $0x1, s19  }
0x2f: {  	p0 =	sne.s32 s19, $0x4  }
.Ltmp3:
0x30: {  	_ = 	snop;
	(pc) =	sbr.rel @!p0 .LBB2_18-.Ltmp3, $4  }
0x31: {  	_ = 	snop  }
0x32: {  	v7 =	vmul.f32 v7, v2  }
0x33: {  	vm0 =	veq.s32 v8, v1  }
0x34: {  	s18 =	sadd.s32 $0x80, s18;
	v6 =	vsel vm0, v7, v6  }
.LBB2_2:
0x35: {  	[tilespmem:$0x6100] =	vst v0  }
0x36: {  	[tilespmem:$0x6110] =	vst v0  }
0x37: {  	[tilespmem:$0x6120] =	vst v0  }
0x38: {  	[tilespmem:$0x6130] =	vst v0  }
0x39: {  	[tilespmem:$0x6140] =	vst v0  }
0x3a: {  	[tilespmem:$0x6150] =	vst v0  }
0x3b: {  	[tilespmem:$0x6160] =	vst v0  }
0x3c: {  	[tilespmem:$0x6170] =	vst v0  }
0x3d: {  	[tilespmem:$0x6180] =	vst v0  }
0x3e: {  	[tilespmem:$0x6190] =	vst v0  }
0x3f: {  	[tilespmem:$0x61A0] =	vst v0  }
0x40: {  	[tilespmem:$0x61B0] =	vst v0  }
0x41: {  	[tilespmem:$0x61C0] =	vst v0  }
0x42: {  	[tilespmem:$0x61D0] =	vst v0  }
0x43: {  	[tilespmem:$0x61E0] =	vst v0  }
0x44: {  	[tilespmem:$0x61F0] =	vst v0  }
0x45: {  	[tilespmem:$0x6200] =	vst v0  }
0x46: {  	[tilespmem:$0x6210] =	vst v0  }
0x47: {  	[tilespmem:$0x6220] =	vst v0  }
0x48: {  	[tilespmem:$0x6230] =	vst v0  }
0x49: {  	[tilespmem:$0x6240] =	vst v0  }
0x4a: {  	[tilespmem:$0x6250] =	vst v0  }
0x4b: {  	[tilespmem:$0x6260] =	vst v0  }
0x4c: {  	[tilespmem:$0x6270] =	vst v0  }
0x4d: {  	[tilespmem:$0x6280] =	vst v0  }
0x4e: {  	[tilespmem:$0x6290] =	vst v0  }
0x4f: {  	[tilespmem:$0x62A0] =	vst v0  }
0x50: {  	[tilespmem:$0x62B0] =	vst v0  }
0x51: {  	[tilespmem:$0x62C0] =	vst v0  }
0x52: {  	[tilespmem:$0x62D0] =	vst v0  }
0x53: {  	[tilespmem:$0x62E0] =	vst v0  }
0x54: {  	[tilespmem:$0x62F0] =	vst v0  }
0x55: {  	[tilespmem:$0x6300] =	vst v0  }
0x56: {  	[tilespmem:$0x6310] =	vst v0  }
0x57: {  	[tilespmem:$0x6320] =	vst v0  }
0x58: {  	[tilespmem:$0x6330] =	vst v0  }
0x59: {  	[tilespmem:$0x6340] =	vst v0  }
0x5a: {  	[tilespmem:$0x6350] =	vst v0  }
0x5b: {  	[tilespmem:$0x6360] =	vst v0  }
0x5c: {  	[tilespmem:$0x6370] =	vst v0  }
0x5d: {  	[tilespmem:$0x6380] =	vst v0  }
0x5e: {  	[tilespmem:$0x6390] =	vst v0  }
0x5f: {  	[tilespmem:$0x63A0] =	vst v0  }
0x60: {  	[tilespmem:$0x63B0] =	vst v0  }
0x61: {  	[tilespmem:$0x63C0] =	vst v0  }
0x62: {  	[tilespmem:$0x63D0] =	vst v0  }
0x63: {  	[tilespmem:$0x63E0] =	vst v0  }
0x64: {  	[tilespmem:$0x63F0] =	vst v0  }
0x65: {  	[tilespmem:$0x6400] =	vst v0  }
0x66: {  	[tilespmem:$0x6410] =	vst v0  }
0x67: {  	[tilespmem:$0x6420] =	vst v0  }
0x68: {  	[tilespmem:$0x6430] =	vst v0  }
0x69: {  	[tilespmem:$0x6440] =	vst v0  }
0x6a: {  	[tilespmem:$0x6450] =	vst v0  }
0x6b: {  	[tilespmem:$0x6460] =	vst v0  }
0x6c: {  	[tilespmem:$0x6470] =	vst v0  }
0x6d: {  	[tilespmem:$0x6480] =	vst v0  }
0x6e: {  	[tilespmem:$0x6490] =	vst v0  }
0x6f: {  	[tilespmem:$0x64A0] =	vst v0  }
0x70: {  	[tilespmem:$0x64B0] =	vst v0  }
0x71: {  	[tilespmem:$0x64C0] =	vst v0  }
0x72: {  	[tilespmem:$0x64D0] =	vst v0  }
0x73: {  	[tilespmem:$0x64E0] =	vst v0  }
0x74: {  	[tilespmem:$0x64F0] =	vst v0  }
0x75: {  	[tilespmem:$0x6500] =	vst v0  }
0x76: {  	[tilespmem:$0x6510] =	vst v0  }
0x77: {  	[tilespmem:$0x6520] =	vst v0  }
0x78: {  	[tilespmem:$0x6530] =	vst v0  }
0x79: {  	[tilespmem:$0x6540] =	vst v0  }
0x7a: {  	[tilespmem:$0x6550] =	vst v0  }
0x7b: {  	[tilespmem:$0x6560] =	vst v0  }
0x7c: {  	[tilespmem:$0x6570] =	vst v0  }
0x7d: {  	[tilespmem:$0x6580] =	vst v0  }
0x7e: {  	[tilespmem:$0x6590] =	vst v0  }
0x7f: {  	[tilespmem:$0x65A0] =	vst v0  }
0x80: {  	[tilespmem:$0x65B0] =	vst v0  }
0x81: {  	[tilespmem:$0x65C0] =	vst v0  }
0x82: {  	[tilespmem:$0x65D0] =	vst v0  }
0x83: {  	[tilespmem:$0x65E0] =	vst v0  }
0x84: {  	[tilespmem:$0x65F0] =	vst v0  }
0x85: {  	[tilespmem:$0x6600] =	vst v0  }
0x86: {  	[tilespmem:$0x6610] =	vst v0  }
0x87: {  	[tilespmem:$0x6620] =	vst v0  }
0x88: {  	[tilespmem:$0x6630] =	vst v0  }
0x89: {  	[tilespmem:$0x6640] =	vst v0  }
0x8a: {  	[tilespmem:$0x6650] =	vst v0  }
0x8b: {  	[tilespmem:$0x6660] =	vst v0  }
0x8c: {  	[tilespmem:$0x6670] =	vst v0  }
0x8d: {  	[tilespmem:$0x6680] =	vst v0  }
0x8e: {  	[tilespmem:$0x6690] =	vst v0  }
0x8f: {  	[tilespmem:$0x66A0] =	vst v0  }
0x90: {  	[tilespmem:$0x66B0] =	vst v0  }
0x91: {  	[tilespmem:$0x66C0] =	vst v0  }
0x92: {  	[tilespmem:$0x66D0] =	vst v0  }
0x93: {  	[tilespmem:$0x66E0] =	vst v0  }
0x94: {  	[tilespmem:$0x66F0] =	vst v0  }
0x95: {  	[tilespmem:$0x6700] =	vst v0  }
0x96: {  	[tilespmem:$0x6710] =	vst v0  }
0x97: {  	[tilespmem:$0x6720] =	vst v0  }
0x98: {  	[tilespmem:$0x6730] =	vst v0  }
0x99: {  	[tilespmem:$0x6740] =	vst v0  }
0x9a: {  	[tilespmem:$0x6750] =	vst v0  }
0x9b: {  	[tilespmem:$0x6760] =	vst v0  }
0x9c: {  	[tilespmem:$0x6770] =	vst v0  }
0x9d: {  	[tilespmem:$0x6780] =	vst v0  }
0x9e: {  	[tilespmem:$0x6790] =	vst v0  }
0x9f: {  	[tilespmem:$0x67A0] =	vst v0  }
0xa0: {  	[tilespmem:$0x67B0] =	vst v0  }
0xa1: {  	[tilespmem:$0x67C0] =	vst v0  }
0xa2: {  	[tilespmem:$0x67D0] =	vst v0  }
0xa3: {  	[tilespmem:$0x67E0] =	vst v0  }
0xa4: {  	[tilespmem:$0x67F0] =	vst v0  }
0xa5: {  	[tilespmem:$0x6800] =	vst v0  }
0xa6: {  	[tilespmem:$0x6810] =	vst v0  }
0xa7: {  	[tilespmem:$0x6820] =	vst v0  }
0xa8: {  	[tilespmem:$0x6830] =	vst v0  }
0xa9: {  	[tilespmem:$0x6840] =	vst v0  }
0xaa: {  	[tilespmem:$0x6850] =	vst v0  }
0xab: {  	[tilespmem:$0x6860] =	vst v0  }
0xac: {  	[tilespmem:$0x6870] =	vst v0  }
0xad: {  	[tilespmem:$0x6880] =	vst v0  }
0xae: {  	[tilespmem:$0x6890] =	vst v0  }
0xaf: {  	[tilespmem:$0x68A0] =	vst v0  }
0xb0: {  	[tilespmem:$0x68B0] =	vst v0  }
0xb1: {  	[tilespmem:$0x68C0] =	vst v0  }
0xb2: {  	[tilespmem:$0x68D0] =	vst v0  }
0xb3: {  	[tilespmem:$0x68E0] =	vst v0  }
0xb4: {  	[tilespmem:$0x68F0] =	vst v0  }
0xb5: {  	[tilespmem:$0x6900] =	vst v0  }
0xb6: {  	[tilespmem:$0x6910] =	vst v0  }
0xb7: {  	[tilespmem:$0x6920] =	vst v0  }
0xb8: {  	[tilespmem:$0x6930] =	vst v0  }
0xb9: {  	[tilespmem:$0x6940] =	vst v0  }
0xba: {  	[tilespmem:$0x6950] =	vst v0  }
0xbb: {  	[tilespmem:$0x6960] =	vst v0  }
0xbc: {  	[tilespmem:$0x6970] =	vst v0  }
0xbd: {  	[tilespmem:$0x6980] =	vst v0  }
0xbe: {  	[tilespmem:$0x6990] =	vst v0  }
0xbf: {  	[tilespmem:$0x69A0] =	vst v0  }
0xc0: {  	[tilespmem:$0x69B0] =	vst v0  }
0xc1: {  	[tilespmem:$0x69C0] =	vst v0  }
0xc2: {  	[tilespmem:$0x69D0] =	vst v0  }
0xc3: {  	[tilespmem:$0x69E0] =	vst v0  }
0xc4: {  	[tilespmem:$0x69F0] =	vst v0  }
0xc5: {  	[tilespmem:$0x6A00] =	vst v0  }
0xc6: {  	[tilespmem:$0x6A10] =	vst v0  }
0xc7: {  	[tilespmem:$0x6A20] =	vst v0  }
0xc8: {  	[tilespmem:$0x6A30] =	vst v0  }
0xc9: {  	[tilespmem:$0x6A40] =	vst v0  }
0xca: {  	[tilespmem:$0x6A50] =	vst v0  }
0xcb: {  	[tilespmem:$0x6A60] =	vst v0  }
0xcc: {  	[tilespmem:$0x6A70] =	vst v0  }
0xcd: {  	[tilespmem:$0x6A80] =	vst v0  }
0xce: {  	[tilespmem:$0x6A90] =	vst v0  }
0xcf: {  	[tilespmem:$0x6AA0] =	vst v0  }
0xd0: {  	[tilespmem:$0x6AB0] =	vst v0  }
0xd1: {  	[tilespmem:$0x6AC0] =	vst v0  }
0xd2: {  	[tilespmem:$0x6AD0] =	vst v0  }
0xd3: {  	[tilespmem:$0x6AE0] =	vst v0  }
0xd4: {  	[tilespmem:$0x6AF0] =	vst v0  }
0xd5: {  	[tilespmem:$0x6B00] =	vst v0  }
0xd6: {  	[tilespmem:$0x6B10] =	vst v0  }
0xd7: {  	[tilespmem:$0x6B20] =	vst v0  }
0xd8: {  	[tilespmem:$0x6B30] =	vst v0  }
0xd9: {  	[tilespmem:$0x6B40] =	vst v0  }
0xda: {  	[tilespmem:$0x6B50] =	vst v0  }
0xdb: {  	[tilespmem:$0x6B60] =	vst v0  }
0xdc: {  	[tilespmem:$0x6B70] =	vst v0  }
0xdd: {  	[tilespmem:$0x6B80] =	vst v0  }
0xde: {  	[tilespmem:$0x6B90] =	vst v0  }
0xdf: {  	[tilespmem:$0x6BA0] =	vst v0  }
0xe0: {  	[tilespmem:$0x6BB0] =	vst v0  }
0xe1: {  	[tilespmem:$0x6BC0] =	vst v0  }
0xe2: {  	[tilespmem:$0x6BD0] =	vst v0  }
0xe3: {  	[tilespmem:$0x6BE0] =	vst v0  }
0xe4: {  	[tilespmem:$0x6BF0] =	vst v0  }
0xe5: {  	[tilespmem:$0x6C00] =	vst v0  }
0xe6: {  	[tilespmem:$0x6C10] =	vst v0  }
0xe7: {  	[tilespmem:$0x6C20] =	vst v0  }
0xe8: {  	[tilespmem:$0x6C30] =	vst v0  }
0xe9: {  	[tilespmem:$0x6C40] =	vst v0  }
0xea: {  	[tilespmem:$0x6C50] =	vst v0  }
0xeb: {  	[tilespmem:$0x6C60] =	vst v0  }
0xec: {  	[tilespmem:$0x6C70] =	vst v0  }
0xed: {  	[tilespmem:$0x6C80] =	vst v0  }
0xee: {  	[tilespmem:$0x6C90] =	vst v0  }
0xef: {  	[tilespmem:$0x6CA0] =	vst v0  }
0xf0: {  	[tilespmem:$0x6CB0] =	vst v0  }
0xf1: {  	[tilespmem:$0x6CC0] =	vst v0  }
0xf2: {  	[tilespmem:$0x6CD0] =	vst v0  }
0xf3: {  	[tilespmem:$0x6CE0] =	vst v0  }
0xf4: {  	[tilespmem:$0x6CF0] =	vst v0  }
0xf5: {  	[tilespmem:$0x6D00] =	vst v0  }
0xf6: {  	[tilespmem:$0x6D10] =	vst v0  }
0xf7: {  	[tilespmem:$0x6D20] =	vst v0  }
0xf8: {  	[tilespmem:$0x6D30] =	vst v0  }
0xf9: {  	[tilespmem:$0x6D40] =	vst v0  }
0xfa: {  	[tilespmem:$0x6D50] =	vst v0  }
0xfb: {  	[tilespmem:$0x6D60] =	vst v0  }
0xfc: {  	[tilespmem:$0x6D70] =	vst v0  }
0xfd: {  	[tilespmem:$0x6D80] =	vst v0  }
0xfe: {  	[tilespmem:$0x6D90] =	vst v0  }
0xff: {  	[tilespmem:$0x6DA0] =	vst v0  }
0x100: {  	[tilespmem:$0x6DB0] =	vst v0  }
0x101: {  	[tilespmem:$0x6DC0] =	vst v0  }
0x102: {  	[tilespmem:$0x6DD0] =	vst v0  }
0x103: {  	[tilespmem:$0x6DE0] =	vst v0  }
0x104: {  	[tilespmem:$0x6DF0] =	vst v0  }
0x105: {  	[tilespmem:$0x6E00] =	vst v0  }
0x106: {  	[tilespmem:$0x6E10] =	vst v0  }
0x107: {  	[tilespmem:$0x6E20] =	vst v0  }
0x108: {  	[tilespmem:$0x6E30] =	vst v0  }
0x109: {  	[tilespmem:$0x6E40] =	vst v0  }
0x10a: {  	[tilespmem:$0x6E50] =	vst v0  }
0x10b: {  	[tilespmem:$0x6E60] =	vst v0  }
0x10c: {  	[tilespmem:$0x6E70] =	vst v0  }
0x10d: {  	[tilespmem:$0x6E80] =	vst v0  }
0x10e: {  	[tilespmem:$0x6E90] =	vst v0  }
0x10f: {  	[tilespmem:$0x6EA0] =	vst v0  }
0x110: {  	[tilespmem:$0x6EB0] =	vst v0  }
0x111: {  	[tilespmem:$0x6EC0] =	vst v0  }
0x112: {  	[tilespmem:$0x6ED0] =	vst v0  }
0x113: {  	[tilespmem:$0x6EE0] =	vst v0  }
0x114: {  	[tilespmem:$0x6EF0] =	vst v0  }
0x115: {  	[tilespmem:$0x6F00] =	vst v0  }
0x116: {  	[tilespmem:$0x6F10] =	vst v0  }
0x117: {  	[tilespmem:$0x6F20] =	vst v0  }
0x118: {  	[tilespmem:$0x6F30] =	vst v0  }
0x119: {  	[tilespmem:$0x6F40] =	vst v0  }
0x11a: {  	[tilespmem:$0x6F50] =	vst v0  }
0x11b: {  	[tilespmem:$0x6F60] =	vst v0  }
0x11c: {  	[tilespmem:$0x6F70] =	vst v0  }
0x11d: {  	[tilespmem:$0x6F80] =	vst v0  }
0x11e: {  	[tilespmem:$0x6F90] =	vst v0  }
0x11f: {  	[tilespmem:$0x6FA0] =	vst v0  }
0x120: {  	[tilespmem:$0x6FB0] =	vst v0  }
0x121: {  	[tilespmem:$0x6FC0] =	vst v0  }
0x122: {  	[tilespmem:$0x6FD0] =	vst v0  }
0x123: {  	[tilespmem:$0x6FE0] =	vst v0  }
0x124: {  	[tilespmem:$0x6FF0] =	vst v0  }
0x125: {  	[tilespmem:$0x7000] =	vst v0  }
0x126: {  	[tilespmem:$0x7010] =	vst v0  }
0x127: {  	[tilespmem:$0x7020] =	vst v0  }
0x128: {  	[tilespmem:$0x7030] =	vst v0  }
0x129: {  	[tilespmem:$0x7040] =	vst v0  }
0x12a: {  	[tilespmem:$0x7050] =	vst v0  }
0x12b: {  	[tilespmem:$0x7060] =	vst v0  }
0x12c: {  	[tilespmem:$0x7070] =	vst v0  }
0x12d: {  	[tilespmem:$0x7080] =	vst v0  }
0x12e: {  	[tilespmem:$0x7090] =	vst v0  }
0x12f: {  	[tilespmem:$0x70A0] =	vst v0  }
0x130: {  	[tilespmem:$0x70B0] =	vst v0  }
0x131: {  	[tilespmem:$0x70C0] =	vst v0;
	v8 =	vmov s18  }
0x132: {  	[tilespmem:$0x70D0] =	vst v0  }
0x133: {  	[tilespmem:$0x70E0] =	vst v0  }
0x134: {  	[tilespmem:$0x70F0] =	vst v0;
	s20 =	simm.s32 $0x0;
	v7 =	vimm.f32 $0.0e+00  }
.LBB2_3:
0x135: {  	s21 =	sshra.s32 s20, $0x2  }
0x136: {  	v9 =	vld.idx.msk [tilespmem:v8+s21+$0xFFFFFFC0 ss:$0x1], $0xffff;
	_ =	sdelay $0x4  }
0x137: {  	v10 =	vand.u32 $0x7FFFFFFF, v9  }
0x138: {  	v10 =	vshrl.u32 v10, $0x17  }
0x139: {  	v11 =	vand.u32 $0x180, v10  }
0x13a: {  	v10 =	vand.u32 $0x7F, v10;
	v11 =	vor.u32 v3, v11  }
0x13b: {  	v10 =	vor.u32 v10, v11;
	_ =	sdelay $0x4  }
0x13c: {  	[tilespmem:v10+s13+$0x0] =	vst.idx.add.s32.msk $0xffff, v4  }
0x13d: {  	v10 =	vld.idx.msk [tilespmem:v8+s21+$0xFFFFFFD0 ss:$0x1], $0xffff;
	_ =	sdelay $0x4  }
0x13e: {  	v11 =	vand.u32 $0x7FFFFFFF, v10  }
0x13f: {  	v11 =	vshrl.u32 v11, $0x17  }
0x140: {  	v12 =	vand.u32 $0x180, v11  }
0x141: {  	v11 =	vand.u32 $0x7F, v11;
	v12 =	vor.u32 v3, v12  }
0x142: {  	v11 =	vor.u32 v11, v12;
	_ =	sdelay $0x4  }
0x143: {  	[tilespmem:v11+s13+$0x0] =	vst.idx.add.s32.msk $0xffff, v4  }
0x144: {  	v11 =	vld.idx.msk [tilespmem:v8+s21+$0xFFFFFFE0 ss:$0x1], $0xffff;
	_ =	sdelay $0x4  }
0x145: {  	v59 =	vand.u32 $0x7FFFFFFF, v11  }
0x146: {  	v12 =	vshrl.u32 v59, $0x17  }
0x147: {  	v13 =	vand.u32 $0x180, v12  }
0x148: {  	v12 =	vand.u32 $0x7F, v12;
	v13 =	vor.u32 v3, v13  }
0x149: {  	v12 =	vor.u32 v12, v13;
	_ =	sdelay $0x4  }
0x14a: {  	[tilespmem:v12+s13+$0x0] =	vst.idx.add.s32.msk $0xffff, v4  }
0x14b: {  	v12 =	vld.idx.msk [tilespmem:v8+s21+$0xFFFFFFF0 ss:$0x1], $0xffff;
	_ =	sdelay $0x4  }
0x14c: {  	v60 =	vand.u32 $0x7FFFFFFF, v12  }
0x14d: {  	v13 =	vshrl.u32 v60, $0x17  }
0x14e: {  	v14 =	vand.u32 $0x180, v13  }
0x14f: {  	v13 =	vand.u32 $0x7F, v13;
	v14 =	vor.u32 v3, v14  }
0x150: {  	v13 =	vor.u32 v13, v14;
	_ =	sdelay $0x4  }
0x151: {  	[tilespmem:v13+s13+$0x0] =	vst.idx.add.s32.msk $0xffff, v4  }
0x152: {  	v13 =	vld.idx.msk [tilespmem:v8+s21+$0x0 ss:$0x1], $0xffff;
	_ =	sdelay $0x4  }
0x153: {  	v61 =	vand.u32 $0x7FFFFFFF, v13  }
0x154: {  	v14 =	vshrl.u32 v61, $0x17  }
0x155: {  	v15 =	vand.u32 $0x180, v14  }
0x156: {  	v14 =	vand.u32 $0x7F, v14;
	v15 =	vor.u32 v3, v15  }
0x157: {  	v14 =	vor.u32 v14, v15;
	_ =	sdelay $0x4  }
0x158: {  	[tilespmem:v14+s13+$0x0] =	vst.idx.add.s32.msk $0xffff, v4  }
0x159: {  	v14 =	vld.idx.msk [tilespmem:v8+s21+$0x10 ss:$0x1], $0xffff;
	_ =	sdelay $0x4  }
0x15a: {  	v62 =	vand.u32 $0x7FFFFFFF, v14  }
0x15b: {  	v15 =	vshrl.u32 v62, $0x17  }
0x15c: {  	v16 =	vand.u32 $0x180, v15  }
0x15d: {  	v15 =	vand.u32 $0x7F, v15;
	v16 =	vor.u32 v3, v16  }
0x15e: {  	v15 =	vor.u32 v15, v16;
	_ =	sdelay $0x4  }
0x15f: {  	[tilespmem:v15+s13+$0x0] =	vst.idx.add.s32.msk $0xffff, v4  }
0x160: {  	v15 =	vld.idx.msk [tilespmem:v8+s21+$0x20 ss:$0x1], $0xffff;
	_ =	sdelay $0x4  }
0x161: {  	v63 =	vand.u32 $0x7FFFFFFF, v15  }
0x162: {  	v16 =	vshrl.u32 v63, $0x17  }
0x163: {  	v17 =	vand.u32 $0x180, v16  }
0x164: {  	v16 =	vand.u32 $0x7F, v16;
	v17 =	vor.u32 v3, v17  }
0x165: {  	v16 =	vor.u32 v16, v17;
	_ =	sdelay $0x4  }
0x166: {  	[tilespmem:v16+s13+$0x0] =	vst.idx.add.s32.msk $0xffff, v4  }
0x167: {  	v7 =	vadd.f32 v9, v7;
	v9 =	vld.idx.msk [tilespmem:v8+s21+$0x30 ss:$0x1], $0xffff;
	_ =	sdelay $0x1  }
0x168: {  	v7 =	vadd.f32 v10, v7;
	_ =	sdelay $0x1  }
0x169: {  	v7 =	vadd.f32 v11, v7  }
0x16a: {  	v10 =	vand.u32 $0x7FFFFFFF, v9  }
0x16b: {  	v7 =	vadd.f32 v12, v7;
	v10 =	vshrl.u32 v10, $0x17  }
0x16c: {  	v11 =	vand.u32 $0x180, v10  }
0x16d: {  	v7 =	vadd.f32 v13, v7;
	v10 =	vand.u32 $0x7F, v10;
	v11 =	vor.u32 v3, v11  }
0x16e: {  	p0 =	sne.s32 s20, $0xF800;
	v10 =	vor.u32 v10, v11  }
.Ltmp4:
0x16f: {  	v7 =	vadd.f32 v14, v7;
	(pc) =	sbr.rel @p0 .LBB2_3-.Ltmp4, $3  }
0x170: {  	_ = 	snop  }
0x171: {  	v7 =	vadd.f32 v15, v7;
	_ =	sdelay $0x1  }
0x172: {  	s20 =	sadd.s32 $0x800, s20;
	v7 =	vadd.f32 v9, v7;
	[tilespmem:v10+s13+$0x0] =	vst.idx.add.s32.msk $0xffff, v4  }
0x173: {  	v8 =	vld [tilespmem:$0x6100]  }
0x174: {  	v9 =	vld [tilespmem:$0x6200]  }
0x175: {  	v10 =	vld [tilespmem:$0x6300]  }
0x176: {  	v11 =	vld [tilespmem:$0x6400]  }
0x177: {  	v12 =	vld [tilespmem:$0x6500]  }
0x178: {  	v13 =	vld [tilespmem:$0x6600]  }
0x179: {  	v8 =	vadd.s32 v8, v9;
	v9 =	vld [tilespmem:$0x6700]  }
0x17a: {  	v8 =	vadd.s32 v10, v8;
	v10 =	vld [tilespmem:$0x6800]  }
0x17b: {  	v8 =	vadd.s32 v11, v8;
	v11 =	vld [tilespmem:$0x6900]  }
0x17c: {  	v8 =	vadd.s32 v12, v8;
	v12 =	vld [tilespmem:$0x6A00]  }
0x17d: {  	v8 =	vadd.s32 v13, v8;
	v13 =	vld [tilespmem:$0x6B00]  }
0x17e: {  	v8 =	vadd.s32 v9, v8;
	v9 =	vld [tilespmem:$0x6C00]  }
0x17f: {  	v8 =	vadd.s32 v10, v8;
	v10 =	vld [tilespmem:$0x6D00]  }
0x180: {  	v8 =	vadd.s32 v11, v8;
	v11 =	vld [tilespmem:$0x6E00]  }
0x181: {  	v8 =	vadd.s32 v12, v8;
	v12 =	vld [tilespmem:$0x6F00]  }
0x182: {  	v8 =	vadd.s32 v13, v8;
	v13 =	vld [tilespmem:$0x7000]  }
0x183: {  	v8 =	vadd.s32 v9, v8  }
0x184: {  	v8 =	vadd.s32 v10, v8  }
0x185: {  	v8 =	vadd.s32 v11, v8  }
0x186: {  	v8 =	vadd.s32 v12, v8  }
0x187: {  	v8 =	vadd.s32 v13, v8  }
0x188: {  	(xrf0) =	vadd.scan.msk.s32 $0xffff, v8;
	_ =	sdelay $0x3  }
0x189: {  	v9 =	vld [tilespmem:$0x6110]  }
0x18a: {  	v10 =	vld [tilespmem:$0x6210]  }
0x18b: {  	v11 =	vld [tilespmem:$0x6310];
	v8, _, _ =	vpop (xrf0)  }
0x18c: {  	v13 =	vld [tilespmem:$0x6410];
	v12 =	vxor.u32 $0x80000000, v8  }
0x18d: {  	(xrf0) =	vmax.scan.msk.u32 $0xffff, v12;
	v12 =	vld [tilespmem:$0x6510]  }
0x18e: {  	v14 =	vld [tilespmem:$0x6610]  }
0x18f: {  	v9 =	vadd.s32 v9, v10;
	v10 =	vld [tilespmem:$0x6710]  }
0x190: {  	v9 =	vadd.s32 v11, v9;
	v11 =	vld [tilespmem:$0x6810]  }
0x191: {  	v9 =	vadd.s32 v13, v9;
	v13 =	vld [tilespmem:$0x6910]  }
0x192: {  	v9 =	vadd.s32 v12, v9;
	v12 =	vld [tilespmem:$0x6A10]  }
0x193: {  	v15, _, _ =	vpop (xrf0);
	v9 =	vadd.s32 v14, v9;
	v14 =	vld [tilespmem:$0x6B10]  }
0x194: {  	(v2sf) =	vpush v15, $0xF;
	v9 =	vadd.s32 v10, v9;
	v10 =	vld [tilespmem:$0x6C10]  }
0x195: {  	v9 =	vadd.s32 v11, v9;
	v11 =	vld [tilespmem:$0x6D10]  }
0x196: {  	v9 =	vadd.s32 v13, v9;
	v13 =	vld [tilespmem:$0x6E10]  }
0x197: {  	v9 =	vadd.s32 v12, v9;
	v12 =	vld [tilespmem:$0x6F10]  }
0x198: {  	v9 =	vadd.s32 v14, v9;
	v14 =	vld [tilespmem:$0x7010]  }
0x199: {  	v9 =	vadd.s32 v10, v9  }
0x19a: {  	v9 =	vadd.s32 v11, v9  }
0x19b: {  	v9 =	vadd.s32 v13, v9  }
0x19c: {  	v9 =	vadd.s32 v12, v9  }
0x19d: {  	v9 =	vadd.s32 v14, v9  }
0x19e: {  	(xrf0) =	vadd.scan.msk.s32 $0xffff, v9;
	_ =	sdelay $0x4  }
0x19f: {  	v10 =	vld [tilespmem:$0x6120];
	s20 =	spop (v2sf)  }
0x1a0: {  	v11 =	vld [tilespmem:$0x6220];
	s20 =	sxor.u32 $0x80000000, s20;
	v9, _, _ =	vpop (xrf0)  }
0x1a1: {  	v12 =	vld [tilespmem:$0x6320];
	v9 =	vadd.s32 s20, v9  }
0x1a2: {  	v14 =	vld [tilespmem:$0x6420];
	v13 =	vxor.u32 $0x80000000, v9  }
0x1a3: {  	(xrf0) =	vmax.scan.msk.u32 $0xffff, v13;
	v13 =	vld [tilespmem:$0x6520]  }
0x1a4: {  	v15 =	vld [tilespmem:$0x6620]  }
0x1a5: {  	v10 =	vadd.s32 v10, v11;
	v11 =	vld [tilespmem:$0x6720]  }
0x1a6: {  	v10 =	vadd.s32 v12, v10;
	v12 =	vld [tilespmem:$0x6820]  }
0x1a7: {  	v10 =	vadd.s32 v14, v10;
	v14 =	vld [tilespmem:$0x6920]  }
0x1a8: {  	v10 =	vadd.s32 v13, v10;
	v13 =	vld [tilespmem:$0x6A20]  }
0x1a9: {  	v16, _, _ =	vpop (xrf0);
	v10 =	vadd.s32 v15, v10;
	v15 =	vld [tilespmem:$0x6B20]  }
0x1aa: {  	(v2sf) =	vpush v16, $0xF;
	v10 =	vadd.s32 v11, v10;
	v11 =	vld [tilespmem:$0x6C20]  }
0x1ab: {  	v10 =	vadd.s32 v12, v10;
	v12 =	vld [tilespmem:$0x6D20]  }
0x1ac: {  	v10 =	vadd.s32 v14, v10;
	v14 =	vld [tilespmem:$0x6E20]  }
0x1ad: {  	v10 =	vadd.s32 v13, v10;
	v13 =	vld [tilespmem:$0x6F20]  }
0x1ae: {  	v10 =	vadd.s32 v15, v10;
	v15 =	vld [tilespmem:$0x7020]  }
0x1af: {  	v10 =	vadd.s32 v11, v10  }
0x1b0: {  	v10 =	vadd.s32 v12, v10  }
0x1b1: {  	v10 =	vadd.s32 v14, v10  }
0x1b2: {  	v10 =	vadd.s32 v13, v10  }
0x1b3: {  	v10 =	vadd.s32 v15, v10  }
0x1b4: {  	(xrf0) =	vadd.scan.msk.s32 $0xffff, v10;
	_ =	sdelay $0x4  }
0x1b5: {  	v11 =	vld [tilespmem:$0x6130];
	s28 =	spop (v2sf)  }
0x1b6: {  	v12 =	vld [tilespmem:$0x6230];
	s20 =	sxor.u32 $0x80000000, s28;
	v10, _, _ =	vpop (xrf0)  }
0x1b7: {  	v13 =	vld [tilespmem:$0x6330];
	v10 =	vadd.s32 s20, v10  }
0x1b8: {  	v15 =	vld [tilespmem:$0x6430];
	v14 =	vxor.u32 $0x80000000, v10  }
0x1b9: {  	(xrf0) =	vmax.scan.msk.u32 $0xffff, v14;
	v14 =	vld [tilespmem:$0x6530]  }
0x1ba: {  	v16 =	vld [tilespmem:$0x6630]  }
0x1bb: {  	v11 =	vadd.s32 v11, v12;
	v12 =	vld [tilespmem:$0x6730]  }
0x1bc: {  	v11 =	vadd.s32 v13, v11;
	v13 =	vld [tilespmem:$0x6830]  }
0x1bd: {  	v11 =	vadd.s32 v15, v11;
	v15 =	vld [tilespmem:$0x6930]  }
0x1be: {  	v11 =	vadd.s32 v14, v11;
	v14 =	vld [tilespmem:$0x6A30]  }
0x1bf: {  	v17, _, _ =	vpop (xrf0);
	v11 =	vadd.s32 v16, v11;
	v16 =	vld [tilespmem:$0x6B30]  }
0x1c0: {  	(v2sf) =	vpush v17, $0xF;
	v11 =	vadd.s32 v12, v11;
	v12 =	vld [tilespmem:$0x6C30]  }
0x1c1: {  	v11 =	vadd.s32 v13, v11;
	v13 =	vld [tilespmem:$0x6D30]  }
0x1c2: {  	v11 =	vadd.s32 v15, v11;
	v15 =	vld [tilespmem:$0x6E30]  }
0x1c3: {  	v11 =	vadd.s32 v14, v11;
	v14 =	vld [tilespmem:$0x6F30]  }
0x1c4: {  	v11 =	vadd.s32 v16, v11;
	v16 =	vld [tilespmem:$0x7030]  }
0x1c5: {  	v11 =	vadd.s32 v12, v11  }
0x1c6: {  	v11 =	vadd.s32 v13, v11  }
0x1c7: {  	v11 =	vadd.s32 v15, v11  }
0x1c8: {  	v11 =	vadd.s32 v14, v11  }
0x1c9: {  	v11 =	vadd.s32 v16, v11  }
0x1ca: {  	(xrf0) =	vadd.scan.msk.s32 $0xffff, v11;
	_ =	sdelay $0x4  }
0x1cb: {  	v12 =	vld [tilespmem:$0x6140];
	s29 =	spop (v2sf)  }
0x1cc: {  	v13 =	vld [tilespmem:$0x6240];
	s20 =	sxor.u32 $0x80000000, s29;
	v11, _, _ =	vpop (xrf0)  }
0x1cd: {  	v14 =	vld [tilespmem:$0x6340];
	v11 =	vadd.s32 s20, v11  }
0x1ce: {  	v16 =	vld [tilespmem:$0x6440];
	v15 =	vxor.u32 $0x80000000, v11  }
0x1cf: {  	(xrf0) =	vmax.scan.msk.u32 $0xffff, v15;
	v15 =	vld [tilespmem:$0x6540]  }
0x1d0: {  	v17 =	vld [tilespmem:$0x6640]  }
0x1d1: {  	v12 =	vadd.s32 v12, v13;
	v13 =	vld [tilespmem:$0x6740]  }
0x1d2: {  	v12 =	vadd.s32 v14, v12;
	v14 =	vld [tilespmem:$0x6840]  }
0x1d3: {  	v12 =	vadd.s32 v16, v12;
	v16 =	vld [tilespmem:$0x6940]  }
0x1d4: {  	v12 =	vadd.s32 v15, v12;
	v15 =	vld [tilespmem:$0x6A40]  }
0x1d5: {  	v18, _, _ =	vpop (xrf0);
	v12 =	vadd.s32 v17, v12;
	v17 =	vld [tilespmem:$0x6B40]  }
0x1d6: {  	(v2sf) =	vpush v18, $0xF;
	v12 =	vadd.s32 v13, v12;
	v13 =	vld [tilespmem:$0x6C40]  }
0x1d7: {  	v12 =	vadd.s32 v14, v12;
	v14 =	vld [tilespmem:$0x6D40]  }
0x1d8: {  	v12 =	vadd.s32 v16, v12;
	v16 =	vld [tilespmem:$0x6E40]  }
0x1d9: {  	v12 =	vadd.s32 v15, v12;
	v15 =	vld [tilespmem:$0x6F40]  }
0x1da: {  	v12 =	vadd.s32 v17, v12;
	v17 =	vld [tilespmem:$0x7040]  }
0x1db: {  	v12 =	vadd.s32 v13, v12  }
0x1dc: {  	v12 =	vadd.s32 v14, v12  }
0x1dd: {  	v12 =	vadd.s32 v16, v12  }
0x1de: {  	v12 =	vadd.s32 v15, v12  }
0x1df: {  	v12 =	vadd.s32 v17, v12  }
0x1e0: {  	(xrf0) =	vadd.scan.msk.s32 $0xffff, v12;
	_ =	sdelay $0x4  }
0x1e1: {  	v13 =	vld [tilespmem:$0x6150];
	s30 =	spop (v2sf)  }
0x1e2: {  	v14 =	vld [tilespmem:$0x6250];
	s20 =	sxor.u32 $0x80000000, s30;
	v12, _, _ =	vpop (xrf0)  }
0x1e3: {  	v15 =	vld [tilespmem:$0x6350];
	v12 =	vadd.s32 s20, v12  }
0x1e4: {  	v17 =	vld [tilespmem:$0x6450];
	v16 =	vxor.u32 $0x80000000, v12  }
0x1e5: {  	(xrf0) =	vmax.scan.msk.u32 $0xffff, v16;
	v16 =	vld [tilespmem:$0x6550]  }
0x1e6: {  	v18 =	vld [tilespmem:$0x6650]  }
0x1e7: {  	v13 =	vadd.s32 v13, v14;
	v14 =	vld [tilespmem:$0x6750]  }
0x1e8: {  	v13 =	vadd.s32 v15, v13;
	v15 =	vld [tilespmem:$0x6850]  }
0x1e9: {  	v13 =	vadd.s32 v17, v13;
	v17 =	vld [tilespmem:$0x6950]  }
0x1ea: {  	v13 =	vadd.s32 v16, v13;
	v16 =	vld [tilespmem:$0x6A50]  }
0x1eb: {  	v19, _, _ =	vpop (xrf0);
	v13 =	vadd.s32 v18, v13;
	v18 =	vld [tilespmem:$0x6B50]  }
0x1ec: {  	(v2sf) =	vpush v19, $0xF;
	v13 =	vadd.s32 v14, v13;
	v14 =	vld [tilespmem:$0x6C50]  }
0x1ed: {  	v13 =	vadd.s32 v15, v13;
	v15 =	vld [tilespmem:$0x6D50]  }
0x1ee: {  	v13 =	vadd.s32 v17, v13;
	v17 =	vld [tilespmem:$0x6E50]  }
0x1ef: {  	v13 =	vadd.s32 v16, v13;
	v16 =	vld [tilespmem:$0x6F50]  }
0x1f0: {  	v13 =	vadd.s32 v18, v13;
	v18 =	vld [tilespmem:$0x7050]  }
0x1f1: {  	v13 =	vadd.s32 v14, v13  }
0x1f2: {  	v13 =	vadd.s32 v15, v13  }
0x1f3: {  	v13 =	vadd.s32 v17, v13  }
0x1f4: {  	v13 =	vadd.s32 v16, v13  }
0x1f5: {  	v13 =	vadd.s32 v18, v13  }
0x1f6: {  	(xrf0) =	vadd.scan.msk.s32 $0xffff, v13;
	_ =	sdelay $0x4  }
0x1f7: {  	v14 =	vld [tilespmem:$0x6160];
	s31 =	spop (v2sf)  }
0x1f8: {  	v15 =	vld [tilespmem:$0x6260];
	s20 =	sxor.u32 $0x80000000, s31;
	v13, _, _ =	vpop (xrf0)  }
0x1f9: {  	v16 =	vld [tilespmem:$0x6360];
	v13 =	vadd.s32 s20, v13  }
0x1fa: {  	v18 =	vld [tilespmem:$0x6460];
	v17 =	vxor.u32 $0x80000000, v13  }
0x1fb: {  	(xrf0) =	vmax.scan.msk.u32 $0xffff, v17;
	v17 =	vld [tilespmem:$0x6560]  }
0x1fc: {  	v19 =	vld [tilespmem:$0x6660]  }
0x1fd: {  	v14 =	vadd.s32 v14, v15;
	v15 =	vld [tilespmem:$0x6760]  }
0x1fe: {  	v14 =	vadd.s32 v16, v14;
	v16 =	vld [tilespmem:$0x6860]  }
0x1ff: {  	v14 =	vadd.s32 v18, v14;
	v18 =	vld [tilespmem:$0x6960]  }
0x200: {  	v14 =	vadd.s32 v17, v14;
	v17 =	vld [tilespmem:$0x6A60]  }
0x201: {  	v20, _, _ =	vpop (xrf0);
	v14 =	vadd.s32 v19, v14;
	v19 =	vld [tilespmem:$0x6B60]  }
0x202: {  	(v2sf) =	vpush v20, $0xF;
	v14 =	vadd.s32 v15, v14;
	v15 =	vld [tilespmem:$0x6C60]  }
0x203: {  	v14 =	vadd.s32 v16, v14;
	v16 =	vld [tilespmem:$0x6D60]  }
0x204: {  	v14 =	vadd.s32 v18, v14;
	v18 =	vld [tilespmem:$0x6E60]  }
0x205: {  	v14 =	vadd.s32 v17, v14;
	v17 =	vld [tilespmem:$0x6F60]  }
0x206: {  	v14 =	vadd.s32 v19, v14;
	v19 =	vld [tilespmem:$0x7060]  }
0x207: {  	v14 =	vadd.s32 v15, v14  }
0x208: {  	v14 =	vadd.s32 v16, v14  }
0x209: {  	v14 =	vadd.s32 v18, v14  }
0x20a: {  	v14 =	vadd.s32 v17, v14  }
0x20b: {  	v14 =	vadd.s32 v19, v14  }
0x20c: {  	(xrf0) =	vadd.scan.msk.s32 $0xffff, v14;
	_ =	sdelay $0x4  }
0x20d: {  	v15 =	vld [tilespmem:$0x6170];
	s21 =	spop (v2sf)  }
0x20e: {  	v16 =	vld [tilespmem:$0x6270];
	s20 =	sxor.u32 $0x80000000, s21;
	v14, _, _ =	vpop (xrf0)  }
0x20f: {  	v17 =	vld [tilespmem:$0x6370];
	v14 =	vadd.s32 s20, v14  }
0x210: {  	v19 =	vld [tilespmem:$0x6470];
	v18 =	vxor.u32 $0x80000000, v14  }
0x211: {  	(xrf0) =	vmax.scan.msk.u32 $0xffff, v18;
	v18 =	vld [tilespmem:$0x6570]  }
0x212: {  	v20 =	vld [tilespmem:$0x6670]  }
0x213: {  	v15 =	vadd.s32 v15, v16;
	v16 =	vld [tilespmem:$0x6770]  }
0x214: {  	v15 =	vadd.s32 v17, v15;
	v17 =	vld [tilespmem:$0x6870]  }
0x215: {  	v15 =	vadd.s32 v19, v15;
	v19 =	vld [tilespmem:$0x6970]  }
0x216: {  	v15 =	vadd.s32 v18, v15;
	v18 =	vld [tilespmem:$0x6A70]  }
0x217: {  	v21, _, _ =	vpop (xrf0);
	v15 =	vadd.s32 v20, v15;
	v20 =	vld [tilespmem:$0x6B70]  }
0x218: {  	(v2sf) =	vpush v21, $0xF;
	v15 =	vadd.s32 v16, v15;
	v16 =	vld [tilespmem:$0x6C70]  }
0x219: {  	v15 =	vadd.s32 v17, v15;
	v17 =	vld [tilespmem:$0x6D70]  }
0x21a: {  	v15 =	vadd.s32 v19, v15;
	v19 =	vld [tilespmem:$0x6E70]  }
0x21b: {  	v15 =	vadd.s32 v18, v15;
	v18 =	vld [tilespmem:$0x6F70]  }
0x21c: {  	v15 =	vadd.s32 v20, v15;
	v20 =	vld [tilespmem:$0x7070]  }
0x21d: {  	v15 =	vadd.s32 v16, v15  }
0x21e: {  	v15 =	vadd.s32 v17, v15  }
0x21f: {  	v15 =	vadd.s32 v19, v15  }
0x220: {  	v15 =	vadd.s32 v18, v15  }
0x221: {  	v15 =	vadd.s32 v20, v15  }
0x222: {  	(xrf0) =	vadd.scan.msk.s32 $0xffff, v15;
	_ =	sdelay $0x4  }
0x223: {  	v16 =	vld [tilespmem:$0x6180];
	s22 =	spop (v2sf)  }
0x224: {  	v17 =	vld [tilespmem:$0x6280];
	s20 =	sxor.u32 $0x80000000, s22;
	v15, _, _ =	vpop (xrf0)  }
0x225: {  	v18 =	vld [tilespmem:$0x6380];
	v15 =	vadd.s32 s20, v15  }
0x226: {  	v20 =	vld [tilespmem:$0x6480];
	v19 =	vxor.u32 $0x80000000, v15  }
0x227: {  	(xrf0) =	vmax.scan.msk.u32 $0xffff, v19;
	v19 =	vld [tilespmem:$0x6580]  }
0x228: {  	v21 =	vld [tilespmem:$0x6680]  }
0x229: {  	v16 =	vadd.s32 v16, v17;
	v17 =	vld [tilespmem:$0x6780]  }
0x22a: {  	v16 =	vadd.s32 v18, v16;
	v18 =	vld [tilespmem:$0x6880]  }
0x22b: {  	v16 =	vadd.s32 v20, v16;
	v20 =	vld [tilespmem:$0x6980]  }
0x22c: {  	v16 =	vadd.s32 v19, v16;
	v19 =	vld [tilespmem:$0x6A80]  }
0x22d: {  	v22, _, _ =	vpop (xrf0);
	v16 =	vadd.s32 v21, v16;
	v21 =	vld [tilespmem:$0x6B80]  }
0x22e: {  	(v2sf) =	vpush v22, $0xF;
	v16 =	vadd.s32 v17, v16;
	v17 =	vld [tilespmem:$0x6C80]  }
0x22f: {  	v16 =	vadd.s32 v18, v16;
	v18 =	vld [tilespmem:$0x6D80]  }
0x230: {  	v16 =	vadd.s32 v20, v16;
	v20 =	vld [tilespmem:$0x6E80]  }
0x231: {  	v16 =	vadd.s32 v19, v16;
	v19 =	vld [tilespmem:$0x6F80]  }
0x232: {  	v16 =	vadd.s32 v21, v16;
	v21 =	vld [tilespmem:$0x7080]  }
0x233: {  	v16 =	vadd.s32 v17, v16  }
0x234: {  	v16 =	vadd.s32 v18, v16  }
0x235: {  	v16 =	vadd.s32 v20, v16  }
0x236: {  	v16 =	vadd.s32 v19, v16  }
0x237: {  	v16 =	vadd.s32 v21, v16  }
0x238: {  	(xrf0) =	vadd.scan.msk.s32 $0xffff, v16;
	_ =	sdelay $0x4  }
0x239: {  	v17 =	vld [tilespmem:$0x6190];
	s23 =	spop (v2sf)  }
0x23a: {  	v18 =	vld [tilespmem:$0x6290];
	s20 =	sxor.u32 $0x80000000, s23;
	v16, _, _ =	vpop (xrf0)  }
0x23b: {  	v19 =	vld [tilespmem:$0x6390];
	v16 =	vadd.s32 s20, v16  }
0x23c: {  	v21 =	vld [tilespmem:$0x6490];
	v20 =	vxor.u32 $0x80000000, v16  }
0x23d: {  	(xrf0) =	vmax.scan.msk.u32 $0xffff, v20;
	v20 =	vld [tilespmem:$0x6590]  }
0x23e: {  	v22 =	vld [tilespmem:$0x6690]  }
0x23f: {  	v17 =	vadd.s32 v17, v18;
	v18 =	vld [tilespmem:$0x6790]  }
0x240: {  	v17 =	vadd.s32 v19, v17;
	v19 =	vld [tilespmem:$0x6890]  }
0x241: {  	v17 =	vadd.s32 v21, v17;
	v21 =	vld [tilespmem:$0x6990]  }
0x242: {  	v17 =	vadd.s32 v20, v17;
	v20 =	vld [tilespmem:$0x6A90]  }
0x243: {  	v23, _, _ =	vpop (xrf0);
	v17 =	vadd.s32 v22, v17;
	v22 =	vld [tilespmem:$0x6B90]  }
0x244: {  	(v2sf) =	vpush v23, $0xF;
	v17 =	vadd.s32 v18, v17;
	v18 =	vld [tilespmem:$0x6C90]  }
0x245: {  	v17 =	vadd.s32 v19, v17;
	v19 =	vld [tilespmem:$0x6D90]  }
0x246: {  	v17 =	vadd.s32 v21, v17;
	v21 =	vld [tilespmem:$0x6E90]  }
0x247: {  	v17 =	vadd.s32 v20, v17;
	v20 =	vld [tilespmem:$0x6F90]  }
0x248: {  	v17 =	vadd.s32 v22, v17;
	v22 =	vld [tilespmem:$0x7090]  }
0x249: {  	v17 =	vadd.s32 v18, v17  }
0x24a: {  	v17 =	vadd.s32 v19, v17  }
0x24b: {  	v17 =	vadd.s32 v21, v17  }
0x24c: {  	v17 =	vadd.s32 v20, v17  }
0x24d: {  	v17 =	vadd.s32 v22, v17  }
0x24e: {  	(xrf0) =	vadd.scan.msk.s32 $0xffff, v17;
	_ =	sdelay $0x4  }
0x24f: {  	v18 =	vld [tilespmem:$0x61A0];
	s24 =	spop (v2sf)  }
0x250: {  	v19 =	vld [tilespmem:$0x62A0];
	s20 =	sxor.u32 $0x80000000, s24;
	v17, _, _ =	vpop (xrf0)  }
0x251: {  	v20 =	vld [tilespmem:$0x63A0];
	v17 =	vadd.s32 s20, v17  }
0x252: {  	v22 =	vld [tilespmem:$0x64A0];
	v21 =	vxor.u32 $0x80000000, v17  }
0x253: {  	(xrf0) =	vmax.scan.msk.u32 $0xffff, v21;
	v21 =	vld [tilespmem:$0x65A0]  }
0x254: {  	v23 =	vld [tilespmem:$0x66A0]  }
0x255: {  	v18 =	vadd.s32 v18, v19;
	v19 =	vld [tilespmem:$0x67A0]  }
0x256: {  	v18 =	vadd.s32 v20, v18;
	v20 =	vld [tilespmem:$0x68A0]  }
0x257: {  	v18 =	vadd.s32 v22, v18;
	v22 =	vld [tilespmem:$0x69A0]  }
0x258: {  	v18 =	vadd.s32 v21, v18;
	v21 =	vld [tilespmem:$0x6AA0]  }
0x259: {  	v24, _, _ =	vpop (xrf0);
	v18 =	vadd.s32 v23, v18;
	v23 =	vld [tilespmem:$0x6BA0]  }
0x25a: {  	(v2sf) =	vpush v24, $0xF;
	v18 =	vadd.s32 v19, v18;
	v19 =	vld [tilespmem:$0x6CA0]  }
0x25b: {  	v18 =	vadd.s32 v20, v18;
	v20 =	vld [tilespmem:$0x6DA0]  }
0x25c: {  	v18 =	vadd.s32 v22, v18;
	v22 =	vld [tilespmem:$0x6EA0]  }
0x25d: {  	v18 =	vadd.s32 v21, v18;
	v21 =	vld [tilespmem:$0x6FA0]  }
0x25e: {  	v18 =	vadd.s32 v23, v18;
	v23 =	vld [tilespmem:$0x70A0]  }
0x25f: {  	v18 =	vadd.s32 v19, v18  }
0x260: {  	v18 =	vadd.s32 v20, v18  }
0x261: {  	v18 =	vadd.s32 v22, v18  }
0x262: {  	v18 =	vadd.s32 v21, v18  }
0x263: {  	v18 =	vadd.s32 v23, v18  }
0x264: {  	(xrf0) =	vadd.scan.msk.s32 $0xffff, v18;
	_ =	sdelay $0x4  }
0x265: {  	v19 =	vld [tilespmem:$0x61B0];
	s25 =	spop (v2sf)  }
0x266: {  	v20 =	vld [tilespmem:$0x62B0];
	s20 =	sxor.u32 $0x80000000, s25;
	v18, _, _ =	vpop (xrf0)  }
0x267: {  	v21 =	vld [tilespmem:$0x63B0];
	v18 =	vadd.s32 s20, v18  }
0x268: {  	v23 =	vld [tilespmem:$0x64B0];
	v22 =	vxor.u32 $0x80000000, v18  }
0x269: {  	(xrf0) =	vmax.scan.msk.u32 $0xffff, v22;
	v22 =	vld [tilespmem:$0x65B0]  }
0x26a: {  	v24 =	vld [tilespmem:$0x66B0]  }
0x26b: {  	v19 =	vadd.s32 v19, v20;
	v20 =	vld [tilespmem:$0x67B0]  }
0x26c: {  	v19 =	vadd.s32 v21, v19;
	v21 =	vld [tilespmem:$0x68B0]  }
0x26d: {  	v19 =	vadd.s32 v23, v19;
	v23 =	vld [tilespmem:$0x69B0]  }
0x26e: {  	v19 =	vadd.s32 v22, v19;
	v22 =	vld [tilespmem:$0x6AB0]  }
0x26f: {  	v25, _, _ =	vpop (xrf0);
	v19 =	vadd.s32 v24, v19;
	v24 =	vld [tilespmem:$0x6BB0]  }
0x270: {  	(v2sf) =	vpush v25, $0xF;
	v19 =	vadd.s32 v20, v19;
	v20 =	vld [tilespmem:$0x6CB0]  }
0x271: {  	v19 =	vadd.s32 v21, v19;
	v21 =	vld [tilespmem:$0x6DB0]  }
0x272: {  	v19 =	vadd.s32 v23, v19;
	v23 =	vld [tilespmem:$0x6EB0]  }
0x273: {  	v19 =	vadd.s32 v22, v19;
	v22 =	vld [tilespmem:$0x6FB0]  }
0x274: {  	v19 =	vadd.s32 v24, v19;
	v24 =	vld [tilespmem:$0x70B0]  }
0x275: {  	v19 =	vadd.s32 v20, v19  }
0x276: {  	v19 =	vadd.s32 v21, v19  }
0x277: {  	v19 =	vadd.s32 v23, v19  }
0x278: {  	v19 =	vadd.s32 v22, v19  }
0x279: {  	v19 =	vadd.s32 v24, v19  }
0x27a: {  	(xrf0) =	vadd.scan.msk.s32 $0xffff, v19;
	_ =	sdelay $0x4  }
0x27b: {  	v20 =	vld [tilespmem:$0x61C0];
	s26 =	spop (v2sf)  }
0x27c: {  	v21 =	vld [tilespmem:$0x62C0];
	s20 =	sxor.u32 $0x80000000, s26;
	v19, _, _ =	vpop (xrf0)  }
0x27d: {  	v22 =	vld [tilespmem:$0x63C0];
	v19 =	vadd.s32 s20, v19  }
0x27e: {  	v24 =	vld [tilespmem:$0x64C0];
	v23 =	vxor.u32 $0x80000000, v19  }
0x27f: {  	(xrf0) =	vmax.scan.msk.u32 $0xffff, v23;
	v23 =	vld [tilespmem:$0x65C0]  }
0x280: {  	v25 =	vld [tilespmem:$0x66C0]  }
0x281: {  	v20 =	vadd.s32 v20, v21;
	v21 =	vld [tilespmem:$0x67C0]  }
0x282: {  	v20 =	vadd.s32 v22, v20;
	v22 =	vld [tilespmem:$0x68C0]  }
0x283: {  	v20 =	vadd.s32 v24, v20;
	v24 =	vld [tilespmem:$0x69C0]  }
0x284: {  	v20 =	vadd.s32 v23, v20;
	v23 =	vld [tilespmem:$0x6AC0]  }
0x285: {  	v26, _, _ =	vpop (xrf0);
	v20 =	vadd.s32 v25, v20;
	v25 =	vld [tilespmem:$0x6BC0]  }
0x286: {  	(v2sf) =	vpush v26, $0xF;
	v20 =	vadd.s32 v21, v20;
	v21 =	vld [tilespmem:$0x6CC0]  }
0x287: {  	v20 =	vadd.s32 v22, v20;
	v22 =	vld [tilespmem:$0x6DC0]  }
0x288: {  	v20 =	vadd.s32 v24, v20;
	v24 =	vld [tilespmem:$0x6EC0]  }
0x289: {  	v20 =	vadd.s32 v23, v20;
	v23 =	vld [tilespmem:$0x6FC0]  }
0x28a: {  	v20 =	vadd.s32 v25, v20;
	v25 =	vld [tilespmem:$0x70C0]  }
0x28b: {  	v20 =	vadd.s32 v21, v20  }
0x28c: {  	v20 =	vadd.s32 v22, v20  }
0x28d: {  	v20 =	vadd.s32 v24, v20  }
0x28e: {  	v20 =	vadd.s32 v23, v20  }
0x28f: {  	v20 =	vadd.s32 v25, v20  }
0x290: {  	(xrf0) =	vadd.scan.msk.s32 $0xffff, v20;
	_ =	sdelay $0x4  }
0x291: {  	v21 =	vld [tilespmem:$0x61D0];
	s28 =	spop (v2sf)  }
0x292: {  	v22 =	vld [tilespmem:$0x62D0];
	s20 =	sxor.u32 $0x80000000, s28;
	v20, _, _ =	vpop (xrf0)  }
0x293: {  	v23 =	vld [tilespmem:$0x63D0];
	v20 =	vadd.s32 s20, v20  }
0x294: {  	v25 =	vld [tilespmem:$0x64D0];
	v24 =	vxor.u32 $0x80000000, v20  }
0x295: {  	(xrf0) =	vmax.scan.msk.u32 $0xffff, v24;
	v24 =	vld [tilespmem:$0x65D0]  }
0x296: {  	v26 =	vld [tilespmem:$0x66D0]  }
0x297: {  	v21 =	vadd.s32 v21, v22;
	v22 =	vld [tilespmem:$0x67D0]  }
0x298: {  	v21 =	vadd.s32 v23, v21;
	v23 =	vld [tilespmem:$0x68D0]  }
0x299: {  	v21 =	vadd.s32 v25, v21;
	v25 =	vld [tilespmem:$0x69D0]  }
0x29a: {  	v21 =	vadd.s32 v24, v21;
	v24 =	vld [tilespmem:$0x6AD0]  }
0x29b: {  	v27, _, _ =	vpop (xrf0);
	v21 =	vadd.s32 v26, v21;
	v26 =	vld [tilespmem:$0x6BD0]  }
0x29c: {  	(v2sf) =	vpush v27, $0xF;
	v21 =	vadd.s32 v22, v21;
	v22 =	vld [tilespmem:$0x6CD0]  }
0x29d: {  	v21 =	vadd.s32 v23, v21;
	v23 =	vld [tilespmem:$0x6DD0]  }
0x29e: {  	v21 =	vadd.s32 v25, v21;
	v25 =	vld [tilespmem:$0x6ED0]  }
0x29f: {  	v21 =	vadd.s32 v24, v21;
	v24 =	vld [tilespmem:$0x6FD0]  }
0x2a0: {  	v21 =	vadd.s32 v26, v21;
	v26 =	vld [tilespmem:$0x70D0]  }
0x2a1: {  	v21 =	vadd.s32 v22, v21  }
0x2a2: {  	v21 =	vadd.s32 v23, v21  }
0x2a3: {  	v21 =	vadd.s32 v25, v21  }
0x2a4: {  	v21 =	vadd.s32 v24, v21  }
0x2a5: {  	v21 =	vadd.s32 v26, v21  }
0x2a6: {  	(xrf0) =	vadd.scan.msk.s32 $0xffff, v21;
	_ =	sdelay $0x4  }
0x2a7: {  	v22 =	vld [tilespmem:$0x61E0];
	s29 =	spop (v2sf)  }
0x2a8: {  	v23 =	vld [tilespmem:$0x62E0];
	s20 =	sxor.u32 $0x80000000, s29;
	v21, _, _ =	vpop (xrf0)  }
0x2a9: {  	v24 =	vld [tilespmem:$0x63E0];
	v21 =	vadd.s32 s20, v21  }
0x2aa: {  	v26 =	vld [tilespmem:$0x64E0];
	v25 =	vxor.u32 $0x80000000, v21  }
0x2ab: {  	(xrf0) =	vmax.scan.msk.u32 $0xffff, v25;
	v25 =	vld [tilespmem:$0x65E0]  }
0x2ac: {  	v27 =	vld [tilespmem:$0x66E0]  }
0x2ad: {  	v22 =	vadd.s32 v22, v23;
	v23 =	vld [tilespmem:$0x67E0]  }
0x2ae: {  	v22 =	vadd.s32 v24, v22;
	v24 =	vld [tilespmem:$0x68E0]  }
0x2af: {  	v22 =	vadd.s32 v26, v22;
	v26 =	vld [tilespmem:$0x69E0]  }
0x2b0: {  	v22 =	vadd.s32 v25, v22;
	v25 =	vld [tilespmem:$0x6AE0]  }
0x2b1: {  	v28, _, _ =	vpop (xrf0);
	v22 =	vadd.s32 v27, v22;
	v27 =	vld [tilespmem:$0x6BE0]  }
0x2b2: {  	(v2sf) =	vpush v28, $0xF;
	v22 =	vadd.s32 v23, v22;
	v23 =	vld [tilespmem:$0x6CE0]  }
0x2b3: {  	v22 =	vadd.s32 v24, v22;
	v24 =	vld [tilespmem:$0x6DE0]  }
0x2b4: {  	v22 =	vadd.s32 v26, v22;
	v26 =	vld [tilespmem:$0x6EE0]  }
0x2b5: {  	v22 =	vadd.s32 v25, v22;
	v25 =	vld [tilespmem:$0x6FE0]  }
0x2b6: {  	v22 =	vadd.s32 v27, v22;
	v27 =	vld [tilespmem:$0x70E0]  }
0x2b7: {  	v22 =	vadd.s32 v23, v22  }
0x2b8: {  	v22 =	vadd.s32 v24, v22  }
0x2b9: {  	v22 =	vadd.s32 v26, v22  }
0x2ba: {  	v22 =	vadd.s32 v25, v22  }
0x2bb: {  	v22 =	vadd.s32 v27, v22  }
0x2bc: {  	(xrf0) =	vadd.scan.msk.s32 $0xffff, v22;
	_ =	sdelay $0x4  }
0x2bd: {  	v24 =	vld [tilespmem:$0x62F0];
	s30 =	spop (v2sf)  }
0x2be: {  	v22 =	vld [tilespmem:$0x61F0];
	s20 =	sxor.u32 $0x80000000, s30;
	v23, _, _ =	vpop (xrf0)  }
0x2bf: {  	v25 =	vld [tilespmem:$0x63F0];
	v23 =	vadd.s32 s20, v23  }
0x2c0: {  	v27 =	vld [tilespmem:$0x64F0];
	v26 =	vxor.u32 $0x80000000, v23  }
0x2c1: {  	(xrf0) =	vmax.scan.msk.u32 $0xffff, v26;
	v26 =	vld [tilespmem:$0x65F0]  }
0x2c2: {  	v28 =	vld [tilespmem:$0x66F0]  }
0x2c3: {  	v22 =	vadd.s32 v22, v24;
	v24 =	vld [tilespmem:$0x67F0]  }
0x2c4: {  	v29 =	vimm.s32 $0x0;
	vm0 =	vlt.s32 v8, $0x19A;
	v22 =	vadd.s32 v25, v22;
	v25 =	vld [tilespmem:$0x68F0]  }
0x2c5: {  	v29 =	vsel vm0, $0xFFFFFFFF, v29;
	v22 =	vadd.s32 v27, v22;
	v27 =	vld [tilespmem:$0x69F0]  }
0x2c6: {  	[tilespmem:$0x1FFE0] =	vst v29;
	v29 =	vmpcnt.ones.xlane vm0;
	v22 =	vadd.s32 v26, v22;
	v26 =	vld [tilespmem:$0x6AF0]  }
0x2c7: {  	vm0 =	vlt.s32 v9, $0x19A;
	vm2 =	vlt.s32 v10, $0x19A;
	v22 =	vadd.s32 v28, v22;
	v28 =	vld [tilespmem:$0x6BF0]  }
0x2c8: {  	v61 =	vmpcnt.ones.xlane vm0;
	v62 =	vmpcnt.ones.xlane vm2;
	v30, _, _ =	vpop (xrf0);
	v22 =	vadd.s32 v24, v22;
	v24 =	vld [tilespmem:$0x6CF0]  }
0x2c9: {  	vm3 =	vlt.s32 v11, $0x19A;
	(v2sf) =	vpush v30, $0xF;
	v22 =	vadd.s32 v25, v22;
	v25 =	vld [tilespmem:$0x6DF0]  }
0x2ca: {  	v29 =	vadd.s32 v29, v61;
	v63 =	vmpcnt.ones.xlane vm3;
	v22 =	vadd.s32 v27, v22;
	v27 =	vld [tilespmem:$0x6EF0]  }
0x2cb: {  	v29 =	vadd.s32 v62, v29;
	v22 =	vadd.s32 v26, v22;
	v26 =	vld [tilespmem:$0x6FF0]  }
0x2cc: {  	v29 =	vadd.s32 v63, v29;
	vm4 =	vlt.s32 v12, $0x19A;
	v22 =	vadd.s32 v28, v22;
	v28 =	vld [tilespmem:$0x70F0]  }
0x2cd: {  	vm5 =	vlt.s32 v13, $0x19A;
	vm6 =	vlt.s32 v14, $0x19A;
	v22 =	vadd.s32 v24, v22  }
0x2ce: {  	vm7 =	vlt.s32 v15, $0x19A;
	v24 =	vmpcnt.ones.xlane vm4;
	v22 =	vadd.s32 v25, v22  }
0x2cf: {  	vm8 =	vlt.s32 v16, $0x19A;
	v25 =	vmpcnt.ones.xlane vm5;
	v22 =	vadd.s32 v27, v22  }
0x2d0: {  	v24 =	vadd.s32 v24, v29;
	v22 =	vadd.s32 v26, v22;
	v26 =	vmpcnt.ones.xlane vm6  }
0x2d1: {  	v24 =	vadd.s32 v25, v24;
	v25 =	vmpcnt.ones.xlane vm7;
	v22 =	vadd.s32 v28, v22  }
0x2d2: {  	vm9 =	vlt.s32 v17, $0x19A;
	(xrf0) =	vadd.scan.msk.s32 $0xffff, v22;
	v22 =	vadd.s32 v26, v24;
	v24 =	vmpcnt.ones.xlane vm8  }
0x2d3: {  	v22 =	vadd.s32 v25, v22;
	v25 =	vmpcnt.ones.xlane vm9  }
0x2d4: {  	vm11 =	vlt.s32 v19, $0x19A;
	v22 =	vadd.s32 v24, v22  }
0x2d5: {  	vm10 =	vlt.s32 v18, $0x19A;
	v22 =	vadd.s32 v25, v22;
	v25 =	vmpcnt.ones.xlane vm11  }
0x2d6: {  	v24 =	vmpcnt.ones.xlane vm10;
	_ =	sdelay $0x1  }
0x2d7: {  	v31 =	vimm.s32 $0x0;
	vm12 =	vlt.s32 v20, $0x19A;
	v22 =	vadd.s32 v24, v22;
	s31 =	spop (v2sf)  }
0x2d8: {  	vm13 =	vlt.s32 v21, $0x19A;
	v24 =	vmpcnt.ones.xlane vm12;
	v22 =	vadd.s32 v25, v22;
	s20 =	sxor.u32 $0x80000000, s31;
	v25, _, _ =	vpop (xrf0)  }
0x2d9: {  	vm14 =	vlt.s32 v23, $0x19A;
	v26 =	vmpcnt.ones.xlane vm13;
	v25 =	vadd.s32 s20, v25  }
0x2da: {  	s21 =	sshll.u32 s19, $0x7;
	v22 =	vadd.s32 v24, v22;
	v24 =	vmpcnt.ones.xlane vm14;
	vm15 =	vlt.s32 v25, $0x19A  }
0x2db: {  	v27 =	vmov s21;
	v22 =	vadd.s32 v26, v22;
	v26 =	vmpcnt.ones.xlane vm15  }
0x2dc: {  	v31 =	vsel vm0, $0xFFFFFFFF, v31;
	v22 =	vadd.s32 v24, v22  }
0x2dd: {  	[tilespmem:$0x1FFF0] =	vst v31;
	s21 =	simm.s32 $0x0;
	s20 =	simm.s32 $0x0;
	v24 =	vadd.s32 v26, v22;
	v26 =	vimm.s32 $0x0;
	v22 =	vimm.f32 $0.0e+00  }
.LBB2_5:
0x2de: {  	s22 =	sand.u32 $0x40, s21;
	s23 =	sand.u32 $0x3E00, s20  }
0x2df: {  	s22 =	sor.u32 s22, s23  }
0x2e0: {  	v28 =	vld.idx.msk [tilespmem:v27+s22+$0x0 ss:$0x1], $0xffff;
	_ =	sdelay $0x4  }
0x2e1: {  	v29 =	vand.u32 $0x7FFFFFFF, v28  }
0x2e2: {  	v30 =	vshrl.u32 v29, $0x17  }
0x2e3: {  	vm0 =	veq.s32 v30, v24  }
0x2e4: {  	v31 =	vsel vm0, $0x1, v0  }
0x2e5: {  	(xrf0) =	vadd.scan.msk.s32 $0xffff, v31;
	_ =	sdelay $0x5  }
0x2e6: {  	v31, _, _ =	vpop (xrf0)  }
0x2e7: {  	v31 =	vadd.s32 v31, v26  }
0x2e8: {  	v31 =	vadd.s32 $0xFFFFFFFF, v31;
	_ =	sdelay $0x4  }
0x2e9: {  	[tilespmem:v31+s14+$0x0] =	vst.idx.msk vm0, v29  }
0x2ea: {  	[tilespmem:v31+s15+$0x0] =	vst.idx.msk vm0, v28  }
0x2eb: {  	v29 =	vld.idx.msk [tilespmem:v27+s22+$0x10 ss:$0x1], $0xffff;
	_ =	sdelay $0x4  }
0x2ec: {  	v54 =	vand.u32 $0x7FFFFFFF, v29  }
0x2ed: {  	v32 =	vshrl.u32 v54, $0x17  }
0x2ee: {  	vm1 =	veq.s32 v32, v24  }
0x2ef: {  	v33 =	vsel vm1, $0x1, v0  }
0x2f0: {  	(xrf0) =	vadd.scan.msk.s32 $0xffff, v33;
	_ =	sdelay $0x3  }
0x2f1: {  	v55 =	vmpcnt.ones.xlane vm0;
	_ =	sdelay $0x1  }
0x2f2: {  	v26 =	vadd.s32 v26, v55;
	v56, _, _ =	vpop (xrf0)  }
0x2f3: {  	v33 =	vadd.s32 v56, v26  }
0x2f4: {  	v33 =	vadd.s32 $0xFFFFFFFF, v33;
	_ =	sdelay $0x4  }
0x2f5: {  	[tilespmem:v33+s14+$0x0] =	vst.idx.msk vm1, v54  }
0x2f6: {  	[tilespmem:v33+s15+$0x0] =	vst.idx.msk vm1, v29  }
0x2f7: {  	v31 =	vld.idx.msk [tilespmem:v27+s22+$0x20 ss:$0x1], $0xffff;
	_ =	sdelay $0x4  }
0x2f8: {  	v57 =	vand.u32 $0x7FFFFFFF, v31  }
0x2f9: {  	v34 =	vshrl.u32 v57, $0x17  }
0x2fa: {  	vm0 =	veq.s32 v34, v24  }
0x2fb: {  	v35 =	vsel vm0, $0x1, v0  }
0x2fc: {  	(xrf0) =	vadd.scan.msk.s32 $0xffff, v35;
	_ =	sdelay $0x3  }
0x2fd: {  	v58 =	vmpcnt.ones.xlane vm1;
	_ =	sdelay $0x1  }
0x2fe: {  	v26 =	vadd.s32 v26, v58;
	v59, _, _ =	vpop (xrf0)  }
0x2ff: {  	v35 =	vadd.s32 v59, v26  }
0x300: {  	v35 =	vadd.s32 $0xFFFFFFFF, v35;
	_ =	sdelay $0x4  }
0x301: {  	[tilespmem:v35+s14+$0x0] =	vst.idx.msk vm0, v57  }
0x302: {  	[tilespmem:v35+s15+$0x0] =	vst.idx.msk vm0, v31  }
0x303: {  	v33 =	vld.idx.msk [tilespmem:v27+s22+$0x30 ss:$0x1], $0xffff;
	_ =	sdelay $0x4  }
0x304: {  	v60 =	vand.u32 $0x7FFFFFFF, v33  }
0x305: {  	v36 =	vshrl.u32 v60, $0x17  }
0x306: {  	vm1 =	veq.s32 v36, v24  }
0x307: {  	v37 =	vsel vm1, $0x1, v0  }
0x308: {  	(xrf0) =	vadd.scan.msk.s32 $0xffff, v37;
	_ =	sdelay $0x3  }
0x309: {  	v61 =	vmpcnt.ones.xlane vm0;
	_ =	sdelay $0x1  }
0x30a: {  	v26 =	vadd.s32 v26, v61;
	vm0 =	vlt.s32 v30, v24;
	v62, _, _ =	vpop (xrf0)  }
0x30b: {  	v28 =	vnsel vm0, $0x0, v28;
	v30 =	vadd.s32 v62, v26  }
0x30c: {  	vm0 =	vlt.s32 v32, v24;
	v22 =	vadd.f32 v28, v22;
	v28 =	vadd.s32 $0xFFFFFFFF, v30  }
0x30d: {  	p0 =	sne.s32 s21, $0xFC0;
	v29 =	vnsel vm0, $0x0, v29  }
.Ltmp5:
0x30e: {  	vm0 =	vlt.s32 v34, v24;
	v22 =	vadd.f32 v29, v22;
	(pc) =	sbr.rel @p0 .LBB2_5-.Ltmp5, $4  }
0x30f: {  	v29 =	vnsel vm0, $0x0, v31  }
0x310: {  	v22 =	vadd.f32 v29, v22;
	vm0 =	vlt.s32 v36, v24;
	v29 =	vmpcnt.ones.xlane vm1  }
0x311: {  	v63 =	vnsel vm0, $0x0, v33;
	[tilespmem:v28+s14+$0x0] =	vst.idx.msk vm1, v60  }
0x312: {  	s20 =	sadd.s32 $0x100, s20;
	s21 =	sadd.s32 $0x40, s21;
	v22 =	vadd.f32 v63, v22;
	v26 =	vadd.s32 v26, v29;
	[tilespmem:v28+s15+$0x0] =	vst.idx.msk vm1, v33  }
0x313: {  	v27 =	vld [tilespmem:$0x1FFE0];
	_ =	sdelay $0x2  }
0x314: {  	v63 =	vld [tilespmem:$0x1FFF0]  }
0x315: {  	vm0 =	vgt.s32 v8, $0x0  }
0x316: {  	v8 =	vnsel vm0, $0x0, v8;
	vm0 =	vnez.u8 v27  }
0x317: {  	v8 =	vnsel vm0, $0x0, v8  }
0x318: {  	vm0 =	vgt.s32 v8, v9  }
0x319: {  	v9 =	vsel vm0, v8, v9;
	vm0 =	vnez.u8 v63  }
0x31a: {  	v8 =	vsel vm0, v9, v8  }
0x31b: {  	vm0 =	vgt.s32 v8, v10  }
0x31c: {  	v9 =	vsel vm0, v8, v10  }
0x31d: {  	v8 =	vsel vm2, v9, v8  }
0x31e: {  	vm0 =	vgt.s32 v8, v11  }
0x31f: {  	v9 =	vsel vm0, v8, v11  }
0x320: {  	v8 =	vsel vm3, v9, v8;
	v9 =	vnsel vm4, $0x0, v12  }
0x321: {  	vm4 =	vgt.s32 v8, v9  }
0x322: {  	v8 =	vsel vm4, v8, v9;
	v9 =	vnsel vm5, $0x0, v13  }
0x323: {  	vm0 =	vgt.s32 v8, v9  }
0x324: {  	v8 =	vsel vm0, v8, v9;
	v9 =	vnsel vm6, $0x0, v14  }
0x325: {  	vm0 =	vgt.s32 v8, v9  }
0x326: {  	v8 =	vsel vm0, v8, v9;
	v9 =	vnsel vm7, $0x0, v15  }
0x327: {  	vm0 =	vgt.s32 v8, v9  }
0x328: {  	v8 =	vsel vm0, v8, v9;
	v9 =	vnsel vm8, $0x0, v16  }
0x329: {  	vm0 =	vgt.s32 v8, v9  }
0x32a: {  	v8 =	vsel vm0, v8, v9;
	v9 =	vnsel vm9, $0x0, v17  }
0x32b: {  	vm0 =	vgt.s32 v8, v9  }
0x32c: {  	v8 =	vsel vm0, v8, v9;
	v9 =	vnsel vm10, $0x0, v18  }
0x32d: {  	vm0 =	vgt.s32 v8, v9  }
0x32e: {  	v8 =	vsel vm0, v8, v9;
	v9 =	vnsel vm11, $0x0, v19  }
0x32f: {  	vm0 =	vgt.s32 v8, v9  }
0x330: {  	v8 =	vsel vm0, v8, v9;
	v9 =	vnsel vm12, $0x0, v20  }
0x331: {  	vm0 =	vgt.s32 v8, v9  }
0x332: {  	v8 =	vsel vm0, v8, v9;
	v9 =	vnsel vm13, $0x0, v21  }
0x333: {  	vm0 =	vgt.s32 v8, v9  }
0x334: {  	v8 =	vsel vm0, v8, v9;
	v9 =	vnsel vm14, $0x0, v23  }
0x335: {  	vm0 =	vgt.s32 v8, v9  }
0x336: {  	v8 =	vsel vm0, v8, v9;
	v9 =	vnsel vm15, $0x0, v25  }
0x337: {  	vm0 =	vgt.s32 v8, v9  }
0x338: {  	v8 =	vsel vm0, v8, v9  }
0x339: {  	v8 =	vxor.u32 $0x80000000, v8  }
0x33a: {  	(xrf0) =	vmax.scan.msk.u32 $0xffff, v8;
	v8 =	vxor.u32 $0x80000000, v26  }
0x33b: {  	(xrf0) =	vmax.scan.msk.u32 $0xffff, v8;
	_ =	sdelay $0x4  }
0x33c: {  	v8, _, _ =	vpop (xrf0)  }
0x33d: {  	(v2sf) =	vpush v8, $0xF;
	v8, _, _ =	vpop (xrf0)  }
0x33e: {  	(v2sf) =	vpush v8, $0xF;
	_ =	sdelay $0x9  }
0x33f: {  	v9 =	vor.u32 $0x10, v1;
	v8 =	vadd.s32 v1, v26  }
0x340: {  	v10 =	vor.u32 $0x20, v1;
	v9 =	vadd.s32 v9, v26  }
0x341: {  	v10 =	vadd.s32 v10, v26;
	v11 =	vor.u32 $0x30, v1  }
0x342: {  	v11 =	vadd.s32 v11, v26  }
.Ltmp6:
0x343: {  	s20 =	spop (v2sf);
	(pc) =	sbr.rel .LBB2_7-.Ltmp6, $4  }
0x344: {  	[tilespmem:v8+s14+$0x0] =	vst.idx.msk $0xffff, v5;
	s21 =	spop (v2sf)  }
0x345: {  	[tilespmem:v9+s14+$0x0] =	vst.idx.msk $0xffff, v5;
	s20 =	sxor.u32 $0x80000000, s20;
	s21 =	sadd.s32 $0x8000003F, s21  }
0x346: {  	v9 =	vshll.u32 v24, $0x17;
	[tilespmem:v10+s14+$0x0] =	vst.idx.msk $0xffff, v5;
	s20 =	ssub.s32 $0x19A, s20;
	s21 =	sshra.s32 s21, $0x6  }
0x347: {  	v10 =	vor.u32 $0x7FFFFF, v9;
	[tilespmem:v11+s14+$0x0] =	vst.idx.msk $0xffff, v5;
	v8 =	vmov s20;
	s20 =	simm.s32 $0x0;
	p0 =	slt.s32 s21, $0x1  }
.LBB2_10:
0x348: {  	v16 =	vmpcnt.ones.xlane vm0;
	vm13 =	vle.s32 v14, v11  }
0x349: {  	vm14 =	vle.s32 v15, v11;
	v14 =	vmpcnt.ones.xlane vm13  }
0x34a: {  	vm15 =	vle.s32 v13, v11;
	v15 =	vmpcnt.ones.xlane vm14;
	v12 =	vadd.s32 v12, v16  }
0x34b: {  	v13 =	vmpcnt.ones.xlane vm15;
	v12 =	vadd.s32 v14, v12  }
0x34c: {  	v12 =	vadd.s32 v15, v12  }
0x34d: {  	v12 =	vadd.s32 v13, v12  }
.LBB2_11:
0x34e: {  	s20 =	sadd.s32 $0x1, s20  }
0x34f: {  	p1 =	seq.s32 s20, $0x17  }
.Ltmp7:
0x350: {  	_ = 	snop;
	(pc) =	sbr.rel @p1 .LBB2_12-.Ltmp7, $3  }
0x351: {  	_ =	sdelay $0x1  }
0x352: {  	vm0 =	vlt.s32 v12, v8;
	v63 =	vadd.s32 $0x1, v11  }
0x353: {  	v9 =	vsel vm0, v63, v9;
	v10 =	vsel vm0, v10, v11  }
.LBB2_7:
.Ltmp8:
0x354: {  	(pc) =	sbr.rel @p0 .LBB2_11-.Ltmp8, $4  }
0x355: {  	_ = 	snop  }
0x356: {  	v11 =	vsub.s32 v10, v9  }
0x357: {  	v11 =	vshra.s32 v11, $0x1  }
0x358: {  	v12 =	vimm.s32 $0x0;
	s23 =	simm.s32 $0x4020;
	v11 =	vadd.s32 v9, v11  }
0x359: {  	v16 =	vld [tilespmem:s23+$0xFFFFFFE0];
	p1 =	sne.s32 s21, $0x1  }
.Ltmp9:
0x35a: {  	v14 =	vld [tilespmem:s23+$0xFFFFFFF0];
	(pc) =	sbr.rel @!p1 .LBB2_10-.Ltmp9, $3  }
0x35b: {  	v15 =	vld [tilespmem:s23+$0x0]  }
0x35c: {  	v13 =	vld [tilespmem:s23+$0x10];
	_ =	sdelay $0x1  }
0x35d: {  	s22 =	sadd.s32 $0xFFFFFFFF, s21;
	s23 =	sadd.s32 $0x40, s23;
	vm0 =	vle.s32 v16, v11  }
.LBB2_9:
0x35e: {  	v16 =	vld [tilespmem:s23+$0xFFFFFFE0];
	p1 =	sne.s32 s22, $0x1;
	s22 =	sadd.s32 $0xFFFFFFFF, s22;
	v17 =	vmpcnt.ones.xlane vm0;
	vm0 =	vle.s32 v14, v11  }
.Ltmp10:
0x35f: {  	v14 =	vld [tilespmem:s23+$0xFFFFFFF0];
	v18 =	vmpcnt.ones.xlane vm0;
	vm0 =	vle.s32 v15, v11;
	(pc) =	sbr.rel @p1 .LBB2_9-.Ltmp10, $4  }
0x360: {  	v15 =	vld [tilespmem:s23+$0x0];
	v12 =	vadd.s32 v12, v17;
	v17 =	vmpcnt.ones.xlane vm0;
	vm0 =	vle.s32 v13, v11  }
0x361: {  	v13 =	vld [tilespmem:s23+$0x10];
	v12 =	vadd.s32 v18, v12;
	v18 =	vmpcnt.ones.xlane vm0  }
0x362: {  	v12 =	vadd.s32 v17, v12  }
0x363: {  	s23 =	sadd.s32 $0x40, s23;
	vm0 =	vle.s32 v16, v11;
	v12 =	vadd.s32 v18, v12  }
.Ltmp11:
0x364: {  	_ = 	snop;
	(pc) =	sbr.rel .LBB2_10-.Ltmp11, $1  }
0x365: {  	_ =	sdelay $0x3  }
.LBB2_12:
0x366: {  	(xrf2) =	vadd.scan.msk.f32 $0xffff, v7  }
0x367: {  	(xrf2) =	vadd.scan.msk.f32 $0xffff, v22;
	_ =	sdelay $0x8  }
0x368: {  	v7, _, _ =	vpop (xrf2)  }
0x369: {  	v10, _, _ =	vpop (xrf2)  }
0x36a: {  	(v2sf) =	vpush v10, $0xF;
	_ =	sdelay $0x9  }
0x36b: {  	p0 =	sgt.s32 s21, $0x0  }
.Ltmp12:
0x36c: {  	_ = 	snop;
	(pc) =	sbr.rel @!p0 .LBB2_13-.Ltmp12, $2  }
0x36d: {  	_ =	sdelay $0x2  }
0x36e: {  	v11 =	vimm.f32 $0.0e+00;
	v10 =	vimm.s32 $0x0;
	s20 =	spop (v2sf)  }
0x36f: {  	s23 =	simm.s32 $0x4020  }
0x370: {  	v14 =	vld [tilespmem:s23+$0x10]  }
0x371: {  	p0 =	sne.s32 s21, $0x1;
	v19 =	vld [tilespmem:s23+$0x0]  }
.Ltmp13:
0x372: {  	v16 =	vld [tilespmem:s23+$0xFFFFFFF0];
	(pc) =	sbr.rel @!p0 .LBB2_16-.Ltmp13, $4  }
0x373: {  	s22 =	simm.s32 $0x50A0;
	v18 =	vld [tilespmem:s23+$0xFFFFFFE0]  }
0x374: {  	v20 =	vld [tilespmem:s22+$0x10]  }
0x375: {  	v15 =	vld [tilespmem:s22+$0x0]  }
0x376: {  	s21 =	sadd.s32 $0xFFFFFFFF, s21;
	v13 =	vimm.f32 $0.0e+00;
	v12 =	vimm.s32 $0x0;
	v17 =	vld [tilespmem:s22+$0xFFFFFFE0];
	vm0 =	vlt.s32 v14, v9  }
.LBB2_15:
0x377: {  	p0 =	sne.s32 s21, $0x1;
	vm1 =	vlt.s32 v19, v9;
	vm2 =	veq.s32 v19, v9;
	vm3 =	veq.s32 v14, v9  }
0x378: {  	vm5 =	vlt.s32 v16, v9;
	vm6 =	veq.s32 v16, v9;
	vm4 =	vlt.s32 v18, v9;
	v19 =	vld [tilespmem:s22+$0xFFFFFFF0]  }
0x379: {  	vm7 =	veq.s32 v18, v9;
	v21 =	vnsel vm0, $0x0, v20;
	v22 =	vnsel vm3, $0x0, v20  }
0x37a: {  	v23 =	vmpcnt.ones.xlane vm0;
	v24 =	vmpcnt.ones.xlane vm3;
	v18 =	vnsel vm1, $0x0, v15  }
0x37b: {  	v25 =	vmpcnt.ones.xlane vm1;
	v15 =	vnsel vm2, $0x0, v15;
	v14 =	vnsel vm4, $0x0, v17  }
0x37c: {  	v11 =	vadd.f32 v14, v11;
	v14 =	vnsel vm7, $0x0, v17;
	v17 =	vmpcnt.ones.xlane vm2  }
0x37d: {  	s23 =	sadd.s32 $0x40, s23;
	v20 =	vmpcnt.ones.xlane vm4;
	v13 =	vadd.f32 v14, v13;
	v16 =	vnsel vm5, $0x0, v19  }
0x37e: {  	v26 =	vmpcnt.ones.xlane vm7;
	v14 =	vld [tilespmem:s23+$0x10];
	v11 =	vadd.f32 v16, v11;
	v16 =	vnsel vm6, $0x0, v19  }
0x37f: {  	v27 =	vmpcnt.ones.xlane vm5;
	v28 =	vmpcnt.ones.xlane vm6;
	v19 =	vld [tilespmem:s23+$0x0];
	v13 =	vadd.f32 v16, v13  }
.Ltmp14:
0x380: {  	v10 =	vadd.s32 v10, v20;
	v12 =	vadd.s32 v12, v26;
	v16 =	vld [tilespmem:s23+$0xFFFFFFF0];
	v11 =	vadd.f32 v18, v11;
	(pc) =	sbr.rel @p0 .LBB2_15-.Ltmp14, $4  }
0x381: {  	s22 =	sadd.s32 $0x40, s22;
	v10 =	vadd.s32 v27, v10;
	v12 =	vadd.s32 v28, v12;
	v18 =	vld [tilespmem:s23+$0xFFFFFFE0];
	v13 =	vadd.f32 v15, v13  }
0x382: {  	v10 =	vadd.s32 v25, v10;
	v12 =	vadd.s32 v17, v12;
	v20 =	vld [tilespmem:s22+$0x10];
	v11 =	vadd.f32 v21, v11  }
0x383: {  	v10 =	vadd.s32 v23, v10;
	v12 =	vadd.s32 v24, v12;
	v15 =	vld [tilespmem:s22+$0x0];
	v13 =	vadd.f32 v22, v13  }
0x384: {  	s21 =	sadd.s32 $0xFFFFFFFF, s21;
	vm0 =	vlt.s32 v14, v9;
	v17 =	vld [tilespmem:s22+$0xFFFFFFE0]  }
.LBB2_16:
0x385: {  	vm1 =	vlt.s32 v19, v9  }
0x386: {  	vm2 =	veq.s32 v19, v9;
	vm3 =	veq.s32 v14, v9;
	vm5 =	vlt.s32 v16, v9  }
0x387: {  	v14 =	vld [tilespmem:s22+$0xFFFFFFF0];
	vm6 =	veq.s32 v16, v9;
	v58 =	vmpcnt.ones.xlane vm0;
	vm4 =	vlt.s32 v18, v9  }
0x388: {  	vm7 =	veq.s32 v18, v9;
	v59 =	vmpcnt.ones.xlane vm3;
	v22 =	vmpcnt.ones.xlane vm1  }
0x389: {  	v61 =	vmpcnt.ones.xlane vm2;
	v63 =	vmpcnt.ones.xlane vm6;
	v9 =	vnsel vm0, $0x0, v20  }
0x38a: {  	v56 =	vnsel vm3, $0x0, v20;
	v23 =	vmpcnt.ones.xlane vm4;
	v21 =	vnsel vm4, $0x0, v17  }
0x38b: {  	v24 =	vmpcnt.ones.xlane vm7;
	v60 =	vnsel vm7, $0x0, v17;
	v11 =	vadd.f32 v21, v11  }
0x38c: {  	v57 =	vnsel vm1, $0x0, v15;
	v13 =	vadd.f32 v60, v13;
	v62 =	vnsel vm5, $0x0, v14  }
0x38d: {  	v15 =	vnsel vm2, $0x0, v15;
	v14 =	vnsel vm6, $0x0, v14;
	v11 =	vadd.f32 v62, v11  }
.Ltmp15:
0x38e: {  	v12 =	vadd.s32 v12, v24;
	v13 =	vadd.f32 v14, v13;
	v14 =	vmpcnt.ones.xlane vm5;
	(pc) =	sbr.rel .LBB2_17-.Ltmp15, $4  }
0x38f: {  	v10 =	vadd.s32 v10, v23;
	v12 =	vadd.s32 v63, v12;
	v11 =	vadd.f32 v57, v11  }
0x390: {  	v12 =	vadd.s32 v61, v12;
	v10 =	vadd.s32 v14, v10;
	v13 =	vadd.f32 v15, v13  }
0x391: {  	v12 =	vadd.s32 v59, v12;
	v10 =	vadd.s32 v22, v10;
	v11 =	vadd.f32 v9, v11  }
0x392: {  	v12 =	vcvt.s32.f32 v12;
	v10 =	vadd.s32 v58, v10;
	v9 =	vadd.f32 v56, v13  }
.LBB2_19:
0x393: {  	_ =	sfence.sel $0x180000  }
0x394: {  	[bflag:$0x0] =	sbarrier.arrive $0xFFFF  }
0x395: {  	p0 =	sne.s32 s3, $0x0;
	_ =	strace $0x90000047  }
0x396: {  	s0 =	sadd.s32 @!p0 $0x100000, s0;
	[bflag:$0x2] =	sbarrier.arrive $0xFFFF  }
0x397: {  	[sflag:s0] =	ssyncadd.tile.s32 @!p0 $0x1;
	_ =	shalt  }
.Lfunc_end2:
_tile_overlayer_lowered:
.L_overlay_start_2:
0x398: {  	(tag) =	ssettag $0x2  }
0x399: {  	s0 =	rddreg [dreg:$0x0];
	s2 =	stileid.u32  }
0x39a: {  	s1 =	rddreg [dreg:$0x1];
	p0 =	sne.s32 s2, $0x0  }
0x39b: {  	s3 =	rddreg [dreg:$0x2];
	[bflag:$0x3] =	sbarrier.arrive $0xFFFF;
	s2 =	simm.s32 @!p0 $0x1C02  }
0x39c: {  	[timem:s3], [sflag:s2] =	dma.local @!p0 [hbm:s0], s1  }
0x39d: {  	s0 =	simm.s32 @!p0 $0x2  }
0x39e: {  	_ =	swait.ge @!p0 [sflag:s0], s1  }
0x39f: {  	s1 =	ssub.s32 @!p0 $0x0, s1;
	[sflag:s0] =	ssyncset.done @!p0 $0x0  }
0x3a0: {  	[sflag:s0] =	ssyncadd.s32 @!p0 s1  }
0x3a1: {  	[bflag:$0x3] =	sbarrier.arrive $0xFFFF  }
0x3a2: {  	_ =	shalt  }

</sc_bundles>
